<compile_context>
chip_gen: v7x
topology: tpu7x:2x2x1
jax: 0.10.2.dev20260603
libtpu: 0.0.44.dev20260713+nightly
codegen_flags: <defaults>
</compile_context>

<pallas_src>
import functools

import jax
import jax.numpy as jnp
from jax import lax
from jax.experimental import pallas as pl
from jax.experimental.pallas import tpu as pltpu
from jax.experimental.pallas import tpu_sc as plsc

F32 = jnp.float32
I32 = jnp.int32

NC = 2
NS = 16
NW = NC * NS
CH = 128
CW = 16
NBUF = 2
BN = 1000


def _sc_mesh():
  return plsc.VectorSubcoreMesh(core_axis_name="c", subcore_axis_name="s")


@functools.lru_cache(None)
def _deg_call(nacc, nch):
  spl = nacc // NS

  def body(srcd, dstd, ones_h, zeros_h, out, acc_o, acc_i):
    cid = lax.axis_index("c")
    sid = lax.axis_index("s")
    wid = sid * NC + cid

    def inner(idxs, idxd, ones_v, zeros_v, sem):
      pltpu.sync_copy(ones_h, ones_v)
      pltpu.sync_copy(zeros_h, zeros_v)
      base = sid * spl
      pltpu.sync_copy(zeros_v, acc_o.at[pl.ds(base, spl)])
      pltpu.sync_copy(zeros_v, acc_i.at[pl.ds(base, spl)])
      plsc.subcore_barrier()
      pltpu.sync_copy(srcd.at[wid], idxs)
      pltpu.sync_copy(dstd.at[wid], idxd)

      def grp(jg, carry):
        j = jg * 8
        for u in range(8):
          pltpu.async_copy(ones_v, acc_o.at[idxs.at[j + u]], sem, add=True)
          pltpu.async_copy(ones_v, acc_i.at[idxd.at[j + u]], sem, add=True)
        for _ in range(16):
          pltpu.make_async_copy(ones_v, acc_o.at[idxs.at[0]], sem).wait()
        return carry

      lax.fori_loop(0, nch // 8, grp, 0)
      plsc.subcore_barrier()
      pltpu.sync_copy(acc_o.at[pl.ds(base, spl)],
                      out.at[pl.ds((cid * 2) * nacc + base, spl)])
      pltpu.sync_copy(acc_i.at[pl.ds(base, spl)],
                      out.at[pl.ds((cid * 2 + 1) * nacc + base, spl)])

    pl.run_scoped(inner,
                  pltpu.VMEM((nch, CH), I32),
                  pltpu.VMEM((nch, CH), I32),
                  pltpu.VMEM((CH,), F32),
                  pltpu.VMEM((spl,), F32),
                  pltpu.SemaphoreType.DMA)

  return pl.kernel(
      body,
      out_type=jax.ShapeDtypeStruct((4 * nacc,), F32),
      mesh=_sc_mesh(),
      scratch_types=[
          pltpu.VMEM_SHARED((nacc,), F32),
          pltpu.VMEM_SHARED((nacc,), F32),
      ],
  )


@functools.lru_cache(None)
def _conv_call(n, d, nacc, nch):
  spl = nacc // NS
  nz = spl // CH

  def body(xs, srcg, dstd, zeros_h, out, acc):
    cid = lax.axis_index("c")
    sid = lax.axis_index("s")
    wid = sid * NC + cid

    nwin = nch // CW

    def inner(idxs, idxd, rows, semg, sems0, sems1):
      sems = [sems0, sems1]
      rbase = sid * spl
      for k in range(nz):
        pltpu.sync_copy(zeros_h, acc.at[pl.ds(rbase + k * CH, CH)])
      plsc.subcore_barrier()

      def gstart(wp, k, b):
        pltpu.async_copy(xs.at[idxs.at[wp, k]], rows.at[b], semg)

      def gwait(b):
        pltpu.make_async_copy(xs.at[idxs.at[0, 0]], rows.at[b], semg).wait()

      def sstart(wp, k, b):
        pltpu.async_copy(rows.at[b], acc.at[idxd.at[wp, k]], sems[b], add=True)

      def swait(b):
        pltpu.make_async_copy(rows.at[b], acc.at[idxd.at[0, 0]],
                              sems[b]).wait()

      pltpu.sync_copy(srcg.at[wid, pl.ds(0, CW)], idxs.at[0])
      pltpu.sync_copy(dstd.at[wid, pl.ds(0, CW)], idxd.at[0])
      gstart(0, 0, 0)

      def win(w, carry):
        wp = w % 2

        @pl.when(w + 1 < nwin)
        def _():
          pltpu.sync_copy(srcg.at[wid, pl.ds((w + 1) * CW, CW)],
                          idxs.at[1 - wp])
          pltpu.sync_copy(dstd.at[wid, pl.ds((w + 1) * CW, CW)],
                          idxd.at[1 - wp])

        for k in range(CW):
          b = k % NBUF
          gwait(b)
          if k == 0:
            @pl.when(w > 0)
            def _():
              swait(1 - b)
          else:
            swait(1 - b)
          if k + 1 < CW:
            gstart(wp, k + 1, 1 - b)
          else:
            @pl.when(w + 1 < nwin)
            def _():
              gstart(1 - wp, 0, 1 - b)
          sstart(wp, k, b)
        return carry

      lax.fori_loop(0, nwin, win, 0)
      swait((CW - 1) % NBUF)
      plsc.subcore_barrier()
      obase = cid * nacc + rbase
      for k in range(nz):
        pltpu.sync_copy(acc.at[pl.ds(rbase + k * CH, CH)],
                        out.at[pl.ds(obase + k * CH, CH)])

    pl.run_scoped(inner,
                  pltpu.VMEM((2, CW, CH), I32),
                  pltpu.VMEM((2, CW, CH), I32),
                  pltpu.VMEM((NBUF, CH, d), F32),
                  pltpu.SemaphoreType.DMA,
                  pltpu.SemaphoreType.DMA,
                  pltpu.SemaphoreType.DMA)

  return pl.kernel(
      body,
      out_type=jax.ShapeDtypeStruct((2 * nacc, d), F32),
      mesh=_sc_mesh(),
      compiler_params=pltpu.CompilerParams(use_tc_tiling_on_sc=True),
      scratch_types=[
          pltpu.VMEM_SHARED((nacc, d), F32),
      ],
  )


_BN_SCALE = float(1.0 / (1.0 + 1e-5) ** 0.5)
_ATT_SCALE = float(1.0 / 1280.0 ** 0.5)


def _tc1_body(h_ref, deg_ref, g_ref, b_ref, gid_ref, xs_ref, ia_ref,
              iacc, cnt):
  i = pl.program_id(0)
  nb = pl.num_programs(0)
  dsl = deg_ref[0]
  inv_out = lax.rsqrt(jnp.maximum(dsl[0] + dsl[2], 1.0))
  hb = h_ref[...]
  bnh = hb * (g_ref[0] * _BN_SCALE) + b_ref[0]
  xs_ref[...] = bnh * inv_out[:, None]

  gid = gid_ref[0, 0]
  ohf = (gid[:, None] == lax.broadcasted_iota(I32, (BN, 128), 1)).astype(F32)

  @pl.when(i == 0)
  def _():
    iacc[...] = jnp.zeros((128, 128), F32)
    cnt[...] = jnp.zeros((8, 128), F32)

  iacc[...] = iacc[...] + lax.dot_general(
      ohf, hb, (((0,), (0,)), ((), ())), preferred_element_type=F32)
  cnt[0:1, :] = cnt[0:1, :] + jnp.sum(ohf, axis=0, keepdims=True)

  @pl.when(i == nb - 1)
  def _():
    ng = ia_ref.shape[0]
    ia_ref[...] = (iacc[...] / jnp.maximum(cnt[0], 1.0)[:, None])[0:ng]


def _tc2_body(h_ref, p_ref, deg_ref, w1_ref, b1_ref, g2_ref, b2_ref,
              hh_ref, xs2_ref):
  dsl = deg_ref[0]
  inv_out = lax.rsqrt(jnp.maximum(dsl[0] + dsl[2], 1.0))
  inv_in = lax.rsqrt(jnp.maximum(dsl[1] + dsl[3], 1.0))
  p = p_ref[...]
  agg = (p[0] + p[1]) * inv_in[:, None]
  z = jnp.dot(agg, w1_ref[...], preferred_element_type=F32) + b1_ref[0]
  hh = h_ref[...] + jnp.maximum(z, 0.0)
  hh_ref[...] = hh
  xs2_ref[...] = (hh * (g2_ref[0] * _BN_SCALE) + b2_ref[0]) * inv_out[:, None]


def _tc3_body(p_ref, hh_ref, deg_ref, w2_ref, b2_ref, wq_ref, wk_ref,
              if_ref, gid_ref, hh2_ref, att_ref, mp_ref):
  dsl = deg_ref[0]
  inv_in = lax.rsqrt(jnp.maximum(dsl[1] + dsl[3], 1.0))
  p = p_ref[...]
  agg = (p[0] + p[1]) * inv_in[:, None]
  z = jnp.dot(agg, w2_ref[...], preferred_element_type=F32) + b2_ref[0]
  hh2 = hh_ref[...] + jnp.maximum(z, 0.0)
  q = jnp.dot(hh2, wq_ref[...], preferred_element_type=F32)
  kg = jnp.dot(if_ref[...], wk_ref[...], preferred_element_type=F32)
  gid = gid_ref[0, 0]
  oh = gid[:, None] == lax.broadcasted_iota(I32, (BN, 128), 1)
  ohf = oh.astype(F32)
  kn = jnp.dot(ohf, kg, preferred_element_type=F32)
  att = jnp.sum(q * kn, axis=1) * _ATT_SCALE
  att_ref[0, 0] = att
  mp_ref[0, 0] = jnp.max(jnp.where(oh, att[:, None], -1e30), axis=0)
  hh2_ref[...] = hh2


def _ln(x, g, b):
  mu = jnp.mean(x, axis=-1, keepdims=True)
  dxm = x - mu
  var = jnp.mean(dxm * dxm, axis=-1, keepdims=True)
  return dxm * lax.rsqrt(var + 1e-5) * g + b


def _tc4_body(hh2_ref, att_ref, gid_ref, mp_ref, wv_ref, wc_ref,
              fw1_ref, fb1_ref, fw2_ref, fb2_ref, lg_ref, lb_ref,
              ro_ref, stat, racc):
  p = pl.program_id(0)
  i = pl.program_id(1)
  nb = pl.num_programs(1)
  gid = gid_ref[0, 0]
  ohf = (gid[:, None] == lax.broadcasted_iota(I32, (BN, 128), 1)).astype(F32)

  @pl.when((p == 0) & (i == 0))
  def _():
    stat[0:1, :] = jnp.max(mp_ref[:, 0, :], axis=0, keepdims=True)
    stat[1:2, :] = jnp.zeros((1, 128), F32)
    racc[...] = jnp.zeros((128, 128), F32)

  att = att_ref[0, 0]
  mg = jnp.dot(ohf, stat[0], preferred_element_type=F32)
  e = jnp.exp(att - mg)

  @pl.when(p == 0)
  def _():
    stat[1:2, :] = stat[1:2, :] + jnp.dot(e, ohf,
                                          preferred_element_type=F32)[None, :]

  @pl.when(p == 1)
  def _():
    s_g = jnp.dot(ohf, stat[1], preferred_element_type=F32)
    alpha = e / s_g
    hh2 = hh2_ref[...]
    v = jnp.dot(hh2, wv_ref[...], preferred_element_type=F32)
    tp = v * alpha[:, None]
    mo = jnp.dot(tp, wc_ref[...], preferred_element_type=F32)
    mo = _ln(mo + hh2, lg_ref[0], lb_ref[0])
    ffo = jnp.dot(
        jnp.maximum(
            jnp.dot(mo, fw1_ref[...], preferred_element_type=F32) + fb1_ref[0],
            0.0),
        fw2_ref[...], preferred_element_type=F32) + fb2_ref[0]
    mo2 = _ln(ffo + mo, lg_ref[0], lb_ref[0])
    racc[...] = racc[...] + lax.dot_general(
        ohf, mo2, (((0,), (0,)), ((), ())), preferred_element_type=F32)

    @pl.when(i == nb - 1)
    def _():
      ro_ref[...] = racc[0:ro_ref.shape[0]]


def _row_spec(d):
  return pl.BlockSpec((BN, d), lambda i: (i, 0))


def _full_spec(shape):
  return pl.BlockSpec(shape, lambda i: tuple(0 for _ in shape))


def kernel(h, inter_f, edge_index, graph_ids, W1, b1, W2, b2, bn1_g, bn1_b,
           bn2_g, bn2_b, Wq, Wk, Wv, Wc, ffW1, ffb1, ffW2, ffb2, ln_g, ln_b):
  n, d = h.shape
  g = inter_f.shape[0]
  e = edge_index.shape[1]
  nb = n // BN

  nacc = -(-(n + 64) // (NS * CH)) * (NS * CH)
  nch = -(-e // (NW * CH))
  nch = -(-nch // CW) * CW
  ep = NW * nch * CH
  pad = ep - e

  src = edge_index[0].astype(I32)
  dst = edge_index[1].astype(I32)
  padi = jnp.arange(pad, dtype=I32) % 32
  srcg = jnp.concatenate([src, padi]).reshape(NW, nch, CH)
  srcd = jnp.concatenate([src, n + padi]).reshape(NW, nch, CH)
  dstd = jnp.concatenate([dst, n + 32 + padi]).reshape(NW, nch, CH)

  deg = _deg_call(nacc, nch)(
      srcd, dstd, jnp.ones((CH,), F32), jnp.zeros((nacc // NS,), F32))
  deg = deg.reshape(4, nacc)[:, :n].reshape(4, nb, BN).transpose(1, 0, 2)

  deg_spec = pl.BlockSpec((1, 4, BN), lambda i: (i, 0, 0))
  vec_spec = _full_spec((1, d))
  gid_r = graph_ids.astype(I32).reshape(nb, 1, BN)
  blk_spec = pl.BlockSpec((1, 1, BN), lambda i: (i, 0, 0))

  xs1, ia = pl.pallas_call(
      _tc1_body,
      grid=(nb,),
      in_specs=[_row_spec(d), deg_spec, vec_spec, vec_spec, blk_spec],
      out_specs=[_row_spec(d), _full_spec((g, 128))],
      out_shape=[jax.ShapeDtypeStruct((n, d), F32),
                 jax.ShapeDtypeStruct((g, 128), F32)],
      scratch_shapes=[pltpu.VMEM((128, 128), F32), pltpu.VMEM((8, 128), F32)],
  )(h, deg, bn1_g.reshape(1, d), bn1_b.reshape(1, d), gid_r)

  zeros_chd = jnp.zeros((CH, d), F32)
  p1 = _conv_call(n, d, nacc, nch)(xs1, srcg, dstd, zeros_chd)
  p1 = p1.reshape(2, nacc, d)
  p_spec = pl.BlockSpec((2, BN, d), lambda i: (0, i, 0))

  hh, xs2 = pl.pallas_call(
      _tc2_body,
      grid=(nb,),
      in_specs=[_row_spec(d), p_spec, deg_spec, _full_spec((d, d)), vec_spec,
                vec_spec, vec_spec],
      out_specs=[_row_spec(d), _row_spec(d)],
      out_shape=[jax.ShapeDtypeStruct((n, d), F32),
                 jax.ShapeDtypeStruct((n, d), F32)],
  )(h, p1, deg, W1, b1.reshape(1, d), bn2_g.reshape(1, d),
    bn2_b.reshape(1, d))

  p2 = _conv_call(n, d, nacc, nch)(xs2, srcg, dstd, zeros_chd)
  p2 = p2.reshape(2, nacc, d)

  if_p = jnp.zeros((128, d), F32).at[:g].set(inter_f)

  hh2, att, mp = pl.pallas_call(
      _tc3_body,
      grid=(nb,),
      in_specs=[p_spec, _row_spec(d), deg_spec, _full_spec((d, d)), vec_spec,
                _full_spec((d, d)), _full_spec((d, d)),
                _full_spec((128, d)), blk_spec],
      out_specs=[_row_spec(d), blk_spec,
                 pl.BlockSpec((1, 1, 128), lambda i: (i, 0, 0))],
      out_shape=[jax.ShapeDtypeStruct((n, d), F32),
                 jax.ShapeDtypeStruct((nb, 1, BN), F32),
                 jax.ShapeDtypeStruct((nb, 1, 128), F32)],
  )(p2, hh, deg, W2, b2.reshape(1, d), Wq, Wk, if_p, gid_r)

  ro = pl.pallas_call(
      _tc4_body,
      grid=(2, nb),
      in_specs=[
          pl.BlockSpec((BN, d), lambda p, i: (p * i, 0)),
          pl.BlockSpec((1, 1, BN), lambda p, i: (i, 0, 0)),
          pl.BlockSpec((1, 1, BN), lambda p, i: (i, 0, 0)),
          pl.BlockSpec((nb, 1, 128), lambda p, i: (0, 0, 0)),
          pl.BlockSpec((d, d), lambda p, i: (0, 0)),
          pl.BlockSpec((d, d), lambda p, i: (0, 0)),
          pl.BlockSpec(ffW1.shape, lambda p, i: (0, 0)),
          pl.BlockSpec((1, ffW1.shape[1]), lambda p, i: (0, 0)),
          pl.BlockSpec(ffW2.shape, lambda p, i: (0, 0)),
          pl.BlockSpec((1, d), lambda p, i: (0, 0)),
          pl.BlockSpec((1, d), lambda p, i: (0, 0)),
          pl.BlockSpec((1, d), lambda p, i: (0, 0)),
      ],
      out_specs=[pl.BlockSpec((g, 128), lambda p, i: (0, 0))],
      out_shape=[jax.ShapeDtypeStruct((g, 128), F32)],
      scratch_shapes=[pltpu.VMEM((8, 128), F32),
                      pltpu.VMEM((128, 128), F32)],
  )(hh2, att, gid_r, mp, Wv, Wc, ffW1, ffb1.reshape(1, -1), ffW2,
    ffb2.reshape(1, -1), ln_g.reshape(1, d), ln_b.reshape(1, d))

  return ro[0], ia

# --- scband reference (transcript-rebuilt; emitter-appended) ---
"""Pipeline reference for scband-gcn-34823594836228 (READ-ONLY COPY).

The authoritative reference and input builder live on the scoring server;
editing this copy changes nothing except your own understanding.
"""

import jax, jax.numpy as jnp
import numpy as np

N = 10000
E = 320000
G = 50
D = 128


def setup_inputs(seed: int = 0):
    key = jax.random.key(seed)
    ks = jax.random.split(key, 16)
    h = jax.random.normal(ks[0], (N, D), dtype=jnp.float32)
    inter_f = jax.random.normal(ks[1], (G, D), dtype=jnp.float32)
    edge_index = jax.random.randint(ks[2], (2, E), 0, N)
    graph_ids = jnp.sort(jax.random.randint(ks[3], (N,), 0, G))
    def w(k, shape):
        return jax.random.normal(k, shape, dtype=jnp.float32) * 0.05
    return {
        "h": h, "inter_f": inter_f, "edge_index": edge_index, "graph_ids": graph_ids,
        "W1": w(ks[4], (D, D)), "b1": jnp.zeros((D,), jnp.float32),
        "W2": w(ks[5], (D, D)), "b2": jnp.zeros((D,), jnp.float32),
        "bn1_g": jnp.ones((D,), jnp.float32), "bn1_b": jnp.zeros((D,), jnp.float32),
        "bn2_g": jnp.ones((D,), jnp.float32), "bn2_b": jnp.zeros((D,), jnp.float32),
        "Wq": w(ks[6], (D, D)), "Wk": w(ks[7], (D, D)), "Wv": w(ks[8], (D, D)),
        "Wc": w(ks[9], (D, D)),
        "ffW1": w(ks[10], (D, 2 * D)), "ffb1": jnp.zeros((2 * D,), jnp.float32),
        "ffW2": w(ks[11], (2 * D, D)), "ffb2": jnp.zeros((D,), jnp.float32),
        "ln_g": jnp.ones((D,), jnp.float32), "ln_b": jnp.zeros((D,), jnp.float32),
    }


def _forward(h, inter_f, W1, b1, W2, b2, bn1_g, bn1_b, bn2_g, bn2_b, Wq, Wk, Wv, Wc, ffW1, ffb1, ffW2, ffb2, ln_g, ln_b, edge_index, graph_ids):
    src = edge_index[0]
    dst = edge_index[1]
    n = h.shape[0]
    g = inter_f.shape[0]
    ones_e = jnp.ones((src.shape[0],), jnp.float32)
    deg_out = jnp.maximum(jax.ops.segment_sum(ones_e, src, num_segments=n), 1.0)
    deg_in = jnp.maximum(jax.ops.segment_sum(ones_e, dst, num_segments=n), 1.0)
    inv_out = deg_out ** -0.5
    inv_in = deg_in ** -0.5

    def gconv(x, W, b):
        xs = x * inv_out[:, None]
        agg = jax.ops.segment_sum(xs[src], dst, num_segments=n)
        agg = agg * inv_in[:, None]
        return agg @ W + b

    def bn(x, gam, bet):
        # eval-mode BatchNorm1d with running stats mean=0, var=1
        return x / jnp.sqrt(1.0 + 1e-5) * gam + bet

    def ln(x):
        mu = jnp.mean(x, axis=-1, keepdims=True)
        var = jnp.var(x, axis=-1, keepdims=True)
        return (x - mu) / jnp.sqrt(var + 1e-5) * ln_g + ln_b

    counts = jnp.maximum(jax.ops.segment_sum(jnp.ones((n,), jnp.float32), graph_ids, num_segments=g), 1.0)
    init_avg = jax.ops.segment_sum(h, graph_ids, num_segments=g) / counts[:, None]

    pre = h
    hh = bn(h, bn1_g, bn1_b)
    hh = pre + jax.nn.relu(gconv(hh, W1, b1))
    pre = hh
    h2 = bn(hh, bn2_g, bn2_b)
    hh = pre + jax.nn.relu(gconv(h2, W2, b2))

    residue = hh
    inter_h = inter_f[graph_ids]
    q = residue @ Wq
    k = inter_h @ Wk
    v = residue @ Wv
    att = jnp.sum(q * k / jnp.sqrt(1280.0), axis=1)
    m = jax.ops.segment_max(att, graph_ids, num_segments=g)
    e = jnp.exp(att - m[graph_ids])
    s = jax.ops.segment_sum(e, graph_ids, num_segments=g)
    alpha = e / s[graph_ids]
    tp = v * alpha[:, None]
    mo = tp @ Wc
    mo = ln(mo + residue)
    ffo = jax.nn.relu(mo @ ffW1 + ffb1) @ ffW2 + ffb2
    mo = ln(ffo + mo)
    readout = jax.ops.segment_sum(mo, graph_ids, num_segments=g)
    return readout, init_avg


def reference(h, inter_f, edge_index, graph_ids, W1, b1, W2, b2, bn1_g, bn1_b, bn2_g, bn2_b, Wq, Wk, Wv, Wc, ffW1, ffb1, ffW2, ffb2, ln_g, ln_b):
    return _forward(h, inter_f, W1, b1, W2, b2, bn1_g, bn1_b, bn2_g, bn2_b, Wq, Wk, Wv, Wc, ffW1, ffb1, ffW2, ffb2, ln_g, ln_b, edge_index, graph_ids)

if __name__ == "__main__":
    import jax
    _d = setup_inputs()
    print(jax.jit(kernel)(*tuple(_d.values())))

</pallas_src>

<mosaic_0001>
#map = affine_map<(d0, d1) -> (0, 0)>
#map1 = affine_map<(d0, d1) -> (0, 0, 0)>
module attributes {stable_mosaic.version = 14 : i64} {
  func.func @body(%arg0: i32, %arg1: i32, %arg2: memref<10000x128xf32, #tpu.memory_space<hbm>>, %arg3: memref<32x80x128xi32, #tpu.memory_space<hbm>>, %arg4: memref<32x80x128xi32, #tpu.memory_space<hbm>>, %arg5: memref<128x128xf32, #tpu.memory_space<hbm>>, %arg6: memref<20480x128xf32, #tpu.memory_space<hbm>>, %arg7: memref<10240x128xf32, #tpu.memory_space<vmem_shared>>) attributes {dimension_semantics = [#tpu.dimension_semantics<core_parallel>, #tpu.dimension_semantics<subcore_parallel>], iteration_bounds = array<i64: 2, 16>, scalar_prefetch = 0 : i64, scratch_operands = 1 : i64, tpu.core_type = #tpu.core_type<sc_vector_subcore>, window_params = [{transform_indices = #map}, {transform_indices = #map1}, {transform_indices = #map1}, {transform_indices = #map}, {transform_indices = #map}]} {
    %mul3A = arith.constant 2 : i32
    %mul3A_0 = arith.muli %arg1, %mul3A : i32
    %add3A = arith.addi %mul3A_0, %arg0 : i32
    "tpu.region"() ({
      %run_scoped3A = memref.alloca() : memref<2x16x128xi32, #tpu.memory_space<vmem>>
      %run_scoped3A_1 = memref.alloca() : memref<2x16x128xi32, #tpu.memory_space<vmem>>
      %run_scoped3A_2 = memref.alloca() : memref<2x128x128xf32, #tpu.memory_space<vmem>>
      %run_scoped3A_3 = tpu.sem_alloc : memref<!tpu.dma_semaphore, #tpu.memory_space<semaphore_mem>>
      %run_scoped3A_4 = tpu.sem_alloc : memref<!tpu.dma_semaphore, #tpu.memory_space<semaphore_mem>>
      %run_scoped3A_5 = tpu.sem_alloc : memref<!tpu.dma_semaphore, #tpu.memory_space<semaphore_mem>>
      %mul3A_6 = arith.constant 640 : i32
      %mul3A_7 = arith.muli %arg1, %mul3A_6 : i32
      %add3A_8 = arith.constant 0 : i32
      %add3A_9 = arith.addi %mul3A_7, %add3A_8 : i32
      "tpu.region"() ({
        %run_scoped3A_73 = tpu.sem_alloc : memref<!tpu.dma_semaphore, #tpu.memory_space<semaphore_mem>>
        %dma_start3A_74 = arith.constant 0 : i32
        %dma_start3A_75 = tpu.memref_slice %arg7[%add3A_9, %dma_start3A_74] : memref<10240x128xf32, #tpu.memory_space<vmem_shared>> -> memref<128x128xf32, #tpu.memory_space<vmem_shared>>
        tpu.enqueue_dma source(%arg5 : memref<128x128xf32, #tpu.memory_space<hbm>>) target(%dma_start3A_75 : memref<128x128xf32, #tpu.memory_space<vmem_shared>>) target_semaphore(%run_scoped3A_73 : memref<!tpu.dma_semaphore, #tpu.memory_space<semaphore_mem>>)
        %dma_wait3A_76 = arith.constant 0 : i32
        %dma_wait3A_77 = tpu.memref_slice %arg7[%add3A_9, %dma_wait3A_76] : memref<10240x128xf32, #tpu.memory_space<vmem_shared>> -> memref<128x128xf32, #tpu.memory_space<vmem_shared>>
        tpu.wait_dma2 semaphore(%run_scoped3A_73 : memref<!tpu.dma_semaphore, #tpu.memory_space<semaphore_mem>>) src(%arg5 : memref<128x128xf32, #tpu.memory_space<hbm>>) dst(%dma_wait3A_77 : memref<128x128xf32, #tpu.memory_space<vmem_shared>>)
        tpu.yield
      }) : () -> ()
      %add3A_10 = arith.constant 128 : i32
      %add3A_11 = arith.addi %mul3A_7, %add3A_10 : i32
      "tpu.region"() ({
        %run_scoped3A_73 = tpu.sem_alloc : memref<!tpu.dma_semaphore, #tpu.memory_space<semaphore_mem>>
        %dma_start3A_74 = arith.constant 0 : i32
        %dma_start3A_75 = tpu.memref_slice %arg7[%add3A_11, %dma_start3A_74] : memref<10240x128xf32, #tpu.memory_space<vmem_shared>> -> memref<128x128xf32, #tpu.memory_space<vmem_shared>>
        tpu.enqueue_dma source(%arg5 : memref<128x128xf32, #tpu.memory_space<hbm>>) target(%dma_start3A_75 : memref<128x128xf32, #tpu.memory_space<vmem_shared>>) target_semaphore(%run_scoped3A_73 : memref<!tpu.dma_semaphore, #tpu.memory_space<semaphore_mem>>)
        %dma_wait3A_76 = arith.constant 0 : i32
        %dma_wait3A_77 = tpu.memref_slice %arg7[%add3A_11, %dma_wait3A_76] : memref<10240x128xf32, #tpu.memory_space<vmem_shared>> -> memref<128x128xf32, #tpu.memory_space<vmem_shared>>
        tpu.wait_dma2 semaphore(%run_scoped3A_73 : memref<!tpu.dma_semaphore, #tpu.memory_space<semaphore_mem>>) src(%arg5 : memref<128x128xf32, #tpu.memory_space<hbm>>) dst(%dma_wait3A_77 : memref<128x128xf32, #tpu.memory_space<vmem_shared>>)
        tpu.yield
      }) : () -> ()
      %add3A_12 = arith.constant 256 : i32
      %add3A_13 = arith.addi %mul3A_7, %add3A_12 : i32
      "tpu.region"() ({
        %run_scoped3A_73 = tpu.sem_alloc : memref<!tpu.dma_semaphore, #tpu.memory_space<semaphore_mem>>
        %dma_start3A_74 = arith.constant 0 : i32
        %dma_start3A_75 = tpu.memref_slice %arg7[%add3A_13, %dma_start3A_74] : memref<10240x128xf32, #tpu.memory_space<vmem_shared>> -> memref<128x128xf32, #tpu.memory_space<vmem_shared>>
        tpu.enqueue_dma source(%arg5 : memref<128x128xf32, #tpu.memory_space<hbm>>) target(%dma_start3A_75 : memref<128x128xf32, #tpu.memory_space<vmem_shared>>) target_semaphore(%run_scoped3A_73 : memref<!tpu.dma_semaphore, #tpu.memory_space<semaphore_mem>>)
        %dma_wait3A_76 = arith.constant 0 : i32
        %dma_wait3A_77 = tpu.memref_slice %arg7[%add3A_13, %dma_wait3A_76] : memref<10240x128xf32, #tpu.memory_space<vmem_shared>> -> memref<128x128xf32, #tpu.memory_space<vmem_shared>>
        tpu.wait_dma2 semaphore(%run_scoped3A_73 : memref<!tpu.dma_semaphore, #tpu.memory_space<semaphore_mem>>) src(%arg5 : memref<128x128xf32, #tpu.memory_space<hbm>>) dst(%dma_wait3A_77 : memref<128x128xf32, #tpu.memory_space<vmem_shared>>)
        tpu.yield
      }) : () -> ()
      %add3A_14 = arith.constant 384 : i32
      %add3A_15 = arith.addi %mul3A_7, %add3A_14 : i32
      "tpu.region"() ({
        %run_scoped3A_73 = tpu.sem_alloc : memref<!tpu.dma_semaphore, #tpu.memory_space<semaphore_mem>>
        %dma_start3A_74 = arith.constant 0 : i32
        %dma_start3A_75 = tpu.memref_slice %arg7[%add3A_15, %dma_start3A_74] : memref<10240x128xf32, #tpu.memory_space<vmem_shared>> -> memref<128x128xf32, #tpu.memory_space<vmem_shared>>
        tpu.enqueue_dma source(%arg5 : memref<128x128xf32, #tpu.memory_space<hbm>>) target(%dma_start3A_75 : memref<128x128xf32, #tpu.memory_space<vmem_shared>>) target_semaphore(%run_scoped3A_73 : memref<!tpu.dma_semaphore, #tpu.memory_space<semaphore_mem>>)
        %dma_wait3A_76 = arith.constant 0 : i32
        %dma_wait3A_77 = tpu.memref_slice %arg7[%add3A_15, %dma_wait3A_76] : memref<10240x128xf32, #tpu.memory_space<vmem_shared>> -> memref<128x128xf32, #tpu.memory_space<vmem_shared>>
        tpu.wait_dma2 semaphore(%run_scoped3A_73 : memref<!tpu.dma_semaphore, #tpu.memory_space<semaphore_mem>>) src(%arg5 : memref<128x128xf32, #tpu.memory_space<hbm>>) dst(%dma_wait3A_77 : memref<128x128xf32, #tpu.memory_space<vmem_shared>>)
        tpu.yield
      }) : () -> ()
      %add3A_16 = arith.constant 512 : i32
      %add3A_17 = arith.addi %mul3A_7, %add3A_16 : i32
      "tpu.region"() ({
        %run_scoped3A_73 = tpu.sem_alloc : memref<!tpu.dma_semaphore, #tpu.memory_space<semaphore_mem>>
        %dma_start3A_74 = arith.constant 0 : i32
        %dma_start3A_75 = tpu.memref_slice %arg7[%add3A_17, %dma_start3A_74] : memref<10240x128xf32, #tpu.memory_space<vmem_shared>> -> memref<128x128xf32, #tpu.memory_space<vmem_shared>>
        tpu.enqueue_dma source(%arg5 : memref<128x128xf32, #tpu.memory_space<hbm>>) target(%dma_start3A_75 : memref<128x128xf32, #tpu.memory_space<vmem_shared>>) target_semaphore(%run_scoped3A_73 : memref<!tpu.dma_semaphore, #tpu.memory_space<semaphore_mem>>)
        %dma_wait3A_76 = arith.constant 0 : i32
        %dma_wait3A_77 = tpu.memref_slice %arg7[%add3A_17, %dma_wait3A_76] : memref<10240x128xf32, #tpu.memory_space<vmem_shared>> -> memref<128x128xf32, #tpu.memory_space<vmem_shared>>
        tpu.wait_dma2 semaphore(%run_scoped3A_73 : memref<!tpu.dma_semaphore, #tpu.memory_space<semaphore_mem>>) src(%arg5 : memref<128x128xf32, #tpu.memory_space<hbm>>) dst(%dma_wait3A_77 : memref<128x128xf32, #tpu.memory_space<vmem_shared>>)
        tpu.yield
      }) : () -> ()
      %barrier3A = arith.constant 0 : index
      tpu.barrier barrier_id(%barrier3A)
      %run_scoped3A_18 = arith.constant 0 : i32
      "tpu.region"() ({
        %run_scoped3A_73 = tpu.sem_alloc : memref<!tpu.dma_semaphore, #tpu.memory_space<semaphore_mem>>
        %dma_start3A_74 = arith.constant 0 : i32
        %dma_start3A_75 = arith.constant 0 : i32
        %dma_start3A_76 = tpu.memref_slice %run_scoped3A[%run_scoped3A_18, %dma_start3A_74, %dma_start3A_75] : memref<2x16x128xi32, #tpu.memory_space<vmem>> -> memref<1x16x128xi32, #tpu.memory_space<vmem>>
        %dma_start3A_77 = tpu.memref_squeeze %dma_start3A_76 : memref<1x16x128xi32, #tpu.memory_space<vmem>> -> memref<16x128xi32, #tpu.memory_space<vmem>>
        %dma_start3A_78 = arith.constant 0 : i32
        %dma_start3A_79 = arith.constant 0 : i32
        %dma_start3A_80 = tpu.memref_slice %arg3[%add3A, %dma_start3A_78, %dma_start3A_79] : memref<32x80x128xi32, #tpu.memory_space<hbm>> -> memref<1x16x128xi32, #tpu.memory_space<hbm>>
        %dma_start3A_81 = tpu.memref_squeeze %dma_start3A_80 : memref<1x16x128xi32, #tpu.memory_space<hbm>> -> memref<16x128xi32, #tpu.memory_space<hbm>>
        %dma_start3A_82 = arith.constant 0 : i32
        %dma_start3A_83 = arith.constant 0 : i32
        %dma_start3A_84 = tpu.memref_slice %run_scoped3A[%run_scoped3A_18, %dma_start3A_82, %dma_start3A_83] : memref<2x16x128xi32, #tpu.memory_space<vmem>> -> memref<1x16x128xi32, #tpu.memory_space<vmem>>
        %dma_start3A_85 = tpu.memref_squeeze %dma_start3A_84 : memref<1x16x128xi32, #tpu.memory_space<vmem>> -> memref<16x128xi32, #tpu.memory_space<vmem>>
        %dma_start3A_86 = arith.constant 0 : i32
        %dma_start3A_87 = arith.constant 0 : i32
        %dma_start3A_88 = tpu.memref_slice %arg3[%add3A, %dma_start3A_86, %dma_start3A_87] : memref<32x80x128xi32, #tpu.memory_space<hbm>> -> memref<1x16x128xi32, #tpu.memory_space<hbm>>
        %dma_start3A_89 = tpu.memref_squeeze %dma_start3A_88 : memref<1x16x128xi32, #tpu.memory_space<hbm>> -> memref<16x128xi32, #tpu.memory_space<hbm>>
        tpu.enqueue_dma source(%dma_start3A_89 : memref<16x128xi32, #tpu.memory_space<hbm>>) target(%dma_start3A_85 : memref<16x128xi32, #tpu.memory_space<vmem>>) target_semaphore(%run_scoped3A_73 : memref<!tpu.dma_semaphore, #tpu.memory_space<semaphore_mem>>)
        %dma_wait3A_90 = arith.constant 0 : i32
        %dma_wait3A_91 = arith.constant 0 : i32
        %dma_wait3A_92 = tpu.memref_slice %run_scoped3A[%run_scoped3A_18, %dma_wait3A_90, %dma_wait3A_91] : memref<2x16x128xi32, #tpu.memory_space<vmem>> -> memref<1x16x128xi32, #tpu.memory_space<vmem>>
        %dma_wait3A_93 = tpu.memref_squeeze %dma_wait3A_92 : memref<1x16x128xi32, #tpu.memory_space<vmem>> -> memref<16x128xi32, #tpu.memory_space<vmem>>
        %dma_wait3A_94 = arith.constant 0 : i32
        %dma_wait3A_95 = arith.constant 0 : i32
        %dma_wait3A_96 = tpu.memref_slice %arg3[%add3A, %dma_wait3A_94, %dma_wait3A_95] : memref<32x80x128xi32, #tpu.memory_space<hbm>> -> memref<1x16x128xi32, #tpu.memory_space<hbm>>
        %dma_wait3A_97 = tpu.memref_squeeze %dma_wait3A_96 : memref<1x16x128xi32, #tpu.memory_space<hbm>> -> memref<16x128xi32, #tpu.memory_space<hbm>>
        %dma_wait3A_98 = arith.constant 0 : i32
        %dma_wait3A_99 = arith.constant 0 : i32
        %dma_wait3A_100 = tpu.memref_slice %run_scoped3A[%run_scoped3A_18, %dma_wait3A_98, %dma_wait3A_99] : memref<2x16x128xi32, #tpu.memory_space<vmem>> -> memref<1x16x128xi32, #tpu.memory_space<vmem>>
        %dma_wait3A_101 = tpu.memref_squeeze %dma_wait3A_100 : memref<1x16x128xi32, #tpu.memory_space<vmem>> -> memref<16x128xi32, #tpu.memory_space<vmem>>
        %dma_wait3A_102 = arith.constant 0 : i32
        %dma_wait3A_103 = arith.constant 0 : i32
        %dma_wait3A_104 = tpu.memref_slice %arg3[%add3A, %dma_wait3A_102, %dma_wait3A_103] : memref<32x80x128xi32, #tpu.memory_space<hbm>> -> memref<1x16x128xi32, #tpu.memory_space<hbm>>
        %dma_wait3A_105 = tpu.memref_squeeze %dma_wait3A_104 : memref<1x16x128xi32, #tpu.memory_space<hbm>> -> memref<16x128xi32, #tpu.memory_space<hbm>>
        tpu.wait_dma2 semaphore(%run_scoped3A_73 : memref<!tpu.dma_semaphore, #tpu.memory_space<semaphore_mem>>) src(%dma_wait3A_105 : memref<16x128xi32, #tpu.memory_space<hbm>>) dst(%dma_wait3A_101 : memref<16x128xi32, #tpu.memory_space<vmem>>)
        tpu.yield
      }) : () -> ()
      %run_scoped3A_19 = arith.constant 0 : i32
      "tpu.region"() ({
        %run_scoped3A_73 = tpu.sem_alloc : memref<!tpu.dma_semaphore, #tpu.memory_space<semaphore_mem>>
        %dma_start3A_74 = arith.constant 0 : i32
        %dma_start3A_75 = arith.constant 0 : i32
        %dma_start3A_76 = tpu.memref_slice %run_scoped3A_1[%run_scoped3A_19, %dma_start3A_74, %dma_start3A_75] : memref<2x16x128xi32, #tpu.memory_space<vmem>> -> memref<1x16x128xi32, #tpu.memory_space<vmem>>
        %dma_start3A_77 = tpu.memref_squeeze %dma_start3A_76 : memref<1x16x128xi32, #tpu.memory_space<vmem>> -> memref<16x128xi32, #tpu.memory_space<vmem>>
        %dma_start3A_78 = arith.constant 0 : i32
        %dma_start3A_79 = arith.constant 0 : i32
        %dma_start3A_80 = tpu.memref_slice %arg4[%add3A, %dma_start3A_78, %dma_start3A_79] : memref<32x80x128xi32, #tpu.memory_space<hbm>> -> memref<1x16x128xi32, #tpu.memory_space<hbm>>
        %dma_start3A_81 = tpu.memref_squeeze %dma_start3A_80 : memref<1x16x128xi32, #tpu.memory_space<hbm>> -> memref<16x128xi32, #tpu.memory_space<hbm>>
        %dma_start3A_82 = arith.constant 0 : i32
        %dma_start3A_83 = arith.constant 0 : i32
        %dma_start3A_84 = tpu.memref_slice %run_scoped3A_1[%run_scoped3A_19, %dma_start3A_82, %dma_start3A_83] : memref<2x16x128xi32, #tpu.memory_space<vmem>> -> memref<1x16x128xi32, #tpu.memory_space<vmem>>
        %dma_start3A_85 = tpu.memref_squeeze %dma_start3A_84 : memref<1x16x128xi32, #tpu.memory_space<vmem>> -> memref<16x128xi32, #tpu.memory_space<vmem>>
        %dma_start3A_86 = arith.constant 0 : i32
        %dma_start3A_87 = arith.constant 0 : i32
        %dma_start3A_88 = tpu.memref_slice %arg4[%add3A, %dma_start3A_86, %dma_start3A_87] : memref<32x80x128xi32, #tpu.memory_space<hbm>> -> memref<1x16x128xi32, #tpu.memory_space<hbm>>
        %dma_start3A_89 = tpu.memref_squeeze %dma_start3A_88 : memref<1x16x128xi32, #tpu.memory_space<hbm>> -> memref<16x128xi32, #tpu.memory_space<hbm>>
        tpu.enqueue_dma source(%dma_start3A_89 : memref<16x128xi32, #tpu.memory_space<hbm>>) target(%dma_start3A_85 : memref<16x128xi32, #tpu.memory_space<vmem>>) target_semaphore(%run_scoped3A_73 : memref<!tpu.dma_semaphore, #tpu.memory_space<semaphore_mem>>)
        %dma_wait3A_90 = arith.constant 0 : i32
        %dma_wait3A_91 = arith.constant 0 : i32
        %dma_wait3A_92 = tpu.memref_slice %run_scoped3A_1[%run_scoped3A_19, %dma_wait3A_90, %dma_wait3A_91] : memref<2x16x128xi32, #tpu.memory_space<vmem>> -> memref<1x16x128xi32, #tpu.memory_space<vmem>>
        %dma_wait3A_93 = tpu.memref_squeeze %dma_wait3A_92 : memref<1x16x128xi32, #tpu.memory_space<vmem>> -> memref<16x128xi32, #tpu.memory_space<vmem>>
        %dma_wait3A_94 = arith.constant 0 : i32
        %dma_wait3A_95 = arith.constant 0 : i32
        %dma_wait3A_96 = tpu.memref_slice %arg4[%add3A, %dma_wait3A_94, %dma_wait3A_95] : memref<32x80x128xi32, #tpu.memory_space<hbm>> -> memref<1x16x128xi32, #tpu.memory_space<hbm>>
        %dma_wait3A_97 = tpu.memref_squeeze %dma_wait3A_96 : memref<1x16x128xi32, #tpu.memory_space<hbm>> -> memref<16x128xi32, #tpu.memory_space<hbm>>
        %dma_wait3A_98 = arith.constant 0 : i32
        %dma_wait3A_99 = arith.constant 0 : i32
        %dma_wait3A_100 = tpu.memref_slice %run_scoped3A_1[%run_scoped3A_19, %dma_wait3A_98, %dma_wait3A_99] : memref<2x16x128xi32, #tpu.memory_space<vmem>> -> memref<1x16x128xi32, #tpu.memory_space<vmem>>
        %dma_wait3A_101 = tpu.memref_squeeze %dma_wait3A_100 : memref<1x16x128xi32, #tpu.memory_space<vmem>> -> memref<16x128xi32, #tpu.memory_space<vmem>>
        %dma_wait3A_102 = arith.constant 0 : i32
        %dma_wait3A_103 = arith.constant 0 : i32
        %dma_wait3A_104 = tpu.memref_slice %arg4[%add3A, %dma_wait3A_102, %dma_wait3A_103] : memref<32x80x128xi32, #tpu.memory_space<hbm>> -> memref<1x16x128xi32, #tpu.memory_space<hbm>>
        %dma_wait3A_105 = tpu.memref_squeeze %dma_wait3A_104 : memref<1x16x128xi32, #tpu.memory_space<hbm>> -> memref<16x128xi32, #tpu.memory_space<hbm>>
        tpu.wait_dma2 semaphore(%run_scoped3A_73 : memref<!tpu.dma_semaphore, #tpu.memory_space<semaphore_mem>>) src(%dma_wait3A_105 : memref<16x128xi32, #tpu.memory_space<hbm>>) dst(%dma_wait3A_101 : memref<16x128xi32, #tpu.memory_space<vmem>>)
        tpu.yield
      }) : () -> ()
      %dma_start3A = arith.constant 0 : i32
      %dma_start3A_20 = arith.constant 0 : i32
      %dma_start3A_21 = arith.constant 0 : i32
      %dma_start3A_22 = arith.constant 0 : i32
      %dma_start3A_23 = arith.constant 0 : i32
      %dma_start3A_24 = tpu.memref_slice %run_scoped3A_2[%dma_start3A_21, %dma_start3A_22, %dma_start3A_23] : memref<2x128x128xf32, #tpu.memory_space<vmem>> -> memref<1x128x128xf32, #tpu.memory_space<vmem>>
      %dma_start3A_25 = tpu.memref_squeeze %dma_start3A_24 : memref<1x128x128xf32, #tpu.memory_space<vmem>> -> memref<128x128xf32, #tpu.memory_space<vmem>>
      %dma_start3A_26 = arith.constant 0 : i32
      %dma_start3A_27 = tpu.memref_slice %run_scoped3A[%dma_start3A, %dma_start3A_20, %dma_start3A_26] : memref<2x16x128xi32, #tpu.memory_space<vmem>> -> memref<1x1x128xi32, #tpu.memory_space<vmem>>
      %dma_start3A_28 = tpu.memref_squeeze %dma_start3A_27 : memref<1x1x128xi32, #tpu.memory_space<vmem>> -> memref<128xi32, #tpu.memory_space<vmem>>
      %dma_start3A_29 = arith.constant 0 : i32
      %dma_start3A_30 = arith.constant 0 : i32
      %dma_start3A_31 = tpu.memref_slice %arg2[%dma_start3A_29, %dma_start3A_30] : memref<10000x128xf32, #tpu.memory_space<hbm>> -> memref<10000x128xf32, #tpu.memory_space<hbm>>
      tpu.enqueue_indirect_dma source(%dma_start3A_31 : memref<10000x128xf32, #tpu.memory_space<hbm>>) target(%dma_start3A_25 : memref<128x128xf32, #tpu.memory_space<vmem>>) offsets(%dma_start3A_28 : memref<128xi32, #tpu.memory_space<vmem>>) semaphore(%run_scoped3A_3 : memref<!tpu.dma_semaphore, #tpu.memory_space<semaphore_mem>>)
      %scan3A = arith.constant 0 : i32
      %scan3A_32 = arith.constant 0 : i32
      %scan3A_33 = arith.constant 5 : i32
      %scan3A_34 = arith.addi %scan3A_32, %scan3A_33 : i32
      %scan3A_35 = arith.constant 1 : i32
      scf.for %scan3A_73 = %scan3A_32 to %scan3A_34 step %scan3A_35  : i32 {
        %jit3A = arith.constant 2 : i32
        %eq3A = arith.constant 0 : i32
        %eq3A_74 = arith.cmpi eq, %jit3A, %eq3A : i32
        %jit3A_75 = arith.constant 1 : i32
        %select_n3A = arith.select %eq3A_74, %jit3A_75, %jit3A : i32
        %rem3A = arith.remsi %scan3A_73, %select_n3A : i32
        %ne3A = arith.constant 0 : i32
        %ne3A_76 = arith.cmpi ne, %rem3A, %ne3A : i32
        %lt3A = arith.constant 0 : i32
        %lt3A_77 = arith.cmpi slt, %rem3A, %lt3A : i32
        %lt3A_78 = arith.constant 0 : i32
        %lt3A_79 = arith.cmpi slt, %select_n3A, %lt3A_78 : i32
        %ne3A_80 = arith.xori %lt3A_77, %lt3A_79 : i1
        %and3A = arith.andi %ne3A_80, %ne3A_76 : i1
        %add3A_81 = arith.addi %rem3A, %select_n3A : i32
        %select_n3A_82 = arith.select %and3A, %add3A_81, %rem3A : i32
        %add3A_83 = arith.constant 1 : i32
        %add3A_84 = arith.addi %scan3A_73, %add3A_83 : i32
        %lt3A_85 = arith.constant 5 : i32
        %lt3A_86 = arith.cmpi slt, %add3A_84, %lt3A_85 : i32
        %convert_element_type3A = arith.extui %lt3A_86 : i1 to i32
        %cond3A = arith.constant 0 : i32
        %cond3A_87 = arith.cmpi ne, %convert_element_type3A, %cond3A : i32
        scf.if %cond3A_87 {
          %add3A_874 = arith.constant 1 : i32
          %add3A_875 = arith.addi %scan3A_73, %add3A_874 : i32
          %mul3A_876 = arith.constant 16 : i32
          %mul3A_877 = arith.muli %add3A_875, %mul3A_876 : i32
          %sub3A = arith.constant 1 : i32
          %sub3A_878 = arith.subi %sub3A, %select_n3A_82 : i32
          "tpu.region"() ({
            %run_scoped3A_885 = tpu.sem_alloc : memref<!tpu.dma_semaphore, #tpu.memory_space<semaphore_mem>>
            %dma_start3A_886 = arith.constant 0 : i32
            %dma_start3A_887 = arith.constant 0 : i32
            %dma_start3A_888 = tpu.memref_slice %run_scoped3A[%sub3A_878, %dma_start3A_886, %dma_start3A_887] : memref<2x16x128xi32, #tpu.memory_space<vmem>> -> memref<1x16x128xi32, #tpu.memory_space<vmem>>
            %dma_start3A_889 = tpu.memref_squeeze %dma_start3A_888 : memref<1x16x128xi32, #tpu.memory_space<vmem>> -> memref<16x128xi32, #tpu.memory_space<vmem>>
            %dma_start3A_890 = arith.constant 0 : i32
            %dma_start3A_891 = tpu.memref_slice %arg3[%add3A, %mul3A_877, %dma_start3A_890] : memref<32x80x128xi32, #tpu.memory_space<hbm>> -> memref<1x16x128xi32, #tpu.memory_space<hbm>>
            %dma_start3A_892 = tpu.memref_squeeze %dma_start3A_891 : memref<1x16x128xi32, #tpu.memory_space<hbm>> -> memref<16x128xi32, #tpu.memory_space<hbm>>
            %dma_start3A_893 = arith.constant 0 : i32
            %dma_start3A_894 = arith.constant 0 : i32
            %dma_start3A_895 = tpu.memref_slice %run_scoped3A[%sub3A_878, %dma_start3A_893, %dma_start3A_894] : memref<2x16x128xi32, #tpu.memory_space<vmem>> -> memref<1x16x128xi32, #tpu.memory_space<vmem>>
            %dma_start3A_896 = tpu.memref_squeeze %dma_start3A_895 : memref<1x16x128xi32, #tpu.memory_space<vmem>> -> memref<16x128xi32, #tpu.memory_space<vmem>>
            %dma_start3A_897 = arith.constant 0 : i32
            %dma_start3A_898 = tpu.memref_slice %arg3[%add3A, %mul3A_877, %dma_start3A_897] : memref<32x80x128xi32, #tpu.memory_space<hbm>> -> memref<1x16x128xi32, #tpu.memory_space<hbm>>
            %dma_start3A_899 = tpu.memref_squeeze %dma_start3A_898 : memref<1x16x128xi32, #tpu.memory_space<hbm>> -> memref<16x128xi32, #tpu.memory_space<hbm>>
            tpu.enqueue_dma source(%dma_start3A_899 : memref<16x128xi32, #tpu.memory_space<hbm>>) target(%dma_start3A_896 : memref<16x128xi32, #tpu.memory_space<vmem>>) target_semaphore(%run_scoped3A_885 : memref<!tpu.dma_semaphore, #tpu.memory_space<semaphore_mem>>)
            %dma_wait3A_900 = arith.constant 0 : i32
            %dma_wait3A_901 = arith.constant 0 : i32
            %dma_wait3A_902 = tpu.memref_slice %run_scoped3A[%sub3A_878, %dma_wait3A_900, %dma_wait3A_901] : memref<2x16x128xi32, #tpu.memory_space<vmem>> -> memref<1x16x128xi32, #tpu.memory_space<vmem>>
            %dma_wait3A_903 = tpu.memref_squeeze %dma_wait3A_902 : memref<1x16x128xi32, #tpu.memory_space<vmem>> -> memref<16x128xi32, #tpu.memory_space<vmem>>
            %dma_wait3A_904 = arith.constant 0 : i32
            %dma_wait3A_905 = tpu.memref_slice %arg3[%add3A, %mul3A_877, %dma_wait3A_904] : memref<32x80x128xi32, #tpu.memory_space<hbm>> -> memref<1x16x128xi32, #tpu.memory_space<hbm>>
            %dma_wait3A_906 = tpu.memref_squeeze %dma_wait3A_905 : memref<1x16x128xi32, #tpu.memory_space<hbm>> -> memref<16x128xi32, #tpu.memory_space<hbm>>
            %dma_wait3A_907 = arith.constant 0 : i32
            %dma_wait3A_908 = arith.constant 0 : i32
            %dma_wait3A_909 = tpu.memref_slice %run_scoped3A[%sub3A_878, %dma_wait3A_907, %dma_wait3A_908] : memref<2x16x128xi32, #tpu.memory_space<vmem>> -> memref<1x16x128xi32, #tpu.memory_space<vmem>>
            %dma_wait3A_910 = tpu.memref_squeeze %dma_wait3A_909 : memref<1x16x128xi32, #tpu.memory_space<vmem>> -> memref<16x128xi32, #tpu.memory_space<vmem>>
            %dma_wait3A_911 = arith.constant 0 : i32
            %dma_wait3A_912 = tpu.memref_slice %arg3[%add3A, %mul3A_877, %dma_wait3A_911] : memref<32x80x128xi32, #tpu.memory_space<hbm>> -> memref<1x16x128xi32, #tpu.memory_space<hbm>>
            %dma_wait3A_913 = tpu.memref_squeeze %dma_wait3A_912 : memref<1x16x128xi32, #tpu.memory_space<hbm>> -> memref<16x128xi32, #tpu.memory_space<hbm>>
            tpu.wait_dma2 semaphore(%run_scoped3A_885 : memref<!tpu.dma_semaphore, #tpu.memory_space<semaphore_mem>>) src(%dma_wait3A_913 : memref<16x128xi32, #tpu.memory_space<hbm>>) dst(%dma_wait3A_910 : memref<16x128xi32, #tpu.memory_space<vmem>>)
            tpu.yield
          }) : () -> ()
          %add3A_879 = arith.constant 1 : i32
          %add3A_880 = arith.addi %scan3A_73, %add3A_879 : i32
          %mul3A_881 = arith.constant 16 : i32
          %mul3A_882 = arith.muli %add3A_880, %mul3A_881 : i32
          %sub3A_883 = arith.constant 1 : i32
          %sub3A_884 = arith.subi %sub3A_883, %select_n3A_82 : i32
          "tpu.region"() ({
            %run_scoped3A_885 = tpu.sem_alloc : memref<!tpu.dma_semaphore, #tpu.memory_space<semaphore_mem>>
            %dma_start3A_886 = arith.constant 0 : i32
            %dma_start3A_887 = arith.constant 0 : i32
            %dma_start3A_888 = tpu.memref_slice %run_scoped3A_1[%sub3A_884, %dma_start3A_886, %dma_start3A_887] : memref<2x16x128xi32, #tpu.memory_space<vmem>> -> memref<1x16x128xi32, #tpu.memory_space<vmem>>
            %dma_start3A_889 = tpu.memref_squeeze %dma_start3A_888 : memref<1x16x128xi32, #tpu.memory_space<vmem>> -> memref<16x128xi32, #tpu.memory_space<vmem>>
            %dma_start3A_890 = arith.constant 0 : i32
            %dma_start3A_891 = tpu.memref_slice %arg4[%add3A, %mul3A_882, %dma_start3A_890] : memref<32x80x128xi32, #tpu.memory_space<hbm>> -> memref<1x16x128xi32, #tpu.memory_space<hbm>>
            %dma_start3A_892 = tpu.memref_squeeze %dma_start3A_891 : memref<1x16x128xi32, #tpu.memory_space<hbm>> -> memref<16x128xi32, #tpu.memory_space<hbm>>
            %dma_start3A_893 = arith.constant 0 : i32
            %dma_start3A_894 = arith.constant 0 : i32
            %dma_start3A_895 = tpu.memref_slice %run_scoped3A_1[%sub3A_884, %dma_start3A_893, %dma_start3A_894] : memref<2x16x128xi32, #tpu.memory_space<vmem>> -> memref<1x16x128xi32, #tpu.memory_space<vmem>>
            %dma_start3A_896 = tpu.memref_squeeze %dma_start3A_895 : memref<1x16x128xi32, #tpu.memory_space<vmem>> -> memref<16x128xi32, #tpu.memory_space<vmem>>
            %dma_start3A_897 = arith.constant 0 : i32
            %dma_start3A_898 = tpu.memref_slice %arg4[%add3A, %mul3A_882, %dma_start3A_897] : memref<32x80x128xi32, #tpu.memory_space<hbm>> -> memref<1x16x128xi32, #tpu.memory_space<hbm>>
            %dma_start3A_899 = tpu.memref_squeeze %dma_start3A_898 : memref<1x16x128xi32, #tpu.memory_space<hbm>> -> memref<16x128xi32, #tpu.memory_space<hbm>>
            tpu.enqueue_dma source(%dma_start3A_899 : memref<16x128xi32, #tpu.memory_space<hbm>>) target(%dma_start3A_896 : memref<16x128xi32, #tpu.memory_space<vmem>>) target_semaphore(%run_scoped3A_885 : memref<!tpu.dma_semaphore, #tpu.memory_space<semaphore_mem>>)
            %dma_wait3A_900 = arith.constant 0 : i32
            %dma_wait3A_901 = arith.constant 0 : i32
            %dma_wait3A_902 = tpu.memref_slice %run_scoped3A_1[%sub3A_884, %dma_wait3A_900, %dma_wait3A_901] : memref<2x16x128xi32, #tpu.memory_space<vmem>> -> memref<1x16x128xi32, #tpu.memory_space<vmem>>
            %dma_wait3A_903 = tpu.memref_squeeze %dma_wait3A_902 : memref<1x16x128xi32, #tpu.memory_space<vmem>> -> memref<16x128xi32, #tpu.memory_space<vmem>>
            %dma_wait3A_904 = arith.constant 0 : i32
            %dma_wait3A_905 = tpu.memref_slice %arg4[%add3A, %mul3A_882, %dma_wait3A_904] : memref<32x80x128xi32, #tpu.memory_space<hbm>> -> memref<1x16x128xi32, #tpu.memory_space<hbm>>
            %dma_wait3A_906 = tpu.memref_squeeze %dma_wait3A_905 : memref<1x16x128xi32, #tpu.memory_space<hbm>> -> memref<16x128xi32, #tpu.memory_space<hbm>>
            %dma_wait3A_907 = arith.constant 0 : i32
            %dma_wait3A_908 = arith.constant 0 : i32
            %dma_wait3A_909 = tpu.memref_slice %run_scoped3A_1[%sub3A_884, %dma_wait3A_907, %dma_wait3A_908] : memref<2x16x128xi32, #tpu.memory_space<vmem>> -> memref<1x16x128xi32, #tpu.memory_space<vmem>>
            %dma_wait3A_910 = tpu.memref_squeeze %dma_wait3A_909 : memref<1x16x128xi32, #tpu.memory_space<vmem>> -> memref<16x128xi32, #tpu.memory_space<vmem>>
            %dma_wait3A_911 = arith.constant 0 : i32
            %dma_wait3A_912 = tpu.memref_slice %arg4[%add3A, %mul3A_882, %dma_wait3A_911] : memref<32x80x128xi32, #tpu.memory_space<hbm>> -> memref<1x16x128xi32, #tpu.memory_space<hbm>>
            %dma_wait3A_913 = tpu.memref_squeeze %dma_wait3A_912 : memref<1x16x128xi32, #tpu.memory_space<hbm>> -> memref<16x128xi32, #tpu.memory_space<hbm>>
            tpu.wait_dma2 semaphore(%run_scoped3A_885 : memref<!tpu.dma_semaphore, #tpu.memory_space<semaphore_mem>>) src(%dma_wait3A_913 : memref<16x128xi32, #tpu.memory_space<hbm>>) dst(%dma_wait3A_910 : memref<16x128xi32, #tpu.memory_space<vmem>>)
            tpu.yield
          }) : () -> ()
        } else {
        }
        %dma_wait3A_88 = arith.constant 0 : i32
        %dma_wait3A_89 = arith.constant 0 : i32
        %dma_wait3A_90 = arith.constant 0 : i32
        %dma_wait3A_91 = arith.constant 0 : i32
        %dma_wait3A_92 = arith.constant 0 : i32
        %dma_wait3A_93 = tpu.memref_slice %run_scoped3A_2[%dma_wait3A_90, %dma_wait3A_91, %dma_wait3A_92] : memref<2x128x128xf32, #tpu.memory_space<vmem>> -> memref<1x128x128xf32, #tpu.memory_space<vmem>>
        %dma_wait3A_94 = tpu.memref_squeeze %dma_wait3A_93 : memref<1x128x128xf32, #tpu.memory_space<vmem>> -> memref<128x128xf32, #tpu.memory_space<vmem>>
        %dma_wait3A_95 = arith.constant 0 : i32
        %dma_wait3A_96 = tpu.memref_slice %run_scoped3A[%dma_wait3A_88, %dma_wait3A_89, %dma_wait3A_95] : memref<2x16x128xi32, #tpu.memory_space<vmem>> -> memref<1x1x128xi32, #tpu.memory_space<vmem>>
        %dma_wait3A_97 = tpu.memref_squeeze %dma_wait3A_96 : memref<1x1x128xi32, #tpu.memory_space<vmem>> -> memref<128xi32, #tpu.memory_space<vmem>>
        %dma_wait3A_98 = arith.constant 0 : i32
        %dma_wait3A_99 = arith.constant 0 : i32
        %dma_wait3A_100 = tpu.memref_slice %arg2[%dma_wait3A_98, %dma_wait3A_99] : memref<10000x128xf32, #tpu.memory_space<hbm>> -> memref<10000x128xf32, #tpu.memory_space<hbm>>
        tpu.wait_indirect_dma semaphore(%run_scoped3A_3 : memref<!tpu.dma_semaphore, #tpu.memory_space<semaphore_mem>>) src(%dma_wait3A_100 : memref<10000x128xf32, #tpu.memory_space<hbm>>) dst(%dma_wait3A_94 : memref<128x128xf32, #tpu.memory_space<vmem>>)
        %gt3A = arith.constant 0 : i32
        %gt3A_101 = arith.cmpi sgt, %scan3A_73, %gt3A : i32
        %convert_element_type3A_102 = arith.extui %gt3A_101 : i1 to i32
        %cond3A_103 = arith.constant 0 : i32
        %cond3A_104 = arith.cmpi ne, %convert_element_type3A_102, %cond3A_103 : i32
        scf.if %cond3A_104 {
          %dma_wait3A_874 = arith.constant 1 : i32
          %dma_wait3A_875 = arith.constant 0 : i32
          %dma_wait3A_876 = arith.constant 0 : i32
          %dma_wait3A_877 = arith.constant 0 : i32
          %dma_wait3A_878 = arith.constant 0 : i32
          %dma_wait3A_879 = tpu.memref_slice %run_scoped3A_2[%dma_wait3A_874, %dma_wait3A_877, %dma_wait3A_878] : memref<2x128x128xf32, #tpu.memory_space<vmem>> -> memref<1x128x128xf32, #tpu.memory_space<vmem>>
          %dma_wait3A_880 = tpu.memref_squeeze %dma_wait3A_879 : memref<1x128x128xf32, #tpu.memory_space<vmem>> -> memref<128x128xf32, #tpu.memory_space<vmem>>
          %dma_wait3A_881 = arith.constant 0 : i32
          %dma_wait3A_882 = tpu.memref_slice %run_scoped3A_1[%dma_wait3A_875, %dma_wait3A_876, %dma_wait3A_881] : memref<2x16x128xi32, #tpu.memory_space<vmem>> -> memref<1x1x128xi32, #tpu.memory_space<vmem>>
          %dma_wait3A_883 = tpu.memref_squeeze %dma_wait3A_882 : memref<1x1x128xi32, #tpu.memory_space<vmem>> -> memref<128xi32, #tpu.memory_space<vmem>>
          %dma_wait3A_884 = arith.constant 0 : i32
          %dma_wait3A_885 = arith.constant 0 : i32
          %dma_wait3A_886 = tpu.memref_slice %arg7[%dma_wait3A_884, %dma_wait3A_885] : memref<10240x128xf32, #tpu.memory_space<vmem_shared>> -> memref<10240x128xf32, #tpu.memory_space<vmem_shared>>
          tpu.wait_indirect_dma semaphore(%run_scoped3A_5 : memref<!tpu.dma_semaphore, #tpu.memory_space<semaphore_mem>>) src(%dma_wait3A_880 : memref<128x128xf32, #tpu.memory_space<vmem>>) dst(%dma_wait3A_886 : memref<10240x128xf32, #tpu.memory_space<vmem_shared>>)
        } else {
        }
        %dma_start3A_105 = arith.constant 1 : i32
        %dma_start3A_106 = arith.constant 1 : i32
        %dma_start3A_107 = arith.constant 0 : i32
        %dma_start3A_108 = arith.constant 0 : i32
        %dma_start3A_109 = tpu.memref_slice %run_scoped3A_2[%dma_start3A_106, %dma_start3A_107, %dma_start3A_108] : memref<2x128x128xf32, #tpu.memory_space<vmem>> -> memref<1x128x128xf32, #tpu.memory_space<vmem>>
        %dma_start3A_110 = tpu.memref_squeeze %dma_start3A_109 : memref<1x128x128xf32, #tpu.memory_space<vmem>> -> memref<128x128xf32, #tpu.memory_space<vmem>>
        %dma_start3A_111 = arith.constant 0 : i32
        %dma_start3A_112 = tpu.memref_slice %run_scoped3A[%select_n3A_82, %dma_start3A_105, %dma_start3A_111] : memref<2x16x128xi32, #tpu.memory_space<vmem>> -> memref<1x1x128xi32, #tpu.memory_space<vmem>>
        %dma_start3A_113 = tpu.memref_squeeze %dma_start3A_112 : memref<1x1x128xi32, #tpu.memory_space<vmem>> -> memref<128xi32, #tpu.memory_space<vmem>>
        %dma_start3A_114 = arith.constant 0 : i32
        %dma_start3A_115 = arith.constant 0 : i32
        %dma_start3A_116 = tpu.memref_slice %arg2[%dma_start3A_114, %dma_start3A_115] : memref<10000x128xf32, #tpu.memory_space<hbm>> -> memref<10000x128xf32, #tpu.memory_space<hbm>>
        tpu.enqueue_indirect_dma source(%dma_start3A_116 : memref<10000x128xf32, #tpu.memory_space<hbm>>) target(%dma_start3A_110 : memref<128x128xf32, #tpu.memory_space<vmem>>) offsets(%dma_start3A_113 : memref<128xi32, #tpu.memory_space<vmem>>) semaphore(%run_scoped3A_3 : memref<!tpu.dma_semaphore, #tpu.memory_space<semaphore_mem>>)
        %dma_start3A_117 = arith.constant 0 : i32
        %dma_start3A_118 = arith.constant 0 : i32
        %dma_start3A_119 = arith.constant 0 : i32
        %dma_start3A_120 = arith.constant 0 : i32
        %dma_start3A_121 = tpu.memref_slice %run_scoped3A_2[%dma_start3A_117, %dma_start3A_119, %dma_start3A_120] : memref<2x128x128xf32, #tpu.memory_space<vmem>> -> memref<1x128x128xf32, #tpu.memory_space<vmem>>
        %dma_start3A_122 = tpu.memref_squeeze %dma_start3A_121 : memref<1x128x128xf32, #tpu.memory_space<vmem>> -> memref<128x128xf32, #tpu.memory_space<vmem>>
        %dma_start3A_123 = arith.constant 0 : i32
        %dma_start3A_124 = tpu.memref_slice %run_scoped3A_1[%select_n3A_82, %dma_start3A_118, %dma_start3A_123] : memref<2x16x128xi32, #tpu.memory_space<vmem>> -> memref<1x1x128xi32, #tpu.memory_space<vmem>>
        %dma_start3A_125 = tpu.memref_squeeze %dma_start3A_124 : memref<1x1x128xi32, #tpu.memory_space<vmem>> -> memref<128xi32, #tpu.memory_space<vmem>>
        %dma_start3A_126 = arith.constant 0 : i32
        %dma_start3A_127 = arith.constant 0 : i32
        %dma_start3A_128 = tpu.memref_slice %arg7[%dma_start3A_126, %dma_start3A_127] : memref<10240x128xf32, #tpu.memory_space<vmem_shared>> -> memref<10240x128xf32, #tpu.memory_space<vmem_shared>>
        tpu.enqueue_indirect_dma source(%dma_start3A_122 : memref<128x128xf32, #tpu.memory_space<vmem>>) target(%dma_start3A_128 : memref<10240x128xf32, #tpu.memory_space<vmem_shared>>) offsets(%dma_start3A_125 : memref<128xi32, #tpu.memory_space<vmem>>) semaphore(%run_scoped3A_4 : memref<!tpu.dma_semaphore, #tpu.memory_space<semaphore_mem>>) {add = true}
        %dma_wait3A_129 = arith.constant 0 : i32
        %dma_wait3A_130 = arith.constant 0 : i32
        %dma_wait3A_131 = arith.constant 1 : i32
        %dma_wait3A_132 = arith.constant 0 : i32
        %dma_wait3A_133 = arith.constant 0 : i32
        %dma_wait3A_134 = tpu.memref_slice %run_scoped3A_2[%dma_wait3A_131, %dma_wait3A_132, %dma_wait3A_133] : memref<2x128x128xf32, #tpu.memory_space<vmem>> -> memref<1x128x128xf32, #tpu.memory_space<vmem>>
        %dma_wait3A_135 = tpu.memref_squeeze %dma_wait3A_134 : memref<1x128x128xf32, #tpu.memory_space<vmem>> -> memref<128x128xf32, #tpu.memory_space<vmem>>
        %dma_wait3A_136 = arith.constant 0 : i32
        %dma_wait3A_137 = tpu.memref_slice %run_scoped3A[%dma_wait3A_129, %dma_wait3A_130, %dma_wait3A_136] : memref<2x16x128xi32, #tpu.memory_space<vmem>> -> memref<1x1x128xi32, #tpu.memory_space<vmem>>
        %dma_wait3A_138 = tpu.memref_squeeze %dma_wait3A_137 : memref<1x1x128xi32, #tpu.memory_space<vmem>> -> memref<128xi32, #tpu.memory_space<vmem>>
        %dma_wait3A_139 = arith.constant 0 : i32
        %dma_wait3A_140 = arith.constant 0 : i32
        %dma_wait3A_141 = tpu.memref_slice %arg2[%dma_wait3A_139, %dma_wait3A_140] : memref<10000x128xf32, #tpu.memory_space<hbm>> -> memref<10000x128xf32, #tpu.memory_space<hbm>>
        tpu.wait_indirect_dma semaphore(%run_scoped3A_3 : memref<!tpu.dma_semaphore, #tpu.memory_space<semaphore_mem>>) src(%dma_wait3A_141 : memref<10000x128xf32, #tpu.memory_space<hbm>>) dst(%dma_wait3A_135 : memref<128x128xf32, #tpu.memory_space<vmem>>)
        %dma_wait3A_142 = arith.constant 0 : i32
        %dma_wait3A_143 = arith.constant 0 : i32
        %dma_wait3A_144 = arith.constant 0 : i32
        %dma_wait3A_145 = arith.constant 0 : i32
        %dma_wait3A_146 = arith.constant 0 : i32
        %dma_wait3A_147 = tpu.memref_slice %run_scoped3A_2[%dma_wait3A_142, %dma_wait3A_145, %dma_wait3A_146] : memref<2x128x128xf32, #tpu.memory_space<vmem>> -> memref<1x128x128xf32, #tpu.memory_space<vmem>>
        %dma_wait3A_148 = tpu.memref_squeeze %dma_wait3A_147 : memref<1x128x128xf32, #tpu.memory_space<vmem>> -> memref<128x128xf32, #tpu.memory_space<vmem>>
        %dma_wait3A_149 = arith.constant 0 : i32
        %dma_wait3A_150 = tpu.memref_slice %run_scoped3A_1[%dma_wait3A_143, %dma_wait3A_144, %dma_wait3A_149] : memref<2x16x128xi32, #tpu.memory_space<vmem>> -> memref<1x1x128xi32, #tpu.memory_space<vmem>>
        %dma_wait3A_151 = tpu.memref_squeeze %dma_wait3A_150 : memref<1x1x128xi32, #tpu.memory_space<vmem>> -> memref<128xi32, #tpu.memory_space<vmem>>
        %dma_wait3A_152 = arith.constant 0 : i32
        %dma_wait3A_153 = arith.constant 0 : i32
        %dma_wait3A_154 = tpu.memref_slice %arg7[%dma_wait3A_152, %dma_wait3A_153] : memref<10240x128xf32, #tpu.memory_space<vmem_shared>> -> memref<10240x128xf32, #tpu.memory_space<vmem_shared>>
        tpu.wait_indirect_dma semaphore(%run_scoped3A_4 : memref<!tpu.dma_semaphore, #tpu.memory_space<semaphore_mem>>) src(%dma_wait3A_148 : memref<128x128xf32, #tpu.memory_space<vmem>>) dst(%dma_wait3A_154 : memref<10240x128xf32, #tpu.memory_space<vmem_shared>>)
        %dma_start3A_155 = arith.constant 2 : i32
        %dma_start3A_156 = arith.constant 0 : i32
        %dma_start3A_157 = arith.constant 0 : i32
        %dma_start3A_158 = arith.constant 0 : i32
        %dma_start3A_159 = tpu.memref_slice %run_scoped3A_2[%dma_start3A_156, %dma_start3A_157, %dma_start3A_158] : memref<2x128x128xf32, #tpu.memory_space<vmem>> -> memref<1x128x128xf32, #tpu.memory_space<vmem>>
        %dma_start3A_160 = tpu.memref_squeeze %dma_start3A_159 : memref<1x128x128xf32, #tpu.memory_space<vmem>> -> memref<128x128xf32, #tpu.memory_space<vmem>>
        %dma_start3A_161 = arith.constant 0 : i32
        %dma_start3A_162 = tpu.memref_slice %run_scoped3A[%select_n3A_82, %dma_start3A_155, %dma_start3A_161] : memref<2x16x128xi32, #tpu.memory_space<vmem>> -> memref<1x1x128xi32, #tpu.memory_space<vmem>>
        %dma_start3A_163 = tpu.memref_squeeze %dma_start3A_162 : memref<1x1x128xi32, #tpu.memory_space<vmem>> -> memref<128xi32, #tpu.memory_space<vmem>>
        %dma_start3A_164 = arith.constant 0 : i32
        %dma_start3A_165 = arith.constant 0 : i32
        %dma_start3A_166 = tpu.memref_slice %arg2[%dma_start3A_164, %dma_start3A_165] : memref<10000x128xf32, #tpu.memory_space<hbm>> -> memref<10000x128xf32, #tpu.memory_space<hbm>>
        tpu.enqueue_indirect_dma source(%dma_start3A_166 : memref<10000x128xf32, #tpu.memory_space<hbm>>) target(%dma_start3A_160 : memref<128x128xf32, #tpu.memory_space<vmem>>) offsets(%dma_start3A_163 : memref<128xi32, #tpu.memory_space<vmem>>) semaphore(%run_scoped3A_3 : memref<!tpu.dma_semaphore, #tpu.memory_space<semaphore_mem>>)
        %dma_start3A_167 = arith.constant 1 : i32
        %dma_start3A_168 = arith.constant 1 : i32
        %dma_start3A_169 = arith.constant 0 : i32
        %dma_start3A_170 = arith.constant 0 : i32
        %dma_start3A_171 = tpu.memref_slice %run_scoped3A_2[%dma_start3A_167, %dma_start3A_169, %dma_start3A_170] : memref<2x128x128xf32, #tpu.memory_space<vmem>> -> memref<1x128x128xf32, #tpu.memory_space<vmem>>
        %dma_start3A_172 = tpu.memref_squeeze %dma_start3A_171 : memref<1x128x128xf32, #tpu.memory_space<vmem>> -> memref<128x128xf32, #tpu.memory_space<vmem>>
        %dma_start3A_173 = arith.constant 0 : i32
        %dma_start3A_174 = tpu.memref_slice %run_scoped3A_1[%select_n3A_82, %dma_start3A_168, %dma_start3A_173] : memref<2x16x128xi32, #tpu.memory_space<vmem>> -> memref<1x1x128xi32, #tpu.memory_space<vmem>>
        %dma_start3A_175 = tpu.memref_squeeze %dma_start3A_174 : memref<1x1x128xi32, #tpu.memory_space<vmem>> -> memref<128xi32, #tpu.memory_space<vmem>>
        %dma_start3A_176 = arith.constant 0 : i32
        %dma_start3A_177 = arith.constant 0 : i32
        %dma_start3A_178 = tpu.memref_slice %arg7[%dma_start3A_176, %dma_start3A_177] : memref<10240x128xf32, #tpu.memory_space<vmem_shared>> -> memref<10240x128xf32, #tpu.memory_space<vmem_shared>>
        tpu.enqueue_indirect_dma source(%dma_start3A_172 : memref<128x128xf32, #tpu.memory_space<vmem>>) target(%dma_start3A_178 : memref<10240x128xf32, #tpu.memory_space<vmem_shared>>) offsets(%dma_start3A_175 : memref<128xi32, #tpu.memory_space<vmem>>) semaphore(%run_scoped3A_5 : memref<!tpu.dma_semaphore, #tpu.memory_space<semaphore_mem>>) {add = true}
        %dma_wait3A_179 = arith.constant 0 : i32
        %dma_wait3A_180 = arith.constant 0 : i32
        %dma_wait3A_181 = arith.constant 0 : i32
        %dma_wait3A_182 = arith.constant 0 : i32
        %dma_wait3A_183 = arith.constant 0 : i32
        %dma_wait3A_184 = tpu.memref_slice %run_scoped3A_2[%dma_wait3A_181, %dma_wait3A_182, %dma_wait3A_183] : memref<2x128x128xf32, #tpu.memory_space<vmem>> -> memref<1x128x128xf32, #tpu.memory_space<vmem>>
        %dma_wait3A_185 = tpu.memref_squeeze %dma_wait3A_184 : memref<1x128x128xf32, #tpu.memory_space<vmem>> -> memref<128x128xf32, #tpu.memory_space<vmem>>
        %dma_wait3A_186 = arith.constant 0 : i32
        %dma_wait3A_187 = tpu.memref_slice %run_scoped3A[%dma_wait3A_179, %dma_wait3A_180, %dma_wait3A_186] : memref<2x16x128xi32, #tpu.memory_space<vmem>> -> memref<1x1x128xi32, #tpu.memory_space<vmem>>
        %dma_wait3A_188 = tpu.memref_squeeze %dma_wait3A_187 : memref<1x1x128xi32, #tpu.memory_space<vmem>> -> memref<128xi32, #tpu.memory_space<vmem>>
        %dma_wait3A_189 = arith.constant 0 : i32
        %dma_wait3A_190 = arith.constant 0 : i32
        %dma_wait3A_191 = tpu.memref_slice %arg2[%dma_wait3A_189, %dma_wait3A_190] : memref<10000x128xf32, #tpu.memory_space<hbm>> -> memref<10000x128xf32, #tpu.memory_space<hbm>>
        tpu.wait_indirect_dma semaphore(%run_scoped3A_3 : memref<!tpu.dma_semaphore, #tpu.memory_space<semaphore_mem>>) src(%dma_wait3A_191 : memref<10000x128xf32, #tpu.memory_space<hbm>>) dst(%dma_wait3A_185 : memref<128x128xf32, #tpu.memory_space<vmem>>)
        %dma_wait3A_192 = arith.constant 1 : i32
        %dma_wait3A_193 = arith.constant 0 : i32
        %dma_wait3A_194 = arith.constant 0 : i32
        %dma_wait3A_195 = arith.constant 0 : i32
        %dma_wait3A_196 = arith.constant 0 : i32
        %dma_wait3A_197 = tpu.memref_slice %run_scoped3A_2[%dma_wait3A_192, %dma_wait3A_195, %dma_wait3A_196] : memref<2x128x128xf32, #tpu.memory_space<vmem>> -> memref<1x128x128xf32, #tpu.memory_space<vmem>>
        %dma_wait3A_198 = tpu.memref_squeeze %dma_wait3A_197 : memref<1x128x128xf32, #tpu.memory_space<vmem>> -> memref<128x128xf32, #tpu.memory_space<vmem>>
        %dma_wait3A_199 = arith.constant 0 : i32
        %dma_wait3A_200 = tpu.memref_slice %run_scoped3A_1[%dma_wait3A_193, %dma_wait3A_194, %dma_wait3A_199] : memref<2x16x128xi32, #tpu.memory_space<vmem>> -> memref<1x1x128xi32, #tpu.memory_space<vmem>>
        %dma_wait3A_201 = tpu.memref_squeeze %dma_wait3A_200 : memref<1x1x128xi32, #tpu.memory_space<vmem>> -> memref<128xi32, #tpu.memory_space<vmem>>
        %dma_wait3A_202 = arith.constant 0 : i32
        %dma_wait3A_203 = arith.constant 0 : i32
        %dma_wait3A_204 = tpu.memref_slice %arg7[%dma_wait3A_202, %dma_wait3A_203] : memref<10240x128xf32, #tpu.memory_space<vmem_shared>> -> memref<10240x128xf32, #tpu.memory_space<vmem_shared>>
        tpu.wait_indirect_dma semaphore(%run_scoped3A_5 : memref<!tpu.dma_semaphore, #tpu.memory_space<semaphore_mem>>) src(%dma_wait3A_198 : memref<128x128xf32, #tpu.memory_space<vmem>>) dst(%dma_wait3A_204 : memref<10240x128xf32, #tpu.memory_space<vmem_shared>>)
        %dma_start3A_205 = arith.constant 3 : i32
        %dma_start3A_206 = arith.constant 1 : i32
        %dma_start3A_207 = arith.constant 0 : i32
        %dma_start3A_208 = arith.constant 0 : i32
        %dma_start3A_209 = tpu.memref_slice %run_scoped3A_2[%dma_start3A_206, %dma_start3A_207, %dma_start3A_208] : memref<2x128x128xf32, #tpu.memory_space<vmem>> -> memref<1x128x128xf32, #tpu.memory_space<vmem>>
        %dma_start3A_210 = tpu.memref_squeeze %dma_start3A_209 : memref<1x128x128xf32, #tpu.memory_space<vmem>> -> memref<128x128xf32, #tpu.memory_space<vmem>>
        %dma_start3A_211 = arith.constant 0 : i32
        %dma_start3A_212 = tpu.memref_slice %run_scoped3A[%select_n3A_82, %dma_start3A_205, %dma_start3A_211] : memref<2x16x128xi32, #tpu.memory_space<vmem>> -> memref<1x1x128xi32, #tpu.memory_space<vmem>>
        %dma_start3A_213 = tpu.memref_squeeze %dma_start3A_212 : memref<1x1x128xi32, #tpu.memory_space<vmem>> -> memref<128xi32, #tpu.memory_space<vmem>>
        %dma_start3A_214 = arith.constant 0 : i32
        %dma_start3A_215 = arith.constant 0 : i32
        %dma_start3A_216 = tpu.memref_slice %arg2[%dma_start3A_214, %dma_start3A_215] : memref<10000x128xf32, #tpu.memory_space<hbm>> -> memref<10000x128xf32, #tpu.memory_space<hbm>>
        tpu.enqueue_indirect_dma source(%dma_start3A_216 : memref<10000x128xf32, #tpu.memory_space<hbm>>) target(%dma_start3A_210 : memref<128x128xf32, #tpu.memory_space<vmem>>) offsets(%dma_start3A_213 : memref<128xi32, #tpu.memory_space<vmem>>) semaphore(%run_scoped3A_3 : memref<!tpu.dma_semaphore, #tpu.memory_space<semaphore_mem>>)
        %dma_start3A_217 = arith.constant 0 : i32
        %dma_start3A_218 = arith.constant 2 : i32
        %dma_start3A_219 = arith.constant 0 : i32
        %dma_start3A_220 = arith.constant 0 : i32
        %dma_start3A_221 = tpu.memref_slice %run_scoped3A_2[%dma_start3A_217, %dma_start3A_219, %dma_start3A_220] : memref<2x128x128xf32, #tpu.memory_space<vmem>> -> memref<1x128x128xf32, #tpu.memory_space<vmem>>
        %dma_start3A_222 = tpu.memref_squeeze %dma_start3A_221 : memref<1x128x128xf32, #tpu.memory_space<vmem>> -> memref<128x128xf32, #tpu.memory_space<vmem>>
        %dma_start3A_223 = arith.constant 0 : i32
        %dma_start3A_224 = tpu.memref_slice %run_scoped3A_1[%select_n3A_82, %dma_start3A_218, %dma_start3A_223] : memref<2x16x128xi32, #tpu.memory_space<vmem>> -> memref<1x1x128xi32, #tpu.memory_space<vmem>>
        %dma_start3A_225 = tpu.memref_squeeze %dma_start3A_224 : memref<1x1x128xi32, #tpu.memory_space<vmem>> -> memref<128xi32, #tpu.memory_space<vmem>>
        %dma_start3A_226 = arith.constant 0 : i32
        %dma_start3A_227 = arith.constant 0 : i32
        %dma_start3A_228 = tpu.memref_slice %arg7[%dma_start3A_226, %dma_start3A_227] : memref<10240x128xf32, #tpu.memory_space<vmem_shared>> -> memref<10240x128xf32, #tpu.memory_space<vmem_shared>>
        tpu.enqueue_indirect_dma source(%dma_start3A_222 : memref<128x128xf32, #tpu.memory_space<vmem>>) target(%dma_start3A_228 : memref<10240x128xf32, #tpu.memory_space<vmem_shared>>) offsets(%dma_start3A_225 : memref<128xi32, #tpu.memory_space<vmem>>) semaphore(%run_scoped3A_4 : memref<!tpu.dma_semaphore, #tpu.memory_space<semaphore_mem>>) {add = true}
        %dma_wait3A_229 = arith.constant 0 : i32
        %dma_wait3A_230 = arith.constant 0 : i32
        %dma_wait3A_231 = arith.constant 1 : i32
        %dma_wait3A_232 = arith.constant 0 : i32
        %dma_wait3A_233 = arith.constant 0 : i32
        %dma_wait3A_234 = tpu.memref_slice %run_scoped3A_2[%dma_wait3A_231, %dma_wait3A_232, %dma_wait3A_233] : memref<2x128x128xf32, #tpu.memory_space<vmem>> -> memref<1x128x128xf32, #tpu.memory_space<vmem>>
        %dma_wait3A_235 = tpu.memref_squeeze %dma_wait3A_234 : memref<1x128x128xf32, #tpu.memory_space<vmem>> -> memref<128x128xf32, #tpu.memory_space<vmem>>
        %dma_wait3A_236 = arith.constant 0 : i32
        %dma_wait3A_237 = tpu.memref_slice %run_scoped3A[%dma_wait3A_229, %dma_wait3A_230, %dma_wait3A_236] : memref<2x16x128xi32, #tpu.memory_space<vmem>> -> memref<1x1x128xi32, #tpu.memory_space<vmem>>
        %dma_wait3A_238 = tpu.memref_squeeze %dma_wait3A_237 : memref<1x1x128xi32, #tpu.memory_space<vmem>> -> memref<128xi32, #tpu.memory_space<vmem>>
        %dma_wait3A_239 = arith.constant 0 : i32
        %dma_wait3A_240 = arith.constant 0 : i32
        %dma_wait3A_241 = tpu.memref_slice %arg2[%dma_wait3A_239, %dma_wait3A_240] : memref<10000x128xf32, #tpu.memory_space<hbm>> -> memref<10000x128xf32, #tpu.memory_space<hbm>>
        tpu.wait_indirect_dma semaphore(%run_scoped3A_3 : memref<!tpu.dma_semaphore, #tpu.memory_space<semaphore_mem>>) src(%dma_wait3A_241 : memref<10000x128xf32, #tpu.memory_space<hbm>>) dst(%dma_wait3A_235 : memref<128x128xf32, #tpu.memory_space<vmem>>)
        %dma_wait3A_242 = arith.constant 0 : i32
        %dma_wait3A_243 = arith.constant 0 : i32
        %dma_wait3A_244 = arith.constant 0 : i32
        %dma_wait3A_245 = arith.constant 0 : i32
        %dma_wait3A_246 = arith.constant 0 : i32
        %dma_wait3A_247 = tpu.memref_slice %run_scoped3A_2[%dma_wait3A_242, %dma_wait3A_245, %dma_wait3A_246] : memref<2x128x128xf32, #tpu.memory_space<vmem>> -> memref<1x128x128xf32, #tpu.memory_space<vmem>>
        %dma_wait3A_248 = tpu.memref_squeeze %dma_wait3A_247 : memref<1x128x128xf32, #tpu.memory_space<vmem>> -> memref<128x128xf32, #tpu.memory_space<vmem>>
        %dma_wait3A_249 = arith.constant 0 : i32
        %dma_wait3A_250 = tpu.memref_slice %run_scoped3A_1[%dma_wait3A_243, %dma_wait3A_244, %dma_wait3A_249] : memref<2x16x128xi32, #tpu.memory_space<vmem>> -> memref<1x1x128xi32, #tpu.memory_space<vmem>>
        %dma_wait3A_251 = tpu.memref_squeeze %dma_wait3A_250 : memref<1x1x128xi32, #tpu.memory_space<vmem>> -> memref<128xi32, #tpu.memory_space<vmem>>
        %dma_wait3A_252 = arith.constant 0 : i32
        %dma_wait3A_253 = arith.constant 0 : i32
        %dma_wait3A_254 = tpu.memref_slice %arg7[%dma_wait3A_252, %dma_wait3A_253] : memref<10240x128xf32, #tpu.memory_space<vmem_shared>> -> memref<10240x128xf32, #tpu.memory_space<vmem_shared>>
        tpu.wait_indirect_dma semaphore(%run_scoped3A_4 : memref<!tpu.dma_semaphore, #tpu.memory_space<semaphore_mem>>) src(%dma_wait3A_248 : memref<128x128xf32, #tpu.memory_space<vmem>>) dst(%dma_wait3A_254 : memref<10240x128xf32, #tpu.memory_space<vmem_shared>>)
        %dma_start3A_255 = arith.constant 4 : i32
        %dma_start3A_256 = arith.constant 0 : i32
        %dma_start3A_257 = arith.constant 0 : i32
        %dma_start3A_258 = arith.constant 0 : i32
        %dma_start3A_259 = tpu.memref_slice %run_scoped3A_2[%dma_start3A_256, %dma_start3A_257, %dma_start3A_258] : memref<2x128x128xf32, #tpu.memory_space<vmem>> -> memref<1x128x128xf32, #tpu.memory_space<vmem>>
        %dma_start3A_260 = tpu.memref_squeeze %dma_start3A_259 : memref<1x128x128xf32, #tpu.memory_space<vmem>> -> memref<128x128xf32, #tpu.memory_space<vmem>>
        %dma_start3A_261 = arith.constant 0 : i32
        %dma_start3A_262 = tpu.memref_slice %run_scoped3A[%select_n3A_82, %dma_start3A_255, %dma_start3A_261] : memref<2x16x128xi32, #tpu.memory_space<vmem>> -> memref<1x1x128xi32, #tpu.memory_space<vmem>>
        %dma_start3A_263 = tpu.memref_squeeze %dma_start3A_262 : memref<1x1x128xi32, #tpu.memory_space<vmem>> -> memref<128xi32, #tpu.memory_space<vmem>>
        %dma_start3A_264 = arith.constant 0 : i32
        %dma_start3A_265 = arith.constant 0 : i32
        %dma_start3A_266 = tpu.memref_slice %arg2[%dma_start3A_264, %dma_start3A_265] : memref<10000x128xf32, #tpu.memory_space<hbm>> -> memref<10000x128xf32, #tpu.memory_space<hbm>>
        tpu.enqueue_indirect_dma source(%dma_start3A_266 : memref<10000x128xf32, #tpu.memory_space<hbm>>) target(%dma_start3A_260 : memref<128x128xf32, #tpu.memory_space<vmem>>) offsets(%dma_start3A_263 : memref<128xi32, #tpu.memory_space<vmem>>) semaphore(%run_scoped3A_3 : memref<!tpu.dma_semaphore, #tpu.memory_space<semaphore_mem>>)
        %dma_start3A_267 = arith.constant 1 : i32
        %dma_start3A_268 = arith.constant 3 : i32
        %dma_start3A_269 = arith.constant 0 : i32
        %dma_start3A_270 = arith.constant 0 : i32
        %dma_start3A_271 = tpu.memref_slice %run_scoped3A_2[%dma_start3A_267, %dma_start3A_269, %dma_start3A_270] : memref<2x128x128xf32, #tpu.memory_space<vmem>> -> memref<1x128x128xf32, #tpu.memory_space<vmem>>
        %dma_start3A_272 = tpu.memref_squeeze %dma_start3A_271 : memref<1x128x128xf32, #tpu.memory_space<vmem>> -> memref<128x128xf32, #tpu.memory_space<vmem>>
        %dma_start3A_273 = arith.constant 0 : i32
        %dma_start3A_274 = tpu.memref_slice %run_scoped3A_1[%select_n3A_82, %dma_start3A_268, %dma_start3A_273] : memref<2x16x128xi32, #tpu.memory_space<vmem>> -> memref<1x1x128xi32, #tpu.memory_space<vmem>>
        %dma_start3A_275 = tpu.memref_squeeze %dma_start3A_274 : memref<1x1x128xi32, #tpu.memory_space<vmem>> -> memref<128xi32, #tpu.memory_space<vmem>>
        %dma_start3A_276 = arith.constant 0 : i32
        %dma_start3A_277 = arith.constant 0 : i32
        %dma_start3A_278 = tpu.memref_slice %arg7[%dma_start3A_276, %dma_start3A_277] : memref<10240x128xf32, #tpu.memory_space<vmem_shared>> -> memref<10240x128xf32, #tpu.memory_space<vmem_shared>>
        tpu.enqueue_indirect_dma source(%dma_start3A_272 : memref<128x128xf32, #tpu.memory_space<vmem>>) target(%dma_start3A_278 : memref<10240x128xf32, #tpu.memory_space<vmem_shared>>) offsets(%dma_start3A_275 : memref<128xi32, #tpu.memory_space<vmem>>) semaphore(%run_scoped3A_5 : memref<!tpu.dma_semaphore, #tpu.memory_space<semaphore_mem>>) {add = true}
        %dma_wait3A_279 = arith.constant 0 : i32
        %dma_wait3A_280 = arith.constant 0 : i32
        %dma_wait3A_281 = arith.constant 0 : i32
        %dma_wait3A_282 = arith.constant 0 : i32
        %dma_wait3A_283 = arith.constant 0 : i32
        %dma_wait3A_284 = tpu.memref_slice %run_scoped3A_2[%dma_wait3A_281, %dma_wait3A_282, %dma_wait3A_283] : memref<2x128x128xf32, #tpu.memory_space<vmem>> -> memref<1x128x128xf32, #tpu.memory_space<vmem>>
        %dma_wait3A_285 = tpu.memref_squeeze %dma_wait3A_284 : memref<1x128x128xf32, #tpu.memory_space<vmem>> -> memref<128x128xf32, #tpu.memory_space<vmem>>
        %dma_wait3A_286 = arith.constant 0 : i32
        %dma_wait3A_287 = tpu.memref_slice %run_scoped3A[%dma_wait3A_279, %dma_wait3A_280, %dma_wait3A_286] : memref<2x16x128xi32, #tpu.memory_space<vmem>> -> memref<1x1x128xi32, #tpu.memory_space<vmem>>
        %dma_wait3A_288 = tpu.memref_squeeze %dma_wait3A_287 : memref<1x1x128xi32, #tpu.memory_space<vmem>> -> memref<128xi32, #tpu.memory_space<vmem>>
        %dma_wait3A_289 = arith.constant 0 : i32
        %dma_wait3A_290 = arith.constant 0 : i32
        %dma_wait3A_291 = tpu.memref_slice %arg2[%dma_wait3A_289, %dma_wait3A_290] : memref<10000x128xf32, #tpu.memory_space<hbm>> -> memref<10000x128xf32, #tpu.memory_space<hbm>>
        tpu.wait_indirect_dma semaphore(%run_scoped3A_3 : memref<!tpu.dma_semaphore, #tpu.memory_space<semaphore_mem>>) src(%dma_wait3A_291 : memref<10000x128xf32, #tpu.memory_space<hbm>>) dst(%dma_wait3A_285 : memref<128x128xf32, #tpu.memory_space<vmem>>)
        %dma_wait3A_292 = arith.constant 1 : i32
        %dma_wait3A_293 = arith.constant 0 : i32
        %dma_wait3A_294 = arith.constant 0 : i32
        %dma_wait3A_295 = arith.constant 0 : i32
        %dma_wait3A_296 = arith.constant 0 : i32
        %dma_wait3A_297 = tpu.memref_slice %run_scoped3A_2[%dma_wait3A_292, %dma_wait3A_295, %dma_wait3A_296] : memref<2x128x128xf32, #tpu.memory_space<vmem>> -> memref<1x128x128xf32, #tpu.memory_space<vmem>>
        %dma_wait3A_298 = tpu.memref_squeeze %dma_wait3A_297 : memref<1x128x128xf32, #tpu.memory_space<vmem>> -> memref<128x128xf32, #tpu.memory_space<vmem>>
        %dma_wait3A_299 = arith.constant 0 : i32
        %dma_wait3A_300 = tpu.memref_slice %run_scoped3A_1[%dma_wait3A_293, %dma_wait3A_294, %dma_wait3A_299] : memref<2x16x128xi32, #tpu.memory_space<vmem>> -> memref<1x1x128xi32, #tpu.memory_space<vmem>>
        %dma_wait3A_301 = tpu.memref_squeeze %dma_wait3A_300 : memref<1x1x128xi32, #tpu.memory_space<vmem>> -> memref<128xi32, #tpu.memory_space<vmem>>
        %dma_wait3A_302 = arith.constant 0 : i32
        %dma_wait3A_303 = arith.constant 0 : i32
        %dma_wait3A_304 = tpu.memref_slice %arg7[%dma_wait3A_302, %dma_wait3A_303] : memref<10240x128xf32, #tpu.memory_space<vmem_shared>> -> memref<10240x128xf32, #tpu.memory_space<vmem_shared>>
        tpu.wait_indirect_dma semaphore(%run_scoped3A_5 : memref<!tpu.dma_semaphore, #tpu.memory_space<semaphore_mem>>) src(%dma_wait3A_298 : memref<128x128xf32, #tpu.memory_space<vmem>>) dst(%dma_wait3A_304 : memref<10240x128xf32, #tpu.memory_space<vmem_shared>>)
        %dma_start3A_305 = arith.constant 5 : i32
        %dma_start3A_306 = arith.constant 1 : i32
        %dma_start3A_307 = arith.constant 0 : i32
        %dma_start3A_308 = arith.constant 0 : i32
        %dma_start3A_309 = tpu.memref_slice %run_scoped3A_2[%dma_start3A_306, %dma_start3A_307, %dma_start3A_308] : memref<2x128x128xf32, #tpu.memory_space<vmem>> -> memref<1x128x128xf32, #tpu.memory_space<vmem>>
        %dma_start3A_310 = tpu.memref_squeeze %dma_start3A_309 : memref<1x128x128xf32, #tpu.memory_space<vmem>> -> memref<128x128xf32, #tpu.memory_space<vmem>>
        %dma_start3A_311 = arith.constant 0 : i32
        %dma_start3A_312 = tpu.memref_slice %run_scoped3A[%select_n3A_82, %dma_start3A_305, %dma_start3A_311] : memref<2x16x128xi32, #tpu.memory_space<vmem>> -> memref<1x1x128xi32, #tpu.memory_space<vmem>>
        %dma_start3A_313 = tpu.memref_squeeze %dma_start3A_312 : memref<1x1x128xi32, #tpu.memory_space<vmem>> -> memref<128xi32, #tpu.memory_space<vmem>>
        %dma_start3A_314 = arith.constant 0 : i32
        %dma_start3A_315 = arith.constant 0 : i32
        %dma_start3A_316 = tpu.memref_slice %arg2[%dma_start3A_314, %dma_start3A_315] : memref<10000x128xf32, #tpu.memory_space<hbm>> -> memref<10000x128xf32, #tpu.memory_space<hbm>>
        tpu.enqueue_indirect_dma source(%dma_start3A_316 : memref<10000x128xf32, #tpu.memory_space<hbm>>) target(%dma_start3A_310 : memref<128x128xf32, #tpu.memory_space<vmem>>) offsets(%dma_start3A_313 : memref<128xi32, #tpu.memory_space<vmem>>) semaphore(%run_scoped3A_3 : memref<!tpu.dma_semaphore, #tpu.memory_space<semaphore_mem>>)
        %dma_start3A_317 = arith.constant 0 : i32
        %dma_start3A_318 = arith.constant 4 : i32
        %dma_start3A_319 = arith.constant 0 : i32
        %dma_start3A_320 = arith.constant 0 : i32
        %dma_start3A_321 = tpu.memref_slice %run_scoped3A_2[%dma_start3A_317, %dma_start3A_319, %dma_start3A_320] : memref<2x128x128xf32, #tpu.memory_space<vmem>> -> memref<1x128x128xf32, #tpu.memory_space<vmem>>
        %dma_start3A_322 = tpu.memref_squeeze %dma_start3A_321 : memref<1x128x128xf32, #tpu.memory_space<vmem>> -> memref<128x128xf32, #tpu.memory_space<vmem>>
        %dma_start3A_323 = arith.constant 0 : i32
        %dma_start3A_324 = tpu.memref_slice %run_scoped3A_1[%select_n3A_82, %dma_start3A_318, %dma_start3A_323] : memref<2x16x128xi32, #tpu.memory_space<vmem>> -> memref<1x1x128xi32, #tpu.memory_space<vmem>>
        %dma_start3A_325 = tpu.memref_squeeze %dma_start3A_324 : memref<1x1x128xi32, #tpu.memory_space<vmem>> -> memref<128xi32, #tpu.memory_space<vmem>>
        %dma_start3A_326 = arith.constant 0 : i32
        %dma_start3A_327 = arith.constant 0 : i32
        %dma_start3A_328 = tpu.memref_slice %arg7[%dma_start3A_326, %dma_start3A_327] : memref<10240x128xf32, #tpu.memory_space<vmem_shared>> -> memref<10240x128xf32, #tpu.memory_space<vmem_shared>>
        tpu.enqueue_indirect_dma source(%dma_start3A_322 : memref<128x128xf32, #tpu.memory_space<vmem>>) target(%dma_start3A_328 : memref<10240x128xf32, #tpu.memory_space<vmem_shared>>) offsets(%dma_start3A_325 : memref<128xi32, #tpu.memory_space<vmem>>) semaphore(%run_scoped3A_4 : memref<!tpu.dma_semaphore, #tpu.memory_space<semaphore_mem>>) {add = true}
        %dma_wait3A_329 = arith.constant 0 : i32
        %dma_wait3A_330 = arith.constant 0 : i32
        %dma_wait3A_331 = arith.constant 1 : i32
        %dma_wait3A_332 = arith.constant 0 : i32
        %dma_wait3A_333 = arith.constant 0 : i32
        %dma_wait3A_334 = tpu.memref_slice %run_scoped3A_2[%dma_wait3A_331, %dma_wait3A_332, %dma_wait3A_333] : memref<2x128x128xf32, #tpu.memory_space<vmem>> -> memref<1x128x128xf32, #tpu.memory_space<vmem>>
        %dma_wait3A_335 = tpu.memref_squeeze %dma_wait3A_334 : memref<1x128x128xf32, #tpu.memory_space<vmem>> -> memref<128x128xf32, #tpu.memory_space<vmem>>
        %dma_wait3A_336 = arith.constant 0 : i32
        %dma_wait3A_337 = tpu.memref_slice %run_scoped3A[%dma_wait3A_329, %dma_wait3A_330, %dma_wait3A_336] : memref<2x16x128xi32, #tpu.memory_space<vmem>> -> memref<1x1x128xi32, #tpu.memory_space<vmem>>
        %dma_wait3A_338 = tpu.memref_squeeze %dma_wait3A_337 : memref<1x1x128xi32, #tpu.memory_space<vmem>> -> memref<128xi32, #tpu.memory_space<vmem>>
        %dma_wait3A_339 = arith.constant 0 : i32
        %dma_wait3A_340 = arith.constant 0 : i32
        %dma_wait3A_341 = tpu.memref_slice %arg2[%dma_wait3A_339, %dma_wait3A_340] : memref<10000x128xf32, #tpu.memory_space<hbm>> -> memref<10000x128xf32, #tpu.memory_space<hbm>>
        tpu.wait_indirect_dma semaphore(%run_scoped3A_3 : memref<!tpu.dma_semaphore, #tpu.memory_space<semaphore_mem>>) src(%dma_wait3A_341 : memref<10000x128xf32, #tpu.memory_space<hbm>>) dst(%dma_wait3A_335 : memref<128x128xf32, #tpu.memory_space<vmem>>)
        %dma_wait3A_342 = arith.constant 0 : i32
        %dma_wait3A_343 = arith.constant 0 : i32
        %dma_wait3A_344 = arith.constant 0 : i32
        %dma_wait3A_345 = arith.constant 0 : i32
        %dma_wait3A_346 = arith.constant 0 : i32
        %dma_wait3A_347 = tpu.memref_slice %run_scoped3A_2[%dma_wait3A_342, %dma_wait3A_345, %dma_wait3A_346] : memref<2x128x128xf32, #tpu.memory_space<vmem>> -> memref<1x128x128xf32, #tpu.memory_space<vmem>>
        %dma_wait3A_348 = tpu.memref_squeeze %dma_wait3A_347 : memref<1x128x128xf32, #tpu.memory_space<vmem>> -> memref<128x128xf32, #tpu.memory_space<vmem>>
        %dma_wait3A_349 = arith.constant 0 : i32
        %dma_wait3A_350 = tpu.memref_slice %run_scoped3A_1[%dma_wait3A_343, %dma_wait3A_344, %dma_wait3A_349] : memref<2x16x128xi32, #tpu.memory_space<vmem>> -> memref<1x1x128xi32, #tpu.memory_space<vmem>>
        %dma_wait3A_351 = tpu.memref_squeeze %dma_wait3A_350 : memref<1x1x128xi32, #tpu.memory_space<vmem>> -> memref<128xi32, #tpu.memory_space<vmem>>
        %dma_wait3A_352 = arith.constant 0 : i32
        %dma_wait3A_353 = arith.constant 0 : i32
        %dma_wait3A_354 = tpu.memref_slice %arg7[%dma_wait3A_352, %dma_wait3A_353] : memref<10240x128xf32, #tpu.memory_space<vmem_shared>> -> memref<10240x128xf32, #tpu.memory_space<vmem_shared>>
        tpu.wait_indirect_dma semaphore(%run_scoped3A_4 : memref<!tpu.dma_semaphore, #tpu.memory_space<semaphore_mem>>) src(%dma_wait3A_348 : memref<128x128xf32, #tpu.memory_space<vmem>>) dst(%dma_wait3A_354 : memref<10240x128xf32, #tpu.memory_space<vmem_shared>>)
        %dma_start3A_355 = arith.constant 6 : i32
        %dma_start3A_356 = arith.constant 0 : i32
        %dma_start3A_357 = arith.constant 0 : i32
        %dma_start3A_358 = arith.constant 0 : i32
        %dma_start3A_359 = tpu.memref_slice %run_scoped3A_2[%dma_start3A_356, %dma_start3A_357, %dma_start3A_358] : memref<2x128x128xf32, #tpu.memory_space<vmem>> -> memref<1x128x128xf32, #tpu.memory_space<vmem>>
        %dma_start3A_360 = tpu.memref_squeeze %dma_start3A_359 : memref<1x128x128xf32, #tpu.memory_space<vmem>> -> memref<128x128xf32, #tpu.memory_space<vmem>>
        %dma_start3A_361 = arith.constant 0 : i32
        %dma_start3A_362 = tpu.memref_slice %run_scoped3A[%select_n3A_82, %dma_start3A_355, %dma_start3A_361] : memref<2x16x128xi32, #tpu.memory_space<vmem>> -> memref<1x1x128xi32, #tpu.memory_space<vmem>>
        %dma_start3A_363 = tpu.memref_squeeze %dma_start3A_362 : memref<1x1x128xi32, #tpu.memory_space<vmem>> -> memref<128xi32, #tpu.memory_space<vmem>>
        %dma_start3A_364 = arith.constant 0 : i32
        %dma_start3A_365 = arith.constant 0 : i32
        %dma_start3A_366 = tpu.memref_slice %arg2[%dma_start3A_364, %dma_start3A_365] : memref<10000x128xf32, #tpu.memory_space<hbm>> -> memref<10000x128xf32, #tpu.memory_space<hbm>>
        tpu.enqueue_indirect_dma source(%dma_start3A_366 : memref<10000x128xf32, #tpu.memory_space<hbm>>) target(%dma_start3A_360 : memref<128x128xf32, #tpu.memory_space<vmem>>) offsets(%dma_start3A_363 : memref<128xi32, #tpu.memory_space<vmem>>) semaphore(%run_scoped3A_3 : memref<!tpu.dma_semaphore, #tpu.memory_space<semaphore_mem>>)
        %dma_start3A_367 = arith.constant 1 : i32
        %dma_start3A_368 = arith.constant 5 : i32
        %dma_start3A_369 = arith.constant 0 : i32
        %dma_start3A_370 = arith.constant 0 : i32
        %dma_start3A_371 = tpu.memref_slice %run_scoped3A_2[%dma_start3A_367, %dma_start3A_369, %dma_start3A_370] : memref<2x128x128xf32, #tpu.memory_space<vmem>> -> memref<1x128x128xf32, #tpu.memory_space<vmem>>
        %dma_start3A_372 = tpu.memref_squeeze %dma_start3A_371 : memref<1x128x128xf32, #tpu.memory_space<vmem>> -> memref<128x128xf32, #tpu.memory_space<vmem>>
        %dma_start3A_373 = arith.constant 0 : i32
        %dma_start3A_374 = tpu.memref_slice %run_scoped3A_1[%select_n3A_82, %dma_start3A_368, %dma_start3A_373] : memref<2x16x128xi32, #tpu.memory_space<vmem>> -> memref<1x1x128xi32, #tpu.memory_space<vmem>>
        %dma_start3A_375 = tpu.memref_squeeze %dma_start3A_374 : memref<1x1x128xi32, #tpu.memory_space<vmem>> -> memref<128xi32, #tpu.memory_space<vmem>>
        %dma_start3A_376 = arith.constant 0 : i32
        %dma_start3A_377 = arith.constant 0 : i32
        %dma_start3A_378 = tpu.memref_slice %arg7[%dma_start3A_376, %dma_start3A_377] : memref<10240x128xf32, #tpu.memory_space<vmem_shared>> -> memref<10240x128xf32, #tpu.memory_space<vmem_shared>>
        tpu.enqueue_indirect_dma source(%dma_start3A_372 : memref<128x128xf32, #tpu.memory_space<vmem>>) target(%dma_start3A_378 : memref<10240x128xf32, #tpu.memory_space<vmem_shared>>) offsets(%dma_start3A_375 : memref<128xi32, #tpu.memory_space<vmem>>) semaphore(%run_scoped3A_5 : memref<!tpu.dma_semaphore, #tpu.memory_space<semaphore_mem>>) {add = true}
        %dma_wait3A_379 = arith.constant 0 : i32
        %dma_wait3A_380 = arith.constant 0 : i32
        %dma_wait3A_381 = arith.constant 0 : i32
        %dma_wait3A_382 = arith.constant 0 : i32
        %dma_wait3A_383 = arith.constant 0 : i32
        %dma_wait3A_384 = tpu.memref_slice %run_scoped3A_2[%dma_wait3A_381, %dma_wait3A_382, %dma_wait3A_383] : memref<2x128x128xf32, #tpu.memory_space<vmem>> -> memref<1x128x128xf32, #tpu.memory_space<vmem>>
        %dma_wait3A_385 = tpu.memref_squeeze %dma_wait3A_384 : memref<1x128x128xf32, #tpu.memory_space<vmem>> -> memref<128x128xf32, #tpu.memory_space<vmem>>
        %dma_wait3A_386 = arith.constant 0 : i32
        %dma_wait3A_387 = tpu.memref_slice %run_scoped3A[%dma_wait3A_379, %dma_wait3A_380, %dma_wait3A_386] : memref<2x16x128xi32, #tpu.memory_space<vmem>> -> memref<1x1x128xi32, #tpu.memory_space<vmem>>
        %dma_wait3A_388 = tpu.memref_squeeze %dma_wait3A_387 : memref<1x1x128xi32, #tpu.memory_space<vmem>> -> memref<128xi32, #tpu.memory_space<vmem>>
        %dma_wait3A_389 = arith.constant 0 : i32
        %dma_wait3A_390 = arith.constant 0 : i32
        %dma_wait3A_391 = tpu.memref_slice %arg2[%dma_wait3A_389, %dma_wait3A_390] : memref<10000x128xf32, #tpu.memory_space<hbm>> -> memref<10000x128xf32, #tpu.memory_space<hbm>>
        tpu.wait_indirect_dma semaphore(%run_scoped3A_3 : memref<!tpu.dma_semaphore, #tpu.memory_space<semaphore_mem>>) src(%dma_wait3A_391 : memref<10000x128xf32, #tpu.memory_space<hbm>>) dst(%dma_wait3A_385 : memref<128x128xf32, #tpu.memory_space<vmem>>)
        %dma_wait3A_392 = arith.constant 1 : i32
        %dma_wait3A_393 = arith.constant 0 : i32
        %dma_wait3A_394 = arith.constant 0 : i32
        %dma_wait3A_395 = arith.constant 0 : i32
        %dma_wait3A_396 = arith.constant 0 : i32
        %dma_wait3A_397 = tpu.memref_slice %run_scoped3A_2[%dma_wait3A_392, %dma_wait3A_395, %dma_wait3A_396] : memref<2x128x128xf32, #tpu.memory_space<vmem>> -> memref<1x128x128xf32, #tpu.memory_space<vmem>>
        %dma_wait3A_398 = tpu.memref_squeeze %dma_wait3A_397 : memref<1x128x128xf32, #tpu.memory_space<vmem>> -> memref<128x128xf32, #tpu.memory_space<vmem>>
        %dma_wait3A_399 = arith.constant 0 : i32
        %dma_wait3A_400 = tpu.memref_slice %run_scoped3A_1[%dma_wait3A_393, %dma_wait3A_394, %dma_wait3A_399] : memref<2x16x128xi32, #tpu.memory_space<vmem>> -> memref<1x1x128xi32, #tpu.memory_space<vmem>>
        %dma_wait3A_401 = tpu.memref_squeeze %dma_wait3A_400 : memref<1x1x128xi32, #tpu.memory_space<vmem>> -> memref<128xi32, #tpu.memory_space<vmem>>
        %dma_wait3A_402 = arith.constant 0 : i32
        %dma_wait3A_403 = arith.constant 0 : i32
        %dma_wait3A_404 = tpu.memref_slice %arg7[%dma_wait3A_402, %dma_wait3A_403] : memref<10240x128xf32, #tpu.memory_space<vmem_shared>> -> memref<10240x128xf32, #tpu.memory_space<vmem_shared>>
        tpu.wait_indirect_dma semaphore(%run_scoped3A_5 : memref<!tpu.dma_semaphore, #tpu.memory_space<semaphore_mem>>) src(%dma_wait3A_398 : memref<128x128xf32, #tpu.memory_space<vmem>>) dst(%dma_wait3A_404 : memref<10240x128xf32, #tpu.memory_space<vmem_shared>>)
        %dma_start3A_405 = arith.constant 7 : i32
        %dma_start3A_406 = arith.constant 1 : i32
        %dma_start3A_407 = arith.constant 0 : i32
        %dma_start3A_408 = arith.constant 0 : i32
        %dma_start3A_409 = tpu.memref_slice %run_scoped3A_2[%dma_start3A_406, %dma_start3A_407, %dma_start3A_408] : memref<2x128x128xf32, #tpu.memory_space<vmem>> -> memref<1x128x128xf32, #tpu.memory_space<vmem>>
        %dma_start3A_410 = tpu.memref_squeeze %dma_start3A_409 : memref<1x128x128xf32, #tpu.memory_space<vmem>> -> memref<128x128xf32, #tpu.memory_space<vmem>>
        %dma_start3A_411 = arith.constant 0 : i32
        %dma_start3A_412 = tpu.memref_slice %run_scoped3A[%select_n3A_82, %dma_start3A_405, %dma_start3A_411] : memref<2x16x128xi32, #tpu.memory_space<vmem>> -> memref<1x1x128xi32, #tpu.memory_space<vmem>>
        %dma_start3A_413 = tpu.memref_squeeze %dma_start3A_412 : memref<1x1x128xi32, #tpu.memory_space<vmem>> -> memref<128xi32, #tpu.memory_space<vmem>>
        %dma_start3A_414 = arith.constant 0 : i32
        %dma_start3A_415 = arith.constant 0 : i32
        %dma_start3A_416 = tpu.memref_slice %arg2[%dma_start3A_414, %dma_start3A_415] : memref<10000x128xf32, #tpu.memory_space<hbm>> -> memref<10000x128xf32, #tpu.memory_space<hbm>>
        tpu.enqueue_indirect_dma source(%dma_start3A_416 : memref<10000x128xf32, #tpu.memory_space<hbm>>) target(%dma_start3A_410 : memref<128x128xf32, #tpu.memory_space<vmem>>) offsets(%dma_start3A_413 : memref<128xi32, #tpu.memory_space<vmem>>) semaphore(%run_scoped3A_3 : memref<!tpu.dma_semaphore, #tpu.memory_space<semaphore_mem>>)
        %dma_start3A_417 = arith.constant 0 : i32
        %dma_start3A_418 = arith.constant 6 : i32
        %dma_start3A_419 = arith.constant 0 : i32
        %dma_start3A_420 = arith.constant 0 : i32
        %dma_start3A_421 = tpu.memref_slice %run_scoped3A_2[%dma_start3A_417, %dma_start3A_419, %dma_start3A_420] : memref<2x128x128xf32, #tpu.memory_space<vmem>> -> memref<1x128x128xf32, #tpu.memory_space<vmem>>
        %dma_start3A_422 = tpu.memref_squeeze %dma_start3A_421 : memref<1x128x128xf32, #tpu.memory_space<vmem>> -> memref<128x128xf32, #tpu.memory_space<vmem>>
        %dma_start3A_423 = arith.constant 0 : i32
        %dma_start3A_424 = tpu.memref_slice %run_scoped3A_1[%select_n3A_82, %dma_start3A_418, %dma_start3A_423] : memref<2x16x128xi32, #tpu.memory_space<vmem>> -> memref<1x1x128xi32, #tpu.memory_space<vmem>>
        %dma_start3A_425 = tpu.memref_squeeze %dma_start3A_424 : memref<1x1x128xi32, #tpu.memory_space<vmem>> -> memref<128xi32, #tpu.memory_space<vmem>>
        %dma_start3A_426 = arith.constant 0 : i32
        %dma_start3A_427 = arith.constant 0 : i32
        %dma_start3A_428 = tpu.memref_slice %arg7[%dma_start3A_426, %dma_start3A_427] : memref<10240x128xf32, #tpu.memory_space<vmem_shared>> -> memref<10240x128xf32, #tpu.memory_space<vmem_shared>>
        tpu.enqueue_indirect_dma source(%dma_start3A_422 : memref<128x128xf32, #tpu.memory_space<vmem>>) target(%dma_start3A_428 : memref<10240x128xf32, #tpu.memory_space<vmem_shared>>) offsets(%dma_start3A_425 : memref<128xi32, #tpu.memory_space<vmem>>) semaphore(%run_scoped3A_4 : memref<!tpu.dma_semaphore, #tpu.memory_space<semaphore_mem>>) {add = true}
        %dma_wait3A_429 = arith.constant 0 : i32
        %dma_wait3A_430 = arith.constant 0 : i32
        %dma_wait3A_431 = arith.constant 1 : i32
        %dma_wait3A_432 = arith.constant 0 : i32
        %dma_wait3A_433 = arith.constant 0 : i32
        %dma_wait3A_434 = tpu.memref_slice %run_scoped3A_2[%dma_wait3A_431, %dma_wait3A_432, %dma_wait3A_433] : memref<2x128x128xf32, #tpu.memory_space<vmem>> -> memref<1x128x128xf32, #tpu.memory_space<vmem>>
        %dma_wait3A_435 = tpu.memref_squeeze %dma_wait3A_434 : memref<1x128x128xf32, #tpu.memory_space<vmem>> -> memref<128x128xf32, #tpu.memory_space<vmem>>
        %dma_wait3A_436 = arith.constant 0 : i32
        %dma_wait3A_437 = tpu.memref_slice %run_scoped3A[%dma_wait3A_429, %dma_wait3A_430, %dma_wait3A_436] : memref<2x16x128xi32, #tpu.memory_space<vmem>> -> memref<1x1x128xi32, #tpu.memory_space<vmem>>
        %dma_wait3A_438 = tpu.memref_squeeze %dma_wait3A_437 : memref<1x1x128xi32, #tpu.memory_space<vmem>> -> memref<128xi32, #tpu.memory_space<vmem>>
        %dma_wait3A_439 = arith.constant 0 : i32
        %dma_wait3A_440 = arith.constant 0 : i32
        %dma_wait3A_441 = tpu.memref_slice %arg2[%dma_wait3A_439, %dma_wait3A_440] : memref<10000x128xf32, #tpu.memory_space<hbm>> -> memref<10000x128xf32, #tpu.memory_space<hbm>>
        tpu.wait_indirect_dma semaphore(%run_scoped3A_3 : memref<!tpu.dma_semaphore, #tpu.memory_space<semaphore_mem>>) src(%dma_wait3A_441 : memref<10000x128xf32, #tpu.memory_space<hbm>>) dst(%dma_wait3A_435 : memref<128x128xf32, #tpu.memory_space<vmem>>)
        %dma_wait3A_442 = arith.constant 0 : i32
        %dma_wait3A_443 = arith.constant 0 : i32
        %dma_wait3A_444 = arith.constant 0 : i32
        %dma_wait3A_445 = arith.constant 0 : i32
        %dma_wait3A_446 = arith.constant 0 : i32
        %dma_wait3A_447 = tpu.memref_slice %run_scoped3A_2[%dma_wait3A_442, %dma_wait3A_445, %dma_wait3A_446] : memref<2x128x128xf32, #tpu.memory_space<vmem>> -> memref<1x128x128xf32, #tpu.memory_space<vmem>>
        %dma_wait3A_448 = tpu.memref_squeeze %dma_wait3A_447 : memref<1x128x128xf32, #tpu.memory_space<vmem>> -> memref<128x128xf32, #tpu.memory_space<vmem>>
        %dma_wait3A_449 = arith.constant 0 : i32
        %dma_wait3A_450 = tpu.memref_slice %run_scoped3A_1[%dma_wait3A_443, %dma_wait3A_444, %dma_wait3A_449] : memref<2x16x128xi32, #tpu.memory_space<vmem>> -> memref<1x1x128xi32, #tpu.memory_space<vmem>>
        %dma_wait3A_451 = tpu.memref_squeeze %dma_wait3A_450 : memref<1x1x128xi32, #tpu.memory_space<vmem>> -> memref<128xi32, #tpu.memory_space<vmem>>
        %dma_wait3A_452 = arith.constant 0 : i32
        %dma_wait3A_453 = arith.constant 0 : i32
        %dma_wait3A_454 = tpu.memref_slice %arg7[%dma_wait3A_452, %dma_wait3A_453] : memref<10240x128xf32, #tpu.memory_space<vmem_shared>> -> memref<10240x128xf32, #tpu.memory_space<vmem_shared>>
        tpu.wait_indirect_dma semaphore(%run_scoped3A_4 : memref<!tpu.dma_semaphore, #tpu.memory_space<semaphore_mem>>) src(%dma_wait3A_448 : memref<128x128xf32, #tpu.memory_space<vmem>>) dst(%dma_wait3A_454 : memref<10240x128xf32, #tpu.memory_space<vmem_shared>>)
        %dma_start3A_455 = arith.constant 8 : i32
        %dma_start3A_456 = arith.constant 0 : i32
        %dma_start3A_457 = arith.constant 0 : i32
        %dma_start3A_458 = arith.constant 0 : i32
        %dma_start3A_459 = tpu.memref_slice %run_scoped3A_2[%dma_start3A_456, %dma_start3A_457, %dma_start3A_458] : memref<2x128x128xf32, #tpu.memory_space<vmem>> -> memref<1x128x128xf32, #tpu.memory_space<vmem>>
        %dma_start3A_460 = tpu.memref_squeeze %dma_start3A_459 : memref<1x128x128xf32, #tpu.memory_space<vmem>> -> memref<128x128xf32, #tpu.memory_space<vmem>>
        %dma_start3A_461 = arith.constant 0 : i32
        %dma_start3A_462 = tpu.memref_slice %run_scoped3A[%select_n3A_82, %dma_start3A_455, %dma_start3A_461] : memref<2x16x128xi32, #tpu.memory_space<vmem>> -> memref<1x1x128xi32, #tpu.memory_space<vmem>>
        %dma_start3A_463 = tpu.memref_squeeze %dma_start3A_462 : memref<1x1x128xi32, #tpu.memory_space<vmem>> -> memref<128xi32, #tpu.memory_space<vmem>>
        %dma_start3A_464 = arith.constant 0 : i32
        %dma_start3A_465 = arith.constant 0 : i32
        %dma_start3A_466 = tpu.memref_slice %arg2[%dma_start3A_464, %dma_start3A_465] : memref<10000x128xf32, #tpu.memory_space<hbm>> -> memref<10000x128xf32, #tpu.memory_space<hbm>>
        tpu.enqueue_indirect_dma source(%dma_start3A_466 : memref<10000x128xf32, #tpu.memory_space<hbm>>) target(%dma_start3A_460 : memref<128x128xf32, #tpu.memory_space<vmem>>) offsets(%dma_start3A_463 : memref<128xi32, #tpu.memory_space<vmem>>) semaphore(%run_scoped3A_3 : memref<!tpu.dma_semaphore, #tpu.memory_space<semaphore_mem>>)
        %dma_start3A_467 = arith.constant 1 : i32
        %dma_start3A_468 = arith.constant 7 : i32
        %dma_start3A_469 = arith.constant 0 : i32
        %dma_start3A_470 = arith.constant 0 : i32
        %dma_start3A_471 = tpu.memref_slice %run_scoped3A_2[%dma_start3A_467, %dma_start3A_469, %dma_start3A_470] : memref<2x128x128xf32, #tpu.memory_space<vmem>> -> memref<1x128x128xf32, #tpu.memory_space<vmem>>
        %dma_start3A_472 = tpu.memref_squeeze %dma_start3A_471 : memref<1x128x128xf32, #tpu.memory_space<vmem>> -> memref<128x128xf32, #tpu.memory_space<vmem>>
        %dma_start3A_473 = arith.constant 0 : i32
        %dma_start3A_474 = tpu.memref_slice %run_scoped3A_1[%select_n3A_82, %dma_start3A_468, %dma_start3A_473] : memref<2x16x128xi32, #tpu.memory_space<vmem>> -> memref<1x1x128xi32, #tpu.memory_space<vmem>>
        %dma_start3A_475 = tpu.memref_squeeze %dma_start3A_474 : memref<1x1x128xi32, #tpu.memory_space<vmem>> -> memref<128xi32, #tpu.memory_space<vmem>>
        %dma_start3A_476 = arith.constant 0 : i32
        %dma_start3A_477 = arith.constant 0 : i32
        %dma_start3A_478 = tpu.memref_slice %arg7[%dma_start3A_476, %dma_start3A_477] : memref<10240x128xf32, #tpu.memory_space<vmem_shared>> -> memref<10240x128xf32, #tpu.memory_space<vmem_shared>>
        tpu.enqueue_indirect_dma source(%dma_start3A_472 : memref<128x128xf32, #tpu.memory_space<vmem>>) target(%dma_start3A_478 : memref<10240x128xf32, #tpu.memory_space<vmem_shared>>) offsets(%dma_start3A_475 : memref<128xi32, #tpu.memory_space<vmem>>) semaphore(%run_scoped3A_5 : memref<!tpu.dma_semaphore, #tpu.memory_space<semaphore_mem>>) {add = true}
        %dma_wait3A_479 = arith.constant 0 : i32
        %dma_wait3A_480 = arith.constant 0 : i32
        %dma_wait3A_481 = arith.constant 0 : i32
        %dma_wait3A_482 = arith.constant 0 : i32
        %dma_wait3A_483 = arith.constant 0 : i32
        %dma_wait3A_484 = tpu.memref_slice %run_scoped3A_2[%dma_wait3A_481, %dma_wait3A_482, %dma_wait3A_483] : memref<2x128x128xf32, #tpu.memory_space<vmem>> -> memref<1x128x128xf32, #tpu.memory_space<vmem>>
        %dma_wait3A_485 = tpu.memref_squeeze %dma_wait3A_484 : memref<1x128x128xf32, #tpu.memory_space<vmem>> -> memref<128x128xf32, #tpu.memory_space<vmem>>
        %dma_wait3A_486 = arith.constant 0 : i32
        %dma_wait3A_487 = tpu.memref_slice %run_scoped3A[%dma_wait3A_479, %dma_wait3A_480, %dma_wait3A_486] : memref<2x16x128xi32, #tpu.memory_space<vmem>> -> memref<1x1x128xi32, #tpu.memory_space<vmem>>
        %dma_wait3A_488 = tpu.memref_squeeze %dma_wait3A_487 : memref<1x1x128xi32, #tpu.memory_space<vmem>> -> memref<128xi32, #tpu.memory_space<vmem>>
        %dma_wait3A_489 = arith.constant 0 : i32
        %dma_wait3A_490 = arith.constant 0 : i32
        %dma_wait3A_491 = tpu.memref_slice %arg2[%dma_wait3A_489, %dma_wait3A_490] : memref<10000x128xf32, #tpu.memory_space<hbm>> -> memref<10000x128xf32, #tpu.memory_space<hbm>>
        tpu.wait_indirect_dma semaphore(%run_scoped3A_3 : memref<!tpu.dma_semaphore, #tpu.memory_space<semaphore_mem>>) src(%dma_wait3A_491 : memref<10000x128xf32, #tpu.memory_space<hbm>>) dst(%dma_wait3A_485 : memref<128x128xf32, #tpu.memory_space<vmem>>)
        %dma_wait3A_492 = arith.constant 1 : i32
        %dma_wait3A_493 = arith.constant 0 : i32
        %dma_wait3A_494 = arith.constant 0 : i32
        %dma_wait3A_495 = arith.constant 0 : i32
        %dma_wait3A_496 = arith.constant 0 : i32
        %dma_wait3A_497 = tpu.memref_slice %run_scoped3A_2[%dma_wait3A_492, %dma_wait3A_495, %dma_wait3A_496] : memref<2x128x128xf32, #tpu.memory_space<vmem>> -> memref<1x128x128xf32, #tpu.memory_space<vmem>>
        %dma_wait3A_498 = tpu.memref_squeeze %dma_wait3A_497 : memref<1x128x128xf32, #tpu.memory_space<vmem>> -> memref<128x128xf32, #tpu.memory_space<vmem>>
        %dma_wait3A_499 = arith.constant 0 : i32
        %dma_wait3A_500 = tpu.memref_slice %run_scoped3A_1[%dma_wait3A_493, %dma_wait3A_494, %dma_wait3A_499] : memref<2x16x128xi32, #tpu.memory_space<vmem>> -> memref<1x1x128xi32, #tpu.memory_space<vmem>>
        %dma_wait3A_501 = tpu.memref_squeeze %dma_wait3A_500 : memref<1x1x128xi32, #tpu.memory_space<vmem>> -> memref<128xi32, #tpu.memory_space<vmem>>
        %dma_wait3A_502 = arith.constant 0 : i32
        %dma_wait3A_503 = arith.constant 0 : i32
        %dma_wait3A_504 = tpu.memref_slice %arg7[%dma_wait3A_502, %dma_wait3A_503] : memref<10240x128xf32, #tpu.memory_space<vmem_shared>> -> memref<10240x128xf32, #tpu.memory_space<vmem_shared>>
        tpu.wait_indirect_dma semaphore(%run_scoped3A_5 : memref<!tpu.dma_semaphore, #tpu.memory_space<semaphore_mem>>) src(%dma_wait3A_498 : memref<128x128xf32, #tpu.memory_space<vmem>>) dst(%dma_wait3A_504 : memref<10240x128xf32, #tpu.memory_space<vmem_shared>>)
        %dma_start3A_505 = arith.constant 9 : i32
        %dma_start3A_506 = arith.constant 1 : i32
        %dma_start3A_507 = arith.constant 0 : i32
        %dma_start3A_508 = arith.constant 0 : i32
        %dma_start3A_509 = tpu.memref_slice %run_scoped3A_2[%dma_start3A_506, %dma_start3A_507, %dma_start3A_508] : memref<2x128x128xf32, #tpu.memory_space<vmem>> -> memref<1x128x128xf32, #tpu.memory_space<vmem>>
        %dma_start3A_510 = tpu.memref_squeeze %dma_start3A_509 : memref<1x128x128xf32, #tpu.memory_space<vmem>> -> memref<128x128xf32, #tpu.memory_space<vmem>>
        %dma_start3A_511 = arith.constant 0 : i32
        %dma_start3A_512 = tpu.memref_slice %run_scoped3A[%select_n3A_82, %dma_start3A_505, %dma_start3A_511] : memref<2x16x128xi32, #tpu.memory_space<vmem>> -> memref<1x1x128xi32, #tpu.memory_space<vmem>>
        %dma_start3A_513 = tpu.memref_squeeze %dma_start3A_512 : memref<1x1x128xi32, #tpu.memory_space<vmem>> -> memref<128xi32, #tpu.memory_space<vmem>>
        %dma_start3A_514 = arith.constant 0 : i32
        %dma_start3A_515 = arith.constant 0 : i32
        %dma_start3A_516 = tpu.memref_slice %arg2[%dma_start3A_514, %dma_start3A_515] : memref<10000x128xf32, #tpu.memory_space<hbm>> -> memref<10000x128xf32, #tpu.memory_space<hbm>>
        tpu.enqueue_indirect_dma source(%dma_start3A_516 : memref<10000x128xf32, #tpu.memory_space<hbm>>) target(%dma_start3A_510 : memref<128x128xf32, #tpu.memory_space<vmem>>) offsets(%dma_start3A_513 : memref<128xi32, #tpu.memory_space<vmem>>) semaphore(%run_scoped3A_3 : memref<!tpu.dma_semaphore, #tpu.memory_space<semaphore_mem>>)
        %dma_start3A_517 = arith.constant 0 : i32
        %dma_start3A_518 = arith.constant 8 : i32
        %dma_start3A_519 = arith.constant 0 : i32
        %dma_start3A_520 = arith.constant 0 : i32
        %dma_start3A_521 = tpu.memref_slice %run_scoped3A_2[%dma_start3A_517, %dma_start3A_519, %dma_start3A_520] : memref<2x128x128xf32, #tpu.memory_space<vmem>> -> memref<1x128x128xf32, #tpu.memory_space<vmem>>
        %dma_start3A_522 = tpu.memref_squeeze %dma_start3A_521 : memref<1x128x128xf32, #tpu.memory_space<vmem>> -> memref<128x128xf32, #tpu.memory_space<vmem>>
        %dma_start3A_523 = arith.constant 0 : i32
        %dma_start3A_524 = tpu.memref_slice %run_scoped3A_1[%select_n3A_82, %dma_start3A_518, %dma_start3A_523] : memref<2x16x128xi32, #tpu.memory_space<vmem>> -> memref<1x1x128xi32, #tpu.memory_space<vmem>>
        %dma_start3A_525 = tpu.memref_squeeze %dma_start3A_524 : memref<1x1x128xi32, #tpu.memory_space<vmem>> -> memref<128xi32, #tpu.memory_space<vmem>>
        %dma_start3A_526 = arith.constant 0 : i32
        %dma_start3A_527 = arith.constant 0 : i32
        %dma_start3A_528 = tpu.memref_slice %arg7[%dma_start3A_526, %dma_start3A_527] : memref<10240x128xf32, #tpu.memory_space<vmem_shared>> -> memref<10240x128xf32, #tpu.memory_space<vmem_shared>>
        tpu.enqueue_indirect_dma source(%dma_start3A_522 : memref<128x128xf32, #tpu.memory_space<vmem>>) target(%dma_start3A_528 : memref<10240x128xf32, #tpu.memory_space<vmem_shared>>) offsets(%dma_start3A_525 : memref<128xi32, #tpu.memory_space<vmem>>) semaphore(%run_scoped3A_4 : memref<!tpu.dma_semaphore, #tpu.memory_space<semaphore_mem>>) {add = true}
        %dma_wait3A_529 = arith.constant 0 : i32
        %dma_wait3A_530 = arith.constant 0 : i32
        %dma_wait3A_531 = arith.constant 1 : i32
        %dma_wait3A_532 = arith.constant 0 : i32
        %dma_wait3A_533 = arith.constant 0 : i32
        %dma_wait3A_534 = tpu.memref_slice %run_scoped3A_2[%dma_wait3A_531, %dma_wait3A_532, %dma_wait3A_533] : memref<2x128x128xf32, #tpu.memory_space<vmem>> -> memref<1x128x128xf32, #tpu.memory_space<vmem>>
        %dma_wait3A_535 = tpu.memref_squeeze %dma_wait3A_534 : memref<1x128x128xf32, #tpu.memory_space<vmem>> -> memref<128x128xf32, #tpu.memory_space<vmem>>
        %dma_wait3A_536 = arith.constant 0 : i32
        %dma_wait3A_537 = tpu.memref_slice %run_scoped3A[%dma_wait3A_529, %dma_wait3A_530, %dma_wait3A_536] : memref<2x16x128xi32, #tpu.memory_space<vmem>> -> memref<1x1x128xi32, #tpu.memory_space<vmem>>
        %dma_wait3A_538 = tpu.memref_squeeze %dma_wait3A_537 : memref<1x1x128xi32, #tpu.memory_space<vmem>> -> memref<128xi32, #tpu.memory_space<vmem>>
        %dma_wait3A_539 = arith.constant 0 : i32
        %dma_wait3A_540 = arith.constant 0 : i32
        %dma_wait3A_541 = tpu.memref_slice %arg2[%dma_wait3A_539, %dma_wait3A_540] : memref<10000x128xf32, #tpu.memory_space<hbm>> -> memref<10000x128xf32, #tpu.memory_space<hbm>>
        tpu.wait_indirect_dma semaphore(%run_scoped3A_3 : memref<!tpu.dma_semaphore, #tpu.memory_space<semaphore_mem>>) src(%dma_wait3A_541 : memref<10000x128xf32, #tpu.memory_space<hbm>>) dst(%dma_wait3A_535 : memref<128x128xf32, #tpu.memory_space<vmem>>)
        %dma_wait3A_542 = arith.constant 0 : i32
        %dma_wait3A_543 = arith.constant 0 : i32
        %dma_wait3A_544 = arith.constant 0 : i32
        %dma_wait3A_545 = arith.constant 0 : i32
        %dma_wait3A_546 = arith.constant 0 : i32
        %dma_wait3A_547 = tpu.memref_slice %run_scoped3A_2[%dma_wait3A_542, %dma_wait3A_545, %dma_wait3A_546] : memref<2x128x128xf32, #tpu.memory_space<vmem>> -> memref<1x128x128xf32, #tpu.memory_space<vmem>>
        %dma_wait3A_548 = tpu.memref_squeeze %dma_wait3A_547 : memref<1x128x128xf32, #tpu.memory_space<vmem>> -> memref<128x128xf32, #tpu.memory_space<vmem>>
        %dma_wait3A_549 = arith.constant 0 : i32
        %dma_wait3A_550 = tpu.memref_slice %run_scoped3A_1[%dma_wait3A_543, %dma_wait3A_544, %dma_wait3A_549] : memref<2x16x128xi32, #tpu.memory_space<vmem>> -> memref<1x1x128xi32, #tpu.memory_space<vmem>>
        %dma_wait3A_551 = tpu.memref_squeeze %dma_wait3A_550 : memref<1x1x128xi32, #tpu.memory_space<vmem>> -> memref<128xi32, #tpu.memory_space<vmem>>
        %dma_wait3A_552 = arith.constant 0 : i32
        %dma_wait3A_553 = arith.constant 0 : i32
        %dma_wait3A_554 = tpu.memref_slice %arg7[%dma_wait3A_552, %dma_wait3A_553] : memref<10240x128xf32, #tpu.memory_space<vmem_shared>> -> memref<10240x128xf32, #tpu.memory_space<vmem_shared>>
        tpu.wait_indirect_dma semaphore(%run_scoped3A_4 : memref<!tpu.dma_semaphore, #tpu.memory_space<semaphore_mem>>) src(%dma_wait3A_548 : memref<128x128xf32, #tpu.memory_space<vmem>>) dst(%dma_wait3A_554 : memref<10240x128xf32, #tpu.memory_space<vmem_shared>>)
        %dma_start3A_555 = arith.constant 10 : i32
        %dma_start3A_556 = arith.constant 0 : i32
        %dma_start3A_557 = arith.constant 0 : i32
        %dma_start3A_558 = arith.constant 0 : i32
        %dma_start3A_559 = tpu.memref_slice %run_scoped3A_2[%dma_start3A_556, %dma_start3A_557, %dma_start3A_558] : memref<2x128x128xf32, #tpu.memory_space<vmem>> -> memref<1x128x128xf32, #tpu.memory_space<vmem>>
        %dma_start3A_560 = tpu.memref_squeeze %dma_start3A_559 : memref<1x128x128xf32, #tpu.memory_space<vmem>> -> memref<128x128xf32, #tpu.memory_space<vmem>>
        %dma_start3A_561 = arith.constant 0 : i32
        %dma_start3A_562 = tpu.memref_slice %run_scoped3A[%select_n3A_82, %dma_start3A_555, %dma_start3A_561] : memref<2x16x128xi32, #tpu.memory_space<vmem>> -> memref<1x1x128xi32, #tpu.memory_space<vmem>>
        %dma_start3A_563 = tpu.memref_squeeze %dma_start3A_562 : memref<1x1x128xi32, #tpu.memory_space<vmem>> -> memref<128xi32, #tpu.memory_space<vmem>>
        %dma_start3A_564 = arith.constant 0 : i32
        %dma_start3A_565 = arith.constant 0 : i32
        %dma_start3A_566 = tpu.memref_slice %arg2[%dma_start3A_564, %dma_start3A_565] : memref<10000x128xf32, #tpu.memory_space<hbm>> -> memref<10000x128xf32, #tpu.memory_space<hbm>>
        tpu.enqueue_indirect_dma source(%dma_start3A_566 : memref<10000x128xf32, #tpu.memory_space<hbm>>) target(%dma_start3A_560 : memref<128x128xf32, #tpu.memory_space<vmem>>) offsets(%dma_start3A_563 : memref<128xi32, #tpu.memory_space<vmem>>) semaphore(%run_scoped3A_3 : memref<!tpu.dma_semaphore, #tpu.memory_space<semaphore_mem>>)
        %dma_start3A_567 = arith.constant 1 : i32
        %dma_start3A_568 = arith.constant 9 : i32
        %dma_start3A_569 = arith.constant 0 : i32
        %dma_start3A_570 = arith.constant 0 : i32
        %dma_start3A_571 = tpu.memref_slice %run_scoped3A_2[%dma_start3A_567, %dma_start3A_569, %dma_start3A_570] : memref<2x128x128xf32, #tpu.memory_space<vmem>> -> memref<1x128x128xf32, #tpu.memory_space<vmem>>
        %dma_start3A_572 = tpu.memref_squeeze %dma_start3A_571 : memref<1x128x128xf32, #tpu.memory_space<vmem>> -> memref<128x128xf32, #tpu.memory_space<vmem>>
        %dma_start3A_573 = arith.constant 0 : i32
        %dma_start3A_574 = tpu.memref_slice %run_scoped3A_1[%select_n3A_82, %dma_start3A_568, %dma_start3A_573] : memref<2x16x128xi32, #tpu.memory_space<vmem>> -> memref<1x1x128xi32, #tpu.memory_space<vmem>>
        %dma_start3A_575 = tpu.memref_squeeze %dma_start3A_574 : memref<1x1x128xi32, #tpu.memory_space<vmem>> -> memref<128xi32, #tpu.memory_space<vmem>>
        %dma_start3A_576 = arith.constant 0 : i32
        %dma_start3A_577 = arith.constant 0 : i32
        %dma_start3A_578 = tpu.memref_slice %arg7[%dma_start3A_576, %dma_start3A_577] : memref<10240x128xf32, #tpu.memory_space<vmem_shared>> -> memref<10240x128xf32, #tpu.memory_space<vmem_shared>>
        tpu.enqueue_indirect_dma source(%dma_start3A_572 : memref<128x128xf32, #tpu.memory_space<vmem>>) target(%dma_start3A_578 : memref<10240x128xf32, #tpu.memory_space<vmem_shared>>) offsets(%dma_start3A_575 : memref<128xi32, #tpu.memory_space<vmem>>) semaphore(%run_scoped3A_5 : memref<!tpu.dma_semaphore, #tpu.memory_space<semaphore_mem>>) {add = true}
        %dma_wait3A_579 = arith.constant 0 : i32
        %dma_wait3A_580 = arith.constant 0 : i32
        %dma_wait3A_581 = arith.constant 0 : i32
        %dma_wait3A_582 = arith.constant 0 : i32
        %dma_wait3A_583 = arith.constant 0 : i32
        %dma_wait3A_584 = tpu.memref_slice %run_scoped3A_2[%dma_wait3A_581, %dma_wait3A_582, %dma_wait3A_583] : memref<2x128x128xf32, #tpu.memory_space<vmem>> -> memref<1x128x128xf32, #tpu.memory_space<vmem>>
        %dma_wait3A_585 = tpu.memref_squeeze %dma_wait3A_584 : memref<1x128x128xf32, #tpu.memory_space<vmem>> -> memref<128x128xf32, #tpu.memory_space<vmem>>
        %dma_wait3A_586 = arith.constant 0 : i32
        %dma_wait3A_587 = tpu.memref_slice %run_scoped3A[%dma_wait3A_579, %dma_wait3A_580, %dma_wait3A_586] : memref<2x16x128xi32, #tpu.memory_space<vmem>> -> memref<1x1x128xi32, #tpu.memory_space<vmem>>
        %dma_wait3A_588 = tpu.memref_squeeze %dma_wait3A_587 : memref<1x1x128xi32, #tpu.memory_space<vmem>> -> memref<128xi32, #tpu.memory_space<vmem>>
        %dma_wait3A_589 = arith.constant 0 : i32
        %dma_wait3A_590 = arith.constant 0 : i32
        %dma_wait3A_591 = tpu.memref_slice %arg2[%dma_wait3A_589, %dma_wait3A_590] : memref<10000x128xf32, #tpu.memory_space<hbm>> -> memref<10000x128xf32, #tpu.memory_space<hbm>>
        tpu.wait_indirect_dma semaphore(%run_scoped3A_3 : memref<!tpu.dma_semaphore, #tpu.memory_space<semaphore_mem>>) src(%dma_wait3A_591 : memref<10000x128xf32, #tpu.memory_space<hbm>>) dst(%dma_wait3A_585 : memref<128x128xf32, #tpu.memory_space<vmem>>)
        %dma_wait3A_592 = arith.constant 1 : i32
        %dma_wait3A_593 = arith.constant 0 : i32
        %dma_wait3A_594 = arith.constant 0 : i32
        %dma_wait3A_595 = arith.constant 0 : i32
        %dma_wait3A_596 = arith.constant 0 : i32
        %dma_wait3A_597 = tpu.memref_slice %run_scoped3A_2[%dma_wait3A_592, %dma_wait3A_595, %dma_wait3A_596] : memref<2x128x128xf32, #tpu.memory_space<vmem>> -> memref<1x128x128xf32, #tpu.memory_space<vmem>>
        %dma_wait3A_598 = tpu.memref_squeeze %dma_wait3A_597 : memref<1x128x128xf32, #tpu.memory_space<vmem>> -> memref<128x128xf32, #tpu.memory_space<vmem>>
        %dma_wait3A_599 = arith.constant 0 : i32
        %dma_wait3A_600 = tpu.memref_slice %run_scoped3A_1[%dma_wait3A_593, %dma_wait3A_594, %dma_wait3A_599] : memref<2x16x128xi32, #tpu.memory_space<vmem>> -> memref<1x1x128xi32, #tpu.memory_space<vmem>>
        %dma_wait3A_601 = tpu.memref_squeeze %dma_wait3A_600 : memref<1x1x128xi32, #tpu.memory_space<vmem>> -> memref<128xi32, #tpu.memory_space<vmem>>
        %dma_wait3A_602 = arith.constant 0 : i32
        %dma_wait3A_603 = arith.constant 0 : i32
        %dma_wait3A_604 = tpu.memref_slice %arg7[%dma_wait3A_602, %dma_wait3A_603] : memref<10240x128xf32, #tpu.memory_space<vmem_shared>> -> memref<10240x128xf32, #tpu.memory_space<vmem_shared>>
        tpu.wait_indirect_dma semaphore(%run_scoped3A_5 : memref<!tpu.dma_semaphore, #tpu.memory_space<semaphore_mem>>) src(%dma_wait3A_598 : memref<128x128xf32, #tpu.memory_space<vmem>>) dst(%dma_wait3A_604 : memref<10240x128xf32, #tpu.memory_space<vmem_shared>>)
        %dma_start3A_605 = arith.constant 11 : i32
        %dma_start3A_606 = arith.constant 1 : i32
        %dma_start3A_607 = arith.constant 0 : i32
        %dma_start3A_608 = arith.constant 0 : i32
        %dma_start3A_609 = tpu.memref_slice %run_scoped3A_2[%dma_start3A_606, %dma_start3A_607, %dma_start3A_608] : memref<2x128x128xf32, #tpu.memory_space<vmem>> -> memref<1x128x128xf32, #tpu.memory_space<vmem>>
        %dma_start3A_610 = tpu.memref_squeeze %dma_start3A_609 : memref<1x128x128xf32, #tpu.memory_space<vmem>> -> memref<128x128xf32, #tpu.memory_space<vmem>>
        %dma_start3A_611 = arith.constant 0 : i32
        %dma_start3A_612 = tpu.memref_slice %run_scoped3A[%select_n3A_82, %dma_start3A_605, %dma_start3A_611] : memref<2x16x128xi32, #tpu.memory_space<vmem>> -> memref<1x1x128xi32, #tpu.memory_space<vmem>>
        %dma_start3A_613 = tpu.memref_squeeze %dma_start3A_612 : memref<1x1x128xi32, #tpu.memory_space<vmem>> -> memref<128xi32, #tpu.memory_space<vmem>>
        %dma_start3A_614 = arith.constant 0 : i32
        %dma_start3A_615 = arith.constant 0 : i32
        %dma_start3A_616 = tpu.memref_slice %arg2[%dma_start3A_614, %dma_start3A_615] : memref<10000x128xf32, #tpu.memory_space<hbm>> -> memref<10000x128xf32, #tpu.memory_space<hbm>>
        tpu.enqueue_indirect_dma source(%dma_start3A_616 : memref<10000x128xf32, #tpu.memory_space<hbm>>) target(%dma_start3A_610 : memref<128x128xf32, #tpu.memory_space<vmem>>) offsets(%dma_start3A_613 : memref<128xi32, #tpu.memory_space<vmem>>) semaphore(%run_scoped3A_3 : memref<!tpu.dma_semaphore, #tpu.memory_space<semaphore_mem>>)
        %dma_start3A_617 = arith.constant 0 : i32
        %dma_start3A_618 = arith.constant 10 : i32
        %dma_start3A_619 = arith.constant 0 : i32
        %dma_start3A_620 = arith.constant 0 : i32
        %dma_start3A_621 = tpu.memref_slice %run_scoped3A_2[%dma_start3A_617, %dma_start3A_619, %dma_start3A_620] : memref<2x128x128xf32, #tpu.memory_space<vmem>> -> memref<1x128x128xf32, #tpu.memory_space<vmem>>
        %dma_start3A_622 = tpu.memref_squeeze %dma_start3A_621 : memref<1x128x128xf32, #tpu.memory_space<vmem>> -> memref<128x128xf32, #tpu.memory_space<vmem>>
        %dma_start3A_623 = arith.constant 0 : i32
        %dma_start3A_624 = tpu.memref_slice %run_scoped3A_1[%select_n3A_82, %dma_start3A_618, %dma_start3A_623] : memref<2x16x128xi32, #tpu.memory_space<vmem>> -> memref<1x1x128xi32, #tpu.memory_space<vmem>>
        %dma_start3A_625 = tpu.memref_squeeze %dma_start3A_624 : memref<1x1x128xi32, #tpu.memory_space<vmem>> -> memref<128xi32, #tpu.memory_space<vmem>>
        %dma_start3A_626 = arith.constant 0 : i32
        %dma_start3A_627 = arith.constant 0 : i32
        %dma_start3A_628 = tpu.memref_slice %arg7[%dma_start3A_626, %dma_start3A_627] : memref<10240x128xf32, #tpu.memory_space<vmem_shared>> -> memref<10240x128xf32, #tpu.memory_space<vmem_shared>>
        tpu.enqueue_indirect_dma source(%dma_start3A_622 : memref<128x128xf32, #tpu.memory_space<vmem>>) target(%dma_start3A_628 : memref<10240x128xf32, #tpu.memory_space<vmem_shared>>) offsets(%dma_start3A_625 : memref<128xi32, #tpu.memory_space<vmem>>) semaphore(%run_scoped3A_4 : memref<!tpu.dma_semaphore, #tpu.memory_space<semaphore_mem>>) {add = true}
        %dma_wait3A_629 = arith.constant 0 : i32
        %dma_wait3A_630 = arith.constant 0 : i32
        %dma_wait3A_631 = arith.constant 1 : i32
        %dma_wait3A_632 = arith.constant 0 : i32
        %dma_wait3A_633 = arith.constant 0 : i32
        %dma_wait3A_634 = tpu.memref_slice %run_scoped3A_2[%dma_wait3A_631, %dma_wait3A_632, %dma_wait3A_633] : memref<2x128x128xf32, #tpu.memory_space<vmem>> -> memref<1x128x128xf32, #tpu.memory_space<vmem>>
        %dma_wait3A_635 = tpu.memref_squeeze %dma_wait3A_634 : memref<1x128x128xf32, #tpu.memory_space<vmem>> -> memref<128x128xf32, #tpu.memory_space<vmem>>
        %dma_wait3A_636 = arith.constant 0 : i32
        %dma_wait3A_637 = tpu.memref_slice %run_scoped3A[%dma_wait3A_629, %dma_wait3A_630, %dma_wait3A_636] : memref<2x16x128xi32, #tpu.memory_space<vmem>> -> memref<1x1x128xi32, #tpu.memory_space<vmem>>
        %dma_wait3A_638 = tpu.memref_squeeze %dma_wait3A_637 : memref<1x1x128xi32, #tpu.memory_space<vmem>> -> memref<128xi32, #tpu.memory_space<vmem>>
        %dma_wait3A_639 = arith.constant 0 : i32
        %dma_wait3A_640 = arith.constant 0 : i32
        %dma_wait3A_641 = tpu.memref_slice %arg2[%dma_wait3A_639, %dma_wait3A_640] : memref<10000x128xf32, #tpu.memory_space<hbm>> -> memref<10000x128xf32, #tpu.memory_space<hbm>>
        tpu.wait_indirect_dma semaphore(%run_scoped3A_3 : memref<!tpu.dma_semaphore, #tpu.memory_space<semaphore_mem>>) src(%dma_wait3A_641 : memref<10000x128xf32, #tpu.memory_space<hbm>>) dst(%dma_wait3A_635 : memref<128x128xf32, #tpu.memory_space<vmem>>)
        %dma_wait3A_642 = arith.constant 0 : i32
        %dma_wait3A_643 = arith.constant 0 : i32
        %dma_wait3A_644 = arith.constant 0 : i32
        %dma_wait3A_645 = arith.constant 0 : i32
        %dma_wait3A_646 = arith.constant 0 : i32
        %dma_wait3A_647 = tpu.memref_slice %run_scoped3A_2[%dma_wait3A_642, %dma_wait3A_645, %dma_wait3A_646] : memref<2x128x128xf32, #tpu.memory_space<vmem>> -> memref<1x128x128xf32, #tpu.memory_space<vmem>>
        %dma_wait3A_648 = tpu.memref_squeeze %dma_wait3A_647 : memref<1x128x128xf32, #tpu.memory_space<vmem>> -> memref<128x128xf32, #tpu.memory_space<vmem>>
        %dma_wait3A_649 = arith.constant 0 : i32
        %dma_wait3A_650 = tpu.memref_slice %run_scoped3A_1[%dma_wait3A_643, %dma_wait3A_644, %dma_wait3A_649] : memref<2x16x128xi32, #tpu.memory_space<vmem>> -> memref<1x1x128xi32, #tpu.memory_space<vmem>>
        %dma_wait3A_651 = tpu.memref_squeeze %dma_wait3A_650 : memref<1x1x128xi32, #tpu.memory_space<vmem>> -> memref<128xi32, #tpu.memory_space<vmem>>
        %dma_wait3A_652 = arith.constant 0 : i32
        %dma_wait3A_653 = arith.constant 0 : i32
        %dma_wait3A_654 = tpu.memref_slice %arg7[%dma_wait3A_652, %dma_wait3A_653] : memref<10240x128xf32, #tpu.memory_space<vmem_shared>> -> memref<10240x128xf32, #tpu.memory_space<vmem_shared>>
        tpu.wait_indirect_dma semaphore(%run_scoped3A_4 : memref<!tpu.dma_semaphore, #tpu.memory_space<semaphore_mem>>) src(%dma_wait3A_648 : memref<128x128xf32, #tpu.memory_space<vmem>>) dst(%dma_wait3A_654 : memref<10240x128xf32, #tpu.memory_space<vmem_shared>>)
        %dma_start3A_655 = arith.constant 12 : i32
        %dma_start3A_656 = arith.constant 0 : i32
        %dma_start3A_657 = arith.constant 0 : i32
        %dma_start3A_658 = arith.constant 0 : i32
        %dma_start3A_659 = tpu.memref_slice %run_scoped3A_2[%dma_start3A_656, %dma_start3A_657, %dma_start3A_658] : memref<2x128x128xf32, #tpu.memory_space<vmem>> -> memref<1x128x128xf32, #tpu.memory_space<vmem>>
        %dma_start3A_660 = tpu.memref_squeeze %dma_start3A_659 : memref<1x128x128xf32, #tpu.memory_space<vmem>> -> memref<128x128xf32, #tpu.memory_space<vmem>>
        %dma_start3A_661 = arith.constant 0 : i32
        %dma_start3A_662 = tpu.memref_slice %run_scoped3A[%select_n3A_82, %dma_start3A_655, %dma_start3A_661] : memref<2x16x128xi32, #tpu.memory_space<vmem>> -> memref<1x1x128xi32, #tpu.memory_space<vmem>>
        %dma_start3A_663 = tpu.memref_squeeze %dma_start3A_662 : memref<1x1x128xi32, #tpu.memory_space<vmem>> -> memref<128xi32, #tpu.memory_space<vmem>>
        %dma_start3A_664 = arith.constant 0 : i32
        %dma_start3A_665 = arith.constant 0 : i32
        %dma_start3A_666 = tpu.memref_slice %arg2[%dma_start3A_664, %dma_start3A_665] : memref<10000x128xf32, #tpu.memory_space<hbm>> -> memref<10000x128xf32, #tpu.memory_space<hbm>>
        tpu.enqueue_indirect_dma source(%dma_start3A_666 : memref<10000x128xf32, #tpu.memory_space<hbm>>) target(%dma_start3A_660 : memref<128x128xf32, #tpu.memory_space<vmem>>) offsets(%dma_start3A_663 : memref<128xi32, #tpu.memory_space<vmem>>) semaphore(%run_scoped3A_3 : memref<!tpu.dma_semaphore, #tpu.memory_space<semaphore_mem>>)
        %dma_start3A_667 = arith.constant 1 : i32
        %dma_start3A_668 = arith.constant 11 : i32
        %dma_start3A_669 = arith.constant 0 : i32
        %dma_start3A_670 = arith.constant 0 : i32
        %dma_start3A_671 = tpu.memref_slice %run_scoped3A_2[%dma_start3A_667, %dma_start3A_669, %dma_start3A_670] : memref<2x128x128xf32, #tpu.memory_space<vmem>> -> memref<1x128x128xf32, #tpu.memory_space<vmem>>
        %dma_start3A_672 = tpu.memref_squeeze %dma_start3A_671 : memref<1x128x128xf32, #tpu.memory_space<vmem>> -> memref<128x128xf32, #tpu.memory_space<vmem>>
        %dma_start3A_673 = arith.constant 0 : i32
        %dma_start3A_674 = tpu.memref_slice %run_scoped3A_1[%select_n3A_82, %dma_start3A_668, %dma_start3A_673] : memref<2x16x128xi32, #tpu.memory_space<vmem>> -> memref<1x1x128xi32, #tpu.memory_space<vmem>>
        %dma_start3A_675 = tpu.memref_squeeze %dma_start3A_674 : memref<1x1x128xi32, #tpu.memory_space<vmem>> -> memref<128xi32, #tpu.memory_space<vmem>>
        %dma_start3A_676 = arith.constant 0 : i32
        %dma_start3A_677 = arith.constant 0 : i32
        %dma_start3A_678 = tpu.memref_slice %arg7[%dma_start3A_676, %dma_start3A_677] : memref<10240x128xf32, #tpu.memory_space<vmem_shared>> -> memref<10240x128xf32, #tpu.memory_space<vmem_shared>>
        tpu.enqueue_indirect_dma source(%dma_start3A_672 : memref<128x128xf32, #tpu.memory_space<vmem>>) target(%dma_start3A_678 : memref<10240x128xf32, #tpu.memory_space<vmem_shared>>) offsets(%dma_start3A_675 : memref<128xi32, #tpu.memory_space<vmem>>) semaphore(%run_scoped3A_5 : memref<!tpu.dma_semaphore, #tpu.memory_space<semaphore_mem>>) {add = true}
        %dma_wait3A_679 = arith.constant 0 : i32
        %dma_wait3A_680 = arith.constant 0 : i32
        %dma_wait3A_681 = arith.constant 0 : i32
        %dma_wait3A_682 = arith.constant 0 : i32
        %dma_wait3A_683 = arith.constant 0 : i32
        %dma_wait3A_684 = tpu.memref_slice %run_scoped3A_2[%dma_wait3A_681, %dma_wait3A_682, %dma_wait3A_683] : memref<2x128x128xf32, #tpu.memory_space<vmem>> -> memref<1x128x128xf32, #tpu.memory_space<vmem>>
        %dma_wait3A_685 = tpu.memref_squeeze %dma_wait3A_684 : memref<1x128x128xf32, #tpu.memory_space<vmem>> -> memref<128x128xf32, #tpu.memory_space<vmem>>
        %dma_wait3A_686 = arith.constant 0 : i32
        %dma_wait3A_687 = tpu.memref_slice %run_scoped3A[%dma_wait3A_679, %dma_wait3A_680, %dma_wait3A_686] : memref<2x16x128xi32, #tpu.memory_space<vmem>> -> memref<1x1x128xi32, #tpu.memory_space<vmem>>
        %dma_wait3A_688 = tpu.memref_squeeze %dma_wait3A_687 : memref<1x1x128xi32, #tpu.memory_space<vmem>> -> memref<128xi32, #tpu.memory_space<vmem>>
        %dma_wait3A_689 = arith.constant 0 : i32
        %dma_wait3A_690 = arith.constant 0 : i32
        %dma_wait3A_691 = tpu.memref_slice %arg2[%dma_wait3A_689, %dma_wait3A_690] : memref<10000x128xf32, #tpu.memory_space<hbm>> -> memref<10000x128xf32, #tpu.memory_space<hbm>>
        tpu.wait_indirect_dma semaphore(%run_scoped3A_3 : memref<!tpu.dma_semaphore, #tpu.memory_space<semaphore_mem>>) src(%dma_wait3A_691 : memref<10000x128xf32, #tpu.memory_space<hbm>>) dst(%dma_wait3A_685 : memref<128x128xf32, #tpu.memory_space<vmem>>)
        %dma_wait3A_692 = arith.constant 1 : i32
        %dma_wait3A_693 = arith.constant 0 : i32
        %dma_wait3A_694 = arith.constant 0 : i32
        %dma_wait3A_695 = arith.constant 0 : i32
        %dma_wait3A_696 = arith.constant 0 : i32
        %dma_wait3A_697 = tpu.memref_slice %run_scoped3A_2[%dma_wait3A_692, %dma_wait3A_695, %dma_wait3A_696] : memref<2x128x128xf32, #tpu.memory_space<vmem>> -> memref<1x128x128xf32, #tpu.memory_space<vmem>>
        %dma_wait3A_698 = tpu.memref_squeeze %dma_wait3A_697 : memref<1x128x128xf32, #tpu.memory_space<vmem>> -> memref<128x128xf32, #tpu.memory_space<vmem>>
        %dma_wait3A_699 = arith.constant 0 : i32
        %dma_wait3A_700 = tpu.memref_slice %run_scoped3A_1[%dma_wait3A_693, %dma_wait3A_694, %dma_wait3A_699] : memref<2x16x128xi32, #tpu.memory_space<vmem>> -> memref<1x1x128xi32, #tpu.memory_space<vmem>>
        %dma_wait3A_701 = tpu.memref_squeeze %dma_wait3A_700 : memref<1x1x128xi32, #tpu.memory_space<vmem>> -> memref<128xi32, #tpu.memory_space<vmem>>
        %dma_wait3A_702 = arith.constant 0 : i32
        %dma_wait3A_703 = arith.constant 0 : i32
        %dma_wait3A_704 = tpu.memref_slice %arg7[%dma_wait3A_702, %dma_wait3A_703] : memref<10240x128xf32, #tpu.memory_space<vmem_shared>> -> memref<10240x128xf32, #tpu.memory_space<vmem_shared>>
        tpu.wait_indirect_dma semaphore(%run_scoped3A_5 : memref<!tpu.dma_semaphore, #tpu.memory_space<semaphore_mem>>) src(%dma_wait3A_698 : memref<128x128xf32, #tpu.memory_space<vmem>>) dst(%dma_wait3A_704 : memref<10240x128xf32, #tpu.memory_space<vmem_shared>>)
        %dma_start3A_705 = arith.constant 13 : i32
        %dma_start3A_706 = arith.constant 1 : i32
        %dma_start3A_707 = arith.constant 0 : i32
        %dma_start3A_708 = arith.constant 0 : i32
        %dma_start3A_709 = tpu.memref_slice %run_scoped3A_2[%dma_start3A_706, %dma_start3A_707, %dma_start3A_708] : memref<2x128x128xf32, #tpu.memory_space<vmem>> -> memref<1x128x128xf32, #tpu.memory_space<vmem>>
        %dma_start3A_710 = tpu.memref_squeeze %dma_start3A_709 : memref<1x128x128xf32, #tpu.memory_space<vmem>> -> memref<128x128xf32, #tpu.memory_space<vmem>>
        %dma_start3A_711 = arith.constant 0 : i32
        %dma_start3A_712 = tpu.memref_slice %run_scoped3A[%select_n3A_82, %dma_start3A_705, %dma_start3A_711] : memref<2x16x128xi32, #tpu.memory_space<vmem>> -> memref<1x1x128xi32, #tpu.memory_space<vmem>>
        %dma_start3A_713 = tpu.memref_squeeze %dma_start3A_712 : memref<1x1x128xi32, #tpu.memory_space<vmem>> -> memref<128xi32, #tpu.memory_space<vmem>>
        %dma_start3A_714 = arith.constant 0 : i32
        %dma_start3A_715 = arith.constant 0 : i32
        %dma_start3A_716 = tpu.memref_slice %arg2[%dma_start3A_714, %dma_start3A_715] : memref<10000x128xf32, #tpu.memory_space<hbm>> -> memref<10000x128xf32, #tpu.memory_space<hbm>>
        tpu.enqueue_indirect_dma source(%dma_start3A_716 : memref<10000x128xf32, #tpu.memory_space<hbm>>) target(%dma_start3A_710 : memref<128x128xf32, #tpu.memory_space<vmem>>) offsets(%dma_start3A_713 : memref<128xi32, #tpu.memory_space<vmem>>) semaphore(%run_scoped3A_3 : memref<!tpu.dma_semaphore, #tpu.memory_space<semaphore_mem>>)
        %dma_start3A_717 = arith.constant 0 : i32
        %dma_start3A_718 = arith.constant 12 : i32
        %dma_start3A_719 = arith.constant 0 : i32
        %dma_start3A_720 = arith.constant 0 : i32
        %dma_start3A_721 = tpu.memref_slice %run_scoped3A_2[%dma_start3A_717, %dma_start3A_719, %dma_start3A_720] : memref<2x128x128xf32, #tpu.memory_space<vmem>> -> memref<1x128x128xf32, #tpu.memory_space<vmem>>
        %dma_start3A_722 = tpu.memref_squeeze %dma_start3A_721 : memref<1x128x128xf32, #tpu.memory_space<vmem>> -> memref<128x128xf32, #tpu.memory_space<vmem>>
        %dma_start3A_723 = arith.constant 0 : i32
        %dma_start3A_724 = tpu.memref_slice %run_scoped3A_1[%select_n3A_82, %dma_start3A_718, %dma_start3A_723] : memref<2x16x128xi32, #tpu.memory_space<vmem>> -> memref<1x1x128xi32, #tpu.memory_space<vmem>>
        %dma_start3A_725 = tpu.memref_squeeze %dma_start3A_724 : memref<1x1x128xi32, #tpu.memory_space<vmem>> -> memref<128xi32, #tpu.memory_space<vmem>>
        %dma_start3A_726 = arith.constant 0 : i32
        %dma_start3A_727 = arith.constant 0 : i32
        %dma_start3A_728 = tpu.memref_slice %arg7[%dma_start3A_726, %dma_start3A_727] : memref<10240x128xf32, #tpu.memory_space<vmem_shared>> -> memref<10240x128xf32, #tpu.memory_space<vmem_shared>>
        tpu.enqueue_indirect_dma source(%dma_start3A_722 : memref<128x128xf32, #tpu.memory_space<vmem>>) target(%dma_start3A_728 : memref<10240x128xf32, #tpu.memory_space<vmem_shared>>) offsets(%dma_start3A_725 : memref<128xi32, #tpu.memory_space<vmem>>) semaphore(%run_scoped3A_4 : memref<!tpu.dma_semaphore, #tpu.memory_space<semaphore_mem>>) {add = true}
        %dma_wait3A_729 = arith.constant 0 : i32
        %dma_wait3A_730 = arith.constant 0 : i32
        %dma_wait3A_731 = arith.constant 1 : i32
        %dma_wait3A_732 = arith.constant 0 : i32
        %dma_wait3A_733 = arith.constant 0 : i32
        %dma_wait3A_734 = tpu.memref_slice %run_scoped3A_2[%dma_wait3A_731, %dma_wait3A_732, %dma_wait3A_733] : memref<2x128x128xf32, #tpu.memory_space<vmem>> -> memref<1x128x128xf32, #tpu.memory_space<vmem>>
        %dma_wait3A_735 = tpu.memref_squeeze %dma_wait3A_734 : memref<1x128x128xf32, #tpu.memory_space<vmem>> -> memref<128x128xf32, #tpu.memory_space<vmem>>
        %dma_wait3A_736 = arith.constant 0 : i32
        %dma_wait3A_737 = tpu.memref_slice %run_scoped3A[%dma_wait3A_729, %dma_wait3A_730, %dma_wait3A_736] : memref<2x16x128xi32, #tpu.memory_space<vmem>> -> memref<1x1x128xi32, #tpu.memory_space<vmem>>
        %dma_wait3A_738 = tpu.memref_squeeze %dma_wait3A_737 : memref<1x1x128xi32, #tpu.memory_space<vmem>> -> memref<128xi32, #tpu.memory_space<vmem>>
        %dma_wait3A_739 = arith.constant 0 : i32
        %dma_wait3A_740 = arith.constant 0 : i32
        %dma_wait3A_741 = tpu.memref_slice %arg2[%dma_wait3A_739, %dma_wait3A_740] : memref<10000x128xf32, #tpu.memory_space<hbm>> -> memref<10000x128xf32, #tpu.memory_space<hbm>>
        tpu.wait_indirect_dma semaphore(%run_scoped3A_3 : memref<!tpu.dma_semaphore, #tpu.memory_space<semaphore_mem>>) src(%dma_wait3A_741 : memref<10000x128xf32, #tpu.memory_space<hbm>>) dst(%dma_wait3A_735 : memref<128x128xf32, #tpu.memory_space<vmem>>)
        %dma_wait3A_742 = arith.constant 0 : i32
        %dma_wait3A_743 = arith.constant 0 : i32
        %dma_wait3A_744 = arith.constant 0 : i32
        %dma_wait3A_745 = arith.constant 0 : i32
        %dma_wait3A_746 = arith.constant 0 : i32
        %dma_wait3A_747 = tpu.memref_slice %run_scoped3A_2[%dma_wait3A_742, %dma_wait3A_745, %dma_wait3A_746] : memref<2x128x128xf32, #tpu.memory_space<vmem>> -> memref<1x128x128xf32, #tpu.memory_space<vmem>>
        %dma_wait3A_748 = tpu.memref_squeeze %dma_wait3A_747 : memref<1x128x128xf32, #tpu.memory_space<vmem>> -> memref<128x128xf32, #tpu.memory_space<vmem>>
        %dma_wait3A_749 = arith.constant 0 : i32
        %dma_wait3A_750 = tpu.memref_slice %run_scoped3A_1[%dma_wait3A_743, %dma_wait3A_744, %dma_wait3A_749] : memref<2x16x128xi32, #tpu.memory_space<vmem>> -> memref<1x1x128xi32, #tpu.memory_space<vmem>>
        %dma_wait3A_751 = tpu.memref_squeeze %dma_wait3A_750 : memref<1x1x128xi32, #tpu.memory_space<vmem>> -> memref<128xi32, #tpu.memory_space<vmem>>
        %dma_wait3A_752 = arith.constant 0 : i32
        %dma_wait3A_753 = arith.constant 0 : i32
        %dma_wait3A_754 = tpu.memref_slice %arg7[%dma_wait3A_752, %dma_wait3A_753] : memref<10240x128xf32, #tpu.memory_space<vmem_shared>> -> memref<10240x128xf32, #tpu.memory_space<vmem_shared>>
        tpu.wait_indirect_dma semaphore(%run_scoped3A_4 : memref<!tpu.dma_semaphore, #tpu.memory_space<semaphore_mem>>) src(%dma_wait3A_748 : memref<128x128xf32, #tpu.memory_space<vmem>>) dst(%dma_wait3A_754 : memref<10240x128xf32, #tpu.memory_space<vmem_shared>>)
        %dma_start3A_755 = arith.constant 14 : i32
        %dma_start3A_756 = arith.constant 0 : i32
        %dma_start3A_757 = arith.constant 0 : i32
        %dma_start3A_758 = arith.constant 0 : i32
        %dma_start3A_759 = tpu.memref_slice %run_scoped3A_2[%dma_start3A_756, %dma_start3A_757, %dma_start3A_758] : memref<2x128x128xf32, #tpu.memory_space<vmem>> -> memref<1x128x128xf32, #tpu.memory_space<vmem>>
        %dma_start3A_760 = tpu.memref_squeeze %dma_start3A_759 : memref<1x128x128xf32, #tpu.memory_space<vmem>> -> memref<128x128xf32, #tpu.memory_space<vmem>>
        %dma_start3A_761 = arith.constant 0 : i32
        %dma_start3A_762 = tpu.memref_slice %run_scoped3A[%select_n3A_82, %dma_start3A_755, %dma_start3A_761] : memref<2x16x128xi32, #tpu.memory_space<vmem>> -> memref<1x1x128xi32, #tpu.memory_space<vmem>>
        %dma_start3A_763 = tpu.memref_squeeze %dma_start3A_762 : memref<1x1x128xi32, #tpu.memory_space<vmem>> -> memref<128xi32, #tpu.memory_space<vmem>>
        %dma_start3A_764 = arith.constant 0 : i32
        %dma_start3A_765 = arith.constant 0 : i32
        %dma_start3A_766 = tpu.memref_slice %arg2[%dma_start3A_764, %dma_start3A_765] : memref<10000x128xf32, #tpu.memory_space<hbm>> -> memref<10000x128xf32, #tpu.memory_space<hbm>>
        tpu.enqueue_indirect_dma source(%dma_start3A_766 : memref<10000x128xf32, #tpu.memory_space<hbm>>) target(%dma_start3A_760 : memref<128x128xf32, #tpu.memory_space<vmem>>) offsets(%dma_start3A_763 : memref<128xi32, #tpu.memory_space<vmem>>) semaphore(%run_scoped3A_3 : memref<!tpu.dma_semaphore, #tpu.memory_space<semaphore_mem>>)
        %dma_start3A_767 = arith.constant 1 : i32
        %dma_start3A_768 = arith.constant 13 : i32
        %dma_start3A_769 = arith.constant 0 : i32
        %dma_start3A_770 = arith.constant 0 : i32
        %dma_start3A_771 = tpu.memref_slice %run_scoped3A_2[%dma_start3A_767, %dma_start3A_769, %dma_start3A_770] : memref<2x128x128xf32, #tpu.memory_space<vmem>> -> memref<1x128x128xf32, #tpu.memory_space<vmem>>
        %dma_start3A_772 = tpu.memref_squeeze %dma_start3A_771 : memref<1x128x128xf32, #tpu.memory_space<vmem>> -> memref<128x128xf32, #tpu.memory_space<vmem>>
        %dma_start3A_773 = arith.constant 0 : i32
        %dma_start3A_774 = tpu.memref_slice %run_scoped3A_1[%select_n3A_82, %dma_start3A_768, %dma_start3A_773] : memref<2x16x128xi32, #tpu.memory_space<vmem>> -> memref<1x1x128xi32, #tpu.memory_space<vmem>>
        %dma_start3A_775 = tpu.memref_squeeze %dma_start3A_774 : memref<1x1x128xi32, #tpu.memory_space<vmem>> -> memref<128xi32, #tpu.memory_space<vmem>>
        %dma_start3A_776 = arith.constant 0 : i32
        %dma_start3A_777 = arith.constant 0 : i32
        %dma_start3A_778 = tpu.memref_slice %arg7[%dma_start3A_776, %dma_start3A_777] : memref<10240x128xf32, #tpu.memory_space<vmem_shared>> -> memref<10240x128xf32, #tpu.memory_space<vmem_shared>>
        tpu.enqueue_indirect_dma source(%dma_start3A_772 : memref<128x128xf32, #tpu.memory_space<vmem>>) target(%dma_start3A_778 : memref<10240x128xf32, #tpu.memory_space<vmem_shared>>) offsets(%dma_start3A_775 : memref<128xi32, #tpu.memory_space<vmem>>) semaphore(%run_scoped3A_5 : memref<!tpu.dma_semaphore, #tpu.memory_space<semaphore_mem>>) {add = true}
        %dma_wait3A_779 = arith.constant 0 : i32
        %dma_wait3A_780 = arith.constant 0 : i32
        %dma_wait3A_781 = arith.constant 0 : i32
        %dma_wait3A_782 = arith.constant 0 : i32
        %dma_wait3A_783 = arith.constant 0 : i32
        %dma_wait3A_784 = tpu.memref_slice %run_scoped3A_2[%dma_wait3A_781, %dma_wait3A_782, %dma_wait3A_783] : memref<2x128x128xf32, #tpu.memory_space<vmem>> -> memref<1x128x128xf32, #tpu.memory_space<vmem>>
        %dma_wait3A_785 = tpu.memref_squeeze %dma_wait3A_784 : memref<1x128x128xf32, #tpu.memory_space<vmem>> -> memref<128x128xf32, #tpu.memory_space<vmem>>
        %dma_wait3A_786 = arith.constant 0 : i32
        %dma_wait3A_787 = tpu.memref_slice %run_scoped3A[%dma_wait3A_779, %dma_wait3A_780, %dma_wait3A_786] : memref<2x16x128xi32, #tpu.memory_space<vmem>> -> memref<1x1x128xi32, #tpu.memory_space<vmem>>
        %dma_wait3A_788 = tpu.memref_squeeze %dma_wait3A_787 : memref<1x1x128xi32, #tpu.memory_space<vmem>> -> memref<128xi32, #tpu.memory_space<vmem>>
        %dma_wait3A_789 = arith.constant 0 : i32
        %dma_wait3A_790 = arith.constant 0 : i32
        %dma_wait3A_791 = tpu.memref_slice %arg2[%dma_wait3A_789, %dma_wait3A_790] : memref<10000x128xf32, #tpu.memory_space<hbm>> -> memref<10000x128xf32, #tpu.memory_space<hbm>>
        tpu.wait_indirect_dma semaphore(%run_scoped3A_3 : memref<!tpu.dma_semaphore, #tpu.memory_space<semaphore_mem>>) src(%dma_wait3A_791 : memref<10000x128xf32, #tpu.memory_space<hbm>>) dst(%dma_wait3A_785 : memref<128x128xf32, #tpu.memory_space<vmem>>)
        %dma_wait3A_792 = arith.constant 1 : i32
        %dma_wait3A_793 = arith.constant 0 : i32
        %dma_wait3A_794 = arith.constant 0 : i32
        %dma_wait3A_795 = arith.constant 0 : i32
        %dma_wait3A_796 = arith.constant 0 : i32
        %dma_wait3A_797 = tpu.memref_slice %run_scoped3A_2[%dma_wait3A_792, %dma_wait3A_795, %dma_wait3A_796] : memref<2x128x128xf32, #tpu.memory_space<vmem>> -> memref<1x128x128xf32, #tpu.memory_space<vmem>>
        %dma_wait3A_798 = tpu.memref_squeeze %dma_wait3A_797 : memref<1x128x128xf32, #tpu.memory_space<vmem>> -> memref<128x128xf32, #tpu.memory_space<vmem>>
        %dma_wait3A_799 = arith.constant 0 : i32
        %dma_wait3A_800 = tpu.memref_slice %run_scoped3A_1[%dma_wait3A_793, %dma_wait3A_794, %dma_wait3A_799] : memref<2x16x128xi32, #tpu.memory_space<vmem>> -> memref<1x1x128xi32, #tpu.memory_space<vmem>>
        %dma_wait3A_801 = tpu.memref_squeeze %dma_wait3A_800 : memref<1x1x128xi32, #tpu.memory_space<vmem>> -> memref<128xi32, #tpu.memory_space<vmem>>
        %dma_wait3A_802 = arith.constant 0 : i32
        %dma_wait3A_803 = arith.constant 0 : i32
        %dma_wait3A_804 = tpu.memref_slice %arg7[%dma_wait3A_802, %dma_wait3A_803] : memref<10240x128xf32, #tpu.memory_space<vmem_shared>> -> memref<10240x128xf32, #tpu.memory_space<vmem_shared>>
        tpu.wait_indirect_dma semaphore(%run_scoped3A_5 : memref<!tpu.dma_semaphore, #tpu.memory_space<semaphore_mem>>) src(%dma_wait3A_798 : memref<128x128xf32, #tpu.memory_space<vmem>>) dst(%dma_wait3A_804 : memref<10240x128xf32, #tpu.memory_space<vmem_shared>>)
        %dma_start3A_805 = arith.constant 15 : i32
        %dma_start3A_806 = arith.constant 1 : i32
        %dma_start3A_807 = arith.constant 0 : i32
        %dma_start3A_808 = arith.constant 0 : i32
        %dma_start3A_809 = tpu.memref_slice %run_scoped3A_2[%dma_start3A_806, %dma_start3A_807, %dma_start3A_808] : memref<2x128x128xf32, #tpu.memory_space<vmem>> -> memref<1x128x128xf32, #tpu.memory_space<vmem>>
        %dma_start3A_810 = tpu.memref_squeeze %dma_start3A_809 : memref<1x128x128xf32, #tpu.memory_space<vmem>> -> memref<128x128xf32, #tpu.memory_space<vmem>>
        %dma_start3A_811 = arith.constant 0 : i32
        %dma_start3A_812 = tpu.memref_slice %run_scoped3A[%select_n3A_82, %dma_start3A_805, %dma_start3A_811] : memref<2x16x128xi32, #tpu.memory_space<vmem>> -> memref<1x1x128xi32, #tpu.memory_space<vmem>>
        %dma_start3A_813 = tpu.memref_squeeze %dma_start3A_812 : memref<1x1x128xi32, #tpu.memory_space<vmem>> -> memref<128xi32, #tpu.memory_space<vmem>>
        %dma_start3A_814 = arith.constant 0 : i32
        %dma_start3A_815 = arith.constant 0 : i32
        %dma_start3A_816 = tpu.memref_slice %arg2[%dma_start3A_814, %dma_start3A_815] : memref<10000x128xf32, #tpu.memory_space<hbm>> -> memref<10000x128xf32, #tpu.memory_space<hbm>>
        tpu.enqueue_indirect_dma source(%dma_start3A_816 : memref<10000x128xf32, #tpu.memory_space<hbm>>) target(%dma_start3A_810 : memref<128x128xf32, #tpu.memory_space<vmem>>) offsets(%dma_start3A_813 : memref<128xi32, #tpu.memory_space<vmem>>) semaphore(%run_scoped3A_3 : memref<!tpu.dma_semaphore, #tpu.memory_space<semaphore_mem>>)
        %dma_start3A_817 = arith.constant 0 : i32
        %dma_start3A_818 = arith.constant 14 : i32
        %dma_start3A_819 = arith.constant 0 : i32
        %dma_start3A_820 = arith.constant 0 : i32
        %dma_start3A_821 = tpu.memref_slice %run_scoped3A_2[%dma_start3A_817, %dma_start3A_819, %dma_start3A_820] : memref<2x128x128xf32, #tpu.memory_space<vmem>> -> memref<1x128x128xf32, #tpu.memory_space<vmem>>
        %dma_start3A_822 = tpu.memref_squeeze %dma_start3A_821 : memref<1x128x128xf32, #tpu.memory_space<vmem>> -> memref<128x128xf32, #tpu.memory_space<vmem>>
        %dma_start3A_823 = arith.constant 0 : i32
        %dma_start3A_824 = tpu.memref_slice %run_scoped3A_1[%select_n3A_82, %dma_start3A_818, %dma_start3A_823] : memref<2x16x128xi32, #tpu.memory_space<vmem>> -> memref<1x1x128xi32, #tpu.memory_space<vmem>>
        %dma_start3A_825 = tpu.memref_squeeze %dma_start3A_824 : memref<1x1x128xi32, #tpu.memory_space<vmem>> -> memref<128xi32, #tpu.memory_space<vmem>>
        %dma_start3A_826 = arith.constant 0 : i32
        %dma_start3A_827 = arith.constant 0 : i32
        %dma_start3A_828 = tpu.memref_slice %arg7[%dma_start3A_826, %dma_start3A_827] : memref<10240x128xf32, #tpu.memory_space<vmem_shared>> -> memref<10240x128xf32, #tpu.memory_space<vmem_shared>>
        tpu.enqueue_indirect_dma source(%dma_start3A_822 : memref<128x128xf32, #tpu.memory_space<vmem>>) target(%dma_start3A_828 : memref<10240x128xf32, #tpu.memory_space<vmem_shared>>) offsets(%dma_start3A_825 : memref<128xi32, #tpu.memory_space<vmem>>) semaphore(%run_scoped3A_4 : memref<!tpu.dma_semaphore, #tpu.memory_space<semaphore_mem>>) {add = true}
        %dma_wait3A_829 = arith.constant 0 : i32
        %dma_wait3A_830 = arith.constant 0 : i32
        %dma_wait3A_831 = arith.constant 1 : i32
        %dma_wait3A_832 = arith.constant 0 : i32
        %dma_wait3A_833 = arith.constant 0 : i32
        %dma_wait3A_834 = tpu.memref_slice %run_scoped3A_2[%dma_wait3A_831, %dma_wait3A_832, %dma_wait3A_833] : memref<2x128x128xf32, #tpu.memory_space<vmem>> -> memref<1x128x128xf32, #tpu.memory_space<vmem>>
        %dma_wait3A_835 = tpu.memref_squeeze %dma_wait3A_834 : memref<1x128x128xf32, #tpu.memory_space<vmem>> -> memref<128x128xf32, #tpu.memory_space<vmem>>
        %dma_wait3A_836 = arith.constant 0 : i32
        %dma_wait3A_837 = tpu.memref_slice %run_scoped3A[%dma_wait3A_829, %dma_wait3A_830, %dma_wait3A_836] : memref<2x16x128xi32, #tpu.memory_space<vmem>> -> memref<1x1x128xi32, #tpu.memory_space<vmem>>
        %dma_wait3A_838 = tpu.memref_squeeze %dma_wait3A_837 : memref<1x1x128xi32, #tpu.memory_space<vmem>> -> memref<128xi32, #tpu.memory_space<vmem>>
        %dma_wait3A_839 = arith.constant 0 : i32
        %dma_wait3A_840 = arith.constant 0 : i32
        %dma_wait3A_841 = tpu.memref_slice %arg2[%dma_wait3A_839, %dma_wait3A_840] : memref<10000x128xf32, #tpu.memory_space<hbm>> -> memref<10000x128xf32, #tpu.memory_space<hbm>>
        tpu.wait_indirect_dma semaphore(%run_scoped3A_3 : memref<!tpu.dma_semaphore, #tpu.memory_space<semaphore_mem>>) src(%dma_wait3A_841 : memref<10000x128xf32, #tpu.memory_space<hbm>>) dst(%dma_wait3A_835 : memref<128x128xf32, #tpu.memory_space<vmem>>)
        %dma_wait3A_842 = arith.constant 0 : i32
        %dma_wait3A_843 = arith.constant 0 : i32
        %dma_wait3A_844 = arith.constant 0 : i32
        %dma_wait3A_845 = arith.constant 0 : i32
        %dma_wait3A_846 = arith.constant 0 : i32
        %dma_wait3A_847 = tpu.memref_slice %run_scoped3A_2[%dma_wait3A_842, %dma_wait3A_845, %dma_wait3A_846] : memref<2x128x128xf32, #tpu.memory_space<vmem>> -> memref<1x128x128xf32, #tpu.memory_space<vmem>>
        %dma_wait3A_848 = tpu.memref_squeeze %dma_wait3A_847 : memref<1x128x128xf32, #tpu.memory_space<vmem>> -> memref<128x128xf32, #tpu.memory_space<vmem>>
        %dma_wait3A_849 = arith.constant 0 : i32
        %dma_wait3A_850 = tpu.memref_slice %run_scoped3A_1[%dma_wait3A_843, %dma_wait3A_844, %dma_wait3A_849] : memref<2x16x128xi32, #tpu.memory_space<vmem>> -> memref<1x1x128xi32, #tpu.memory_space<vmem>>
        %dma_wait3A_851 = tpu.memref_squeeze %dma_wait3A_850 : memref<1x1x128xi32, #tpu.memory_space<vmem>> -> memref<128xi32, #tpu.memory_space<vmem>>
        %dma_wait3A_852 = arith.constant 0 : i32
        %dma_wait3A_853 = arith.constant 0 : i32
        %dma_wait3A_854 = tpu.memref_slice %arg7[%dma_wait3A_852, %dma_wait3A_853] : memref<10240x128xf32, #tpu.memory_space<vmem_shared>> -> memref<10240x128xf32, #tpu.memory_space<vmem_shared>>
        tpu.wait_indirect_dma semaphore(%run_scoped3A_4 : memref<!tpu.dma_semaphore, #tpu.memory_space<semaphore_mem>>) src(%dma_wait3A_848 : memref<128x128xf32, #tpu.memory_space<vmem>>) dst(%dma_wait3A_854 : memref<10240x128xf32, #tpu.memory_space<vmem_shared>>)
        %add3A_855 = arith.constant 1 : i32
        %add3A_856 = arith.addi %scan3A_73, %add3A_855 : i32
        %lt3A_857 = arith.constant 5 : i32
        %lt3A_858 = arith.cmpi slt, %add3A_856, %lt3A_857 : i32
        %convert_element_type3A_859 = arith.extui %lt3A_858 : i1 to i32
        %cond3A_860 = arith.constant 0 : i32
        %cond3A_861 = arith.cmpi ne, %convert_element_type3A_859, %cond3A_860 : i32
        scf.if %cond3A_861 {
          %sub3A = arith.constant 1 : i32
          %sub3A_874 = arith.subi %sub3A, %select_n3A_82 : i32
          %dma_start3A_875 = arith.constant 0 : i32
          %dma_start3A_876 = arith.constant 0 : i32
          %dma_start3A_877 = arith.constant 0 : i32
          %dma_start3A_878 = arith.constant 0 : i32
          %dma_start3A_879 = tpu.memref_slice %run_scoped3A_2[%dma_start3A_876, %dma_start3A_877, %dma_start3A_878] : memref<2x128x128xf32, #tpu.memory_space<vmem>> -> memref<1x128x128xf32, #tpu.memory_space<vmem>>
          %dma_start3A_880 = tpu.memref_squeeze %dma_start3A_879 : memref<1x128x128xf32, #tpu.memory_space<vmem>> -> memref<128x128xf32, #tpu.memory_space<vmem>>
          %dma_start3A_881 = arith.constant 0 : i32
          %dma_start3A_882 = tpu.memref_slice %run_scoped3A[%sub3A_874, %dma_start3A_875, %dma_start3A_881] : memref<2x16x128xi32, #tpu.memory_space<vmem>> -> memref<1x1x128xi32, #tpu.memory_space<vmem>>
          %dma_start3A_883 = tpu.memref_squeeze %dma_start3A_882 : memref<1x1x128xi32, #tpu.memory_space<vmem>> -> memref<128xi32, #tpu.memory_space<vmem>>
          %dma_start3A_884 = arith.constant 0 : i32
          %dma_start3A_885 = arith.constant 0 : i32
          %dma_start3A_886 = tpu.memref_slice %arg2[%dma_start3A_884, %dma_start3A_885] : memref<10000x128xf32, #tpu.memory_space<hbm>> -> memref<10000x128xf32, #tpu.memory_space<hbm>>
          tpu.enqueue_indirect_dma source(%dma_start3A_886 : memref<10000x128xf32, #tpu.memory_space<hbm>>) target(%dma_start3A_880 : memref<128x128xf32, #tpu.memory_space<vmem>>) offsets(%dma_start3A_883 : memref<128xi32, #tpu.memory_space<vmem>>) semaphore(%run_scoped3A_3 : memref<!tpu.dma_semaphore, #tpu.memory_space<semaphore_mem>>)
        } else {
        }
        %dma_start3A_862 = arith.constant 1 : i32
        %dma_start3A_863 = arith.constant 15 : i32
        %dma_start3A_864 = arith.constant 0 : i32
        %dma_start3A_865 = arith.constant 0 : i32
        %dma_start3A_866 = tpu.memref_slice %run_scoped3A_2[%dma_start3A_862, %dma_start3A_864, %dma_start3A_865] : memref<2x128x128xf32, #tpu.memory_space<vmem>> -> memref<1x128x128xf32, #tpu.memory_space<vmem>>
        %dma_start3A_867 = tpu.memref_squeeze %dma_start3A_866 : memref<1x128x128xf32, #tpu.memory_space<vmem>> -> memref<128x128xf32, #tpu.memory_space<vmem>>
        %dma_start3A_868 = arith.constant 0 : i32
        %dma_start3A_869 = tpu.memref_slice %run_scoped3A_1[%select_n3A_82, %dma_start3A_863, %dma_start3A_868] : memref<2x16x128xi32, #tpu.memory_space<vmem>> -> memref<1x1x128xi32, #tpu.memory_space<vmem>>
        %dma_start3A_870 = tpu.memref_squeeze %dma_start3A_869 : memref<1x1x128xi32, #tpu.memory_space<vmem>> -> memref<128xi32, #tpu.memory_space<vmem>>
        %dma_start3A_871 = arith.constant 0 : i32
        %dma_start3A_872 = arith.constant 0 : i32
        %dma_start3A_873 = tpu.memref_slice %arg7[%dma_start3A_871, %dma_start3A_872] : memref<10240x128xf32, #tpu.memory_space<vmem_shared>> -> memref<10240x128xf32, #tpu.memory_space<vmem_shared>>
        tpu.enqueue_indirect_dma source(%dma_start3A_867 : memref<128x128xf32, #tpu.memory_space<vmem>>) target(%dma_start3A_873 : memref<10240x128xf32, #tpu.memory_space<vmem_shared>>) offsets(%dma_start3A_870 : memref<128xi32, #tpu.memory_space<vmem>>) semaphore(%run_scoped3A_5 : memref<!tpu.dma_semaphore, #tpu.memory_space<semaphore_mem>>) {add = true}
      }
      %scan3A_36 = arith.constant 5 : i32
      %dma_wait3A = arith.constant 1 : i32
      %dma_wait3A_37 = arith.constant 0 : i32
      %dma_wait3A_38 = arith.constant 0 : i32
      %dma_wait3A_39 = arith.constant 0 : i32
      %dma_wait3A_40 = arith.constant 0 : i32
      %dma_wait3A_41 = tpu.memref_slice %run_scoped3A_2[%dma_wait3A, %dma_wait3A_39, %dma_wait3A_40] : memref<2x128x128xf32, #tpu.memory_space<vmem>> -> memref<1x128x128xf32, #tpu.memory_space<vmem>>
      %dma_wait3A_42 = tpu.memref_squeeze %dma_wait3A_41 : memref<1x128x128xf32, #tpu.memory_space<vmem>> -> memref<128x128xf32, #tpu.memory_space<vmem>>
      %dma_wait3A_43 = arith.constant 0 : i32
      %dma_wait3A_44 = tpu.memref_slice %run_scoped3A_1[%dma_wait3A_37, %dma_wait3A_38, %dma_wait3A_43] : memref<2x16x128xi32, #tpu.memory_space<vmem>> -> memref<1x1x128xi32, #tpu.memory_space<vmem>>
      %dma_wait3A_45 = tpu.memref_squeeze %dma_wait3A_44 : memref<1x1x128xi32, #tpu.memory_space<vmem>> -> memref<128xi32, #tpu.memory_space<vmem>>
      %dma_wait3A_46 = arith.constant 0 : i32
      %dma_wait3A_47 = arith.constant 0 : i32
      %dma_wait3A_48 = tpu.memref_slice %arg7[%dma_wait3A_46, %dma_wait3A_47] : memref<10240x128xf32, #tpu.memory_space<vmem_shared>> -> memref<10240x128xf32, #tpu.memory_space<vmem_shared>>
      tpu.wait_indirect_dma semaphore(%run_scoped3A_5 : memref<!tpu.dma_semaphore, #tpu.memory_space<semaphore_mem>>) src(%dma_wait3A_42 : memref<128x128xf32, #tpu.memory_space<vmem>>) dst(%dma_wait3A_48 : memref<10240x128xf32, #tpu.memory_space<vmem_shared>>)
      %barrier3A_49 = arith.constant 0 : index
      tpu.barrier barrier_id(%barrier3A_49)
      %mul3A_50 = arith.constant 10240 : i32
      %mul3A_51 = arith.muli %arg0, %mul3A_50 : i32
      %add3A_52 = arith.addi %mul3A_51, %mul3A_7 : i32
      %add3A_53 = arith.constant 0 : i32
      %add3A_54 = arith.addi %mul3A_7, %add3A_53 : i32
      %add3A_55 = arith.constant 0 : i32
      %add3A_56 = arith.addi %add3A_52, %add3A_55 : i32
      "tpu.region"() ({
        %run_scoped3A_73 = tpu.sem_alloc : memref<!tpu.dma_semaphore, #tpu.memory_space<semaphore_mem>>
        %dma_start3A_74 = arith.constant 0 : i32
        %dma_start3A_75 = tpu.memref_slice %arg6[%add3A_56, %dma_start3A_74] : memref<20480x128xf32, #tpu.memory_space<hbm>> -> memref<128x128xf32, #tpu.memory_space<hbm>>
        %dma_start3A_76 = arith.constant 0 : i32
        %dma_start3A_77 = tpu.memref_slice %arg7[%add3A_54, %dma_start3A_76] : memref<10240x128xf32, #tpu.memory_space<vmem_shared>> -> memref<128x128xf32, #tpu.memory_space<vmem_shared>>
        tpu.enqueue_dma source(%dma_start3A_77 : memref<128x128xf32, #tpu.memory_space<vmem_shared>>) target(%dma_start3A_75 : memref<128x128xf32, #tpu.memory_space<hbm>>) target_semaphore(%run_scoped3A_73 : memref<!tpu.dma_semaphore, #tpu.memory_space<semaphore_mem>>)
        %dma_wait3A_78 = arith.constant 0 : i32
        %dma_wait3A_79 = tpu.memref_slice %arg6[%add3A_56, %dma_wait3A_78] : memref<20480x128xf32, #tpu.memory_space<hbm>> -> memref<128x128xf32, #tpu.memory_space<hbm>>
        %dma_wait3A_80 = arith.constant 0 : i32
        %dma_wait3A_81 = tpu.memref_slice %arg7[%add3A_54, %dma_wait3A_80] : memref<10240x128xf32, #tpu.memory_space<vmem_shared>> -> memref<128x128xf32, #tpu.memory_space<vmem_shared>>
        tpu.wait_dma2 semaphore(%run_scoped3A_73 : memref<!tpu.dma_semaphore, #tpu.memory_space<semaphore_mem>>) src(%dma_wait3A_81 : memref<128x128xf32, #tpu.memory_space<vmem_shared>>) dst(%dma_wait3A_79 : memref<128x128xf32, #tpu.memory_space<hbm>>)
        tpu.yield
      }) : () -> ()
      %add3A_57 = arith.constant 128 : i32
      %add3A_58 = arith.addi %mul3A_7, %add3A_57 : i32
      %add3A_59 = arith.constant 128 : i32
      %add3A_60 = arith.addi %add3A_52, %add3A_59 : i32
      "tpu.region"() ({
        %run_scoped3A_73 = tpu.sem_alloc : memref<!tpu.dma_semaphore, #tpu.memory_space<semaphore_mem>>
        %dma_start3A_74 = arith.constant 0 : i32
        %dma_start3A_75 = tpu.memref_slice %arg6[%add3A_60, %dma_start3A_74] : memref<20480x128xf32, #tpu.memory_space<hbm>> -> memref<128x128xf32, #tpu.memory_space<hbm>>
        %dma_start3A_76 = arith.constant 0 : i32
        %dma_start3A_77 = tpu.memref_slice %arg7[%add3A_58, %dma_start3A_76] : memref<10240x128xf32, #tpu.memory_space<vmem_shared>> -> memref<128x128xf32, #tpu.memory_space<vmem_shared>>
        tpu.enqueue_dma source(%dma_start3A_77 : memref<128x128xf32, #tpu.memory_space<vmem_shared>>) target(%dma_start3A_75 : memref<128x128xf32, #tpu.memory_space<hbm>>) target_semaphore(%run_scoped3A_73 : memref<!tpu.dma_semaphore, #tpu.memory_space<semaphore_mem>>)
        %dma_wait3A_78 = arith.constant 0 : i32
        %dma_wait3A_79 = tpu.memref_slice %arg6[%add3A_60, %dma_wait3A_78] : memref<20480x128xf32, #tpu.memory_space<hbm>> -> memref<128x128xf32, #tpu.memory_space<hbm>>
        %dma_wait3A_80 = arith.constant 0 : i32
        %dma_wait3A_81 = tpu.memref_slice %arg7[%add3A_58, %dma_wait3A_80] : memref<10240x128xf32, #tpu.memory_space<vmem_shared>> -> memref<128x128xf32, #tpu.memory_space<vmem_shared>>
        tpu.wait_dma2 semaphore(%run_scoped3A_73 : memref<!tpu.dma_semaphore, #tpu.memory_space<semaphore_mem>>) src(%dma_wait3A_81 : memref<128x128xf32, #tpu.memory_space<vmem_shared>>) dst(%dma_wait3A_79 : memref<128x128xf32, #tpu.memory_space<hbm>>)
        tpu.yield
      }) : () -> ()
      %add3A_61 = arith.constant 256 : i32
      %add3A_62 = arith.addi %mul3A_7, %add3A_61 : i32
      %add3A_63 = arith.constant 256 : i32
      %add3A_64 = arith.addi %add3A_52, %add3A_63 : i32
      "tpu.region"() ({
        %run_scoped3A_73 = tpu.sem_alloc : memref<!tpu.dma_semaphore, #tpu.memory_space<semaphore_mem>>
        %dma_start3A_74 = arith.constant 0 : i32
        %dma_start3A_75 = tpu.memref_slice %arg6[%add3A_64, %dma_start3A_74] : memref<20480x128xf32, #tpu.memory_space<hbm>> -> memref<128x128xf32, #tpu.memory_space<hbm>>
        %dma_start3A_76 = arith.constant 0 : i32
        %dma_start3A_77 = tpu.memref_slice %arg7[%add3A_62, %dma_start3A_76] : memref<10240x128xf32, #tpu.memory_space<vmem_shared>> -> memref<128x128xf32, #tpu.memory_space<vmem_shared>>
        tpu.enqueue_dma source(%dma_start3A_77 : memref<128x128xf32, #tpu.memory_space<vmem_shared>>) target(%dma_start3A_75 : memref<128x128xf32, #tpu.memory_space<hbm>>) target_semaphore(%run_scoped3A_73 : memref<!tpu.dma_semaphore, #tpu.memory_space<semaphore_mem>>)
        %dma_wait3A_78 = arith.constant 0 : i32
        %dma_wait3A_79 = tpu.memref_slice %arg6[%add3A_64, %dma_wait3A_78] : memref<20480x128xf32, #tpu.memory_space<hbm>> -> memref<128x128xf32, #tpu.memory_space<hbm>>
        %dma_wait3A_80 = arith.constant 0 : i32
        %dma_wait3A_81 = tpu.memref_slice %arg7[%add3A_62, %dma_wait3A_80] : memref<10240x128xf32, #tpu.memory_space<vmem_shared>> -> memref<128x128xf32, #tpu.memory_space<vmem_shared>>
        tpu.wait_dma2 semaphore(%run_scoped3A_73 : memref<!tpu.dma_semaphore, #tpu.memory_space<semaphore_mem>>) src(%dma_wait3A_81 : memref<128x128xf32, #tpu.memory_space<vmem_shared>>) dst(%dma_wait3A_79 : memref<128x128xf32, #tpu.memory_space<hbm>>)
        tpu.yield
      }) : () -> ()
      %add3A_65 = arith.constant 384 : i32
      %add3A_66 = arith.addi %mul3A_7, %add3A_65 : i32
      %add3A_67 = arith.constant 384 : i32
      %add3A_68 = arith.addi %add3A_52, %add3A_67 : i32
      "tpu.region"() ({
        %run_scoped3A_73 = tpu.sem_alloc : memref<!tpu.dma_semaphore, #tpu.memory_space<semaphore_mem>>
        %dma_start3A_74 = arith.constant 0 : i32
        %dma_start3A_75 = tpu.memref_slice %arg6[%add3A_68, %dma_start3A_74] : memref<20480x128xf32, #tpu.memory_space<hbm>> -> memref<128x128xf32, #tpu.memory_space<hbm>>
        %dma_start3A_76 = arith.constant 0 : i32
        %dma_start3A_77 = tpu.memref_slice %arg7[%add3A_66, %dma_start3A_76] : memref<10240x128xf32, #tpu.memory_space<vmem_shared>> -> memref<128x128xf32, #tpu.memory_space<vmem_shared>>
        tpu.enqueue_dma source(%dma_start3A_77 : memref<128x128xf32, #tpu.memory_space<vmem_shared>>) target(%dma_start3A_75 : memref<128x128xf32, #tpu.memory_space<hbm>>) target_semaphore(%run_scoped3A_73 : memref<!tpu.dma_semaphore, #tpu.memory_space<semaphore_mem>>)
        %dma_wait3A_78 = arith.constant 0 : i32
        %dma_wait3A_79 = tpu.memref_slice %arg6[%add3A_68, %dma_wait3A_78] : memref<20480x128xf32, #tpu.memory_space<hbm>> -> memref<128x128xf32, #tpu.memory_space<hbm>>
        %dma_wait3A_80 = arith.constant 0 : i32
        %dma_wait3A_81 = tpu.memref_slice %arg7[%add3A_66, %dma_wait3A_80] : memref<10240x128xf32, #tpu.memory_space<vmem_shared>> -> memref<128x128xf32, #tpu.memory_space<vmem_shared>>
        tpu.wait_dma2 semaphore(%run_scoped3A_73 : memref<!tpu.dma_semaphore, #tpu.memory_space<semaphore_mem>>) src(%dma_wait3A_81 : memref<128x128xf32, #tpu.memory_space<vmem_shared>>) dst(%dma_wait3A_79 : memref<128x128xf32, #tpu.memory_space<hbm>>)
        tpu.yield
      }) : () -> ()
      %add3A_69 = arith.constant 512 : i32
      %add3A_70 = arith.addi %mul3A_7, %add3A_69 : i32
      %add3A_71 = arith.constant 512 : i32
      %add3A_72 = arith.addi %add3A_52, %add3A_71 : i32
      "tpu.region"() ({
        %run_scoped3A_73 = tpu.sem_alloc : memref<!tpu.dma_semaphore, #tpu.memory_space<semaphore_mem>>
        %dma_start3A_74 = arith.constant 0 : i32
        %dma_start3A_75 = tpu.memref_slice %arg6[%add3A_72, %dma_start3A_74] : memref<20480x128xf32, #tpu.memory_space<hbm>> -> memref<128x128xf32, #tpu.memory_space<hbm>>
        %dma_start3A_76 = arith.constant 0 : i32
        %dma_start3A_77 = tpu.memref_slice %arg7[%add3A_70, %dma_start3A_76] : memref<10240x128xf32, #tpu.memory_space<vmem_shared>> -> memref<128x128xf32, #tpu.memory_space<vmem_shared>>
        tpu.enqueue_dma source(%dma_start3A_77 : memref<128x128xf32, #tpu.memory_space<vmem_shared>>) target(%dma_start3A_75 : memref<128x128xf32, #tpu.memory_space<hbm>>) target_semaphore(%run_scoped3A_73 : memref<!tpu.dma_semaphore, #tpu.memory_space<semaphore_mem>>)
        %dma_wait3A_78 = arith.constant 0 : i32
        %dma_wait3A_79 = tpu.memref_slice %arg6[%add3A_72, %dma_wait3A_78] : memref<20480x128xf32, #tpu.memory_space<hbm>> -> memref<128x128xf32, #tpu.memory_space<hbm>>
        %dma_wait3A_80 = arith.constant 0 : i32
        %dma_wait3A_81 = tpu.memref_slice %arg7[%add3A_70, %dma_wait3A_80] : memref<10240x128xf32, #tpu.memory_space<vmem_shared>> -> memref<128x128xf32, #tpu.memory_space<vmem_shared>>
        tpu.wait_dma2 semaphore(%run_scoped3A_73 : memref<!tpu.dma_semaphore, #tpu.memory_space<semaphore_mem>>) src(%dma_wait3A_81 : memref<128x128xf32, #tpu.memory_space<vmem_shared>>) dst(%dma_wait3A_79 : memref<128x128xf32, #tpu.memory_space<hbm>>)
        tpu.yield
      }) : () -> ()
      tpu.yield
    }) : () -> ()
    return
  }
}

#map = affine_map<(d0, d1) -> (0, 0)>
#map1 = affine_map<(d0, d1) -> (0, 0, 0)>
module attributes {stable_mosaic.version = 14 : i64} {
  func.func @body(%arg0: i32, %arg1: i32, %arg2: memref<10000x128xf32, #tpu.memory_space<hbm>>, %arg3: memref<32x80x128xi32, #tpu.memory_space<hbm>>, %arg4: memref<32x80x128xi32, #tpu.memory_space<hbm>>, %arg5: memref<128x128xf32, #tpu.memory_space<hbm>>, %arg6: memref<20480x128xf32, #tpu.memory_space<hbm>>, %arg7: memref<10240x128xf32, #tpu.memory_space<vmem_shared>>) attributes {dimension_semantics = [#tpu.dimension_semantics<core_parallel>, #tpu.dimension_semantics<subcore_parallel>], iteration_bounds = array<i64: 2, 16>, scalar_prefetch = 0 : i64, scratch_operands = 1 : i64, tpu.core_type = #tpu.core_type<sc_vector_subcore>, window_params = [{transform_indices = #map}, {transform_indices = #map1}, {transform_indices = #map1}, {transform_indices = #map}, {transform_indices = #map}]} {
    %mul3A = arith.constant 2 : i32
    %mul3A_0 = arith.muli %arg1, %mul3A : i32
    %add3A = arith.addi %mul3A_0, %arg0 : i32
    "tpu.region"() ({
      %run_scoped3A = memref.alloca() : memref<2x16x128xi32, #tpu.memory_space<vmem>>
      %run_scoped3A_1 = memref.alloca() : memref<2x16x128xi32, #tpu.memory_space<vmem>>
      %run_scoped3A_2 = memref.alloca() : memref<2x128x128xf32, #tpu.memory_space<vmem>>
      %run_scoped3A_3 = tpu.sem_alloc : memref<!tpu.dma_semaphore, #tpu.memory_space<semaphore_mem>>
      %run_scoped3A_4 = tpu.sem_alloc : memref<!tpu.dma_semaphore, #tpu.memory_space<semaphore_mem>>
      %run_scoped3A_5 = tpu.sem_alloc : memref<!tpu.dma_semaphore, #tpu.memory_space<semaphore_mem>>
      %mul3A_6 = arith.constant 640 : i32
      %mul3A_7 = arith.muli %arg1, %mul3A_6 : i32
      %add3A_8 = arith.constant 0 : i32
      %add3A_9 = arith.addi %mul3A_7, %add3A_8 : i32
      "tpu.region"() ({
        %run_scoped3A_73 = tpu.sem_alloc : memref<!tpu.dma_semaphore, #tpu.memory_space<semaphore_mem>>
        %dma_start3A_74 = arith.constant 0 : i32
        %dma_start3A_75 = tpu.memref_slice %arg7[%add3A_9, %dma_start3A_74] : memref<10240x128xf32, #tpu.memory_space<vmem_shared>> -> memref<128x128xf32, #tpu.memory_space<vmem_shared>>
        tpu.enqueue_dma source(%arg5 : memref<128x128xf32, #tpu.memory_space<hbm>>) target(%dma_start3A_75 : memref<128x128xf32, #tpu.memory_space<vmem_shared>>) target_semaphore(%run_scoped3A_73 : memref<!tpu.dma_semaphore, #tpu.memory_space<semaphore_mem>>)
        %dma_wait3A_76 = arith.constant 0 : i32
        %dma_wait3A_77 = tpu.memref_slice %arg7[%add3A_9, %dma_wait3A_76] : memref<10240x128xf32, #tpu.memory_space<vmem_shared>> -> memref<128x128xf32, #tpu.memory_space<vmem_shared>>
        tpu.wait_dma2 semaphore(%run_scoped3A_73 : memref<!tpu.dma_semaphore, #tpu.memory_space<semaphore_mem>>) src(%arg5 : memref<128x128xf32, #tpu.memory_space<hbm>>) dst(%dma_wait3A_77 : memref<128x128xf32, #tpu.memory_space<vmem_shared>>)
        tpu.yield
      }) : () -> ()
      %add3A_10 = arith.constant 128 : i32
      %add3A_11 = arith.addi %mul3A_7, %add3A_10 : i32
      "tpu.region"() ({
        %run_scoped3A_73 = tpu.sem_alloc : memref<!tpu.dma_semaphore, #tpu.memory_space<semaphore_mem>>
        %dma_start3A_74 = arith.constant 0 : i32
        %dma_start3A_75 = tpu.memref_slice %arg7[%add3A_11, %dma_start3A_74] : memref<10240x128xf32, #tpu.memory_space<vmem_shared>> -> memref<128x128xf32, #tpu.memory_space<vmem_shared>>
        tpu.enqueue_dma source(%arg5 : memref<128x128xf32, #tpu.memory_space<hbm>>) target(%dma_start3A_75 : memref<128x128xf32, #tpu.memory_space<vmem_shared>>) target_semaphore(%run_scoped3A_73 : memref<!tpu.dma_semaphore, #tpu.memory_space<semaphore_mem>>)
        %dma_wait3A_76 = arith.constant 0 : i32
        %dma_wait3A_77 = tpu.memref_slice %arg7[%add3A_11, %dma_wait3A_76] : memref<10240x128xf32, #tpu.memory_space<vmem_shared>> -> memref<128x128xf32, #tpu.memory_space<vmem_shared>>
        tpu.wait_dma2 semaphore(%run_scoped3A_73 : memref<!tpu.dma_semaphore, #tpu.memory_space<semaphore_mem>>) src(%arg5 : memref<128x128xf32, #tpu.memory_space<hbm>>) dst(%dma_wait3A_77 : memref<128x128xf32, #tpu.memory_space<vmem_shared>>)
        tpu.yield
      }) : () -> ()
      %add3A_12 = arith.constant 256 : i32
      %add3A_13 = arith.addi %mul3A_7, %add3A_12 : i32
      "tpu.region"() ({
        %run_scoped3A_73 = tpu.sem_alloc : memref<!tpu.dma_semaphore, #tpu.memory_space<semaphore_mem>>
        %dma_start3A_74 = arith.constant 0 : i32
        %dma_start3A_75 = tpu.memref_slice %arg7[%add3A_13, %dma_start3A_74] : memref<10240x128xf32, #tpu.memory_space<vmem_shared>> -> memref<128x128xf32, #tpu.memory_space<vmem_shared>>
        tpu.enqueue_dma source(%arg5 : memref<128x128xf32, #tpu.memory_space<hbm>>) target(%dma_start3A_75 : memref<128x128xf32, #tpu.memory_space<vmem_shared>>) target_semaphore(%run_scoped3A_73 : memref<!tpu.dma_semaphore, #tpu.memory_space<semaphore_mem>>)
        %dma_wait3A_76 = arith.constant 0 : i32
        %dma_wait3A_77 = tpu.memref_slice %arg7[%add3A_13, %dma_wait3A_76] : memref<10240x128xf32, #tpu.memory_space<vmem_shared>> -> memref<128x128xf32, #tpu.memory_space<vmem_shared>>
        tpu.wait_dma2 semaphore(%run_scoped3A_73 : memref<!tpu.dma_semaphore, #tpu.memory_space<semaphore_mem>>) src(%arg5 : memref<128x128xf32, #tpu.memory_space<hbm>>) dst(%dma_wait3A_77 : memref<128x128xf32, #tpu.memory_space<vmem_shared>>)
        tpu.yield
      }) : () -> ()
      %add3A_14 = arith.constant 384 : i32
      %add3A_15 = arith.addi %mul3A_7, %add3A_14 : i32
      "tpu.region"() ({
        %run_scoped3A_73 = tpu.sem_alloc : memref<!tpu.dma_semaphore, #tpu.memory_space<semaphore_mem>>
        %dma_start3A_74 = arith.constant 0 : i32
        %dma_start3A_75 = tpu.memref_slice %arg7[%add3A_15, %dma_start3A_74] : memref<10240x128xf32, #tpu.memory_space<vmem_shared>> -> memref<128x128xf32, #tpu.memory_space<vmem_shared>>
        tpu.enqueue_dma source(%arg5 : memref<128x128xf32, #tpu.memory_space<hbm>>) target(%dma_start3A_75 : memref<128x128xf32, #tpu.memory_space<vmem_shared>>) target_semaphore(%run_scoped3A_73 : memref<!tpu.dma_semaphore, #tpu.memory_space<semaphore_mem>>)
        %dma_wait3A_76 = arith.constant 0 : i32
        %dma_wait3A_77 = tpu.memref_slice %arg7[%add3A_15, %dma_wait3A_76] : memref<10240x128xf32, #tpu.memory_space<vmem_shared>> -> memref<128x128xf32, #tpu.memory_space<vmem_shared>>
        tpu.wait_dma2 semaphore(%run_scoped3A_73 : memref<!tpu.dma_semaphore, #tpu.memory_space<semaphore_mem>>) src(%arg5 : memref<128x128xf32, #tpu.memory_space<hbm>>) dst(%dma_wait3A_77 : memref<128x128xf32, #tpu.memory_space<vmem_shared>>)
        tpu.yield
      }) : () -> ()
      %add3A_16 = arith.constant 512 : i32
      %add3A_17 = arith.addi %mul3A_7, %add3A_16 : i32
      "tpu.region"() ({
        %run_scoped3A_73 = tpu.sem_alloc : memref<!tpu.dma_semaphore, #tpu.memory_space<semaphore_mem>>
        %dma_start3A_74 = arith.constant 0 : i32
        %dma_start3A_75 = tpu.memref_slice %arg7[%add3A_17, %dma_start3A_74] : memref<10240x128xf32, #tpu.memory_space<vmem_shared>> -> memref<128x128xf32, #tpu.memory_space<vmem_shared>>
        tpu.enqueue_dma source(%arg5 : memref<128x128xf32, #tpu.memory_space<hbm>>) target(%dma_start3A_75 : memref<128x128xf32, #tpu.memory_space<vmem_shared>>) target_semaphore(%run_scoped3A_73 : memref<!tpu.dma_semaphore, #tpu.memory_space<semaphore_mem>>)
        %dma_wait3A_76 = arith.constant 0 : i32
        %dma_wait3A_77 = tpu.memref_slice %arg7[%add3A_17, %dma_wait3A_76] : memref<10240x128xf32, #tpu.memory_space<vmem_shared>> -> memref<128x128xf32, #tpu.memory_space<vmem_shared>>
        tpu.wait_dma2 semaphore(%run_scoped3A_73 : memref<!tpu.dma_semaphore, #tpu.memory_space<semaphore_mem>>) src(%arg5 : memref<128x128xf32, #tpu.memory_space<hbm>>) dst(%dma_wait3A_77 : memref<128x128xf32, #tpu.memory_space<vmem_shared>>)
        tpu.yield
      }) : () -> ()
      %barrier3A = arith.constant 0 : index
      tpu.barrier barrier_id(%barrier3A)
      %run_scoped3A_18 = arith.constant 0 : i32
      "tpu.region"() ({
        %run_scoped3A_73 = tpu.sem_alloc : memref<!tpu.dma_semaphore, #tpu.memory_space<semaphore_mem>>
        %dma_start3A_74 = arith.constant 0 : i32
        %dma_start3A_75 = arith.constant 0 : i32
        %dma_start3A_76 = tpu.memref_slice %run_scoped3A[%run_scoped3A_18, %dma_start3A_74, %dma_start3A_75] : memref<2x16x128xi32, #tpu.memory_space<vmem>> -> memref<1x16x128xi32, #tpu.memory_space<vmem>>
        %dma_start3A_77 = tpu.memref_squeeze %dma_start3A_76 : memref<1x16x128xi32, #tpu.memory_space<vmem>> -> memref<16x128xi32, #tpu.memory_space<vmem>>
        %dma_start3A_78 = arith.constant 0 : i32
        %dma_start3A_79 = arith.constant 0 : i32
        %dma_start3A_80 = tpu.memref_slice %arg3[%add3A, %dma_start3A_78, %dma_start3A_79] : memref<32x80x128xi32, #tpu.memory_space<hbm>> -> memref<1x16x128xi32, #tpu.memory_space<hbm>>
        %dma_start3A_81 = tpu.memref_squeeze %dma_start3A_80 : memref<1x16x128xi32, #tpu.memory_space<hbm>> -> memref<16x128xi32, #tpu.memory_space<hbm>>
        %dma_start3A_82 = arith.constant 0 : i32
        %dma_start3A_83 = arith.constant 0 : i32
        %dma_start3A_84 = tpu.memref_slice %run_scoped3A[%run_scoped3A_18, %dma_start3A_82, %dma_start3A_83] : memref<2x16x128xi32, #tpu.memory_space<vmem>> -> memref<1x16x128xi32, #tpu.memory_space<vmem>>
        %dma_start3A_85 = tpu.memref_squeeze %dma_start3A_84 : memref<1x16x128xi32, #tpu.memory_space<vmem>> -> memref<16x128xi32, #tpu.memory_space<vmem>>
        %dma_start3A_86 = arith.constant 0 : i32
        %dma_start3A_87 = arith.constant 0 : i32
        %dma_start3A_88 = tpu.memref_slice %arg3[%add3A, %dma_start3A_86, %dma_start3A_87] : memref<32x80x128xi32, #tpu.memory_space<hbm>> -> memref<1x16x128xi32, #tpu.memory_space<hbm>>
        %dma_start3A_89 = tpu.memref_squeeze %dma_start3A_88 : memref<1x16x128xi32, #tpu.memory_space<hbm>> -> memref<16x128xi32, #tpu.memory_space<hbm>>
        tpu.enqueue_dma source(%dma_start3A_89 : memref<16x128xi32, #tpu.memory_space<hbm>>) target(%dma_start3A_85 : memref<16x128xi32, #tpu.memory_space<vmem>>) target_semaphore(%run_scoped3A_73 : memref<!tpu.dma_semaphore, #tpu.memory_space<semaphore_mem>>)
        %dma_wait3A_90 = arith.constant 0 : i32
        %dma_wait3A_91 = arith.constant 0 : i32
        %dma_wait3A_92 = tpu.memref_slice %run_scoped3A[%run_scoped3A_18, %dma_wait3A_90, %dma_wait3A_91] : memref<2x16x128xi32, #tpu.memory_space<vmem>> -> memref<1x16x128xi32, #tpu.memory_space<vmem>>
        %dma_wait3A_93 = tpu.memref_squeeze %dma_wait3A_92 : memref<1x16x128xi32, #tpu.memory_space<vmem>> -> memref<16x128xi32, #tpu.memory_space<vmem>>
        %dma_wait3A_94 = arith.constant 0 : i32
        %dma_wait3A_95 = arith.constant 0 : i32
        %dma_wait3A_96 = tpu.memref_slice %arg3[%add3A, %dma_wait3A_94, %dma_wait3A_95] : memref<32x80x128xi32, #tpu.memory_space<hbm>> -> memref<1x16x128xi32, #tpu.memory_space<hbm>>
        %dma_wait3A_97 = tpu.memref_squeeze %dma_wait3A_96 : memref<1x16x128xi32, #tpu.memory_space<hbm>> -> memref<16x128xi32, #tpu.memory_space<hbm>>
        %dma_wait3A_98 = arith.constant 0 : i32
        %dma_wait3A_99 = arith.constant 0 : i32
        %dma_wait3A_100 = tpu.memref_slice %run_scoped3A[%run_scoped3A_18, %dma_wait3A_98, %dma_wait3A_99] : memref<2x16x128xi32, #tpu.memory_space<vmem>> -> memref<1x16x128xi32, #tpu.memory_space<vmem>>
        %dma_wait3A_101 = tpu.memref_squeeze %dma_wait3A_100 : memref<1x16x128xi32, #tpu.memory_space<vmem>> -> memref<16x128xi32, #tpu.memory_space<vmem>>
        %dma_wait3A_102 = arith.constant 0 : i32
        %dma_wait3A_103 = arith.constant 0 : i32
        %dma_wait3A_104 = tpu.memref_slice %arg3[%add3A, %dma_wait3A_102, %dma_wait3A_103] : memref<32x80x128xi32, #tpu.memory_space<hbm>> -> memref<1x16x128xi32, #tpu.memory_space<hbm>>
        %dma_wait3A_105 = tpu.memref_squeeze %dma_wait3A_104 : memref<1x16x128xi32, #tpu.memory_space<hbm>> -> memref<16x128xi32, #tpu.memory_space<hbm>>
        tpu.wait_dma2 semaphore(%run_scoped3A_73 : memref<!tpu.dma_semaphore, #tpu.memory_space<semaphore_mem>>) src(%dma_wait3A_105 : memref<16x128xi32, #tpu.memory_space<hbm>>) dst(%dma_wait3A_101 : memref<16x128xi32, #tpu.memory_space<vmem>>)
        tpu.yield
      }) : () -> ()
      %run_scoped3A_19 = arith.constant 0 : i32
      "tpu.region"() ({
        %run_scoped3A_73 = tpu.sem_alloc : memref<!tpu.dma_semaphore, #tpu.memory_space<semaphore_mem>>
        %dma_start3A_74 = arith.constant 0 : i32
        %dma_start3A_75 = arith.constant 0 : i32
        %dma_start3A_76 = tpu.memref_slice %run_scoped3A_1[%run_scoped3A_19, %dma_start3A_74, %dma_start3A_75] : memref<2x16x128xi32, #tpu.memory_space<vmem>> -> memref<1x16x128xi32, #tpu.memory_space<vmem>>
        %dma_start3A_77 = tpu.memref_squeeze %dma_start3A_76 : memref<1x16x128xi32, #tpu.memory_space<vmem>> -> memref<16x128xi32, #tpu.memory_space<vmem>>
        %dma_start3A_78 = arith.constant 0 : i32
        %dma_start3A_79 = arith.constant 0 : i32
        %dma_start3A_80 = tpu.memref_slice %arg4[%add3A, %dma_start3A_78, %dma_start3A_79] : memref<32x80x128xi32, #tpu.memory_space<hbm>> -> memref<1x16x128xi32, #tpu.memory_space<hbm>>
        %dma_start3A_81 = tpu.memref_squeeze %dma_start3A_80 : memref<1x16x128xi32, #tpu.memory_space<hbm>> -> memref<16x128xi32, #tpu.memory_space<hbm>>
        %dma_start3A_82 = arith.constant 0 : i32
        %dma_start3A_83 = arith.constant 0 : i32
        %dma_start3A_84 = tpu.memref_slice %run_scoped3A_1[%run_scoped3A_19, %dma_start3A_82, %dma_start3A_83] : memref<2x16x128xi32, #tpu.memory_space<vmem>> -> memref<1x16x128xi32, #tpu.memory_space<vmem>>
        %dma_start3A_85 = tpu.memref_squeeze %dma_start3A_84 : memref<1x16x128xi32, #tpu.memory_space<vmem>> -> memref<16x128xi32, #tpu.memory_space<vmem>>
        %dma_start3A_86 = arith.constant 0 : i32
        %dma_start3A_87 = arith.constant 0 : i32
        %dma_start3A_88 = tpu.memref_slice %arg4[%add3A, %dma_start3A_86, %dma_start3A_87] : memref<32x80x128xi32, #tpu.memory_space<hbm>> -> memref<1x16x128xi32, #tpu.memory_space<hbm>>
        %dma_start3A_89 = tpu.memref_squeeze %dma_start3A_88 : memref<1x16x128xi32, #tpu.memory_space<hbm>> -> memref<16x128xi32, #tpu.memory_space<hbm>>
        tpu.enqueue_dma source(%dma_start3A_89 : memref<16x128xi32, #tpu.memory_space<hbm>>) target(%dma_start3A_85 : memref<16x128xi32, #tpu.memory_space<vmem>>) target_semaphore(%run_scoped3A_73 : memref<!tpu.dma_semaphore, #tpu.memory_space<semaphore_mem>>)
        %dma_wait3A_90 = arith.constant 0 : i32
        %dma_wait3A_91 = arith.constant 0 : i32
        %dma_wait3A_92 = tpu.memref_slice %run_scoped3A_1[%run_scoped3A_19, %dma_wait3A_90, %dma_wait3A_91] : memref<2x16x128xi32, #tpu.memory_space<vmem>> -> memref<1x16x128xi32, #tpu.memory_space<vmem>>
        %dma_wait3A_93 = tpu.memref_squeeze %dma_wait3A_92 : memref<1x16x128xi32, #tpu.memory_space<vmem>> -> memref<16x128xi32, #tpu.memory_space<vmem>>
        %dma_wait3A_94 = arith.constant 0 : i32
        %dma_wait3A_95 = arith.constant 0 : i32
        %dma_wait3A_96 = tpu.memref_slice %arg4[%add3A, %dma_wait3A_94, %dma_wait3A_95] : memref<32x80x128xi32, #tpu.memory_space<hbm>> -> memref<1x16x128xi32, #tpu.memory_space<hbm>>
        %dma_wait3A_97 = tpu.memref_squeeze %dma_wait3A_96 : memref<1x16x128xi32, #tpu.memory_space<hbm>> -> memref<16x128xi32, #tpu.memory_space<hbm>>
        %dma_wait3A_98 = arith.constant 0 : i32
        %dma_wait3A_99 = arith.constant 0 : i32
        %dma_wait3A_100 = tpu.memref_slice %run_scoped3A_1[%run_scoped3A_19, %dma_wait3A_98, %dma_wait3A_99] : memref<2x16x128xi32, #tpu.memory_space<vmem>> -> memref<1x16x128xi32, #tpu.memory_space<vmem>>
        %dma_wait3A_101 = tpu.memref_squeeze %dma_wait3A_100 : memref<1x16x128xi32, #tpu.memory_space<vmem>> -> memref<16x128xi32, #tpu.memory_space<vmem>>
        %dma_wait3A_102 = arith.constant 0 : i32
        %dma_wait3A_103 = arith.constant 0 : i32
        %dma_wait3A_104 = tpu.memref_slice %arg4[%add3A, %dma_wait3A_102, %dma_wait3A_103] : memref<32x80x128xi32, #tpu.memory_space<hbm>> -> memref<1x16x128xi32, #tpu.memory_space<hbm>>
        %dma_wait3A_105 = tpu.memref_squeeze %dma_wait3A_104 : memref<1x16x128xi32, #tpu.memory_space<hbm>> -> memref<16x128xi32, #tpu.memory_space<hbm>>
        tpu.wait_dma2 semaphore(%run_scoped3A_73 : memref<!tpu.dma_semaphore, #tpu.memory_space<semaphore_mem>>) src(%dma_wait3A_105 : memref<16x128xi32, #tpu.memory_space<hbm>>) dst(%dma_wait3A_101 : memref<16x128xi32, #tpu.memory_space<vmem>>)
        tpu.yield
      }) : () -> ()
      %dma_start3A = arith.constant 0 : i32
      %dma_start3A_20 = arith.constant 0 : i32
      %dma_start3A_21 = arith.constant 0 : i32
      %dma_start3A_22 = arith.constant 0 : i32
      %dma_start3A_23 = arith.constant 0 : i32
      %dma_start3A_24 = tpu.memref_slice %run_scoped3A_2[%dma_start3A_21, %dma_start3A_22, %dma_start3A_23] : memref<2x128x128xf32, #tpu.memory_space<vmem>> -> memref<1x128x128xf32, #tpu.memory_space<vmem>>
      %dma_start3A_25 = tpu.memref_squeeze %dma_start3A_24 : memref<1x128x128xf32, #tpu.memory_space<vmem>> -> memref<128x128xf32, #tpu.memory_space<vmem>>
      %dma_start3A_26 = arith.constant 0 : i32
      %dma_start3A_27 = tpu.memref_slice %run_scoped3A[%dma_start3A, %dma_start3A_20, %dma_start3A_26] : memref<2x16x128xi32, #tpu.memory_space<vmem>> -> memref<1x1x128xi32, #tpu.memory_space<vmem>>
      %dma_start3A_28 = tpu.memref_squeeze %dma_start3A_27 : memref<1x1x128xi32, #tpu.memory_space<vmem>> -> memref<128xi32, #tpu.memory_space<vmem>>
      %dma_start3A_29 = arith.constant 0 : i32
      %dma_start3A_30 = arith.constant 0 : i32
      %dma_start3A_31 = tpu.memref_slice %arg2[%dma_start3A_29, %dma_start3A_30] : memref<10000x128xf32, #tpu.memory_space<hbm>> -> memref<10000x128xf32, #tpu.memory_space<hbm>>
      tpu.enqueue_indirect_dma source(%dma_start3A_31 : memref<10000x128xf32, #tpu.memory_space<hbm>>) target(%dma_start3A_25 : memref<128x128xf32, #tpu.memory_space<vmem>>) offsets(%dma_start3A_28 : memref<128xi32, #tpu.memory_space<vmem>>) semaphore(%run_scoped3A_3 : memref<!tpu.dma_semaphore, #tpu.memory_space<semaphore_mem>>)
      %scan3A = arith.constant 0 : i32
      %scan3A_32 = arith.constant 0 : i32
      %scan3A_33 = arith.constant 5 : i32
      %scan3A_34 = arith.addi %scan3A_32, %scan3A_33 : i32
      %scan3A_35 = arith.constant 1 : i32
      scf.for %scan3A_73 = %scan3A_32 to %scan3A_34 step %scan3A_35  : i32 {
        %jit3A = arith.constant 2 : i32
        %eq3A = arith.constant 0 : i32
        %eq3A_74 = arith.cmpi eq, %jit3A, %eq3A : i32
        %jit3A_75 = arith.constant 1 : i32
        %select_n3A = arith.select %eq3A_74, %jit3A_75, %jit3A : i32
        %rem3A = arith.remsi %scan3A_73, %select_n3A : i32
        %ne3A = arith.constant 0 : i32
        %ne3A_76 = arith.cmpi ne, %rem3A, %ne3A : i32
        %lt3A = arith.constant 0 : i32
        %lt3A_77 = arith.cmpi slt, %rem3A, %lt3A : i32
        %lt3A_78 = arith.constant 0 : i32
        %lt3A_79 = arith.cmpi slt, %select_n3A, %lt3A_78 : i32
        %ne3A_80 = arith.xori %lt3A_77, %lt3A_79 : i1
        %and3A = arith.andi %ne3A_80, %ne3A_76 : i1
        %add3A_81 = arith.addi %rem3A, %select_n3A : i32
        %select_n3A_82 = arith.select %and3A, %add3A_81, %rem3A : i32
        %add3A_83 = arith.constant 1 : i32
        %add3A_84 = arith.addi %scan3A_73, %add3A_83 : i32
        %lt3A_85 = arith.constant 5 : i32
        %lt3A_86 = arith.cmpi slt, %add3A_84, %lt3A_85 : i32
        %convert_element_type3A = arith.extui %lt3A_86 : i1 to i32
        %cond3A = arith.constant 0 : i32
        %cond3A_87 = arith.cmpi ne, %convert_element_type3A, %cond3A : i32
        scf.if %cond3A_87 {
          %add3A_874 = arith.constant 1 : i32
          %add3A_875 = arith.addi %scan3A_73, %add3A_874 : i32
          %mul3A_876 = arith.constant 16 : i32
          %mul3A_877 = arith.muli %add3A_875, %mul3A_876 : i32
          %sub3A = arith.constant 1 : i32
          %sub3A_878 = arith.subi %sub3A, %select_n3A_82 : i32
          "tpu.region"() ({
            %run_scoped3A_885 = tpu.sem_alloc : memref<!tpu.dma_semaphore, #tpu.memory_space<semaphore_mem>>
            %dma_start3A_886 = arith.constant 0 : i32
            %dma_start3A_887 = arith.constant 0 : i32
            %dma_start3A_888 = tpu.memref_slice %run_scoped3A[%sub3A_878, %dma_start3A_886, %dma_start3A_887] : memref<2x16x128xi32, #tpu.memory_space<vmem>> -> memref<1x16x128xi32, #tpu.memory_space<vmem>>
            %dma_start3A_889 = tpu.memref_squeeze %dma_start3A_888 : memref<1x16x128xi32, #tpu.memory_space<vmem>> -> memref<16x128xi32, #tpu.memory_space<vmem>>
            %dma_start3A_890 = arith.constant 0 : i32
            %dma_start3A_891 = tpu.memref_slice %arg3[%add3A, %mul3A_877, %dma_start3A_890] : memref<32x80x128xi32, #tpu.memory_space<hbm>> -> memref<1x16x128xi32, #tpu.memory_space<hbm>>
            %dma_start3A_892 = tpu.memref_squeeze %dma_start3A_891 : memref<1x16x128xi32, #tpu.memory_space<hbm>> -> memref<16x128xi32, #tpu.memory_space<hbm>>
            %dma_start3A_893 = arith.constant 0 : i32
            %dma_start3A_894 = arith.constant 0 : i32
            %dma_start3A_895 = tpu.memref_slice %run_scoped3A[%sub3A_878, %dma_start3A_893, %dma_start3A_894] : memref<2x16x128xi32, #tpu.memory_space<vmem>> -> memref<1x16x128xi32, #tpu.memory_space<vmem>>
            %dma_start3A_896 = tpu.memref_squeeze %dma_start3A_895 : memref<1x16x128xi32, #tpu.memory_space<vmem>> -> memref<16x128xi32, #tpu.memory_space<vmem>>
            %dma_start3A_897 = arith.constant 0 : i32
            %dma_start3A_898 = tpu.memref_slice %arg3[%add3A, %mul3A_877, %dma_start3A_897] : memref<32x80x128xi32, #tpu.memory_space<hbm>> -> memref<1x16x128xi32, #tpu.memory_space<hbm>>
            %dma_start3A_899 = tpu.memref_squeeze %dma_start3A_898 : memref<1x16x128xi32, #tpu.memory_space<hbm>> -> memref<16x128xi32, #tpu.memory_space<hbm>>
            tpu.enqueue_dma source(%dma_start3A_899 : memref<16x128xi32, #tpu.memory_space<hbm>>) target(%dma_start3A_896 : memref<16x128xi32, #tpu.memory_space<vmem>>) target_semaphore(%run_scoped3A_885 : memref<!tpu.dma_semaphore, #tpu.memory_space<semaphore_mem>>)
            %dma_wait3A_900 = arith.constant 0 : i32
            %dma_wait3A_901 = arith.constant 0 : i32
            %dma_wait3A_902 = tpu.memref_slice %run_scoped3A[%sub3A_878, %dma_wait3A_900, %dma_wait3A_901] : memref<2x16x128xi32, #tpu.memory_space<vmem>> -> memref<1x16x128xi32, #tpu.memory_space<vmem>>
            %dma_wait3A_903 = tpu.memref_squeeze %dma_wait3A_902 : memref<1x16x128xi32, #tpu.memory_space<vmem>> -> memref<16x128xi32, #tpu.memory_space<vmem>>
            %dma_wait3A_904 = arith.constant 0 : i32
            %dma_wait3A_905 = tpu.memref_slice %arg3[%add3A, %mul3A_877, %dma_wait3A_904] : memref<32x80x128xi32, #tpu.memory_space<hbm>> -> memref<1x16x128xi32, #tpu.memory_space<hbm>>
            %dma_wait3A_906 = tpu.memref_squeeze %dma_wait3A_905 : memref<1x16x128xi32, #tpu.memory_space<hbm>> -> memref<16x128xi32, #tpu.memory_space<hbm>>
            %dma_wait3A_907 = arith.constant 0 : i32
            %dma_wait3A_908 = arith.constant 0 : i32
            %dma_wait3A_909 = tpu.memref_slice %run_scoped3A[%sub3A_878, %dma_wait3A_907, %dma_wait3A_908] : memref<2x16x128xi32, #tpu.memory_space<vmem>> -> memref<1x16x128xi32, #tpu.memory_space<vmem>>
            %dma_wait3A_910 = tpu.memref_squeeze %dma_wait3A_909 : memref<1x16x128xi32, #tpu.memory_space<vmem>> -> memref<16x128xi32, #tpu.memory_space<vmem>>
            %dma_wait3A_911 = arith.constant 0 : i32
            %dma_wait3A_912 = tpu.memref_slice %arg3[%add3A, %mul3A_877, %dma_wait3A_911] : memref<32x80x128xi32, #tpu.memory_space<hbm>> -> memref<1x16x128xi32, #tpu.memory_space<hbm>>
            %dma_wait3A_913 = tpu.memref_squeeze %dma_wait3A_912 : memref<1x16x128xi32, #tpu.memory_space<hbm>> -> memref<16x128xi32, #tpu.memory_space<hbm>>
            tpu.wait_dma2 semaphore(%run_scoped3A_885 : memref<!tpu.dma_semaphore, #tpu.memory_space<semaphore_mem>>) src(%dma_wait3A_913 : memref<16x128xi32, #tpu.memory_space<hbm>>) dst(%dma_wait3A_910 : memref<16x128xi32, #tpu.memory_space<vmem>>)
            tpu.yield
          }) : () -> ()
          %add3A_879 = arith.constant 1 : i32
          %add3A_880 = arith.addi %scan3A_73, %add3A_879 : i32
          %mul3A_881 = arith.constant 16 : i32
          %mul3A_882 = arith.muli %add3A_880, %mul3A_881 : i32
          %sub3A_883 = arith.constant 1 : i32
          %sub3A_884 = arith.subi %sub3A_883, %select_n3A_82 : i32
          "tpu.region"() ({
            %run_scoped3A_885 = tpu.sem_alloc : memref<!tpu.dma_semaphore, #tpu.memory_space<semaphore_mem>>
            %dma_start3A_886 = arith.constant 0 : i32
            %dma_start3A_887 = arith.constant 0 : i32
            %dma_start3A_888 = tpu.memref_slice %run_scoped3A_1[%sub3A_884, %dma_start3A_886, %dma_start3A_887] : memref<2x16x128xi32, #tpu.memory_space<vmem>> -> memref<1x16x128xi32, #tpu.memory_space<vmem>>
            %dma_start3A_889 = tpu.memref_squeeze %dma_start3A_888 : memref<1x16x128xi32, #tpu.memory_space<vmem>> -> memref<16x128xi32, #tpu.memory_space<vmem>>
            %dma_start3A_890 = arith.constant 0 : i32
            %dma_start3A_891 = tpu.memref_slice %arg4[%add3A, %mul3A_882, %dma_start3A_890] : memref<32x80x128xi32, #tpu.memory_space<hbm>> -> memref<1x16x128xi32, #tpu.memory_space<hbm>>
            %dma_start3A_892 = tpu.memref_squeeze %dma_start3A_891 : memref<1x16x128xi32, #tpu.memory_space<hbm>> -> memref<16x128xi32, #tpu.memory_space<hbm>>
            %dma_start3A_893 = arith.constant 0 : i32
            %dma_start3A_894 = arith.constant 0 : i32
            %dma_start3A_895 = tpu.memref_slice %run_scoped3A_1[%sub3A_884, %dma_start3A_893, %dma_start3A_894] : memref<2x16x128xi32, #tpu.memory_space<vmem>> -> memref<1x16x128xi32, #tpu.memory_space<vmem>>
            %dma_start3A_896 = tpu.memref_squeeze %dma_start3A_895 : memref<1x16x128xi32, #tpu.memory_space<vmem>> -> memref<16x128xi32, #tpu.memory_space<vmem>>
            %dma_start3A_897 = arith.constant 0 : i32
            %dma_start3A_898 = tpu.memref_slice %arg4[%add3A, %mul3A_882, %dma_start3A_897] : memref<32x80x128xi32, #tpu.memory_space<hbm>> -> memref<1x16x128xi32, #tpu.memory_space<hbm>>
            %dma_start3A_899 = tpu.memref_squeeze %dma_start3A_898 : memref<1x16x128xi32, #tpu.memory_space<hbm>> -> memref<16x128xi32, #tpu.memory_space<hbm>>
            tpu.enqueue_dma source(%dma_start3A_899 : memref<16x128xi32, #tpu.memory_space<hbm>>) target(%dma_start3A_896 : memref<16x128xi32, #tpu.memory_space<vmem>>) target_semaphore(%run_scoped3A_885 : memref<!tpu.dma_semaphore, #tpu.memory_space<semaphore_mem>>)
            %dma_wait3A_900 = arith.constant 0 : i32
            %dma_wait3A_901 = arith.constant 0 : i32
            %dma_wait3A_902 = tpu.memref_slice %run_scoped3A_1[%sub3A_884, %dma_wait3A_900, %dma_wait3A_901] : memref<2x16x128xi32, #tpu.memory_space<vmem>> -> memref<1x16x128xi32, #tpu.memory_space<vmem>>
            %dma_wait3A_903 = tpu.memref_squeeze %dma_wait3A_902 : memref<1x16x128xi32, #tpu.memory_space<vmem>> -> memref<16x128xi32, #tpu.memory_space<vmem>>
            %dma_wait3A_904 = arith.constant 0 : i32
            %dma_wait3A_905 = tpu.memref_slice %arg4[%add3A, %mul3A_882, %dma_wait3A_904] : memref<32x80x128xi32, #tpu.memory_space<hbm>> -> memref<1x16x128xi32, #tpu.memory_space<hbm>>
            %dma_wait3A_906 = tpu.memref_squeeze %dma_wait3A_905 : memref<1x16x128xi32, #tpu.memory_space<hbm>> -> memref<16x128xi32, #tpu.memory_space<hbm>>
            %dma_wait3A_907 = arith.constant 0 : i32
            %dma_wait3A_908 = arith.constant 0 : i32
            %dma_wait3A_909 = tpu.memref_slice %run_scoped3A_1[%sub3A_884, %dma_wait3A_907, %dma_wait3A_908] : memref<2x16x128xi32, #tpu.memory_space<vmem>> -> memref<1x16x128xi32, #tpu.memory_space<vmem>>
            %dma_wait3A_910 = tpu.memref_squeeze %dma_wait3A_909 : memref<1x16x128xi32, #tpu.memory_space<vmem>> -> memref<16x128xi32, #tpu.memory_space<vmem>>
            %dma_wait3A_911 = arith.constant 0 : i32
            %dma_wait3A_912 = tpu.memref_slice %arg4[%add3A, %mul3A_882, %dma_wait3A_911] : memref<32x80x128xi32, #tpu.memory_space<hbm>> -> memref<1x16x128xi32, #tpu.memory_space<hbm>>
            %dma_wait3A_913 = tpu.memref_squeeze %dma_wait3A_912 : memref<1x16x128xi32, #tpu.memory_space<hbm>> -> memref<16x128xi32, #tpu.memory_space<hbm>>
            tpu.wait_dma2 semaphore(%run_scoped3A_885 : memref<!tpu.dma_semaphore, #tpu.memory_space<semaphore_mem>>) src(%dma_wait3A_913 : memref<16x128xi32, #tpu.memory_space<hbm>>) dst(%dma_wait3A_910 : memref<16x128xi32, #tpu.memory_space<vmem>>)
            tpu.yield
          }) : () -> ()
        } else {
        }
        %dma_wait3A_88 = arith.constant 0 : i32
        %dma_wait3A_89 = arith.constant 0 : i32
        %dma_wait3A_90 = arith.constant 0 : i32
        %dma_wait3A_91 = arith.constant 0 : i32
        %dma_wait3A_92 = arith.constant 0 : i32
        %dma_wait3A_93 = tpu.memref_slice %run_scoped3A_2[%dma_wait3A_90, %dma_wait3A_91, %dma_wait3A_92] : memref<2x128x128xf32, #tpu.memory_space<vmem>> -> memref<1x128x128xf32, #tpu.memory_space<vmem>>
        %dma_wait3A_94 = tpu.memref_squeeze %dma_wait3A_93 : memref<1x128x128xf32, #tpu.memory_space<vmem>> -> memref<128x128xf32, #tpu.memory_space<vmem>>
        %dma_wait3A_95 = arith.constant 0 : i32
        %dma_wait3A_96 = tpu.memref_slice %run_scoped3A[%dma_wait3A_88, %dma_wait3A_89, %dma_wait3A_95] : memref<2x16x128xi32, #tpu.memory_space<vmem>> -> memref<1x1x128xi32, #tpu.memory_space<vmem>>
        %dma_wait3A_97 = tpu.memref_squeeze %dma_wait3A_96 : memref<1x1x128xi32, #tpu.memory_space<vmem>> -> memref<128xi32, #tpu.memory_space<vmem>>
        %dma_wait3A_98 = arith.constant 0 : i32
        %dma_wait3A_99 = arith.constant 0 : i32
        %dma_wait3A_100 = tpu.memref_slice %arg2[%dma_wait3A_98, %dma_wait3A_99] : memref<10000x128xf32, #tpu.memory_space<hbm>> -> memref<10000x128xf32, #tpu.memory_space<hbm>>
        tpu.wait_indirect_dma semaphore(%run_scoped3A_3 : memref<!tpu.dma_semaphore, #tpu.memory_space<semaphore_mem>>) src(%dma_wait3A_100 : memref<10000x128xf32, #tpu.memory_space<hbm>>) dst(%dma_wait3A_94 : memref<128x128xf32, #tpu.memory_space<vmem>>)
        %gt3A = arith.constant 0 : i32
        %gt3A_101 = arith.cmpi sgt, %scan3A_73, %gt3A : i32
        %convert_element_type3A_102 = arith.extui %gt3A_101 : i1 to i32
        %cond3A_103 = arith.constant 0 : i32
        %cond3A_104 = arith.cmpi ne, %convert_element_type3A_102, %cond3A_103 : i32
        scf.if %cond3A_104 {
          %dma_wait3A_874 = arith.constant 1 : i32
          %dma_wait3A_875 = arith.constant 0 : i32
          %dma_wait3A_876 = arith.constant 0 : i32
          %dma_wait3A_877 = arith.constant 0 : i32
          %dma_wait3A_878 = arith.constant 0 : i32
          %dma_wait3A_879 = tpu.memref_slice %run_scoped3A_2[%dma_wait3A_874, %dma_wait3A_877, %dma_wait3A_878] : memref<2x128x128xf32, #tpu.memory_space<vmem>> -> memref<1x128x128xf32, #tpu.memory_space<vmem>>
          %dma_wait3A_880 = tpu.memref_squeeze %dma_wait3A_879 : memref<1x128x128xf32, #tpu.memory_space<vmem>> -> memref<128x128xf32, #tpu.memory_space<vmem>>
          %dma_wait3A_881 = arith.constant 0 : i32
          %dma_wait3A_882 = tpu.memref_slice %run_scoped3A_1[%dma_wait3A_875, %dma_wait3A_876, %dma_wait3A_881] : memref<2x16x128xi32, #tpu.memory_space<vmem>> -> memref<1x1x128xi32, #tpu.memory_space<vmem>>
          %dma_wait3A_883 = tpu.memref_squeeze %dma_wait3A_882 : memref<1x1x128xi32, #tpu.memory_space<vmem>> -> memref<128xi32, #tpu.memory_space<vmem>>
          %dma_wait3A_884 = arith.constant 0 : i32
          %dma_wait3A_885 = arith.constant 0 : i32
          %dma_wait3A_886 = tpu.memref_slice %arg7[%dma_wait3A_884, %dma_wait3A_885] : memref<10240x128xf32, #tpu.memory_space<vmem_shared>> -> memref<10240x128xf32, #tpu.memory_space<vmem_shared>>
          tpu.wait_indirect_dma semaphore(%run_scoped3A_5 : memref<!tpu.dma_semaphore, #tpu.memory_space<semaphore_mem>>) src(%dma_wait3A_880 : memref<128x128xf32, #tpu.memory_space<vmem>>) dst(%dma_wait3A_886 : memref<10240x128xf32, #tpu.memory_space<vmem_shared>>)
        } else {
        }
        %dma_start3A_105 = arith.constant 1 : i32
        %dma_start3A_106 = arith.constant 1 : i32
        %dma_start3A_107 = arith.constant 0 : i32
        %dma_start3A_108 = arith.constant 0 : i32
        %dma_start3A_109 = tpu.memref_slice %run_scoped3A_2[%dma_start3A_106, %dma_start3A_107, %dma_start3A_108] : memref<2x128x128xf32, #tpu.memory_space<vmem>> -> memref<1x128x128xf32, #tpu.memory_space<vmem>>
        %dma_start3A_110 = tpu.memref_squeeze %dma_start3A_109 : memref<1x128x128xf32, #tpu.memory_space<vmem>> -> memref<128x128xf32, #tpu.memory_space<vmem>>
        %dma_start3A_111 = arith.constant 0 : i32
        %dma_start3A_112 = tpu.memref_slice %run_scoped3A[%select_n3A_82, %dma_start3A_105, %dma_start3A_111] : memref<2x16x128xi32, #tpu.memory_space<vmem>> -> memref<1x1x128xi32, #tpu.memory_space<vmem>>
        %dma_start3A_113 = tpu.memref_squeeze %dma_start3A_112 : memref<1x1x128xi32, #tpu.memory_space<vmem>> -> memref<128xi32, #tpu.memory_space<vmem>>
        %dma_start3A_114 = arith.constant 0 : i32
        %dma_start3A_115 = arith.constant 0 : i32
        %dma_start3A_116 = tpu.memref_slice %arg2[%dma_start3A_114, %dma_start3A_115] : memref<10000x128xf32, #tpu.memory_space<hbm>> -> memref<10000x128xf32, #tpu.memory_space<hbm>>
        tpu.enqueue_indirect_dma source(%dma_start3A_116 : memref<10000x128xf32, #tpu.memory_space<hbm>>) target(%dma_start3A_110 : memref<128x128xf32, #tpu.memory_space<vmem>>) offsets(%dma_start3A_113 : memref<128xi32, #tpu.memory_space<vmem>>) semaphore(%run_scoped3A_3 : memref<!tpu.dma_semaphore, #tpu.memory_space<semaphore_mem>>)
        %dma_start3A_117 = arith.constant 0 : i32
        %dma_start3A_118 = arith.constant 0 : i32
        %dma_start3A_119 = arith.constant 0 : i32
        %dma_start3A_120 = arith.constant 0 : i32
        %dma_start3A_121 = tpu.memref_slice %run_scoped3A_2[%dma_start3A_117, %dma_start3A_119, %dma_start3A_120] : memref<2x128x128xf32, #tpu.memory_space<vmem>> -> memref<1x128x128xf32, #tpu.memory_space<vmem>>
        %dma_start3A_122 = tpu.memref_squeeze %dma_start3A_121 : memref<1x128x128xf32, #tpu.memory_space<vmem>> -> memref<128x128xf32, #tpu.memory_space<vmem>>
        %dma_start3A_123 = arith.constant 0 : i32
        %dma_start3A_124 = tpu.memref_slice %run_scoped3A_1[%select_n3A_82, %dma_start3A_118, %dma_start3A_123] : memref<2x16x128xi32, #tpu.memory_space<vmem>> -> memref<1x1x128xi32, #tpu.memory_space<vmem>>
        %dma_start3A_125 = tpu.memref_squeeze %dma_start3A_124 : memref<1x1x128xi32, #tpu.memory_space<vmem>> -> memref<128xi32, #tpu.memory_space<vmem>>
        %dma_start3A_126 = arith.constant 0 : i32
        %dma_start3A_127 = arith.constant 0 : i32
        %dma_start3A_128 = tpu.memref_slice %arg7[%dma_start3A_126, %dma_start3A_127] : memref<10240x128xf32, #tpu.memory_space<vmem_shared>> -> memref<10240x128xf32, #tpu.memory_space<vmem_shared>>
        tpu.enqueue_indirect_dma source(%dma_start3A_122 : memref<128x128xf32, #tpu.memory_space<vmem>>) target(%dma_start3A_128 : memref<10240x128xf32, #tpu.memory_space<vmem_shared>>) offsets(%dma_start3A_125 : memref<128xi32, #tpu.memory_space<vmem>>) semaphore(%run_scoped3A_4 : memref<!tpu.dma_semaphore, #tpu.memory_space<semaphore_mem>>) {add = true}
        %dma_wait3A_129 = arith.constant 0 : i32
        %dma_wait3A_130 = arith.constant 0 : i32
        %dma_wait3A_131 = arith.constant 1 : i32
        %dma_wait3A_132 = arith.constant 0 : i32
        %dma_wait3A_133 = arith.constant 0 : i32
        %dma_wait3A_134 = tpu.memref_slice %run_scoped3A_2[%dma_wait3A_131, %dma_wait3A_132, %dma_wait3A_133] : memref<2x128x128xf32, #tpu.memory_space<vmem>> -> memref<1x128x128xf32, #tpu.memory_space<vmem>>
        %dma_wait3A_135 = tpu.memref_squeeze %dma_wait3A_134 : memref<1x128x128xf32, #tpu.memory_space<vmem>> -> memref<128x128xf32, #tpu.memory_space<vmem>>
        %dma_wait3A_136 = arith.constant 0 : i32
        %dma_wait3A_137 = tpu.memref_slice %run_scoped3A[%dma_wait3A_129, %dma_wait3A_130, %dma_wait3A_136] : memref<2x16x128xi32, #tpu.memory_space<vmem>> -> memref<1x1x128xi32, #tpu.memory_space<vmem>>
        %dma_wait3A_138 = tpu.memref_squeeze %dma_wait3A_137 : memref<1x1x128xi32, #tpu.memory_space<vmem>> -> memref<128xi32, #tpu.memory_space<vmem>>
        %dma_wait3A_139 = arith.constant 0 : i32
        %dma_wait3A_140 = arith.constant 0 : i32
        %dma_wait3A_141 = tpu.memref_slice %arg2[%dma_wait3A_139, %dma_wait3A_140] : memref<10000x128xf32, #tpu.memory_space<hbm>> -> memref<10000x128xf32, #tpu.memory_space<hbm>>
        tpu.wait_indirect_dma semaphore(%run_scoped3A_3 : memref<!tpu.dma_semaphore, #tpu.memory_space<semaphore_mem>>) src(%dma_wait3A_141 : memref<10000x128xf32, #tpu.memory_space<hbm>>) dst(%dma_wait3A_135 : memref<128x128xf32, #tpu.memory_space<vmem>>)
        %dma_wait3A_142 = arith.constant 0 : i32
        %dma_wait3A_143 = arith.constant 0 : i32
        %dma_wait3A_144 = arith.constant 0 : i32
        %dma_wait3A_145 = arith.constant 0 : i32
        %dma_wait3A_146 = arith.constant 0 : i32
        %dma_wait3A_147 = tpu.memref_slice %run_scoped3A_2[%dma_wait3A_142, %dma_wait3A_145, %dma_wait3A_146] : memref<2x128x128xf32, #tpu.memory_space<vmem>> -> memref<1x128x128xf32, #tpu.memory_space<vmem>>
        %dma_wait3A_148 = tpu.memref_squeeze %dma_wait3A_147 : memref<1x128x128xf32, #tpu.memory_space<vmem>> -> memref<128x128xf32, #tpu.memory_space<vmem>>
        %dma_wait3A_149 = arith.constant 0 : i32
        %dma_wait3A_150 = tpu.memref_slice %run_scoped3A_1[%dma_wait3A_143, %dma_wait3A_144, %dma_wait3A_149] : memref<2x16x128xi32, #tpu.memory_space<vmem>> -> memref<1x1x128xi32, #tpu.memory_space<vmem>>
        %dma_wait3A_151 = tpu.memref_squeeze %dma_wait3A_150 : memref<1x1x128xi32, #tpu.memory_space<vmem>> -> memref<128xi32, #tpu.memory_space<vmem>>
        %dma_wait3A_152 = arith.constant 0 : i32
        %dma_wait3A_153 = arith.constant 0 : i32
        %dma_wait3A_154 = tpu.memref_slice %arg7[%dma_wait3A_152, %dma_wait3A_153] : memref<10240x128xf32, #tpu.memory_space<vmem_shared>> -> memref<10240x128xf32, #tpu.memory_space<vmem_shared>>
        tpu.wait_indirect_dma semaphore(%run_scoped3A_4 : memref<!tpu.dma_semaphore, #tpu.memory_space<semaphore_mem>>) src(%dma_wait3A_148 : memref<128x128xf32, #tpu.memory_space<vmem>>) dst(%dma_wait3A_154 : memref<10240x128xf32, #tpu.memory_space<vmem_shared>>)
        %dma_start3A_155 = arith.constant 2 : i32
        %dma_start3A_156 = arith.constant 0 : i32
        %dma_start3A_157 = arith.constant 0 : i32
        %dma_start3A_158 = arith.constant 0 : i32
        %dma_start3A_159 = tpu.memref_slice %run_scoped3A_2[%dma_start3A_156, %dma_start3A_157, %dma_start3A_158] : memref<2x128x128xf32, #tpu.memory_space<vmem>> -> memref<1x128x128xf32, #tpu.memory_space<vmem>>
        %dma_start3A_160 = tpu.memref_squeeze %dma_start3A_159 : memref<1x128x128xf32, #tpu.memory_space<vmem>> -> memref<128x128xf32, #tpu.memory_space<vmem>>
        %dma_start3A_161 = arith.constant 0 : i32
        %dma_start3A_162 = tpu.memref_slice %run_scoped3A[%select_n3A_82, %dma_start3A_155, %dma_start3A_161] : memref<2x16x128xi32, #tpu.memory_space<vmem>> -> memref<1x1x128xi32, #tpu.memory_space<vmem>>
        %dma_start3A_163 = tpu.memref_squeeze %dma_start3A_162 : memref<1x1x128xi32, #tpu.memory_space<vmem>> -> memref<128xi32, #tpu.memory_space<vmem>>
        %dma_start3A_164 = arith.constant 0 : i32
        %dma_start3A_165 = arith.constant 0 : i32
        %dma_start3A_166 = tpu.memref_slice %arg2[%dma_start3A_164, %dma_start3A_165] : memref<10000x128xf32, #tpu.memory_space<hbm>> -> memref<10000x128xf32, #tpu.memory_space<hbm>>
        tpu.enqueue_indirect_dma source(%dma_start3A_166 : memref<10000x128xf32, #tpu.memory_space<hbm>>) target(%dma_start3A_160 : memref<128x128xf32, #tpu.memory_space<vmem>>) offsets(%dma_start3A_163 : memref<128xi32, #tpu.memory_space<vmem>>) semaphore(%run_scoped3A_3 : memref<!tpu.dma_semaphore, #tpu.memory_space<semaphore_mem>>)
        %dma_start3A_167 = arith.constant 1 : i32
        %dma_start3A_168 = arith.constant 1 : i32
        %dma_start3A_169 = arith.constant 0 : i32
        %dma_start3A_170 = arith.constant 0 : i32
        %dma_start3A_171 = tpu.memref_slice %run_scoped3A_2[%dma_start3A_167, %dma_start3A_169, %dma_start3A_170] : memref<2x128x128xf32, #tpu.memory_space<vmem>> -> memref<1x128x128xf32, #tpu.memory_space<vmem>>
        %dma_start3A_172 = tpu.memref_squeeze %dma_start3A_171 : memref<1x128x128xf32, #tpu.memory_space<vmem>> -> memref<128x128xf32, #tpu.memory_space<vmem>>
        %dma_start3A_173 = arith.constant 0 : i32
        %dma_start3A_174 = tpu.memref_slice %run_scoped3A_1[%select_n3A_82, %dma_start3A_168, %dma_start3A_173] : memref<2x16x128xi32, #tpu.memory_space<vmem>> -> memref<1x1x128xi32, #tpu.memory_space<vmem>>
        %dma_start3A_175 = tpu.memref_squeeze %dma_start3A_174 : memref<1x1x128xi32, #tpu.memory_space<vmem>> -> memref<128xi32, #tpu.memory_space<vmem>>
        %dma_start3A_176 = arith.constant 0 : i32
        %dma_start3A_177 = arith.constant 0 : i32
        %dma_start3A_178 = tpu.memref_slice %arg7[%dma_start3A_176, %dma_start3A_177] : memref<10240x128xf32, #tpu.memory_space<vmem_shared>> -> memref<10240x128xf32, #tpu.memory_space<vmem_shared>>
        tpu.enqueue_indirect_dma source(%dma_start3A_172 : memref<128x128xf32, #tpu.memory_space<vmem>>) target(%dma_start3A_178 : memref<10240x128xf32, #tpu.memory_space<vmem_shared>>) offsets(%dma_start3A_175 : memref<128xi32, #tpu.memory_space<vmem>>) semaphore(%run_scoped3A_5 : memref<!tpu.dma_semaphore, #tpu.memory_space<semaphore_mem>>) {add = true}
        %dma_wait3A_179 = arith.constant 0 : i32
        %dma_wait3A_180 = arith.constant 0 : i32
        %dma_wait3A_181 = arith.constant 0 : i32
        %dma_wait3A_182 = arith.constant 0 : i32
        %dma_wait3A_183 = arith.constant 0 : i32
        %dma_wait3A_184 = tpu.memref_slice %run_scoped3A_2[%dma_wait3A_181, %dma_wait3A_182, %dma_wait3A_183] : memref<2x128x128xf32, #tpu.memory_space<vmem>> -> memref<1x128x128xf32, #tpu.memory_space<vmem>>
        %dma_wait3A_185 = tpu.memref_squeeze %dma_wait3A_184 : memref<1x128x128xf32, #tpu.memory_space<vmem>> -> memref<128x128xf32, #tpu.memory_space<vmem>>
        %dma_wait3A_186 = arith.constant 0 : i32
        %dma_wait3A_187 = tpu.memref_slice %run_scoped3A[%dma_wait3A_179, %dma_wait3A_180, %dma_wait3A_186] : memref<2x16x128xi32, #tpu.memory_space<vmem>> -> memref<1x1x128xi32, #tpu.memory_space<vmem>>
        %dma_wait3A_188 = tpu.memref_squeeze %dma_wait3A_187 : memref<1x1x128xi32, #tpu.memory_space<vmem>> -> memref<128xi32, #tpu.memory_space<vmem>>
        %dma_wait3A_189 = arith.constant 0 : i32
        %dma_wait3A_190 = arith.constant 0 : i32
        %dma_wait3A_191 = tpu.memref_slice %arg2[%dma_wait3A_189, %dma_wait3A_190] : memref<10000x128xf32, #tpu.memory_space<hbm>> -> memref<10000x128xf32, #tpu.memory_space<hbm>>
        tpu.wait_indirect_dma semaphore(%run_scoped3A_3 : memref<!tpu.dma_semaphore, #tpu.memory_space<semaphore_mem>>) src(%dma_wait3A_191 : memref<10000x128xf32, #tpu.memory_space<hbm>>) dst(%dma_wait3A_185 : memref<128x128xf32, #tpu.memory_space<vmem>>)
        %dma_wait3A_192 = arith.constant 1 : i32
        %dma_wait3A_193 = arith.constant 0 : i32
        %dma_wait3A_194 = arith.constant 0 : i32
        %dma_wait3A_195 = arith.constant 0 : i32
        %dma_wait3A_196 = arith.constant 0 : i32
        %dma_wait3A_197 = tpu.memref_slice %run_scoped3A_2[%dma_wait3A_192, %dma_wait3A_195, %dma_wait3A_196] : memref<2x128x128xf32, #tpu.memory_space<vmem>> -> memref<1x128x128xf32, #tpu.memory_space<vmem>>
        %dma_wait3A_198 = tpu.memref_squeeze %dma_wait3A_197 : memref<1x128x128xf32, #tpu.memory_space<vmem>> -> memref<128x128xf32, #tpu.memory_space<vmem>>
        %dma_wait3A_199 = arith.constant 0 : i32
        %dma_wait3A_200 = tpu.memref_slice %run_scoped3A_1[%dma_wait3A_193, %dma_wait3A_194, %dma_wait3A_199] : memref<2x16x128xi32, #tpu.memory_space<vmem>> -> memref<1x1x128xi32, #tpu.memory_space<vmem>>
        %dma_wait3A_201 = tpu.memref_squeeze %dma_wait3A_200 : memref<1x1x128xi32, #tpu.memory_space<vmem>> -> memref<128xi32, #tpu.memory_space<vmem>>
        %dma_wait3A_202 = arith.constant 0 : i32
        %dma_wait3A_203 = arith.constant 0 : i32
        %dma_wait3A_204 = tpu.memref_slice %arg7[%dma_wait3A_202, %dma_wait3A_203] : memref<10240x128xf32, #tpu.memory_space<vmem_shared>> -> memref<10240x128xf32, #tpu.memory_space<vmem_shared>>
        tpu.wait_indirect_dma semaphore(%run_scoped3A_5 : memref<!tpu.dma_semaphore, #tpu.memory_space<semaphore_mem>>) src(%dma_wait3A_198 : memref<128x128xf32, #tpu.memory_space<vmem>>) dst(%dma_wait3A_204 : memref<10240x128xf32, #tpu.memory_space<vmem_shared>>)
        %dma_start3A_205 = arith.constant 3 : i32
        %dma_start3A_206 = arith.constant 1 : i32
        %dma_start3A_207 = arith.constant 0 : i32
        %dma_start3A_208 = arith.constant 0 : i32
        %dma_start3A_209 = tpu.memref_slice %run_scoped3A_2[%dma_start3A_206, %dma_start3A_207, %dma_start3A_208] : memref<2x128x128xf32, #tpu.memory_space<vmem>> -> memref<1x128x128xf32, #tpu.memory_space<vmem>>
        %dma_start3A_210 = tpu.memref_squeeze %dma_start3A_209 : memref<1x128x128xf32, #tpu.memory_space<vmem>> -> memref<128x128xf32, #tpu.memory_space<vmem>>
        %dma_start3A_211 = arith.constant 0 : i32
        %dma_start3A_212 = tpu.memref_slice %run_scoped3A[%select_n3A_82, %dma_start3A_205, %dma_start3A_211] : memref<2x16x128xi32, #tpu.memory_space<vmem>> -> memref<1x1x128xi32, #tpu.memory_space<vmem>>
        %dma_start3A_213 = tpu.memref_squeeze %dma_start3A_212 : memref<1x1x128xi32, #tpu.memory_space<vmem>> -> memref<128xi32, #tpu.memory_space<vmem>>
        %dma_start3A_214 = arith.constant 0 : i32
        %dma_start3A_215 = arith.constant 0 : i32
        %dma_start3A_216 = tpu.memref_slice %arg2[%dma_start3A_214, %dma_start3A_215] : memref<10000x128xf32, #tpu.memory_space<hbm>> -> memref<10000x128xf32, #tpu.memory_space<hbm>>
        tpu.enqueue_indirect_dma source(%dma_start3A_216 : memref<10000x128xf32, #tpu.memory_space<hbm>>) target(%dma_start3A_210 : memref<128x128xf32, #tpu.memory_space<vmem>>) offsets(%dma_start3A_213 : memref<128xi32, #tpu.memory_space<vmem>>) semaphore(%run_scoped3A_3 : memref<!tpu.dma_semaphore, #tpu.memory_space<semaphore_mem>>)
        %dma_start3A_217 = arith.constant 0 : i32
        %dma_start3A_218 = arith.constant 2 : i32
        %dma_start3A_219 = arith.constant 0 : i32
        %dma_start3A_220 = arith.constant 0 : i32
        %dma_start3A_221 = tpu.memref_slice %run_scoped3A_2[%dma_start3A_217, %dma_start3A_219, %dma_start3A_220] : memref<2x128x128xf32, #tpu.memory_space<vmem>> -> memref<1x128x128xf32, #tpu.memory_space<vmem>>
        %dma_start3A_222 = tpu.memref_squeeze %dma_start3A_221 : memref<1x128x128xf32, #tpu.memory_space<vmem>> -> memref<128x128xf32, #tpu.memory_space<vmem>>
        %dma_start3A_223 = arith.constant 0 : i32
        %dma_start3A_224 = tpu.memref_slice %run_scoped3A_1[%select_n3A_82, %dma_start3A_218, %dma_start3A_223] : memref<2x16x128xi32, #tpu.memory_space<vmem>> -> memref<1x1x128xi32, #tpu.memory_space<vmem>>
        %dma_start3A_225 = tpu.memref_squeeze %dma_start3A_224 : memref<1x1x128xi32, #tpu.memory_space<vmem>> -> memref<128xi32, #tpu.memory_space<vmem>>
        %dma_start3A_226 = arith.constant 0 : i32
        %dma_start3A_227 = arith.constant 0 : i32
        %dma_start3A_228 = tpu.memref_slice %arg7[%dma_start3A_226, %dma_start3A_227] : memref<10240x128xf32, #tpu.memory_space<vmem_shared>> -> memref<10240x128xf32, #tpu.memory_space<vmem_shared>>
        tpu.enqueue_indirect_dma source(%dma_start3A_222 : memref<128x128xf32, #tpu.memory_space<vmem>>) target(%dma_start3A_228 : memref<10240x128xf32, #tpu.memory_space<vmem_shared>>) offsets(%dma_start3A_225 : memref<128xi32, #tpu.memory_space<vmem>>) semaphore(%run_scoped3A_4 : memref<!tpu.dma_semaphore, #tpu.memory_space<semaphore_mem>>) {add = true}
        %dma_wait3A_229 = arith.constant 0 : i32
        %dma_wait3A_230 = arith.constant 0 : i32
        %dma_wait3A_231 = arith.constant 1 : i32
        %dma_wait3A_232 = arith.constant 0 : i32
        %dma_wait3A_233 = arith.constant 0 : i32
        %dma_wait3A_234 = tpu.memref_slice %run_scoped3A_2[%dma_wait3A_231, %dma_wait3A_232, %dma_wait3A_233] : memref<2x128x128xf32, #tpu.memory_space<vmem>> -> memref<1x128x128xf32, #tpu.memory_space<vmem>>
        %dma_wait3A_235 = tpu.memref_squeeze %dma_wait3A_234 : memref<1x128x128xf32, #tpu.memory_space<vmem>> -> memref<128x128xf32, #tpu.memory_space<vmem>>
        %dma_wait3A_236 = arith.constant 0 : i32
        %dma_wait3A_237 = tpu.memref_slice %run_scoped3A[%dma_wait3A_229, %dma_wait3A_230, %dma_wait3A_236] : memref<2x16x128xi32, #tpu.memory_space<vmem>> -> memref<1x1x128xi32, #tpu.memory_space<vmem>>
        %dma_wait3A_238 = tpu.memref_squeeze %dma_wait3A_237 : memref<1x1x128xi32, #tpu.memory_space<vmem>> -> memref<128xi32, #tpu.memory_space<vmem>>
        %dma_wait3A_239 = arith.constant 0 : i32
        %dma_wait3A_240 = arith.constant 0 : i32
        %dma_wait3A_241 = tpu.memref_slice %arg2[%dma_wait3A_239, %dma_wait3A_240] : memref<10000x128xf32, #tpu.memory_space<hbm>> -> memref<10000x128xf32, #tpu.memory_space<hbm>>
        tpu.wait_indirect_dma semaphore(%run_scoped3A_3 : memref<!tpu.dma_semaphore, #tpu.memory_space<semaphore_mem>>) src(%dma_wait3A_241 : memref<10000x128xf32, #tpu.memory_space<hbm>>) dst(%dma_wait3A_235 : memref<128x128xf32, #tpu.memory_space<vmem>>)
        %dma_wait3A_242 = arith.constant 0 : i32
        %dma_wait3A_243 = arith.constant 0 : i32
        %dma_wait3A_244 = arith.constant 0 : i32
        %dma_wait3A_245 = arith.constant 0 : i32
        %dma_wait3A_246 = arith.constant 0 : i32
        %dma_wait3A_247 = tpu.memref_slice %run_scoped3A_2[%dma_wait3A_242, %dma_wait3A_245, %dma_wait3A_246] : memref<2x128x128xf32, #tpu.memory_space<vmem>> -> memref<1x128x128xf32, #tpu.memory_space<vmem>>
        %dma_wait3A_248 = tpu.memref_squeeze %dma_wait3A_247 : memref<1x128x128xf32, #tpu.memory_space<vmem>> -> memref<128x128xf32, #tpu.memory_space<vmem>>
        %dma_wait3A_249 = arith.constant 0 : i32
        %dma_wait3A_250 = tpu.memref_slice %run_scoped3A_1[%dma_wait3A_243, %dma_wait3A_244, %dma_wait3A_249] : memref<2x16x128xi32, #tpu.memory_space<vmem>> -> memref<1x1x128xi32, #tpu.memory_space<vmem>>
        %dma_wait3A_251 = tpu.memref_squeeze %dma_wait3A_250 : memref<1x1x128xi32, #tpu.memory_space<vmem>> -> memref<128xi32, #tpu.memory_space<vmem>>
        %dma_wait3A_252 = arith.constant 0 : i32
        %dma_wait3A_253 = arith.constant 0 : i32
        %dma_wait3A_254 = tpu.memref_slice %arg7[%dma_wait3A_252, %dma_wait3A_253] : memref<10240x128xf32, #tpu.memory_space<vmem_shared>> -> memref<10240x128xf32, #tpu.memory_space<vmem_shared>>
        tpu.wait_indirect_dma semaphore(%run_scoped3A_4 : memref<!tpu.dma_semaphore, #tpu.memory_space<semaphore_mem>>) src(%dma_wait3A_248 : memref<128x128xf32, #tpu.memory_space<vmem>>) dst(%dma_wait3A_254 : memref<10240x128xf32, #tpu.memory_space<vmem_shared>>)
        %dma_start3A_255 = arith.constant 4 : i32
        %dma_start3A_256 = arith.constant 0 : i32
        %dma_start3A_257 = arith.constant 0 : i32
        %dma_start3A_258 = arith.constant 0 : i32
        %dma_start3A_259 = tpu.memref_slice %run_scoped3A_2[%dma_start3A_256, %dma_start3A_257, %dma_start3A_258] : memref<2x128x128xf32, #tpu.memory_space<vmem>> -> memref<1x128x128xf32, #tpu.memory_space<vmem>>
        %dma_start3A_260 = tpu.memref_squeeze %dma_start3A_259 : memref<1x128x128xf32, #tpu.memory_space<vmem>> -> memref<128x128xf32, #tpu.memory_space<vmem>>
        %dma_start3A_261 = arith.constant 0 : i32
        %dma_start3A_262 = tpu.memref_slice %run_scoped3A[%select_n3A_82, %dma_start3A_255, %dma_start3A_261] : memref<2x16x128xi32, #tpu.memory_space<vmem>> -> memref<1x1x128xi32, #tpu.memory_space<vmem>>
        %dma_start3A_263 = tpu.memref_squeeze %dma_start3A_262 : memref<1x1x128xi32, #tpu.memory_space<vmem>> -> memref<128xi32, #tpu.memory_space<vmem>>
        %dma_start3A_264 = arith.constant 0 : i32
        %dma_start3A_265 = arith.constant 0 : i32
        %dma_start3A_266 = tpu.memref_slice %arg2[%dma_start3A_264, %dma_start3A_265] : memref<10000x128xf32, #tpu.memory_space<hbm>> -> memref<10000x128xf32, #tpu.memory_space<hbm>>
        tpu.enqueue_indirect_dma source(%dma_start3A_266 : memref<10000x128xf32, #tpu.memory_space<hbm>>) target(%dma_start3A_260 : memref<128x128xf32, #tpu.memory_space<vmem>>) offsets(%dma_start3A_263 : memref<128xi32, #tpu.memory_space<vmem>>) semaphore(%run_scoped3A_3 : memref<!tpu.dma_semaphore, #tpu.memory_space<semaphore_mem>>)
        %dma_start3A_267 = arith.constant 1 : i32
        %dma_start3A_268 = arith.constant 3 : i32
        %dma_start3A_269 = arith.constant 0 : i32
        %dma_start3A_270 = arith.constant 0 : i32
        %dma_start3A_271 = tpu.memref_slice %run_scoped3A_2[%dma_start3A_267, %dma_start3A_269, %dma_start3A_270] : memref<2x128x128xf32, #tpu.memory_space<vmem>> -> memref<1x128x128xf32, #tpu.memory_space<vmem>>
        %dma_start3A_272 = tpu.memref_squeeze %dma_start3A_271 : memref<1x128x128xf32, #tpu.memory_space<vmem>> -> memref<128x128xf32, #tpu.memory_space<vmem>>
        %dma_start3A_273 = arith.constant 0 : i32
        %dma_start3A_274 = tpu.memref_slice %run_scoped3A_1[%select_n3A_82, %dma_start3A_268, %dma_start3A_273] : memref<2x16x128xi32, #tpu.memory_space<vmem>> -> memref<1x1x128xi32, #tpu.memory_space<vmem>>
        %dma_start3A_275 = tpu.memref_squeeze %dma_start3A_274 : memref<1x1x128xi32, #tpu.memory_space<vmem>> -> memref<128xi32, #tpu.memory_space<vmem>>
        %dma_start3A_276 = arith.constant 0 : i32
        %dma_start3A_277 = arith.constant 0 : i32
        %dma_start3A_278 = tpu.memref_slice %arg7[%dma_start3A_276, %dma_start3A_277] : memref<10240x128xf32, #tpu.memory_space<vmem_shared>> -> memref<10240x128xf32, #tpu.memory_space<vmem_shared>>
        tpu.enqueue_indirect_dma source(%dma_start3A_272 : memref<128x128xf32, #tpu.memory_space<vmem>>) target(%dma_start3A_278 : memref<10240x128xf32, #tpu.memory_space<vmem_shared>>) offsets(%dma_start3A_275 : memref<128xi32, #tpu.memory_space<vmem>>) semaphore(%run_scoped3A_5 : memref<!tpu.dma_semaphore, #tpu.memory_space<semaphore_mem>>) {add = true}
        %dma_wait3A_279 = arith.constant 0 : i32
        %dma_wait3A_280 = arith.constant 0 : i32
        %dma_wait3A_281 = arith.constant 0 : i32
        %dma_wait3A_282 = arith.constant 0 : i32
        %dma_wait3A_283 = arith.constant 0 : i32
        %dma_wait3A_284 = tpu.memref_slice %run_scoped3A_2[%dma_wait3A_281, %dma_wait3A_282, %dma_wait3A_283] : memref<2x128x128xf32, #tpu.memory_space<vmem>> -> memref<1x128x128xf32, #tpu.memory_space<vmem>>
        %dma_wait3A_285 = tpu.memref_squeeze %dma_wait3A_284 : memref<1x128x128xf32, #tpu.memory_space<vmem>> -> memref<128x128xf32, #tpu.memory_space<vmem>>
        %dma_wait3A_286 = arith.constant 0 : i32
        %dma_wait3A_287 = tpu.memref_slice %run_scoped3A[%dma_wait3A_279, %dma_wait3A_280, %dma_wait3A_286] : memref<2x16x128xi32, #tpu.memory_space<vmem>> -> memref<1x1x128xi32, #tpu.memory_space<vmem>>
        %dma_wait3A_288 = tpu.memref_squeeze %dma_wait3A_287 : memref<1x1x128xi32, #tpu.memory_space<vmem>> -> memref<128xi32, #tpu.memory_space<vmem>>
        %dma_wait3A_289 = arith.constant 0 : i32
        %dma_wait3A_290 = arith.constant 0 : i32
        %dma_wait3A_291 = tpu.memref_slice %arg2[%dma_wait3A_289, %dma_wait3A_290] : memref<10000x128xf32, #tpu.memory_space<hbm>> -> memref<10000x128xf32, #tpu.memory_space<hbm>>
        tpu.wait_indirect_dma semaphore(%run_scoped3A_3 : memref<!tpu.dma_semaphore, #tpu.memory_space<semaphore_mem>>) src(%dma_wait3A_291 : memref<10000x128xf32, #tpu.memory_space<hbm>>) dst(%dma_wait3A_285 : memref<128x128xf32, #tpu.memory_space<vmem>>)
        %dma_wait3A_292 = arith.constant 1 : i32
        %dma_wait3A_293 = arith.constant 0 : i32
        %dma_wait3A_294 = arith.constant 0 : i32
        %dma_wait3A_295 = arith.constant 0 : i32
        %dma_wait3A_296 = arith.constant 0 : i32
        %dma_wait3A_297 = tpu.memref_slice %run_scoped3A_2[%dma_wait3A_292, %dma_wait3A_295, %dma_wait3A_296] : memref<2x128x128xf32, #tpu.memory_space<vmem>> -> memref<1x128x128xf32, #tpu.memory_space<vmem>>
        %dma_wait3A_298 = tpu.memref_squeeze %dma_wait3A_297 : memref<1x128x128xf32, #tpu.memory_space<vmem>> -> memref<128x128xf32, #tpu.memory_space<vmem>>
        %dma_wait3A_299 = arith.constant 0 : i32
        %dma_wait3A_300 = tpu.memref_slice %run_scoped3A_1[%dma_wait3A_293, %dma_wait3A_294, %dma_wait3A_299] : memref<2x16x128xi32, #tpu.memory_space<vmem>> -> memref<1x1x128xi32, #tpu.memory_space<vmem>>
        %dma_wait3A_301 = tpu.memref_squeeze %dma_wait3A_300 : memref<1x1x128xi32, #tpu.memory_space<vmem>> -> memref<128xi32, #tpu.memory_space<vmem>>
        %dma_wait3A_302 = arith.constant 0 : i32
        %dma_wait3A_303 = arith.constant 0 : i32
        %dma_wait3A_304 = tpu.memref_slice %arg7[%dma_wait3A_302, %dma_wait3A_303] : memref<10240x128xf32, #tpu.memory_space<vmem_shared>> -> memref<10240x128xf32, #tpu.memory_space<vmem_shared>>
        tpu.wait_indirect_dma semaphore(%run_scoped3A_5 : memref<!tpu.dma_semaphore, #tpu.memory_space<semaphore_mem>>) src(%dma_wait3A_298 : memref<128x128xf32, #tpu.memory_space<vmem>>) dst(%dma_wait3A_304 : memref<10240x128xf32, #tpu.memory_space<vmem_shared>>)
        %dma_start3A_305 = arith.constant 5 : i32
        %dma_start3A_306 = arith.constant 1 : i32
        %dma_start3A_307 = arith.constant 0 : i32
        %dma_start3A_308 = arith.constant 0 : i32
        %dma_start3A_309 = tpu.memref_slice %run_scoped3A_2[%dma_start3A_306, %dma_start3A_307, %dma_start3A_308] : memref<2x128x128xf32, #tpu.memory_space<vmem>> -> memref<1x128x128xf32, #tpu.memory_space<vmem>>
        %dma_start3A_310 = tpu.memref_squeeze %dma_start3A_309 : memref<1x128x128xf32, #tpu.memory_space<vmem>> -> memref<128x128xf32, #tpu.memory_space<vmem>>
        %dma_start3A_311 = arith.constant 0 : i32
        %dma_start3A_312 = tpu.memref_slice %run_scoped3A[%select_n3A_82, %dma_start3A_305, %dma_start3A_311] : memref<2x16x128xi32, #tpu.memory_space<vmem>> -> memref<1x1x128xi32, #tpu.memory_space<vmem>>
        %dma_start3A_313 = tpu.memref_squeeze %dma_start3A_312 : memref<1x1x128xi32, #tpu.memory_space<vmem>> -> memref<128xi32, #tpu.memory_space<vmem>>
        %dma_start3A_314 = arith.constant 0 : i32
        %dma_start3A_315 = arith.constant 0 : i32
        %dma_start3A_316 = tpu.memref_slice %arg2[%dma_start3A_314, %dma_start3A_315] : memref<10000x128xf32, #tpu.memory_space<hbm>> -> memref<10000x128xf32, #tpu.memory_space<hbm>>
        tpu.enqueue_indirect_dma source(%dma_start3A_316 : memref<10000x128xf32, #tpu.memory_space<hbm>>) target(%dma_start3A_310 : memref<128x128xf32, #tpu.memory_space<vmem>>) offsets(%dma_start3A_313 : memref<128xi32, #tpu.memory_space<vmem>>) semaphore(%run_scoped3A_3 : memref<!tpu.dma_semaphore, #tpu.memory_space<semaphore_mem>>)
        %dma_start3A_317 = arith.constant 0 : i32
        %dma_start3A_318 = arith.constant 4 : i32
        %dma_start3A_319 = arith.constant 0 : i32
        %dma_start3A_320 = arith.constant 0 : i32
        %dma_start3A_321 = tpu.memref_slice %run_scoped3A_2[%dma_start3A_317, %dma_start3A_319, %dma_start3A_320] : memref<2x128x128xf32, #tpu.memory_space<vmem>> -> memref<1x128x128xf32, #tpu.memory_space<vmem>>
        %dma_start3A_322 = tpu.memref_squeeze %dma_start3A_321 : memref<1x128x128xf32, #tpu.memory_space<vmem>> -> memref<128x128xf32, #tpu.memory_space<vmem>>
        %dma_start3A_323 = arith.constant 0 : i32
        %dma_start3A_324 = tpu.memref_slice %run_scoped3A_1[%select_n3A_82, %dma_start3A_318, %dma_start3A_323] : memref<2x16x128xi32, #tpu.memory_space<vmem>> -> memref<1x1x128xi32, #tpu.memory_space<vmem>>
        %dma_start3A_325 = tpu.memref_squeeze %dma_start3A_324 : memref<1x1x128xi32, #tpu.memory_space<vmem>> -> memref<128xi32, #tpu.memory_space<vmem>>
        %dma_start3A_326 = arith.constant 0 : i32
        %dma_start3A_327 = arith.constant 0 : i32
        %dma_start3A_328 = tpu.memref_slice %arg7[%dma_start3A_326, %dma_start3A_327] : memref<10240x128xf32, #tpu.memory_space<vmem_shared>> -> memref<10240x128xf32, #tpu.memory_space<vmem_shared>>
        tpu.enqueue_indirect_dma source(%dma_start3A_322 : memref<128x128xf32, #tpu.memory_space<vmem>>) target(%dma_start3A_328 : memref<10240x128xf32, #tpu.memory_space<vmem_shared>>) offsets(%dma_start3A_325 : memref<128xi32, #tpu.memory_space<vmem>>) semaphore(%run_scoped3A_4 : memref<!tpu.dma_semaphore, #tpu.memory_space<semaphore_mem>>) {add = true}
        %dma_wait3A_329 = arith.constant 0 : i32
        %dma_wait3A_330 = arith.constant 0 : i32
        %dma_wait3A_331 = arith.constant 1 : i32
        %dma_wait3A_332 = arith.constant 0 : i32
        %dma_wait3A_333 = arith.constant 0 : i32
        %dma_wait3A_334 = tpu.memref_slice %run_scoped3A_2[%dma_wait3A_331, %dma_wait3A_332, %dma_wait3A_333] : memref<2x128x128xf32, #tpu.memory_space<vmem>> -> memref<1x128x128xf32, #tpu.memory_space<vmem>>
        %dma_wait3A_335 = tpu.memref_squeeze %dma_wait3A_334 : memref<1x128x128xf32, #tpu.memory_space<vmem>> -> memref<128x128xf32, #tpu.memory_space<vmem>>
        %dma_wait3A_336 = arith.constant 0 : i32
        %dma_wait3A_337 = tpu.memref_slice %run_scoped3A[%dma_wait3A_329, %dma_wait3A_330, %dma_wait3A_336] : memref<2x16x128xi32, #tpu.memory_space<vmem>> -> memref<1x1x128xi32, #tpu.memory_space<vmem>>
        %dma_wait3A_338 = tpu.memref_squeeze %dma_wait3A_337 : memref<1x1x128xi32, #tpu.memory_space<vmem>> -> memref<128xi32, #tpu.memory_space<vmem>>
        %dma_wait3A_339 = arith.constant 0 : i32
        %dma_wait3A_340 = arith.constant 0 : i32
        %dma_wait3A_341 = tpu.memref_slice %arg2[%dma_wait3A_339, %dma_wait3A_340] : memref<10000x128xf32, #tpu.memory_space<hbm>> -> memref<10000x128xf32, #tpu.memory_space<hbm>>
        tpu.wait_indirect_dma semaphore(%run_scoped3A_3 : memref<!tpu.dma_semaphore, #tpu.memory_space<semaphore_mem>>) src(%dma_wait3A_341 : memref<10000x128xf32, #tpu.memory_space<hbm>>) dst(%dma_wait3A_335 : memref<128x128xf32, #tpu.memory_space<vmem>>)
        %dma_wait3A_342 = arith.constant 0 : i32
        %dma_wait3A_343 = arith.constant 0 : i32
        %dma_wait3A_344 = arith.constant 0 : i32
        %dma_wait3A_345 = arith.constant 0 : i32
        %dma_wait3A_346 = arith.constant 0 : i32
        %dma_wait3A_347 = tpu.memref_slice %run_scoped3A_2[%dma_wait3A_342, %dma_wait3A_345, %dma_wait3A_346] : memref<2x128x128xf32, #tpu.memory_space<vmem>> -> memref<1x128x128xf32, #tpu.memory_space<vmem>>
        %dma_wait3A_348 = tpu.memref_squeeze %dma_wait3A_347 : memref<1x128x128xf32, #tpu.memory_space<vmem>> -> memref<128x128xf32, #tpu.memory_space<vmem>>
        %dma_wait3A_349 = arith.constant 0 : i32
        %dma_wait3A_350 = tpu.memref_slice %run_scoped3A_1[%dma_wait3A_343, %dma_wait3A_344, %dma_wait3A_349] : memref<2x16x128xi32, #tpu.memory_space<vmem>> -> memref<1x1x128xi32, #tpu.memory_space<vmem>>
        %dma_wait3A_351 = tpu.memref_squeeze %dma_wait3A_350 : memref<1x1x128xi32, #tpu.memory_space<vmem>> -> memref<128xi32, #tpu.memory_space<vmem>>
        %dma_wait3A_352 = arith.constant 0 : i32
        %dma_wait3A_353 = arith.constant 0 : i32
        %dma_wait3A_354 = tpu.memref_slice %arg7[%dma_wait3A_352, %dma_wait3A_353] : memref<10240x128xf32, #tpu.memory_space<vmem_shared>> -> memref<10240x128xf32, #tpu.memory_space<vmem_shared>>
        tpu.wait_indirect_dma semaphore(%run_scoped3A_4 : memref<!tpu.dma_semaphore, #tpu.memory_space<semaphore_mem>>) src(%dma_wait3A_348 : memref<128x128xf32, #tpu.memory_space<vmem>>) dst(%dma_wait3A_354 : memref<10240x128xf32, #tpu.memory_space<vmem_shared>>)
        %dma_start3A_355 = arith.constant 6 : i32
        %dma_start3A_356 = arith.constant 0 : i32
        %dma_start3A_357 = arith.constant 0 : i32
        %dma_start3A_358 = arith.constant 0 : i32
        %dma_start3A_359 = tpu.memref_slice %run_scoped3A_2[%dma_start3A_356, %dma_start3A_357, %dma_start3A_358] : memref<2x128x128xf32, #tpu.memory_space<vmem>> -> memref<1x128x128xf32, #tpu.memory_space<vmem>>
        %dma_start3A_360 = tpu.memref_squeeze %dma_start3A_359 : memref<1x128x128xf32, #tpu.memory_space<vmem>> -> memref<128x128xf32, #tpu.memory_space<vmem>>
        %dma_start3A_361 = arith.constant 0 : i32
        %dma_start3A_362 = tpu.memref_slice %run_scoped3A[%select_n3A_82, %dma_start3A_355, %dma_start3A_361] : memref<2x16x128xi32, #tpu.memory_space<vmem>> -> memref<1x1x128xi32, #tpu.memory_space<vmem>>
        %dma_start3A_363 = tpu.memref_squeeze %dma_start3A_362 : memref<1x1x128xi32, #tpu.memory_space<vmem>> -> memref<128xi32, #tpu.memory_space<vmem>>
        %dma_start3A_364 = arith.constant 0 : i32
        %dma_start3A_365 = arith.constant 0 : i32
        %dma_start3A_366 = tpu.memref_slice %arg2[%dma_start3A_364, %dma_start3A_365] : memref<10000x128xf32, #tpu.memory_space<hbm>> -> memref<10000x128xf32, #tpu.memory_space<hbm>>
        tpu.enqueue_indirect_dma source(%dma_start3A_366 : memref<10000x128xf32, #tpu.memory_space<hbm>>) target(%dma_start3A_360 : memref<128x128xf32, #tpu.memory_space<vmem>>) offsets(%dma_start3A_363 : memref<128xi32, #tpu.memory_space<vmem>>) semaphore(%run_scoped3A_3 : memref<!tpu.dma_semaphore, #tpu.memory_space<semaphore_mem>>)
        %dma_start3A_367 = arith.constant 1 : i32
        %dma_start3A_368 = arith.constant 5 : i32
        %dma_start3A_369 = arith.constant 0 : i32
        %dma_start3A_370 = arith.constant 0 : i32
        %dma_start3A_371 = tpu.memref_slice %run_scoped3A_2[%dma_start3A_367, %dma_start3A_369, %dma_start3A_370] : memref<2x128x128xf32, #tpu.memory_space<vmem>> -> memref<1x128x128xf32, #tpu.memory_space<vmem>>
        %dma_start3A_372 = tpu.memref_squeeze %dma_start3A_371 : memref<1x128x128xf32, #tpu.memory_space<vmem>> -> memref<128x128xf32, #tpu.memory_space<vmem>>
        %dma_start3A_373 = arith.constant 0 : i32
        %dma_start3A_374 = tpu.memref_slice %run_scoped3A_1[%select_n3A_82, %dma_start3A_368, %dma_start3A_373] : memref<2x16x128xi32, #tpu.memory_space<vmem>> -> memref<1x1x128xi32, #tpu.memory_space<vmem>>
        %dma_start3A_375 = tpu.memref_squeeze %dma_start3A_374 : memref<1x1x128xi32, #tpu.memory_space<vmem>> -> memref<128xi32, #tpu.memory_space<vmem>>
        %dma_start3A_376 = arith.constant 0 : i32
        %dma_start3A_377 = arith.constant 0 : i32
        %dma_start3A_378 = tpu.memref_slice %arg7[%dma_start3A_376, %dma_start3A_377] : memref<10240x128xf32, #tpu.memory_space<vmem_shared>> -> memref<10240x128xf32, #tpu.memory_space<vmem_shared>>
        tpu.enqueue_indirect_dma source(%dma_start3A_372 : memref<128x128xf32, #tpu.memory_space<vmem>>) target(%dma_start3A_378 : memref<10240x128xf32, #tpu.memory_space<vmem_shared>>) offsets(%dma_start3A_375 : memref<128xi32, #tpu.memory_space<vmem>>) semaphore(%run_scoped3A_5 : memref<!tpu.dma_semaphore, #tpu.memory_space<semaphore_mem>>) {add = true}
        %dma_wait3A_379 = arith.constant 0 : i32
        %dma_wait3A_380 = arith.constant 0 : i32
        %dma_wait3A_381 = arith.constant 0 : i32
        %dma_wait3A_382 = arith.constant 0 : i32
        %dma_wait3A_383 = arith.constant 0 : i32
        %dma_wait3A_384 = tpu.memref_slice %run_scoped3A_2[%dma_wait3A_381, %dma_wait3A_382, %dma_wait3A_383] : memref<2x128x128xf32, #tpu.memory_space<vmem>> -> memref<1x128x128xf32, #tpu.memory_space<vmem>>
        %dma_wait3A_385 = tpu.memref_squeeze %dma_wait3A_384 : memref<1x128x128xf32, #tpu.memory_space<vmem>> -> memref<128x128xf32, #tpu.memory_space<vmem>>
        %dma_wait3A_386 = arith.constant 0 : i32
        %dma_wait3A_387 = tpu.memref_slice %run_scoped3A[%dma_wait3A_379, %dma_wait3A_380, %dma_wait3A_386] : memref<2x16x128xi32, #tpu.memory_space<vmem>> -> memref<1x1x128xi32, #tpu.memory_space<vmem>>
        %dma_wait3A_388 = tpu.memref_squeeze %dma_wait3A_387 : memref<1x1x128xi32, #tpu.memory_space<vmem>> -> memref<128xi32, #tpu.memory_space<vmem>>
        %dma_wait3A_389 = arith.constant 0 : i32
        %dma_wait3A_390 = arith.constant 0 : i32
        %dma_wait3A_391 = tpu.memref_slice %arg2[%dma_wait3A_389, %dma_wait3A_390] : memref<10000x128xf32, #tpu.memory_space<hbm>> -> memref<10000x128xf32, #tpu.memory_space<hbm>>
        tpu.wait_indirect_dma semaphore(%run_scoped3A_3 : memref<!tpu.dma_semaphore, #tpu.memory_space<semaphore_mem>>) src(%dma_wait3A_391 : memref<10000x128xf32, #tpu.memory_space<hbm>>) dst(%dma_wait3A_385 : memref<128x128xf32, #tpu.memory_space<vmem>>)
        %dma_wait3A_392 = arith.constant 1 : i32
        %dma_wait3A_393 = arith.constant 0 : i32
        %dma_wait3A_394 = arith.constant 0 : i32
        %dma_wait3A_395 = arith.constant 0 : i32
        %dma_wait3A_396 = arith.constant 0 : i32
        %dma_wait3A_397 = tpu.memref_slice %run_scoped3A_2[%dma_wait3A_392, %dma_wait3A_395, %dma_wait3A_396] : memref<2x128x128xf32, #tpu.memory_space<vmem>> -> memref<1x128x128xf32, #tpu.memory_space<vmem>>
        %dma_wait3A_398 = tpu.memref_squeeze %dma_wait3A_397 : memref<1x128x128xf32, #tpu.memory_space<vmem>> -> memref<128x128xf32, #tpu.memory_space<vmem>>
        %dma_wait3A_399 = arith.constant 0 : i32
        %dma_wait3A_400 = tpu.memref_slice %run_scoped3A_1[%dma_wait3A_393, %dma_wait3A_394, %dma_wait3A_399] : memref<2x16x128xi32, #tpu.memory_space<vmem>> -> memref<1x1x128xi32, #tpu.memory_space<vmem>>
        %dma_wait3A_401 = tpu.memref_squeeze %dma_wait3A_400 : memref<1x1x128xi32, #tpu.memory_space<vmem>> -> memref<128xi32, #tpu.memory_space<vmem>>
        %dma_wait3A_402 = arith.constant 0 : i32
        %dma_wait3A_403 = arith.constant 0 : i32
        %dma_wait3A_404 = tpu.memref_slice %arg7[%dma_wait3A_402, %dma_wait3A_403] : memref<10240x128xf32, #tpu.memory_space<vmem_shared>> -> memref<10240x128xf32, #tpu.memory_space<vmem_shared>>
        tpu.wait_indirect_dma semaphore(%run_scoped3A_5 : memref<!tpu.dma_semaphore, #tpu.memory_space<semaphore_mem>>) src(%dma_wait3A_398 : memref<128x128xf32, #tpu.memory_space<vmem>>) dst(%dma_wait3A_404 : memref<10240x128xf32, #tpu.memory_space<vmem_shared>>)
        %dma_start3A_405 = arith.constant 7 : i32
        %dma_start3A_406 = arith.constant 1 : i32
        %dma_start3A_407 = arith.constant 0 : i32
        %dma_start3A_408 = arith.constant 0 : i32
        %dma_start3A_409 = tpu.memref_slice %run_scoped3A_2[%dma_start3A_406, %dma_start3A_407, %dma_start3A_408] : memref<2x128x128xf32, #tpu.memory_space<vmem>> -> memref<1x128x128xf32, #tpu.memory_space<vmem>>
        %dma_start3A_410 = tpu.memref_squeeze %dma_start3A_409 : memref<1x128x128xf32, #tpu.memory_space<vmem>> -> memref<128x128xf32, #tpu.memory_space<vmem>>
        %dma_start3A_411 = arith.constant 0 : i32
        %dma_start3A_412 = tpu.memref_slice %run_scoped3A[%select_n3A_82, %dma_start3A_405, %dma_start3A_411] : memref<2x16x128xi32, #tpu.memory_space<vmem>> -> memref<1x1x128xi32, #tpu.memory_space<vmem>>
        %dma_start3A_413 = tpu.memref_squeeze %dma_start3A_412 : memref<1x1x128xi32, #tpu.memory_space<vmem>> -> memref<128xi32, #tpu.memory_space<vmem>>
        %dma_start3A_414 = arith.constant 0 : i32
        %dma_start3A_415 = arith.constant 0 : i32
        %dma_start3A_416 = tpu.memref_slice %arg2[%dma_start3A_414, %dma_start3A_415] : memref<10000x128xf32, #tpu.memory_space<hbm>> -> memref<10000x128xf32, #tpu.memory_space<hbm>>
        tpu.enqueue_indirect_dma source(%dma_start3A_416 : memref<10000x128xf32, #tpu.memory_space<hbm>>) target(%dma_start3A_410 : memref<128x128xf32, #tpu.memory_space<vmem>>) offsets(%dma_start3A_413 : memref<128xi32, #tpu.memory_space<vmem>>) semaphore(%run_scoped3A_3 : memref<!tpu.dma_semaphore, #tpu.memory_space<semaphore_mem>>)
        %dma_start3A_417 = arith.constant 0 : i32
        %dma_start3A_418 = arith.constant 6 : i32
        %dma_start3A_419 = arith.constant 0 : i32
        %dma_start3A_420 = arith.constant 0 : i32
        %dma_start3A_421 = tpu.memref_slice %run_scoped3A_2[%dma_start3A_417, %dma_start3A_419, %dma_start3A_420] : memref<2x128x128xf32, #tpu.memory_space<vmem>> -> memref<1x128x128xf32, #tpu.memory_space<vmem>>
        %dma_start3A_422 = tpu.memref_squeeze %dma_start3A_421 : memref<1x128x128xf32, #tpu.memory_space<vmem>> -> memref<128x128xf32, #tpu.memory_space<vmem>>
        %dma_start3A_423 = arith.constant 0 : i32
        %dma_start3A_424 = tpu.memref_slice %run_scoped3A_1[%select_n3A_82, %dma_start3A_418, %dma_start3A_423] : memref<2x16x128xi32, #tpu.memory_space<vmem>> -> memref<1x1x128xi32, #tpu.memory_space<vmem>>
        %dma_start3A_425 = tpu.memref_squeeze %dma_start3A_424 : memref<1x1x128xi32, #tpu.memory_space<vmem>> -> memref<128xi32, #tpu.memory_space<vmem>>
        %dma_start3A_426 = arith.constant 0 : i32
        %dma_start3A_427 = arith.constant 0 : i32
        %dma_start3A_428 = tpu.memref_slice %arg7[%dma_start3A_426, %dma_start3A_427] : memref<10240x128xf32, #tpu.memory_space<vmem_shared>> -> memref<10240x128xf32, #tpu.memory_space<vmem_shared>>
        tpu.enqueue_indirect_dma source(%dma_start3A_422 : memref<128x128xf32, #tpu.memory_space<vmem>>) target(%dma_start3A_428 : memref<10240x128xf32, #tpu.memory_space<vmem_shared>>) offsets(%dma_start3A_425 : memref<128xi32, #tpu.memory_space<vmem>>) semaphore(%run_scoped3A_4 : memref<!tpu.dma_semaphore, #tpu.memory_space<semaphore_mem>>) {add = true}
        %dma_wait3A_429 = arith.constant 0 : i32
        %dma_wait3A_430 = arith.constant 0 : i32
        %dma_wait3A_431 = arith.constant 1 : i32
        %dma_wait3A_432 = arith.constant 0 : i32
        %dma_wait3A_433 = arith.constant 0 : i32
        %dma_wait3A_434 = tpu.memref_slice %run_scoped3A_2[%dma_wait3A_431, %dma_wait3A_432, %dma_wait3A_433] : memref<2x128x128xf32, #tpu.memory_space<vmem>> -> memref<1x128x128xf32, #tpu.memory_space<vmem>>
        %dma_wait3A_435 = tpu.memref_squeeze %dma_wait3A_434 : memref<1x128x128xf32, #tpu.memory_space<vmem>> -> memref<128x128xf32, #tpu.memory_space<vmem>>
        %dma_wait3A_436 = arith.constant 0 : i32
        %dma_wait3A_437 = tpu.memref_slice %run_scoped3A[%dma_wait3A_429, %dma_wait3A_430, %dma_wait3A_436] : memref<2x16x128xi32, #tpu.memory_space<vmem>> -> memref<1x1x128xi32, #tpu.memory_space<vmem>>
        %dma_wait3A_438 = tpu.memref_squeeze %dma_wait3A_437 : memref<1x1x128xi32, #tpu.memory_space<vmem>> -> memref<128xi32, #tpu.memory_space<vmem>>
        %dma_wait3A_439 = arith.constant 0 : i32
        %dma_wait3A_440 = arith.constant 0 : i32
        %dma_wait3A_441 = tpu.memref_slice %arg2[%dma_wait3A_439, %dma_wait3A_440] : memref<10000x128xf32, #tpu.memory_space<hbm>> -> memref<10000x128xf32, #tpu.memory_space<hbm>>
        tpu.wait_indirect_dma semaphore(%run_scoped3A_3 : memref<!tpu.dma_semaphore, #tpu.memory_space<semaphore_mem>>) src(%dma_wait3A_441 : memref<10000x128xf32, #tpu.memory_space<hbm>>) dst(%dma_wait3A_435 : memref<128x128xf32, #tpu.memory_space<vmem>>)
        %dma_wait3A_442 = arith.constant 0 : i32
        %dma_wait3A_443 = arith.constant 0 : i32
        %dma_wait3A_444 = arith.constant 0 : i32
        %dma_wait3A_445 = arith.constant 0 : i32
        %dma_wait3A_446 = arith.constant 0 : i32
        %dma_wait3A_447 = tpu.memref_slice %run_scoped3A_2[%dma_wait3A_442, %dma_wait3A_445, %dma_wait3A_446] : memref<2x128x128xf32, #tpu.memory_space<vmem>> -> memref<1x128x128xf32, #tpu.memory_space<vmem>>
        %dma_wait3A_448 = tpu.memref_squeeze %dma_wait3A_447 : memref<1x128x128xf32, #tpu.memory_space<vmem>> -> memref<128x128xf32, #tpu.memory_space<vmem>>
        %dma_wait3A_449 = arith.constant 0 : i32
        %dma_wait3A_450 = tpu.memref_slice %run_scoped3A_1[%dma_wait3A_443, %dma_wait3A_444, %dma_wait3A_449] : memref<2x16x128xi32, #tpu.memory_space<vmem>> -> memref<1x1x128xi32, #tpu.memory_space<vmem>>
        %dma_wait3A_451 = tpu.memref_squeeze %dma_wait3A_450 : memref<1x1x128xi32, #tpu.memory_space<vmem>> -> memref<128xi32, #tpu.memory_space<vmem>>
        %dma_wait3A_452 = arith.constant 0 : i32
        %dma_wait3A_453 = arith.constant 0 : i32
        %dma_wait3A_454 = tpu.memref_slice %arg7[%dma_wait3A_452, %dma_wait3A_453] : memref<10240x128xf32, #tpu.memory_space<vmem_shared>> -> memref<10240x128xf32, #tpu.memory_space<vmem_shared>>
        tpu.wait_indirect_dma semaphore(%run_scoped3A_4 : memref<!tpu.dma_semaphore, #tpu.memory_space<semaphore_mem>>) src(%dma_wait3A_448 : memref<128x128xf32, #tpu.memory_space<vmem>>) dst(%dma_wait3A_454 : memref<10240x128xf32, #tpu.memory_space<vmem_shared>>)
        %dma_start3A_455 = arith.constant 8 : i32
        %dma_start3A_456 = arith.constant 0 : i32
        %dma_start3A_457 = arith.constant 0 : i32
        %dma_start3A_458 = arith.constant 0 : i32
        %dma_start3A_459 = tpu.memref_slice %run_scoped3A_2[%dma_start3A_456, %dma_start3A_457, %dma_start3A_458] : memref<2x128x128xf32, #tpu.memory_space<vmem>> -> memref<1x128x128xf32, #tpu.memory_space<vmem>>
        %dma_start3A_460 = tpu.memref_squeeze %dma_start3A_459 : memref<1x128x128xf32, #tpu.memory_space<vmem>> -> memref<128x128xf32, #tpu.memory_space<vmem>>
        %dma_start3A_461 = arith.constant 0 : i32
        %dma_start3A_462 = tpu.memref_slice %run_scoped3A[%select_n3A_82, %dma_start3A_455, %dma_start3A_461] : memref<2x16x128xi32, #tpu.memory_space<vmem>> -> memref<1x1x128xi32, #tpu.memory_space<vmem>>
        %dma_start3A_463 = tpu.memref_squeeze %dma_start3A_462 : memref<1x1x128xi32, #tpu.memory_space<vmem>> -> memref<128xi32, #tpu.memory_space<vmem>>
        %dma_start3A_464 = arith.constant 0 : i32
        %dma_start3A_465 = arith.constant 0 : i32
        %dma_start3A_466 = tpu.memref_slice %arg2[%dma_start3A_464, %dma_start3A_465] : memref<10000x128xf32, #tpu.memory_space<hbm>> -> memref<10000x128xf32, #tpu.memory_space<hbm>>
        tpu.enqueue_indirect_dma source(%dma_start3A_466 : memref<10000x128xf32, #tpu.memory_space<hbm>>) target(%dma_start3A_460 : memref<128x128xf32, #tpu.memory_space<vmem>>) offsets(%dma_start3A_463 : memref<128xi32, #tpu.memory_space<vmem>>) semaphore(%run_scoped3A_3 : memref<!tpu.dma_semaphore, #tpu.memory_space<semaphore_mem>>)
        %dma_start3A_467 = arith.constant 1 : i32
        %dma_start3A_468 = arith.constant 7 : i32
        %dma_start3A_469 = arith.constant 0 : i32
        %dma_start3A_470 = arith.constant 0 : i32
        %dma_start3A_471 = tpu.memref_slice %run_scoped3A_2[%dma_start3A_467, %dma_start3A_469, %dma_start3A_470] : memref<2x128x128xf32, #tpu.memory_space<vmem>> -> memref<1x128x128xf32, #tpu.memory_space<vmem>>
        %dma_start3A_472 = tpu.memref_squeeze %dma_start3A_471 : memref<1x128x128xf32, #tpu.memory_space<vmem>> -> memref<128x128xf32, #tpu.memory_space<vmem>>
        %dma_start3A_473 = arith.constant 0 : i32
        %dma_start3A_474 = tpu.memref_slice %run_scoped3A_1[%select_n3A_82, %dma_start3A_468, %dma_start3A_473] : memref<2x16x128xi32, #tpu.memory_space<vmem>> -> memref<1x1x128xi32, #tpu.memory_space<vmem>>
        %dma_start3A_475 = tpu.memref_squeeze %dma_start3A_474 : memref<1x1x128xi32, #tpu.memory_space<vmem>> -> memref<128xi32, #tpu.memory_space<vmem>>
        %dma_start3A_476 = arith.constant 0 : i32
        %dma_start3A_477 = arith.constant 0 : i32
        %dma_start3A_478 = tpu.memref_slice %arg7[%dma_start3A_476, %dma_start3A_477] : memref<10240x128xf32, #tpu.memory_space<vmem_shared>> -> memref<10240x128xf32, #tpu.memory_space<vmem_shared>>
        tpu.enqueue_indirect_dma source(%dma_start3A_472 : memref<128x128xf32, #tpu.memory_space<vmem>>) target(%dma_start3A_478 : memref<10240x128xf32, #tpu.memory_space<vmem_shared>>) offsets(%dma_start3A_475 : memref<128xi32, #tpu.memory_space<vmem>>) semaphore(%run_scoped3A_5 : memref<!tpu.dma_semaphore, #tpu.memory_space<semaphore_mem>>) {add = true}
        %dma_wait3A_479 = arith.constant 0 : i32
        %dma_wait3A_480 = arith.constant 0 : i32
        %dma_wait3A_481 = arith.constant 0 : i32
        %dma_wait3A_482 = arith.constant 0 : i32
        %dma_wait3A_483 = arith.constant 0 : i32
        %dma_wait3A_484 = tpu.memref_slice %run_scoped3A_2[%dma_wait3A_481, %dma_wait3A_482, %dma_wait3A_483] : memref<2x128x128xf32, #tpu.memory_space<vmem>> -> memref<1x128x128xf32, #tpu.memory_space<vmem>>
        %dma_wait3A_485 = tpu.memref_squeeze %dma_wait3A_484 : memref<1x128x128xf32, #tpu.memory_space<vmem>> -> memref<128x128xf32, #tpu.memory_space<vmem>>
        %dma_wait3A_486 = arith.constant 0 : i32
        %dma_wait3A_487 = tpu.memref_slice %run_scoped3A[%dma_wait3A_479, %dma_wait3A_480, %dma_wait3A_486] : memref<2x16x128xi32, #tpu.memory_space<vmem>> -> memref<1x1x128xi32, #tpu.memory_space<vmem>>
        %dma_wait3A_488 = tpu.memref_squeeze %dma_wait3A_487 : memref<1x1x128xi32, #tpu.memory_space<vmem>> -> memref<128xi32, #tpu.memory_space<vmem>>
        %dma_wait3A_489 = arith.constant 0 : i32
        %dma_wait3A_490 = arith.constant 0 : i32
        %dma_wait3A_491 = tpu.memref_slice %arg2[%dma_wait3A_489, %dma_wait3A_490] : memref<10000x128xf32, #tpu.memory_space<hbm>> -> memref<10000x128xf32, #tpu.memory_space<hbm>>
        tpu.wait_indirect_dma semaphore(%run_scoped3A_3 : memref<!tpu.dma_semaphore, #tpu.memory_space<semaphore_mem>>) src(%dma_wait3A_491 : memref<10000x128xf32, #tpu.memory_space<hbm>>) dst(%dma_wait3A_485 : memref<128x128xf32, #tpu.memory_space<vmem>>)
        %dma_wait3A_492 = arith.constant 1 : i32
        %dma_wait3A_493 = arith.constant 0 : i32
        %dma_wait3A_494 = arith.constant 0 : i32
        %dma_wait3A_495 = arith.constant 0 : i32
        %dma_wait3A_496 = arith.constant 0 : i32
        %dma_wait3A_497 = tpu.memref_slice %run_scoped3A_2[%dma_wait3A_492, %dma_wait3A_495, %dma_wait3A_496] : memref<2x128x128xf32, #tpu.memory_space<vmem>> -> memref<1x128x128xf32, #tpu.memory_space<vmem>>
        %dma_wait3A_498 = tpu.memref_squeeze %dma_wait3A_497 : memref<1x128x128xf32, #tpu.memory_space<vmem>> -> memref<128x128xf32, #tpu.memory_space<vmem>>
        %dma_wait3A_499 = arith.constant 0 : i32
        %dma_wait3A_500 = tpu.memref_slice %run_scoped3A_1[%dma_wait3A_493, %dma_wait3A_494, %dma_wait3A_499] : memref<2x16x128xi32, #tpu.memory_space<vmem>> -> memref<1x1x128xi32, #tpu.memory_space<vmem>>
        %dma_wait3A_501 = tpu.memref_squeeze %dma_wait3A_500 : memref<1x1x128xi32, #tpu.memory_space<vmem>> -> memref<128xi32, #tpu.memory_space<vmem>>
        %dma_wait3A_502 = arith.constant 0 : i32
        %dma_wait3A_503 = arith.constant 0 : i32
        %dma_wait3A_504 = tpu.memref_slice %arg7[%dma_wait3A_502, %dma_wait3A_503] : memref<10240x128xf32, #tpu.memory_space<vmem_shared>> -> memref<10240x128xf32, #tpu.memory_space<vmem_shared>>
        tpu.wait_indirect_dma semaphore(%run_scoped3A_5 : memref<!tpu.dma_semaphore, #tpu.memory_space<semaphore_mem>>) src(%dma_wait3A_498 : memref<128x128xf32, #tpu.memory_space<vmem>>) dst(%dma_wait3A_504 : memref<10240x128xf32, #tpu.memory_space<vmem_shared>>)
        %dma_start3A_505 = arith.constant 9 : i32
        %dma_start3A_506 = arith.constant 1 : i32
        %dma_start3A_507 = arith.constant 0 : i32
        %dma_start3A_508 = arith.constant 0 : i32
        %dma_start3A_509 = tpu.memref_slice %run_scoped3A_2[%dma_start3A_506, %dma_start3A_507, %dma_start3A_508] : memref<2x128x128xf32, #tpu.memory_space<vmem>> -> memref<1x128x128xf32, #tpu.memory_space<vmem>>
        %dma_start3A_510 = tpu.memref_squeeze %dma_start3A_509 : memref<1x128x128xf32, #tpu.memory_space<vmem>> -> memref<128x128xf32, #tpu.memory_space<vmem>>
        %dma_start3A_511 = arith.constant 0 : i32
        %dma_start3A_512 = tpu.memref_slice %run_scoped3A[%select_n3A_82, %dma_start3A_505, %dma_start3A_511] : memref<2x16x128xi32, #tpu.memory_space<vmem>> -> memref<1x1x128xi32, #tpu.memory_space<vmem>>
        %dma_start3A_513 = tpu.memref_squeeze %dma_start3A_512 : memref<1x1x128xi32, #tpu.memory_space<vmem>> -> memref<128xi32, #tpu.memory_space<vmem>>
        %dma_start3A_514 = arith.constant 0 : i32
        %dma_start3A_515 = arith.constant 0 : i32
        %dma_start3A_516 = tpu.memref_slice %arg2[%dma_start3A_514, %dma_start3A_515] : memref<10000x128xf32, #tpu.memory_space<hbm>> -> memref<10000x128xf32, #tpu.memory_space<hbm>>
        tpu.enqueue_indirect_dma source(%dma_start3A_516 : memref<10000x128xf32, #tpu.memory_space<hbm>>) target(%dma_start3A_510 : memref<128x128xf32, #tpu.memory_space<vmem>>) offsets(%dma_start3A_513 : memref<128xi32, #tpu.memory_space<vmem>>) semaphore(%run_scoped3A_3 : memref<!tpu.dma_semaphore, #tpu.memory_space<semaphore_mem>>)
        %dma_start3A_517 = arith.constant 0 : i32
        %dma_start3A_518 = arith.constant 8 : i32
        %dma_start3A_519 = arith.constant 0 : i32
        %dma_start3A_520 = arith.constant 0 : i32
        %dma_start3A_521 = tpu.memref_slice %run_scoped3A_2[%dma_start3A_517, %dma_start3A_519, %dma_start3A_520] : memref<2x128x128xf32, #tpu.memory_space<vmem>> -> memref<1x128x128xf32, #tpu.memory_space<vmem>>
        %dma_start3A_522 = tpu.memref_squeeze %dma_start3A_521 : memref<1x128x128xf32, #tpu.memory_space<vmem>> -> memref<128x128xf32, #tpu.memory_space<vmem>>
        %dma_start3A_523 = arith.constant 0 : i32
        %dma_start3A_524 = tpu.memref_slice %run_scoped3A_1[%select_n3A_82, %dma_start3A_518, %dma_start3A_523] : memref<2x16x128xi32, #tpu.memory_space<vmem>> -> memref<1x1x128xi32, #tpu.memory_space<vmem>>
        %dma_start3A_525 = tpu.memref_squeeze %dma_start3A_524 : memref<1x1x128xi32, #tpu.memory_space<vmem>> -> memref<128xi32, #tpu.memory_space<vmem>>
        %dma_start3A_526 = arith.constant 0 : i32
        %dma_start3A_527 = arith.constant 0 : i32
        %dma_start3A_528 = tpu.memref_slice %arg7[%dma_start3A_526, %dma_start3A_527] : memref<10240x128xf32, #tpu.memory_space<vmem_shared>> -> memref<10240x128xf32, #tpu.memory_space<vmem_shared>>
        tpu.enqueue_indirect_dma source(%dma_start3A_522 : memref<128x128xf32, #tpu.memory_space<vmem>>) target(%dma_start3A_528 : memref<10240x128xf32, #tpu.memory_space<vmem_shared>>) offsets(%dma_start3A_525 : memref<128xi32, #tpu.memory_space<vmem>>) semaphore(%run_scoped3A_4 : memref<!tpu.dma_semaphore, #tpu.memory_space<semaphore_mem>>) {add = true}
        %dma_wait3A_529 = arith.constant 0 : i32
        %dma_wait3A_530 = arith.constant 0 : i32
        %dma_wait3A_531 = arith.constant 1 : i32
        %dma_wait3A_532 = arith.constant 0 : i32
        %dma_wait3A_533 = arith.constant 0 : i32
        %dma_wait3A_534 = tpu.memref_slice %run_scoped3A_2[%dma_wait3A_531, %dma_wait3A_532, %dma_wait3A_533] : memref<2x128x128xf32, #tpu.memory_space<vmem>> -> memref<1x128x128xf32, #tpu.memory_space<vmem>>
        %dma_wait3A_535 = tpu.memref_squeeze %dma_wait3A_534 : memref<1x128x128xf32, #tpu.memory_space<vmem>> -> memref<128x128xf32, #tpu.memory_space<vmem>>
        %dma_wait3A_536 = arith.constant 0 : i32
        %dma_wait3A_537 = tpu.memref_slice %run_scoped3A[%dma_wait3A_529, %dma_wait3A_530, %dma_wait3A_536] : memref<2x16x128xi32, #tpu.memory_space<vmem>> -> memref<1x1x128xi32, #tpu.memory_space<vmem>>
        %dma_wait3A_538 = tpu.memref_squeeze %dma_wait3A_537 : memref<1x1x128xi32, #tpu.memory_space<vmem>> -> memref<128xi32, #tpu.memory_space<vmem>>
        %dma_wait3A_539 = arith.constant 0 : i32
        %dma_wait3A_540 = arith.constant 0 : i32
        %dma_wait3A_541 = tpu.memref_slice %arg2[%dma_wait3A_539, %dma_wait3A_540] : memref<10000x128xf32, #tpu.memory_space<hbm>> -> memref<10000x128xf32, #tpu.memory_space<hbm>>
        tpu.wait_indirect_dma semaphore(%run_scoped3A_3 : memref<!tpu.dma_semaphore, #tpu.memory_space<semaphore_mem>>) src(%dma_wait3A_541 : memref<10000x128xf32, #tpu.memory_space<hbm>>) dst(%dma_wait3A_535 : memref<128x128xf32, #tpu.memory_space<vmem>>)
        %dma_wait3A_542 = arith.constant 0 : i32
        %dma_wait3A_543 = arith.constant 0 : i32
        %dma_wait3A_544 = arith.constant 0 : i32
        %dma_wait3A_545 = arith.constant 0 : i32
        %dma_wait3A_546 = arith.constant 0 : i32
        %dma_wait3A_547 = tpu.memref_slice %run_scoped3A_2[%dma_wait3A_542, %dma_wait3A_545, %dma_wait3A_546] : memref<2x128x128xf32, #tpu.memory_space<vmem>> -> memref<1x128x128xf32, #tpu.memory_space<vmem>>
        %dma_wait3A_548 = tpu.memref_squeeze %dma_wait3A_547 : memref<1x128x128xf32, #tpu.memory_space<vmem>> -> memref<128x128xf32, #tpu.memory_space<vmem>>
        %dma_wait3A_549 = arith.constant 0 : i32
        %dma_wait3A_550 = tpu.memref_slice %run_scoped3A_1[%dma_wait3A_543, %dma_wait3A_544, %dma_wait3A_549] : memref<2x16x128xi32, #tpu.memory_space<vmem>> -> memref<1x1x128xi32, #tpu.memory_space<vmem>>
        %dma_wait3A_551 = tpu.memref_squeeze %dma_wait3A_550 : memref<1x1x128xi32, #tpu.memory_space<vmem>> -> memref<128xi32, #tpu.memory_space<vmem>>
        %dma_wait3A_552 = arith.constant 0 : i32
        %dma_wait3A_553 = arith.constant 0 : i32
        %dma_wait3A_554 = tpu.memref_slice %arg7[%dma_wait3A_552, %dma_wait3A_553] : memref<10240x128xf32, #tpu.memory_space<vmem_shared>> -> memref<10240x128xf32, #tpu.memory_space<vmem_shared>>
        tpu.wait_indirect_dma semaphore(%run_scoped3A_4 : memref<!tpu.dma_semaphore, #tpu.memory_space<semaphore_mem>>) src(%dma_wait3A_548 : memref<128x128xf32, #tpu.memory_space<vmem>>) dst(%dma_wait3A_554 : memref<10240x128xf32, #tpu.memory_space<vmem_shared>>)
        %dma_start3A_555 = arith.constant 10 : i32
        %dma_start3A_556 = arith.constant 0 : i32
        %dma_start3A_557 = arith.constant 0 : i32
        %dma_start3A_558 = arith.constant 0 : i32
        %dma_start3A_559 = tpu.memref_slice %run_scoped3A_2[%dma_start3A_556, %dma_start3A_557, %dma_start3A_558] : memref<2x128x128xf32, #tpu.memory_space<vmem>> -> memref<1x128x128xf32, #tpu.memory_space<vmem>>
        %dma_start3A_560 = tpu.memref_squeeze %dma_start3A_559 : memref<1x128x128xf32, #tpu.memory_space<vmem>> -> memref<128x128xf32, #tpu.memory_space<vmem>>
        %dma_start3A_561 = arith.constant 0 : i32
        %dma_start3A_562 = tpu.memref_slice %run_scoped3A[%select_n3A_82, %dma_start3A_555, %dma_start3A_561] : memref<2x16x128xi32, #tpu.memory_space<vmem>> -> memref<1x1x128xi32, #tpu.memory_space<vmem>>
        %dma_start3A_563 = tpu.memref_squeeze %dma_start3A_562 : memref<1x1x128xi32, #tpu.memory_space<vmem>> -> memref<128xi32, #tpu.memory_space<vmem>>
        %dma_start3A_564 = arith.constant 0 : i32
        %dma_start3A_565 = arith.constant 0 : i32
        %dma_start3A_566 = tpu.memref_slice %arg2[%dma_start3A_564, %dma_start3A_565] : memref<10000x128xf32, #tpu.memory_space<hbm>> -> memref<10000x128xf32, #tpu.memory_space<hbm>>
        tpu.enqueue_indirect_dma source(%dma_start3A_566 : memref<10000x128xf32, #tpu.memory_space<hbm>>) target(%dma_start3A_560 : memref<128x128xf32, #tpu.memory_space<vmem>>) offsets(%dma_start3A_563 : memref<128xi32, #tpu.memory_space<vmem>>) semaphore(%run_scoped3A_3 : memref<!tpu.dma_semaphore, #tpu.memory_space<semaphore_mem>>)
        %dma_start3A_567 = arith.constant 1 : i32
        %dma_start3A_568 = arith.constant 9 : i32
        %dma_start3A_569 = arith.constant 0 : i32
        %dma_start3A_570 = arith.constant 0 : i32
        %dma_start3A_571 = tpu.memref_slice %run_scoped3A_2[%dma_start3A_567, %dma_start3A_569, %dma_start3A_570] : memref<2x128x128xf32, #tpu.memory_space<vmem>> -> memref<1x128x128xf32, #tpu.memory_space<vmem>>
        %dma_start3A_572 = tpu.memref_squeeze %dma_start3A_571 : memref<1x128x128xf32, #tpu.memory_space<vmem>> -> memref<128x128xf32, #tpu.memory_space<vmem>>
        %dma_start3A_573 = arith.constant 0 : i32
        %dma_start3A_574 = tpu.memref_slice %run_scoped3A_1[%select_n3A_82, %dma_start3A_568, %dma_start3A_573] : memref<2x16x128xi32, #tpu.memory_space<vmem>> -> memref<1x1x128xi32, #tpu.memory_space<vmem>>
        %dma_start3A_575 = tpu.memref_squeeze %dma_start3A_574 : memref<1x1x128xi32, #tpu.memory_space<vmem>> -> memref<128xi32, #tpu.memory_space<vmem>>
        %dma_start3A_576 = arith.constant 0 : i32
        %dma_start3A_577 = arith.constant 0 : i32
        %dma_start3A_578 = tpu.memref_slice %arg7[%dma_start3A_576, %dma_start3A_577] : memref<10240x128xf32, #tpu.memory_space<vmem_shared>> -> memref<10240x128xf32, #tpu.memory_space<vmem_shared>>
        tpu.enqueue_indirect_dma source(%dma_start3A_572 : memref<128x128xf32, #tpu.memory_space<vmem>>) target(%dma_start3A_578 : memref<10240x128xf32, #tpu.memory_space<vmem_shared>>) offsets(%dma_start3A_575 : memref<128xi32, #tpu.memory_space<vmem>>) semaphore(%run_scoped3A_5 : memref<!tpu.dma_semaphore, #tpu.memory_space<semaphore_mem>>) {add = true}
        %dma_wait3A_579 = arith.constant 0 : i32
        %dma_wait3A_580 = arith.constant 0 : i32
        %dma_wait3A_581 = arith.constant 0 : i32
        %dma_wait3A_582 = arith.constant 0 : i32
        %dma_wait3A_583 = arith.constant 0 : i32
        %dma_wait3A_584 = tpu.memref_slice %run_scoped3A_2[%dma_wait3A_581, %dma_wait3A_582, %dma_wait3A_583] : memref<2x128x128xf32, #tpu.memory_space<vmem>> -> memref<1x128x128xf32, #tpu.memory_space<vmem>>
        %dma_wait3A_585 = tpu.memref_squeeze %dma_wait3A_584 : memref<1x128x128xf32, #tpu.memory_space<vmem>> -> memref<128x128xf32, #tpu.memory_space<vmem>>
        %dma_wait3A_586 = arith.constant 0 : i32
        %dma_wait3A_587 = tpu.memref_slice %run_scoped3A[%dma_wait3A_579, %dma_wait3A_580, %dma_wait3A_586] : memref<2x16x128xi32, #tpu.memory_space<vmem>> -> memref<1x1x128xi32, #tpu.memory_space<vmem>>
        %dma_wait3A_588 = tpu.memref_squeeze %dma_wait3A_587 : memref<1x1x128xi32, #tpu.memory_space<vmem>> -> memref<128xi32, #tpu.memory_space<vmem>>
        %dma_wait3A_589 = arith.constant 0 : i32
        %dma_wait3A_590 = arith.constant 0 : i32
        %dma_wait3A_591 = tpu.memref_slice %arg2[%dma_wait3A_589, %dma_wait3A_590] : memref<10000x128xf32, #tpu.memory_space<hbm>> -> memref<10000x128xf32, #tpu.memory_space<hbm>>
        tpu.wait_indirect_dma semaphore(%run_scoped3A_3 : memref<!tpu.dma_semaphore, #tpu.memory_space<semaphore_mem>>) src(%dma_wait3A_591 : memref<10000x128xf32, #tpu.memory_space<hbm>>) dst(%dma_wait3A_585 : memref<128x128xf32, #tpu.memory_space<vmem>>)
        %dma_wait3A_592 = arith.constant 1 : i32
        %dma_wait3A_593 = arith.constant 0 : i32
        %dma_wait3A_594 = arith.constant 0 : i32
        %dma_wait3A_595 = arith.constant 0 : i32
        %dma_wait3A_596 = arith.constant 0 : i32
        %dma_wait3A_597 = tpu.memref_slice %run_scoped3A_2[%dma_wait3A_592, %dma_wait3A_595, %dma_wait3A_596] : memref<2x128x128xf32, #tpu.memory_space<vmem>> -> memref<1x128x128xf32, #tpu.memory_space<vmem>>
        %dma_wait3A_598 = tpu.memref_squeeze %dma_wait3A_597 : memref<1x128x128xf32, #tpu.memory_space<vmem>> -> memref<128x128xf32, #tpu.memory_space<vmem>>
        %dma_wait3A_599 = arith.constant 0 : i32
        %dma_wait3A_600 = tpu.memref_slice %run_scoped3A_1[%dma_wait3A_593, %dma_wait3A_594, %dma_wait3A_599] : memref<2x16x128xi32, #tpu.memory_space<vmem>> -> memref<1x1x128xi32, #tpu.memory_space<vmem>>
        %dma_wait3A_601 = tpu.memref_squeeze %dma_wait3A_600 : memref<1x1x128xi32, #tpu.memory_space<vmem>> -> memref<128xi32, #tpu.memory_space<vmem>>
        %dma_wait3A_602 = arith.constant 0 : i32
        %dma_wait3A_603 = arith.constant 0 : i32
        %dma_wait3A_604 = tpu.memref_slice %arg7[%dma_wait3A_602, %dma_wait3A_603] : memref<10240x128xf32, #tpu.memory_space<vmem_shared>> -> memref<10240x128xf32, #tpu.memory_space<vmem_shared>>
        tpu.wait_indirect_dma semaphore(%run_scoped3A_5 : memref<!tpu.dma_semaphore, #tpu.memory_space<semaphore_mem>>) src(%dma_wait3A_598 : memref<128x128xf32, #tpu.memory_space<vmem>>) dst(%dma_wait3A_604 : memref<10240x128xf32, #tpu.memory_space<vmem_shared>>)
        %dma_start3A_605 = arith.constant 11 : i32
        %dma_start3A_606 = arith.constant 1 : i32
        %dma_start3A_607 = arith.constant 0 : i32
        %dma_start3A_608 = arith.constant 0 : i32
        %dma_start3A_609 = tpu.memref_slice %run_scoped3A_2[%dma_start3A_606, %dma_start3A_607, %dma_start3A_608] : memref<2x128x128xf32, #tpu.memory_space<vmem>> -> memref<1x128x128xf32, #tpu.memory_space<vmem>>
        %dma_start3A_610 = tpu.memref_squeeze %dma_start3A_609 : memref<1x128x128xf32, #tpu.memory_space<vmem>> -> memref<128x128xf32, #tpu.memory_space<vmem>>
        %dma_start3A_611 = arith.constant 0 : i32
        %dma_start3A_612 = tpu.memref_slice %run_scoped3A[%select_n3A_82, %dma_start3A_605, %dma_start3A_611] : memref<2x16x128xi32, #tpu.memory_space<vmem>> -> memref<1x1x128xi32, #tpu.memory_space<vmem>>
        %dma_start3A_613 = tpu.memref_squeeze %dma_start3A_612 : memref<1x1x128xi32, #tpu.memory_space<vmem>> -> memref<128xi32, #tpu.memory_space<vmem>>
        %dma_start3A_614 = arith.constant 0 : i32
        %dma_start3A_615 = arith.constant 0 : i32
        %dma_start3A_616 = tpu.memref_slice %arg2[%dma_start3A_614, %dma_start3A_615] : memref<10000x128xf32, #tpu.memory_space<hbm>> -> memref<10000x128xf32, #tpu.memory_space<hbm>>
        tpu.enqueue_indirect_dma source(%dma_start3A_616 : memref<10000x128xf32, #tpu.memory_space<hbm>>) target(%dma_start3A_610 : memref<128x128xf32, #tpu.memory_space<vmem>>) offsets(%dma_start3A_613 : memref<128xi32, #tpu.memory_space<vmem>>) semaphore(%run_scoped3A_3 : memref<!tpu.dma_semaphore, #tpu.memory_space<semaphore_mem>>)
        %dma_start3A_617 = arith.constant 0 : i32
        %dma_start3A_618 = arith.constant 10 : i32
        %dma_start3A_619 = arith.constant 0 : i32
        %dma_start3A_620 = arith.constant 0 : i32
        %dma_start3A_621 = tpu.memref_slice %run_scoped3A_2[%dma_start3A_617, %dma_start3A_619, %dma_start3A_620] : memref<2x128x128xf32, #tpu.memory_space<vmem>> -> memref<1x128x128xf32, #tpu.memory_space<vmem>>
        %dma_start3A_622 = tpu.memref_squeeze %dma_start3A_621 : memref<1x128x128xf32, #tpu.memory_space<vmem>> -> memref<128x128xf32, #tpu.memory_space<vmem>>
        %dma_start3A_623 = arith.constant 0 : i32
        %dma_start3A_624 = tpu.memref_slice %run_scoped3A_1[%select_n3A_82, %dma_start3A_618, %dma_start3A_623] : memref<2x16x128xi32, #tpu.memory_space<vmem>> -> memref<1x1x128xi32, #tpu.memory_space<vmem>>
        %dma_start3A_625 = tpu.memref_squeeze %dma_start3A_624 : memref<1x1x128xi32, #tpu.memory_space<vmem>> -> memref<128xi32, #tpu.memory_space<vmem>>
        %dma_start3A_626 = arith.constant 0 : i32
        %dma_start3A_627 = arith.constant 0 : i32
        %dma_start3A_628 = tpu.memref_slice %arg7[%dma_start3A_626, %dma_start3A_627] : memref<10240x128xf32, #tpu.memory_space<vmem_shared>> -> memref<10240x128xf32, #tpu.memory_space<vmem_shared>>
        tpu.enqueue_indirect_dma source(%dma_start3A_622 : memref<128x128xf32, #tpu.memory_space<vmem>>) target(%dma_start3A_628 : memref<10240x128xf32, #tpu.memory_space<vmem_shared>>) offsets(%dma_start3A_625 : memref<128xi32, #tpu.memory_space<vmem>>) semaphore(%run_scoped3A_4 : memref<!tpu.dma_semaphore, #tpu.memory_space<semaphore_mem>>) {add = true}
        %dma_wait3A_629 = arith.constant 0 : i32
        %dma_wait3A_630 = arith.constant 0 : i32
        %dma_wait3A_631 = arith.constant 1 : i32
        %dma_wait3A_632 = arith.constant 0 : i32
        %dma_wait3A_633 = arith.constant 0 : i32
        %dma_wait3A_634 = tpu.memref_slice %run_scoped3A_2[%dma_wait3A_631, %dma_wait3A_632, %dma_wait3A_633] : memref<2x128x128xf32, #tpu.memory_space<vmem>> -> memref<1x128x128xf32, #tpu.memory_space<vmem>>
        %dma_wait3A_635 = tpu.memref_squeeze %dma_wait3A_634 : memref<1x128x128xf32, #tpu.memory_space<vmem>> -> memref<128x128xf32, #tpu.memory_space<vmem>>
        %dma_wait3A_636 = arith.constant 0 : i32
        %dma_wait3A_637 = tpu.memref_slice %run_scoped3A[%dma_wait3A_629, %dma_wait3A_630, %dma_wait3A_636] : memref<2x16x128xi32, #tpu.memory_space<vmem>> -> memref<1x1x128xi32, #tpu.memory_space<vmem>>
        %dma_wait3A_638 = tpu.memref_squeeze %dma_wait3A_637 : memref<1x1x128xi32, #tpu.memory_space<vmem>> -> memref<128xi32, #tpu.memory_space<vmem>>
        %dma_wait3A_639 = arith.constant 0 : i32
        %dma_wait3A_640 = arith.constant 0 : i32
        %dma_wait3A_641 = tpu.memref_slice %arg2[%dma_wait3A_639, %dma_wait3A_640] : memref<10000x128xf32, #tpu.memory_space<hbm>> -> memref<10000x128xf32, #tpu.memory_space<hbm>>
        tpu.wait_indirect_dma semaphore(%run_scoped3A_3 : memref<!tpu.dma_semaphore, #tpu.memory_space<semaphore_mem>>) src(%dma_wait3A_641 : memref<10000x128xf32, #tpu.memory_space<hbm>>) dst(%dma_wait3A_635 : memref<128x128xf32, #tpu.memory_space<vmem>>)
        %dma_wait3A_642 = arith.constant 0 : i32
        %dma_wait3A_643 = arith.constant 0 : i32
        %dma_wait3A_644 = arith.constant 0 : i32
        %dma_wait3A_645 = arith.constant 0 : i32
        %dma_wait3A_646 = arith.constant 0 : i32
        %dma_wait3A_647 = tpu.memref_slice %run_scoped3A_2[%dma_wait3A_642, %dma_wait3A_645, %dma_wait3A_646] : memref<2x128x128xf32, #tpu.memory_space<vmem>> -> memref<1x128x128xf32, #tpu.memory_space<vmem>>
        %dma_wait3A_648 = tpu.memref_squeeze %dma_wait3A_647 : memref<1x128x128xf32, #tpu.memory_space<vmem>> -> memref<128x128xf32, #tpu.memory_space<vmem>>
        %dma_wait3A_649 = arith.constant 0 : i32
        %dma_wait3A_650 = tpu.memref_slice %run_scoped3A_1[%dma_wait3A_643, %dma_wait3A_644, %dma_wait3A_649] : memref<2x16x128xi32, #tpu.memory_space<vmem>> -> memref<1x1x128xi32, #tpu.memory_space<vmem>>
        %dma_wait3A_651 = tpu.memref_squeeze %dma_wait3A_650 : memref<1x1x128xi32, #tpu.memory_space<vmem>> -> memref<128xi32, #tpu.memory_space<vmem>>
        %dma_wait3A_652 = arith.constant 0 : i32
        %dma_wait3A_653 = arith.constant 0 : i32
        %dma_wait3A_654 = tpu.memref_slice %arg7[%dma_wait3A_652, %dma_wait3A_653] : memref<10240x128xf32, #tpu.memory_space<vmem_shared>> -> memref<10240x128xf32, #tpu.memory_space<vmem_shared>>
        tpu.wait_indirect_dma semaphore(%run_scoped3A_4 : memref<!tpu.dma_semaphore, #tpu.memory_space<semaphore_mem>>) src(%dma_wait3A_648 : memref<128x128xf32, #tpu.memory_space<vmem>>) dst(%dma_wait3A_654 : memref<10240x128xf32, #tpu.memory_space<vmem_shared>>)
        %dma_start3A_655 = arith.constant 12 : i32
        %dma_start3A_656 = arith.constant 0 : i32
        %dma_start3A_657 = arith.constant 0 : i32
        %dma_start3A_658 = arith.constant 0 : i32
        %dma_start3A_659 = tpu.memref_slice %run_scoped3A_2[%dma_start3A_656, %dma_start3A_657, %dma_start3A_658] : memref<2x128x128xf32, #tpu.memory_space<vmem>> -> memref<1x128x128xf32, #tpu.memory_space<vmem>>
        %dma_start3A_660 = tpu.memref_squeeze %dma_start3A_659 : memref<1x128x128xf32, #tpu.memory_space<vmem>> -> memref<128x128xf32, #tpu.memory_space<vmem>>
        %dma_start3A_661 = arith.constant 0 : i32
        %dma_start3A_662 = tpu.memref_slice %run_scoped3A[%select_n3A_82, %dma_start3A_655, %dma_start3A_661] : memref<2x16x128xi32, #tpu.memory_space<vmem>> -> memref<1x1x128xi32, #tpu.memory_space<vmem>>
        %dma_start3A_663 = tpu.memref_squeeze %dma_start3A_662 : memref<1x1x128xi32, #tpu.memory_space<vmem>> -> memref<128xi32, #tpu.memory_space<vmem>>
        %dma_start3A_664 = arith.constant 0 : i32
        %dma_start3A_665 = arith.constant 0 : i32
        %dma_start3A_666 = tpu.memref_slice %arg2[%dma_start3A_664, %dma_start3A_665] : memref<10000x128xf32, #tpu.memory_space<hbm>> -> memref<10000x128xf32, #tpu.memory_space<hbm>>
        tpu.enqueue_indirect_dma source(%dma_start3A_666 : memref<10000x128xf32, #tpu.memory_space<hbm>>) target(%dma_start3A_660 : memref<128x128xf32, #tpu.memory_space<vmem>>) offsets(%dma_start3A_663 : memref<128xi32, #tpu.memory_space<vmem>>) semaphore(%run_scoped3A_3 : memref<!tpu.dma_semaphore, #tpu.memory_space<semaphore_mem>>)
        %dma_start3A_667 = arith.constant 1 : i32
        %dma_start3A_668 = arith.constant 11 : i32
        %dma_start3A_669 = arith.constant 0 : i32
        %dma_start3A_670 = arith.constant 0 : i32
        %dma_start3A_671 = tpu.memref_slice %run_scoped3A_2[%dma_start3A_667, %dma_start3A_669, %dma_start3A_670] : memref<2x128x128xf32, #tpu.memory_space<vmem>> -> memref<1x128x128xf32, #tpu.memory_space<vmem>>
        %dma_start3A_672 = tpu.memref_squeeze %dma_start3A_671 : memref<1x128x128xf32, #tpu.memory_space<vmem>> -> memref<128x128xf32, #tpu.memory_space<vmem>>
        %dma_start3A_673 = arith.constant 0 : i32
        %dma_start3A_674 = tpu.memref_slice %run_scoped3A_1[%select_n3A_82, %dma_start3A_668, %dma_start3A_673] : memref<2x16x128xi32, #tpu.memory_space<vmem>> -> memref<1x1x128xi32, #tpu.memory_space<vmem>>
        %dma_start3A_675 = tpu.memref_squeeze %dma_start3A_674 : memref<1x1x128xi32, #tpu.memory_space<vmem>> -> memref<128xi32, #tpu.memory_space<vmem>>
        %dma_start3A_676 = arith.constant 0 : i32
        %dma_start3A_677 = arith.constant 0 : i32
        %dma_start3A_678 = tpu.memref_slice %arg7[%dma_start3A_676, %dma_start3A_677] : memref<10240x128xf32, #tpu.memory_space<vmem_shared>> -> memref<10240x128xf32, #tpu.memory_space<vmem_shared>>
        tpu.enqueue_indirect_dma source(%dma_start3A_672 : memref<128x128xf32, #tpu.memory_space<vmem>>) target(%dma_start3A_678 : memref<10240x128xf32, #tpu.memory_space<vmem_shared>>) offsets(%dma_start3A_675 : memref<128xi32, #tpu.memory_space<vmem>>) semaphore(%run_scoped3A_5 : memref<!tpu.dma_semaphore, #tpu.memory_space<semaphore_mem>>) {add = true}
        %dma_wait3A_679 = arith.constant 0 : i32
        %dma_wait3A_680 = arith.constant 0 : i32
        %dma_wait3A_681 = arith.constant 0 : i32
        %dma_wait3A_682 = arith.constant 0 : i32
        %dma_wait3A_683 = arith.constant 0 : i32
        %dma_wait3A_684 = tpu.memref_slice %run_scoped3A_2[%dma_wait3A_681, %dma_wait3A_682, %dma_wait3A_683] : memref<2x128x128xf32, #tpu.memory_space<vmem>> -> memref<1x128x128xf32, #tpu.memory_space<vmem>>
        %dma_wait3A_685 = tpu.memref_squeeze %dma_wait3A_684 : memref<1x128x128xf32, #tpu.memory_space<vmem>> -> memref<128x128xf32, #tpu.memory_space<vmem>>
        %dma_wait3A_686 = arith.constant 0 : i32
        %dma_wait3A_687 = tpu.memref_slice %run_scoped3A[%dma_wait3A_679, %dma_wait3A_680, %dma_wait3A_686] : memref<2x16x128xi32, #tpu.memory_space<vmem>> -> memref<1x1x128xi32, #tpu.memory_space<vmem>>
        %dma_wait3A_688 = tpu.memref_squeeze %dma_wait3A_687 : memref<1x1x128xi32, #tpu.memory_space<vmem>> -> memref<128xi32, #tpu.memory_space<vmem>>
        %dma_wait3A_689 = arith.constant 0 : i32
        %dma_wait3A_690 = arith.constant 0 : i32
        %dma_wait3A_691 = tpu.memref_slice %arg2[%dma_wait3A_689, %dma_wait3A_690] : memref<10000x128xf32, #tpu.memory_space<hbm>> -> memref<10000x128xf32, #tpu.memory_space<hbm>>
        tpu.wait_indirect_dma semaphore(%run_scoped3A_3 : memref<!tpu.dma_semaphore, #tpu.memory_space<semaphore_mem>>) src(%dma_wait3A_691 : memref<10000x128xf32, #tpu.memory_space<hbm>>) dst(%dma_wait3A_685 : memref<128x128xf32, #tpu.memory_space<vmem>>)
        %dma_wait3A_692 = arith.constant 1 : i32
        %dma_wait3A_693 = arith.constant 0 : i32
        %dma_wait3A_694 = arith.constant 0 : i32
        %dma_wait3A_695 = arith.constant 0 : i32
        %dma_wait3A_696 = arith.constant 0 : i32
        %dma_wait3A_697 = tpu.memref_slice %run_scoped3A_2[%dma_wait3A_692, %dma_wait3A_695, %dma_wait3A_696] : memref<2x128x128xf32, #tpu.memory_space<vmem>> -> memref<1x128x128xf32, #tpu.memory_space<vmem>>
        %dma_wait3A_698 = tpu.memref_squeeze %dma_wait3A_697 : memref<1x128x128xf32, #tpu.memory_space<vmem>> -> memref<128x128xf32, #tpu.memory_space<vmem>>
        %dma_wait3A_699 = arith.constant 0 : i32
        %dma_wait3A_700 = tpu.memref_slice %run_scoped3A_1[%dma_wait3A_693, %dma_wait3A_694, %dma_wait3A_699] : memref<2x16x128xi32, #tpu.memory_space<vmem>> -> memref<1x1x128xi32, #tpu.memory_space<vmem>>
        %dma_wait3A_701 = tpu.memref_squeeze %dma_wait3A_700 : memref<1x1x128xi32, #tpu.memory_space<vmem>> -> memref<128xi32, #tpu.memory_space<vmem>>
        %dma_wait3A_702 = arith.constant 0 : i32
        %dma_wait3A_703 = arith.constant 0 : i32
        %dma_wait3A_704 = tpu.memref_slice %arg7[%dma_wait3A_702, %dma_wait3A_703] : memref<10240x128xf32, #tpu.memory_space<vmem_shared>> -> memref<10240x128xf32, #tpu.memory_space<vmem_shared>>
        tpu.wait_indirect_dma semaphore(%run_scoped3A_5 : memref<!tpu.dma_semaphore, #tpu.memory_space<semaphore_mem>>) src(%dma_wait3A_698 : memref<128x128xf32, #tpu.memory_space<vmem>>) dst(%dma_wait3A_704 : memref<10240x128xf32, #tpu.memory_space<vmem_shared>>)
        %dma_start3A_705 = arith.constant 13 : i32
        %dma_start3A_706 = arith.constant 1 : i32
        %dma_start3A_707 = arith.constant 0 : i32
        %dma_start3A_708 = arith.constant 0 : i32
        %dma_start3A_709 = tpu.memref_slice %run_scoped3A_2[%dma_start3A_706, %dma_start3A_707, %dma_start3A_708] : memref<2x128x128xf32, #tpu.memory_space<vmem>> -> memref<1x128x128xf32, #tpu.memory_space<vmem>>
        %dma_start3A_710 = tpu.memref_squeeze %dma_start3A_709 : memref<1x128x128xf32, #tpu.memory_space<vmem>> -> memref<128x128xf32, #tpu.memory_space<vmem>>
        %dma_start3A_711 = arith.constant 0 : i32
        %dma_start3A_712 = tpu.memref_slice %run_scoped3A[%select_n3A_82, %dma_start3A_705, %dma_start3A_711] : memref<2x16x128xi32, #tpu.memory_space<vmem>> -> memref<1x1x128xi32, #tpu.memory_space<vmem>>
        %dma_start3A_713 = tpu.memref_squeeze %dma_start3A_712 : memref<1x1x128xi32, #tpu.memory_space<vmem>> -> memref<128xi32, #tpu.memory_space<vmem>>
        %dma_start3A_714 = arith.constant 0 : i32
        %dma_start3A_715 = arith.constant 0 : i32
        %dma_start3A_716 = tpu.memref_slice %arg2[%dma_start3A_714, %dma_start3A_715] : memref<10000x128xf32, #tpu.memory_space<hbm>> -> memref<10000x128xf32, #tpu.memory_space<hbm>>
        tpu.enqueue_indirect_dma source(%dma_start3A_716 : memref<10000x128xf32, #tpu.memory_space<hbm>>) target(%dma_start3A_710 : memref<128x128xf32, #tpu.memory_space<vmem>>) offsets(%dma_start3A_713 : memref<128xi32, #tpu.memory_space<vmem>>) semaphore(%run_scoped3A_3 : memref<!tpu.dma_semaphore, #tpu.memory_space<semaphore_mem>>)
        %dma_start3A_717 = arith.constant 0 : i32
        %dma_start3A_718 = arith.constant 12 : i32
        %dma_start3A_719 = arith.constant 0 : i32
        %dma_start3A_720 = arith.constant 0 : i32
        %dma_start3A_721 = tpu.memref_slice %run_scoped3A_2[%dma_start3A_717, %dma_start3A_719, %dma_start3A_720] : memref<2x128x128xf32, #tpu.memory_space<vmem>> -> memref<1x128x128xf32, #tpu.memory_space<vmem>>
        %dma_start3A_722 = tpu.memref_squeeze %dma_start3A_721 : memref<1x128x128xf32, #tpu.memory_space<vmem>> -> memref<128x128xf32, #tpu.memory_space<vmem>>
        %dma_start3A_723 = arith.constant 0 : i32
        %dma_start3A_724 = tpu.memref_slice %run_scoped3A_1[%select_n3A_82, %dma_start3A_718, %dma_start3A_723] : memref<2x16x128xi32, #tpu.memory_space<vmem>> -> memref<1x1x128xi32, #tpu.memory_space<vmem>>
        %dma_start3A_725 = tpu.memref_squeeze %dma_start3A_724 : memref<1x1x128xi32, #tpu.memory_space<vmem>> -> memref<128xi32, #tpu.memory_space<vmem>>
        %dma_start3A_726 = arith.constant 0 : i32
        %dma_start3A_727 = arith.constant 0 : i32
        %dma_start3A_728 = tpu.memref_slice %arg7[%dma_start3A_726, %dma_start3A_727] : memref<10240x128xf32, #tpu.memory_space<vmem_shared>> -> memref<10240x128xf32, #tpu.memory_space<vmem_shared>>
        tpu.enqueue_indirect_dma source(%dma_start3A_722 : memref<128x128xf32, #tpu.memory_space<vmem>>) target(%dma_start3A_728 : memref<10240x128xf32, #tpu.memory_space<vmem_shared>>) offsets(%dma_start3A_725 : memref<128xi32, #tpu.memory_space<vmem>>) semaphore(%run_scoped3A_4 : memref<!tpu.dma_semaphore, #tpu.memory_space<semaphore_mem>>) {add = true}
        %dma_wait3A_729 = arith.constant 0 : i32
        %dma_wait3A_730 = arith.constant 0 : i32
        %dma_wait3A_731 = arith.constant 1 : i32
        %dma_wait3A_732 = arith.constant 0 : i32
        %dma_wait3A_733 = arith.constant 0 : i32
        %dma_wait3A_734 = tpu.memref_slice %run_scoped3A_2[%dma_wait3A_731, %dma_wait3A_732, %dma_wait3A_733] : memref<2x128x128xf32, #tpu.memory_space<vmem>> -> memref<1x128x128xf32, #tpu.memory_space<vmem>>
        %dma_wait3A_735 = tpu.memref_squeeze %dma_wait3A_734 : memref<1x128x128xf32, #tpu.memory_space<vmem>> -> memref<128x128xf32, #tpu.memory_space<vmem>>
        %dma_wait3A_736 = arith.constant 0 : i32
        %dma_wait3A_737 = tpu.memref_slice %run_scoped3A[%dma_wait3A_729, %dma_wait3A_730, %dma_wait3A_736] : memref<2x16x128xi32, #tpu.memory_space<vmem>> -> memref<1x1x128xi32, #tpu.memory_space<vmem>>
        %dma_wait3A_738 = tpu.memref_squeeze %dma_wait3A_737 : memref<1x1x128xi32, #tpu.memory_space<vmem>> -> memref<128xi32, #tpu.memory_space<vmem>>
        %dma_wait3A_739 = arith.constant 0 : i32
        %dma_wait3A_740 = arith.constant 0 : i32
        %dma_wait3A_741 = tpu.memref_slice %arg2[%dma_wait3A_739, %dma_wait3A_740] : memref<10000x128xf32, #tpu.memory_space<hbm>> -> memref<10000x128xf32, #tpu.memory_space<hbm>>
        tpu.wait_indirect_dma semaphore(%run_scoped3A_3 : memref<!tpu.dma_semaphore, #tpu.memory_space<semaphore_mem>>) src(%dma_wait3A_741 : memref<10000x128xf32, #tpu.memory_space<hbm>>) dst(%dma_wait3A_735 : memref<128x128xf32, #tpu.memory_space<vmem>>)
        %dma_wait3A_742 = arith.constant 0 : i32
        %dma_wait3A_743 = arith.constant 0 : i32
        %dma_wait3A_744 = arith.constant 0 : i32
        %dma_wait3A_745 = arith.constant 0 : i32
        %dma_wait3A_746 = arith.constant 0 : i32
        %dma_wait3A_747 = tpu.memref_slice %run_scoped3A_2[%dma_wait3A_742, %dma_wait3A_745, %dma_wait3A_746] : memref<2x128x128xf32, #tpu.memory_space<vmem>> -> memref<1x128x128xf32, #tpu.memory_space<vmem>>
        %dma_wait3A_748 = tpu.memref_squeeze %dma_wait3A_747 : memref<1x128x128xf32, #tpu.memory_space<vmem>> -> memref<128x128xf32, #tpu.memory_space<vmem>>
        %dma_wait3A_749 = arith.constant 0 : i32
        %dma_wait3A_750 = tpu.memref_slice %run_scoped3A_1[%dma_wait3A_743, %dma_wait3A_744, %dma_wait3A_749] : memref<2x16x128xi32, #tpu.memory_space<vmem>> -> memref<1x1x128xi32, #tpu.memory_space<vmem>>
        %dma_wait3A_751 = tpu.memref_squeeze %dma_wait3A_750 : memref<1x1x128xi32, #tpu.memory_space<vmem>> -> memref<128xi32, #tpu.memory_space<vmem>>
        %dma_wait3A_752 = arith.constant 0 : i32
        %dma_wait3A_753 = arith.constant 0 : i32
        %dma_wait3A_754 = tpu.memref_slice %arg7[%dma_wait3A_752, %dma_wait3A_753] : memref<10240x128xf32, #tpu.memory_space<vmem_shared>> -> memref<10240x128xf32, #tpu.memory_space<vmem_shared>>
        tpu.wait_indirect_dma semaphore(%run_scoped3A_4 : memref<!tpu.dma_semaphore, #tpu.memory_space<semaphore_mem>>) src(%dma_wait3A_748 : memref<128x128xf32, #tpu.memory_space<vmem>>) dst(%dma_wait3A_754 : memref<10240x128xf32, #tpu.memory_space<vmem_shared>>)
        %dma_start3A_755 = arith.constant 14 : i32
        %dma_start3A_756 = arith.constant 0 : i32
        %dma_start3A_757 = arith.constant 0 : i32
        %dma_start3A_758 = arith.constant 0 : i32
        %dma_start3A_759 = tpu.memref_slice %run_scoped3A_2[%dma_start3A_756, %dma_start3A_757, %dma_start3A_758] : memref<2x128x128xf32, #tpu.memory_space<vmem>> -> memref<1x128x128xf32, #tpu.memory_space<vmem>>
        %dma_start3A_760 = tpu.memref_squeeze %dma_start3A_759 : memref<1x128x128xf32, #tpu.memory_space<vmem>> -> memref<128x128xf32, #tpu.memory_space<vmem>>
        %dma_start3A_761 = arith.constant 0 : i32
        %dma_start3A_762 = tpu.memref_slice %run_scoped3A[%select_n3A_82, %dma_start3A_755, %dma_start3A_761] : memref<2x16x128xi32, #tpu.memory_space<vmem>> -> memref<1x1x128xi32, #tpu.memory_space<vmem>>
        %dma_start3A_763 = tpu.memref_squeeze %dma_start3A_762 : memref<1x1x128xi32, #tpu.memory_space<vmem>> -> memref<128xi32, #tpu.memory_space<vmem>>
        %dma_start3A_764 = arith.constant 0 : i32
        %dma_start3A_765 = arith.constant 0 : i32
        %dma_start3A_766 = tpu.memref_slice %arg2[%dma_start3A_764, %dma_start3A_765] : memref<10000x128xf32, #tpu.memory_space<hbm>> -> memref<10000x128xf32, #tpu.memory_space<hbm>>
        tpu.enqueue_indirect_dma source(%dma_start3A_766 : memref<10000x128xf32, #tpu.memory_space<hbm>>) target(%dma_start3A_760 : memref<128x128xf32, #tpu.memory_space<vmem>>) offsets(%dma_start3A_763 : memref<128xi32, #tpu.memory_space<vmem>>) semaphore(%run_scoped3A_3 : memref<!tpu.dma_semaphore, #tpu.memory_space<semaphore_mem>>)
        %dma_start3A_767 = arith.constant 1 : i32
        %dma_start3A_768 = arith.constant 13 : i32
        %dma_start3A_769 = arith.constant 0 : i32
        %dma_start3A_770 = arith.constant 0 : i32
        %dma_start3A_771 = tpu.memref_slice %run_scoped3A_2[%dma_start3A_767, %dma_start3A_769, %dma_start3A_770] : memref<2x128x128xf32, #tpu.memory_space<vmem>> -> memref<1x128x128xf32, #tpu.memory_space<vmem>>
        %dma_start3A_772 = tpu.memref_squeeze %dma_start3A_771 : memref<1x128x128xf32, #tpu.memory_space<vmem>> -> memref<128x128xf32, #tpu.memory_space<vmem>>
        %dma_start3A_773 = arith.constant 0 : i32
        %dma_start3A_774 = tpu.memref_slice %run_scoped3A_1[%select_n3A_82, %dma_start3A_768, %dma_start3A_773] : memref<2x16x128xi32, #tpu.memory_space<vmem>> -> memref<1x1x128xi32, #tpu.memory_space<vmem>>
        %dma_start3A_775 = tpu.memref_squeeze %dma_start3A_774 : memref<1x1x128xi32, #tpu.memory_space<vmem>> -> memref<128xi32, #tpu.memory_space<vmem>>
        %dma_start3A_776 = arith.constant 0 : i32
        %dma_start3A_777 = arith.constant 0 : i32
        %dma_start3A_778 = tpu.memref_slice %arg7[%dma_start3A_776, %dma_start3A_777] : memref<10240x128xf32, #tpu.memory_space<vmem_shared>> -> memref<10240x128xf32, #tpu.memory_space<vmem_shared>>
        tpu.enqueue_indirect_dma source(%dma_start3A_772 : memref<128x128xf32, #tpu.memory_space<vmem>>) target(%dma_start3A_778 : memref<10240x128xf32, #tpu.memory_space<vmem_shared>>) offsets(%dma_start3A_775 : memref<128xi32, #tpu.memory_space<vmem>>) semaphore(%run_scoped3A_5 : memref<!tpu.dma_semaphore, #tpu.memory_space<semaphore_mem>>) {add = true}
        %dma_wait3A_779 = arith.constant 0 : i32
        %dma_wait3A_780 = arith.constant 0 : i32
        %dma_wait3A_781 = arith.constant 0 : i32
        %dma_wait3A_782 = arith.constant 0 : i32
        %dma_wait3A_783 = arith.constant 0 : i32
        %dma_wait3A_784 = tpu.memref_slice %run_scoped3A_2[%dma_wait3A_781, %dma_wait3A_782, %dma_wait3A_783] : memref<2x128x128xf32, #tpu.memory_space<vmem>> -> memref<1x128x128xf32, #tpu.memory_space<vmem>>
        %dma_wait3A_785 = tpu.memref_squeeze %dma_wait3A_784 : memref<1x128x128xf32, #tpu.memory_space<vmem>> -> memref<128x128xf32, #tpu.memory_space<vmem>>
        %dma_wait3A_786 = arith.constant 0 : i32
        %dma_wait3A_787 = tpu.memref_slice %run_scoped3A[%dma_wait3A_779, %dma_wait3A_780, %dma_wait3A_786] : memref<2x16x128xi32, #tpu.memory_space<vmem>> -> memref<1x1x128xi32, #tpu.memory_space<vmem>>
        %dma_wait3A_788 = tpu.memref_squeeze %dma_wait3A_787 : memref<1x1x128xi32, #tpu.memory_space<vmem>> -> memref<128xi32, #tpu.memory_space<vmem>>
        %dma_wait3A_789 = arith.constant 0 : i32
        %dma_wait3A_790 = arith.constant 0 : i32
        %dma_wait3A_791 = tpu.memref_slice %arg2[%dma_wait3A_789, %dma_wait3A_790] : memref<10000x128xf32, #tpu.memory_space<hbm>> -> memref<10000x128xf32, #tpu.memory_space<hbm>>
        tpu.wait_indirect_dma semaphore(%run_scoped3A_3 : memref<!tpu.dma_semaphore, #tpu.memory_space<semaphore_mem>>) src(%dma_wait3A_791 : memref<10000x128xf32, #tpu.memory_space<hbm>>) dst(%dma_wait3A_785 : memref<128x128xf32, #tpu.memory_space<vmem>>)
        %dma_wait3A_792 = arith.constant 1 : i32
        %dma_wait3A_793 = arith.constant 0 : i32
        %dma_wait3A_794 = arith.constant 0 : i32
        %dma_wait3A_795 = arith.constant 0 : i32
        %dma_wait3A_796 = arith.constant 0 : i32
        %dma_wait3A_797 = tpu.memref_slice %run_scoped3A_2[%dma_wait3A_792, %dma_wait3A_795, %dma_wait3A_796] : memref<2x128x128xf32, #tpu.memory_space<vmem>> -> memref<1x128x128xf32, #tpu.memory_space<vmem>>
        %dma_wait3A_798 = tpu.memref_squeeze %dma_wait3A_797 : memref<1x128x128xf32, #tpu.memory_space<vmem>> -> memref<128x128xf32, #tpu.memory_space<vmem>>
        %dma_wait3A_799 = arith.constant 0 : i32
        %dma_wait3A_800 = tpu.memref_slice %run_scoped3A_1[%dma_wait3A_793, %dma_wait3A_794, %dma_wait3A_799] : memref<2x16x128xi32, #tpu.memory_space<vmem>> -> memref<1x1x128xi32, #tpu.memory_space<vmem>>
        %dma_wait3A_801 = tpu.memref_squeeze %dma_wait3A_800 : memref<1x1x128xi32, #tpu.memory_space<vmem>> -> memref<128xi32, #tpu.memory_space<vmem>>
        %dma_wait3A_802 = arith.constant 0 : i32
        %dma_wait3A_803 = arith.constant 0 : i32
        %dma_wait3A_804 = tpu.memref_slice %arg7[%dma_wait3A_802, %dma_wait3A_803] : memref<10240x128xf32, #tpu.memory_space<vmem_shared>> -> memref<10240x128xf32, #tpu.memory_space<vmem_shared>>
        tpu.wait_indirect_dma semaphore(%run_scoped3A_5 : memref<!tpu.dma_semaphore, #tpu.memory_space<semaphore_mem>>) src(%dma_wait3A_798 : memref<128x128xf32, #tpu.memory_space<vmem>>) dst(%dma_wait3A_804 : memref<10240x128xf32, #tpu.memory_space<vmem_shared>>)
        %dma_start3A_805 = arith.constant 15 : i32
        %dma_start3A_806 = arith.constant 1 : i32
        %dma_start3A_807 = arith.constant 0 : i32
        %dma_start3A_808 = arith.constant 0 : i32
        %dma_start3A_809 = tpu.memref_slice %run_scoped3A_2[%dma_start3A_806, %dma_start3A_807, %dma_start3A_808] : memref<2x128x128xf32, #tpu.memory_space<vmem>> -> memref<1x128x128xf32, #tpu.memory_space<vmem>>
        %dma_start3A_810 = tpu.memref_squeeze %dma_start3A_809 : memref<1x128x128xf32, #tpu.memory_space<vmem>> -> memref<128x128xf32, #tpu.memory_space<vmem>>
        %dma_start3A_811 = arith.constant 0 : i32
        %dma_start3A_812 = tpu.memref_slice %run_scoped3A[%select_n3A_82, %dma_start3A_805, %dma_start3A_811] : memref<2x16x128xi32, #tpu.memory_space<vmem>> -> memref<1x1x128xi32, #tpu.memory_space<vmem>>
        %dma_start3A_813 = tpu.memref_squeeze %dma_start3A_812 : memref<1x1x128xi32, #tpu.memory_space<vmem>> -> memref<128xi32, #tpu.memory_space<vmem>>
        %dma_start3A_814 = arith.constant 0 : i32
        %dma_start3A_815 = arith.constant 0 : i32
        %dma_start3A_816 = tpu.memref_slice %arg2[%dma_start3A_814, %dma_start3A_815] : memref<10000x128xf32, #tpu.memory_space<hbm>> -> memref<10000x128xf32, #tpu.memory_space<hbm>>
        tpu.enqueue_indirect_dma source(%dma_start3A_816 : memref<10000x128xf32, #tpu.memory_space<hbm>>) target(%dma_start3A_810 : memref<128x128xf32, #tpu.memory_space<vmem>>) offsets(%dma_start3A_813 : memref<128xi32, #tpu.memory_space<vmem>>) semaphore(%run_scoped3A_3 : memref<!tpu.dma_semaphore, #tpu.memory_space<semaphore_mem>>)
        %dma_start3A_817 = arith.constant 0 : i32
        %dma_start3A_818 = arith.constant 14 : i32
        %dma_start3A_819 = arith.constant 0 : i32
        %dma_start3A_820 = arith.constant 0 : i32
        %dma_start3A_821 = tpu.memref_slice %run_scoped3A_2[%dma_start3A_817, %dma_start3A_819, %dma_start3A_820] : memref<2x128x128xf32, #tpu.memory_space<vmem>> -> memref<1x128x128xf32, #tpu.memory_space<vmem>>
        %dma_start3A_822 = tpu.memref_squeeze %dma_start3A_821 : memref<1x128x128xf32, #tpu.memory_space<vmem>> -> memref<128x128xf32, #tpu.memory_space<vmem>>
        %dma_start3A_823 = arith.constant 0 : i32
        %dma_start3A_824 = tpu.memref_slice %run_scoped3A_1[%select_n3A_82, %dma_start3A_818, %dma_start3A_823] : memref<2x16x128xi32, #tpu.memory_space<vmem>> -> memref<1x1x128xi32, #tpu.memory_space<vmem>>
        %dma_start3A_825 = tpu.memref_squeeze %dma_start3A_824 : memref<1x1x128xi32, #tpu.memory_space<vmem>> -> memref<128xi32, #tpu.memory_space<vmem>>
        %dma_start3A_826 = arith.constant 0 : i32
        %dma_start3A_827 = arith.constant 0 : i32
        %dma_start3A_828 = tpu.memref_slice %arg7[%dma_start3A_826, %dma_start3A_827] : memref<10240x128xf32, #tpu.memory_space<vmem_shared>> -> memref<10240x128xf32, #tpu.memory_space<vmem_shared>>
        tpu.enqueue_indirect_dma source(%dma_start3A_822 : memref<128x128xf32, #tpu.memory_space<vmem>>) target(%dma_start3A_828 : memref<10240x128xf32, #tpu.memory_space<vmem_shared>>) offsets(%dma_start3A_825 : memref<128xi32, #tpu.memory_space<vmem>>) semaphore(%run_scoped3A_4 : memref<!tpu.dma_semaphore, #tpu.memory_space<semaphore_mem>>) {add = true}
        %dma_wait3A_829 = arith.constant 0 : i32
        %dma_wait3A_830 = arith.constant 0 : i32
        %dma_wait3A_831 = arith.constant 1 : i32
        %dma_wait3A_832 = arith.constant 0 : i32
        %dma_wait3A_833 = arith.constant 0 : i32
        %dma_wait3A_834 = tpu.memref_slice %run_scoped3A_2[%dma_wait3A_831, %dma_wait3A_832, %dma_wait3A_833] : memref<2x128x128xf32, #tpu.memory_space<vmem>> -> memref<1x128x128xf32, #tpu.memory_space<vmem>>
        %dma_wait3A_835 = tpu.memref_squeeze %dma_wait3A_834 : memref<1x128x128xf32, #tpu.memory_space<vmem>> -> memref<128x128xf32, #tpu.memory_space<vmem>>
        %dma_wait3A_836 = arith.constant 0 : i32
        %dma_wait3A_837 = tpu.memref_slice %run_scoped3A[%dma_wait3A_829, %dma_wait3A_830, %dma_wait3A_836] : memref<2x16x128xi32, #tpu.memory_space<vmem>> -> memref<1x1x128xi32, #tpu.memory_space<vmem>>
        %dma_wait3A_838 = tpu.memref_squeeze %dma_wait3A_837 : memref<1x1x128xi32, #tpu.memory_space<vmem>> -> memref<128xi32, #tpu.memory_space<vmem>>
        %dma_wait3A_839 = arith.constant 0 : i32
        %dma_wait3A_840 = arith.constant 0 : i32
        %dma_wait3A_841 = tpu.memref_slice %arg2[%dma_wait3A_839, %dma_wait3A_840] : memref<10000x128xf32, #tpu.memory_space<hbm>> -> memref<10000x128xf32, #tpu.memory_space<hbm>>
        tpu.wait_indirect_dma semaphore(%run_scoped3A_3 : memref<!tpu.dma_semaphore, #tpu.memory_space<semaphore_mem>>) src(%dma_wait3A_841 : memref<10000x128xf32, #tpu.memory_space<hbm>>) dst(%dma_wait3A_835 : memref<128x128xf32, #tpu.memory_space<vmem>>)
        %dma_wait3A_842 = arith.constant 0 : i32
        %dma_wait3A_843 = arith.constant 0 : i32
        %dma_wait3A_844 = arith.constant 0 : i32
        %dma_wait3A_845 = arith.constant 0 : i32
        %dma_wait3A_846 = arith.constant 0 : i32
        %dma_wait3A_847 = tpu.memref_slice %run_scoped3A_2[%dma_wait3A_842, %dma_wait3A_845, %dma_wait3A_846] : memref<2x128x128xf32, #tpu.memory_space<vmem>> -> memref<1x128x128xf32, #tpu.memory_space<vmem>>
        %dma_wait3A_848 = tpu.memref_squeeze %dma_wait3A_847 : memref<1x128x128xf32, #tpu.memory_space<vmem>> -> memref<128x128xf32, #tpu.memory_space<vmem>>
        %dma_wait3A_849 = arith.constant 0 : i32
        %dma_wait3A_850 = tpu.memref_slice %run_scoped3A_1[%dma_wait3A_843, %dma_wait3A_844, %dma_wait3A_849] : memref<2x16x128xi32, #tpu.memory_space<vmem>> -> memref<1x1x128xi32, #tpu.memory_space<vmem>>
        %dma_wait3A_851 = tpu.memref_squeeze %dma_wait3A_850 : memref<1x1x128xi32, #tpu.memory_space<vmem>> -> memref<128xi32, #tpu.memory_space<vmem>>
        %dma_wait3A_852 = arith.constant 0 : i32
        %dma_wait3A_853 = arith.constant 0 : i32
        %dma_wait3A_854 = tpu.memref_slice %arg7[%dma_wait3A_852, %dma_wait3A_853] : memref<10240x128xf32, #tpu.memory_space<vmem_shared>> -> memref<10240x128xf32, #tpu.memory_space<vmem_shared>>
        tpu.wait_indirect_dma semaphore(%run_scoped3A_4 : memref<!tpu.dma_semaphore, #tpu.memory_space<semaphore_mem>>) src(%dma_wait3A_848 : memref<128x128xf32, #tpu.memory_space<vmem>>) dst(%dma_wait3A_854 : memref<10240x128xf32, #tpu.memory_space<vmem_shared>>)
        %add3A_855 = arith.constant 1 : i32
        %add3A_856 = arith.addi %scan3A_73, %add3A_855 : i32
        %lt3A_857 = arith.constant 5 : i32
        %lt3A_858 = arith.cmpi slt, %add3A_856, %lt3A_857 : i32
        %convert_element_type3A_859 = arith.extui %lt3A_858 : i1 to i32
        %cond3A_860 = arith.constant 0 : i32
        %cond3A_861 = arith.cmpi ne, %convert_element_type3A_859, %cond3A_860 : i32
        scf.if %cond3A_861 {
          %sub3A = arith.constant 1 : i32
          %sub3A_874 = arith.subi %sub3A, %select_n3A_82 : i32
          %dma_start3A_875 = arith.constant 0 : i32
          %dma_start3A_876 = arith.constant 0 : i32
          %dma_start3A_877 = arith.constant 0 : i32
          %dma_start3A_878 = arith.constant 0 : i32
          %dma_start3A_879 = tpu.memref_slice %run_scoped3A_2[%dma_start3A_876, %dma_start3A_877, %dma_start3A_878] : memref<2x128x128xf32, #tpu.memory_space<vmem>> -> memref<1x128x128xf32, #tpu.memory_space<vmem>>
          %dma_start3A_880 = tpu.memref_squeeze %dma_start3A_879 : memref<1x128x128xf32, #tpu.memory_space<vmem>> -> memref<128x128xf32, #tpu.memory_space<vmem>>
          %dma_start3A_881 = arith.constant 0 : i32
          %dma_start3A_882 = tpu.memref_slice %run_scoped3A[%sub3A_874, %dma_start3A_875, %dma_start3A_881] : memref<2x16x128xi32, #tpu.memory_space<vmem>> -> memref<1x1x128xi32, #tpu.memory_space<vmem>>
          %dma_start3A_883 = tpu.memref_squeeze %dma_start3A_882 : memref<1x1x128xi32, #tpu.memory_space<vmem>> -> memref<128xi32, #tpu.memory_space<vmem>>
          %dma_start3A_884 = arith.constant 0 : i32
          %dma_start3A_885 = arith.constant 0 : i32
          %dma_start3A_886 = tpu.memref_slice %arg2[%dma_start3A_884, %dma_start3A_885] : memref<10000x128xf32, #tpu.memory_space<hbm>> -> memref<10000x128xf32, #tpu.memory_space<hbm>>
          tpu.enqueue_indirect_dma source(%dma_start3A_886 : memref<10000x128xf32, #tpu.memory_space<hbm>>) target(%dma_start3A_880 : memref<128x128xf32, #tpu.memory_space<vmem>>) offsets(%dma_start3A_883 : memref<128xi32, #tpu.memory_space<vmem>>) semaphore(%run_scoped3A_3 : memref<!tpu.dma_semaphore, #tpu.memory_space<semaphore_mem>>)
        } else {
        }
        %dma_start3A_862 = arith.constant 1 : i32
        %dma_start3A_863 = arith.constant 15 : i32
        %dma_start3A_864 = arith.constant 0 : i32
        %dma_start3A_865 = arith.constant 0 : i32
        %dma_start3A_866 = tpu.memref_slice %run_scoped3A_2[%dma_start3A_862, %dma_start3A_864, %dma_start3A_865] : memref<2x128x128xf32, #tpu.memory_space<vmem>> -> memref<1x128x128xf32, #tpu.memory_space<vmem>>
        %dma_start3A_867 = tpu.memref_squeeze %dma_start3A_866 : memref<1x128x128xf32, #tpu.memory_space<vmem>> -> memref<128x128xf32, #tpu.memory_space<vmem>>
        %dma_start3A_868 = arith.constant 0 : i32
        %dma_start3A_869 = tpu.memref_slice %run_scoped3A_1[%select_n3A_82, %dma_start3A_863, %dma_start3A_868] : memref<2x16x128xi32, #tpu.memory_space<vmem>> -> memref<1x1x128xi32, #tpu.memory_space<vmem>>
        %dma_start3A_870 = tpu.memref_squeeze %dma_start3A_869 : memref<1x1x128xi32, #tpu.memory_space<vmem>> -> memref<128xi32, #tpu.memory_space<vmem>>
        %dma_start3A_871 = arith.constant 0 : i32
        %dma_start3A_872 = arith.constant 0 : i32
        %dma_start3A_873 = tpu.memref_slice %arg7[%dma_start3A_871, %dma_start3A_872] : memref<10240x128xf32, #tpu.memory_space<vmem_shared>> -> memref<10240x128xf32, #tpu.memory_space<vmem_shared>>
        tpu.enqueue_indirect_dma source(%dma_start3A_867 : memref<128x128xf32, #tpu.memory_space<vmem>>) target(%dma_start3A_873 : memref<10240x128xf32, #tpu.memory_space<vmem_shared>>) offsets(%dma_start3A_870 : memref<128xi32, #tpu.memory_space<vmem>>) semaphore(%run_scoped3A_5 : memref<!tpu.dma_semaphore, #tpu.memory_space<semaphore_mem>>) {add = true}
      }
      %scan3A_36 = arith.constant 5 : i32
      %dma_wait3A = arith.constant 1 : i32
      %dma_wait3A_37 = arith.constant 0 : i32
      %dma_wait3A_38 = arith.constant 0 : i32
      %dma_wait3A_39 = arith.constant 0 : i32
      %dma_wait3A_40 = arith.constant 0 : i32
      %dma_wait3A_41 = tpu.memref_slice %run_scoped3A_2[%dma_wait3A, %dma_wait3A_39, %dma_wait3A_40] : memref<2x128x128xf32, #tpu.memory_space<vmem>> -> memref<1x128x128xf32, #tpu.memory_space<vmem>>
      %dma_wait3A_42 = tpu.memref_squeeze %dma_wait3A_41 : memref<1x128x128xf32, #tpu.memory_space<vmem>> -> memref<128x128xf32, #tpu.memory_space<vmem>>
      %dma_wait3A_43 = arith.constant 0 : i32
      %dma_wait3A_44 = tpu.memref_slice %run_scoped3A_1[%dma_wait3A_37, %dma_wait3A_38, %dma_wait3A_43] : memref<2x16x128xi32, #tpu.memory_space<vmem>> -> memref<1x1x128xi32, #tpu.memory_space<vmem>>
      %dma_wait3A_45 = tpu.memref_squeeze %dma_wait3A_44 : memref<1x1x128xi32, #tpu.memory_space<vmem>> -> memref<128xi32, #tpu.memory_space<vmem>>
      %dma_wait3A_46 = arith.constant 0 : i32
      %dma_wait3A_47 = arith.constant 0 : i32
      %dma_wait3A_48 = tpu.memref_slice %arg7[%dma_wait3A_46, %dma_wait3A_47] : memref<10240x128xf32, #tpu.memory_space<vmem_shared>> -> memref<10240x128xf32, #tpu.memory_space<vmem_shared>>
      tpu.wait_indirect_dma semaphore(%run_scoped3A_5 : memref<!tpu.dma_semaphore, #tpu.memory_space<semaphore_mem>>) src(%dma_wait3A_42 : memref<128x128xf32, #tpu.memory_space<vmem>>) dst(%dma_wait3A_48 : memref<10240x128xf32, #tpu.memory_space<vmem_shared>>)
      %barrier3A_49 = arith.constant 0 : index
      tpu.barrier barrier_id(%barrier3A_49)
      %mul3A_50 = arith.constant 10240 : i32
      %mul3A_51 = arith.muli %arg0, %mul3A_50 : i32
      %add3A_52 = arith.addi %mul3A_51, %mul3A_7 : i32
      %add3A_53 = arith.constant 0 : i32
      %add3A_54 = arith.addi %mul3A_7, %add3A_53 : i32
      %add3A_55 = arith.constant 0 : i32
      %add3A_56 = arith.addi %add3A_52, %add3A_55 : i32
      "tpu.region"() ({
        %run_scoped3A_73 = tpu.sem_alloc : memref<!tpu.dma_semaphore, #tpu.memory_space<semaphore_mem>>
        %dma_start3A_74 = arith.constant 0 : i32
        %dma_start3A_75 = tpu.memref_slice %arg6[%add3A_56, %dma_start3A_74] : memref<20480x128xf32, #tpu.memory_space<hbm>> -> memref<128x128xf32, #tpu.memory_space<hbm>>
        %dma_start3A_76 = arith.constant 0 : i32
        %dma_start3A_77 = tpu.memref_slice %arg7[%add3A_54, %dma_start3A_76] : memref<10240x128xf32, #tpu.memory_space<vmem_shared>> -> memref<128x128xf32, #tpu.memory_space<vmem_shared>>
        tpu.enqueue_dma source(%dma_start3A_77 : memref<128x128xf32, #tpu.memory_space<vmem_shared>>) target(%dma_start3A_75 : memref<128x128xf32, #tpu.memory_space<hbm>>) target_semaphore(%run_scoped3A_73 : memref<!tpu.dma_semaphore, #tpu.memory_space<semaphore_mem>>)
        %dma_wait3A_78 = arith.constant 0 : i32
        %dma_wait3A_79 = tpu.memref_slice %arg6[%add3A_56, %dma_wait3A_78] : memref<20480x128xf32, #tpu.memory_space<hbm>> -> memref<128x128xf32, #tpu.memory_space<hbm>>
        %dma_wait3A_80 = arith.constant 0 : i32
        %dma_wait3A_81 = tpu.memref_slice %arg7[%add3A_54, %dma_wait3A_80] : memref<10240x128xf32, #tpu.memory_space<vmem_shared>> -> memref<128x128xf32, #tpu.memory_space<vmem_shared>>
        tpu.wait_dma2 semaphore(%run_scoped3A_73 : memref<!tpu.dma_semaphore, #tpu.memory_space<semaphore_mem>>) src(%dma_wait3A_81 : memref<128x128xf32, #tpu.memory_space<vmem_shared>>) dst(%dma_wait3A_79 : memref<128x128xf32, #tpu.memory_space<hbm>>)
        tpu.yield
      }) : () -> ()
      %add3A_57 = arith.constant 128 : i32
      %add3A_58 = arith.addi %mul3A_7, %add3A_57 : i32
      %add3A_59 = arith.constant 128 : i32
      %add3A_60 = arith.addi %add3A_52, %add3A_59 : i32
      "tpu.region"() ({
        %run_scoped3A_73 = tpu.sem_alloc : memref<!tpu.dma_semaphore, #tpu.memory_space<semaphore_mem>>
        %dma_start3A_74 = arith.constant 0 : i32
        %dma_start3A_75 = tpu.memref_slice %arg6[%add3A_60, %dma_start3A_74] : memref<20480x128xf32, #tpu.memory_space<hbm>> -> memref<128x128xf32, #tpu.memory_space<hbm>>
        %dma_start3A_76 = arith.constant 0 : i32
        %dma_start3A_77 = tpu.memref_slice %arg7[%add3A_58, %dma_start3A_76] : memref<10240x128xf32, #tpu.memory_space<vmem_shared>> -> memref<128x128xf32, #tpu.memory_space<vmem_shared>>
        tpu.enqueue_dma source(%dma_start3A_77 : memref<128x128xf32, #tpu.memory_space<vmem_shared>>) target(%dma_start3A_75 : memref<128x128xf32, #tpu.memory_space<hbm>>) target_semaphore(%run_scoped3A_73 : memref<!tpu.dma_semaphore, #tpu.memory_space<semaphore_mem>>)
        %dma_wait3A_78 = arith.constant 0 : i32
        %dma_wait3A_79 = tpu.memref_slice %arg6[%add3A_60, %dma_wait3A_78] : memref<20480x128xf32, #tpu.memory_space<hbm>> -> memref<128x128xf32, #tpu.memory_space<hbm>>
        %dma_wait3A_80 = arith.constant 0 : i32
        %dma_wait3A_81 = tpu.memref_slice %arg7[%add3A_58, %dma_wait3A_80] : memref<10240x128xf32, #tpu.memory_space<vmem_shared>> -> memref<128x128xf32, #tpu.memory_space<vmem_shared>>
        tpu.wait_dma2 semaphore(%run_scoped3A_73 : memref<!tpu.dma_semaphore, #tpu.memory_space<semaphore_mem>>) src(%dma_wait3A_81 : memref<128x128xf32, #tpu.memory_space<vmem_shared>>) dst(%dma_wait3A_79 : memref<128x128xf32, #tpu.memory_space<hbm>>)
        tpu.yield
      }) : () -> ()
      %add3A_61 = arith.constant 256 : i32
      %add3A_62 = arith.addi %mul3A_7, %add3A_61 : i32
      %add3A_63 = arith.constant 256 : i32
      %add3A_64 = arith.addi %add3A_52, %add3A_63 : i32
      "tpu.region"() ({
        %run_scoped3A_73 = tpu.sem_alloc : memref<!tpu.dma_semaphore, #tpu.memory_space<semaphore_mem>>
        %dma_start3A_74 = arith.constant 0 : i32
        %dma_start3A_75 = tpu.memref_slice %arg6[%add3A_64, %dma_start3A_74] : memref<20480x128xf32, #tpu.memory_space<hbm>> -> memref<128x128xf32, #tpu.memory_space<hbm>>
        %dma_start3A_76 = arith.constant 0 : i32
        %dma_start3A_77 = tpu.memref_slice %arg7[%add3A_62, %dma_start3A_76] : memref<10240x128xf32, #tpu.memory_space<vmem_shared>> -> memref<128x128xf32, #tpu.memory_space<vmem_shared>>
        tpu.enqueue_dma source(%dma_start3A_77 : memref<128x128xf32, #tpu.memory_space<vmem_shared>>) target(%dma_start3A_75 : memref<128x128xf32, #tpu.memory_space<hbm>>) target_semaphore(%run_scoped3A_73 : memref<!tpu.dma_semaphore, #tpu.memory_space<semaphore_mem>>)
        %dma_wait3A_78 = arith.constant 0 : i32
        %dma_wait3A_79 = tpu.memref_slice %arg6[%add3A_64, %dma_wait3A_78] : memref<20480x128xf32, #tpu.memory_space<hbm>> -> memref<128x128xf32, #tpu.memory_space<hbm>>
        %dma_wait3A_80 = arith.constant 0 : i32
        %dma_wait3A_81 = tpu.memref_slice %arg7[%add3A_62, %dma_wait3A_80] : memref<10240x128xf32, #tpu.memory_space<vmem_shared>> -> memref<128x128xf32, #tpu.memory_space<vmem_shared>>
        tpu.wait_dma2 semaphore(%run_scoped3A_73 : memref<!tpu.dma_semaphore, #tpu.memory_space<semaphore_mem>>) src(%dma_wait3A_81 : memref<128x128xf32, #tpu.memory_space<vmem_shared>>) dst(%dma_wait3A_79 : memref<128x128xf32, #tpu.memory_space<hbm>>)
        tpu.yield
      }) : () -> ()
      %add3A_65 = arith.constant 384 : i32
      %add3A_66 = arith.addi %mul3A_7, %add3A_65 : i32
      %add3A_67 = arith.constant 384 : i32
      %add3A_68 = arith.addi %add3A_52, %add3A_67 : i32
      "tpu.region"() ({
        %run_scoped3A_73 = tpu.sem_alloc : memref<!tpu.dma_semaphore, #tpu.memory_space<semaphore_mem>>
        %dma_start3A_74 = arith.constant 0 : i32
        %dma_start3A_75 = tpu.memref_slice %arg6[%add3A_68, %dma_start3A_74] : memref<20480x128xf32, #tpu.memory_space<hbm>> -> memref<128x128xf32, #tpu.memory_space<hbm>>
        %dma_start3A_76 = arith.constant 0 : i32
        %dma_start3A_77 = tpu.memref_slice %arg7[%add3A_66, %dma_start3A_76] : memref<10240x128xf32, #tpu.memory_space<vmem_shared>> -> memref<128x128xf32, #tpu.memory_space<vmem_shared>>
        tpu.enqueue_dma source(%dma_start3A_77 : memref<128x128xf32, #tpu.memory_space<vmem_shared>>) target(%dma_start3A_75 : memref<128x128xf32, #tpu.memory_space<hbm>>) target_semaphore(%run_scoped3A_73 : memref<!tpu.dma_semaphore, #tpu.memory_space<semaphore_mem>>)
        %dma_wait3A_78 = arith.constant 0 : i32
        %dma_wait3A_79 = tpu.memref_slice %arg6[%add3A_68, %dma_wait3A_78] : memref<20480x128xf32, #tpu.memory_space<hbm>> -> memref<128x128xf32, #tpu.memory_space<hbm>>
        %dma_wait3A_80 = arith.constant 0 : i32
        %dma_wait3A_81 = tpu.memref_slice %arg7[%add3A_66, %dma_wait3A_80] : memref<10240x128xf32, #tpu.memory_space<vmem_shared>> -> memref<128x128xf32, #tpu.memory_space<vmem_shared>>
        tpu.wait_dma2 semaphore(%run_scoped3A_73 : memref<!tpu.dma_semaphore, #tpu.memory_space<semaphore_mem>>) src(%dma_wait3A_81 : memref<128x128xf32, #tpu.memory_space<vmem_shared>>) dst(%dma_wait3A_79 : memref<128x128xf32, #tpu.memory_space<hbm>>)
        tpu.yield
      }) : () -> ()
      %add3A_69 = arith.constant 512 : i32
      %add3A_70 = arith.addi %mul3A_7, %add3A_69 : i32
      %add3A_71 = arith.constant 512 : i32
      %add3A_72 = arith.addi %add3A_52, %add3A_71 : i32
      "tpu.region"() ({
        %run_scoped3A_73 = tpu.sem_alloc : memref<!tpu.dma_semaphore, #tpu.memory_space<semaphore_mem>>
        %dma_start3A_74 = arith.constant 0 : i32
        %dma_start3A_75 = tpu.memref_slice %arg6[%add3A_72, %dma_start3A_74] : memref<20480x128xf32, #tpu.memory_space<hbm>> -> memref<128x128xf32, #tpu.memory_space<hbm>>
        %dma_start3A_76 = arith.constant 0 : i32
        %dma_start3A_77 = tpu.memref_slice %arg7[%add3A_70, %dma_start3A_76] : memref<10240x128xf32, #tpu.memory_space<vmem_shared>> -> memref<128x128xf32, #tpu.memory_space<vmem_shared>>
        tpu.enqueue_dma source(%dma_start3A_77 : memref<128x128xf32, #tpu.memory_space<vmem_shared>>) target(%dma_start3A_75 : memref<128x128xf32, #tpu.memory_space<hbm>>) target_semaphore(%run_scoped3A_73 : memref<!tpu.dma_semaphore, #tpu.memory_space<semaphore_mem>>)
        %dma_wait3A_78 = arith.constant 0 : i32
        %dma_wait3A_79 = tpu.memref_slice %arg6[%add3A_72, %dma_wait3A_78] : memref<20480x128xf32, #tpu.memory_space<hbm>> -> memref<128x128xf32, #tpu.memory_space<hbm>>
        %dma_wait3A_80 = arith.constant 0 : i32
        %dma_wait3A_81 = tpu.memref_slice %arg7[%add3A_70, %dma_wait3A_80] : memref<10240x128xf32, #tpu.memory_space<vmem_shared>> -> memref<128x128xf32, #tpu.memory_space<vmem_shared>>
        tpu.wait_dma2 semaphore(%run_scoped3A_73 : memref<!tpu.dma_semaphore, #tpu.memory_space<semaphore_mem>>) src(%dma_wait3A_81 : memref<128x128xf32, #tpu.memory_space<vmem_shared>>) dst(%dma_wait3A_79 : memref<128x128xf32, #tpu.memory_space<hbm>>)
        tpu.yield
      }) : () -> ()
      tpu.yield
    }) : () -> ()
    return
  }
}

#map = affine_map<(d0, d1) -> (0, 0, 0)>
#map1 = affine_map<(d0, d1) -> (0)>
module attributes {stable_mosaic.version = 14 : i64} {
  func.func @body(%arg0: i32, %arg1: i32, %arg2: memref<32x80x128xi32, #tpu.memory_space<hbm>>, %arg3: memref<32x80x128xi32, #tpu.memory_space<hbm>>, %arg4: memref<128xf32, #tpu.memory_space<hbm>>, %arg5: memref<640xf32, #tpu.memory_space<hbm>>, %arg6: memref<40960xf32, #tpu.memory_space<hbm>>, %arg7: memref<10240xf32, #tpu.memory_space<vmem_shared>>, %arg8: memref<10240xf32, #tpu.memory_space<vmem_shared>>) attributes {dimension_semantics = [#tpu.dimension_semantics<core_parallel>, #tpu.dimension_semantics<subcore_parallel>], iteration_bounds = array<i64: 2, 16>, scalar_prefetch = 0 : i64, scratch_operands = 2 : i64, tpu.core_type = #tpu.core_type<sc_vector_subcore>, window_params = [{transform_indices = #map}, {transform_indices = #map}, {transform_indices = #map1}, {transform_indices = #map1}, {transform_indices = #map1}]} {
    %mul3A = arith.constant 2 : i32
    %mul3A_0 = arith.muli %arg1, %mul3A : i32
    %add3A = arith.addi %mul3A_0, %arg0 : i32
    "tpu.region"() ({
      %run_scoped3A = memref.alloca() : memref<80x128xi32, #tpu.memory_space<vmem>>
      %run_scoped3A_1 = memref.alloca() : memref<80x128xi32, #tpu.memory_space<vmem>>
      %run_scoped3A_2 = memref.alloca() : memref<128xf32, #tpu.memory_space<vmem>>
      %run_scoped3A_3 = memref.alloca() : memref<640xf32, #tpu.memory_space<vmem>>
      %run_scoped3A_4 = tpu.sem_alloc : memref<!tpu.dma_semaphore, #tpu.memory_space<semaphore_mem>>
      "tpu.region"() ({
        %run_scoped3A_25 = tpu.sem_alloc : memref<!tpu.dma_semaphore, #tpu.memory_space<semaphore_mem>>
        tpu.enqueue_dma source(%arg4 : memref<128xf32, #tpu.memory_space<hbm>>) target(%run_scoped3A_2 : memref<128xf32, #tpu.memory_space<vmem>>) target_semaphore(%run_scoped3A_25 : memref<!tpu.dma_semaphore, #tpu.memory_space<semaphore_mem>>)
        tpu.wait_dma2 semaphore(%run_scoped3A_25 : memref<!tpu.dma_semaphore, #tpu.memory_space<semaphore_mem>>) src(%arg4 : memref<128xf32, #tpu.memory_space<hbm>>) dst(%run_scoped3A_2 : memref<128xf32, #tpu.memory_space<vmem>>)
        tpu.yield
      }) : () -> ()
      "tpu.region"() ({
        %run_scoped3A_25 = tpu.sem_alloc : memref<!tpu.dma_semaphore, #tpu.memory_space<semaphore_mem>>
        tpu.enqueue_dma source(%arg5 : memref<640xf32, #tpu.memory_space<hbm>>) target(%run_scoped3A_3 : memref<640xf32, #tpu.memory_space<vmem>>) target_semaphore(%run_scoped3A_25 : memref<!tpu.dma_semaphore, #tpu.memory_space<semaphore_mem>>)
        tpu.wait_dma2 semaphore(%run_scoped3A_25 : memref<!tpu.dma_semaphore, #tpu.memory_space<semaphore_mem>>) src(%arg5 : memref<640xf32, #tpu.memory_space<hbm>>) dst(%run_scoped3A_3 : memref<640xf32, #tpu.memory_space<vmem>>)
        tpu.yield
      }) : () -> ()
      %mul3A_5 = arith.constant 640 : i32
      %mul3A_6 = arith.muli %arg1, %mul3A_5 : i32
      "tpu.region"() ({
        %run_scoped3A_25 = tpu.sem_alloc : memref<!tpu.dma_semaphore, #tpu.memory_space<semaphore_mem>>
        %dma_start3A = tpu.memref_slice %arg7[%mul3A_6] : memref<10240xf32, #tpu.memory_space<vmem_shared>> -> memref<640xf32, #tpu.memory_space<vmem_shared>>
        %dma_start3A_26 = tpu.memref_slice %arg7[%mul3A_6] : memref<10240xf32, #tpu.memory_space<vmem_shared>> -> memref<640xf32, #tpu.memory_space<vmem_shared>>
        tpu.enqueue_dma source(%run_scoped3A_3 : memref<640xf32, #tpu.memory_space<vmem>>) target(%dma_start3A_26 : memref<640xf32, #tpu.memory_space<vmem_shared>>) target_semaphore(%run_scoped3A_25 : memref<!tpu.dma_semaphore, #tpu.memory_space<semaphore_mem>>)
        %dma_wait3A = tpu.memref_slice %arg7[%mul3A_6] : memref<10240xf32, #tpu.memory_space<vmem_shared>> -> memref<640xf32, #tpu.memory_space<vmem_shared>>
        %dma_wait3A_27 = tpu.memref_slice %arg7[%mul3A_6] : memref<10240xf32, #tpu.memory_space<vmem_shared>> -> memref<640xf32, #tpu.memory_space<vmem_shared>>
        tpu.wait_dma2 semaphore(%run_scoped3A_25 : memref<!tpu.dma_semaphore, #tpu.memory_space<semaphore_mem>>) src(%run_scoped3A_3 : memref<640xf32, #tpu.memory_space<vmem>>) dst(%dma_wait3A_27 : memref<640xf32, #tpu.memory_space<vmem_shared>>)
        tpu.yield
      }) : () -> ()
      "tpu.region"() ({
        %run_scoped3A_25 = tpu.sem_alloc : memref<!tpu.dma_semaphore, #tpu.memory_space<semaphore_mem>>
        %dma_start3A = tpu.memref_slice %arg8[%mul3A_6] : memref<10240xf32, #tpu.memory_space<vmem_shared>> -> memref<640xf32, #tpu.memory_space<vmem_shared>>
        %dma_start3A_26 = tpu.memref_slice %arg8[%mul3A_6] : memref<10240xf32, #tpu.memory_space<vmem_shared>> -> memref<640xf32, #tpu.memory_space<vmem_shared>>
        tpu.enqueue_dma source(%run_scoped3A_3 : memref<640xf32, #tpu.memory_space<vmem>>) target(%dma_start3A_26 : memref<640xf32, #tpu.memory_space<vmem_shared>>) target_semaphore(%run_scoped3A_25 : memref<!tpu.dma_semaphore, #tpu.memory_space<semaphore_mem>>)
        %dma_wait3A = tpu.memref_slice %arg8[%mul3A_6] : memref<10240xf32, #tpu.memory_space<vmem_shared>> -> memref<640xf32, #tpu.memory_space<vmem_shared>>
        %dma_wait3A_27 = tpu.memref_slice %arg8[%mul3A_6] : memref<10240xf32, #tpu.memory_space<vmem_shared>> -> memref<640xf32, #tpu.memory_space<vmem_shared>>
        tpu.wait_dma2 semaphore(%run_scoped3A_25 : memref<!tpu.dma_semaphore, #tpu.memory_space<semaphore_mem>>) src(%run_scoped3A_3 : memref<640xf32, #tpu.memory_space<vmem>>) dst(%dma_wait3A_27 : memref<640xf32, #tpu.memory_space<vmem_shared>>)
        tpu.yield
      }) : () -> ()
      %barrier3A = arith.constant 0 : index
      tpu.barrier barrier_id(%barrier3A)
      "tpu.region"() ({
        %run_scoped3A_25 = tpu.sem_alloc : memref<!tpu.dma_semaphore, #tpu.memory_space<semaphore_mem>>
        %dma_start3A = arith.constant 0 : i32
        %dma_start3A_26 = arith.constant 0 : i32
        %dma_start3A_27 = tpu.memref_slice %arg2[%add3A, %dma_start3A, %dma_start3A_26] : memref<32x80x128xi32, #tpu.memory_space<hbm>> -> memref<1x80x128xi32, #tpu.memory_space<hbm>>
        %dma_start3A_28 = tpu.memref_squeeze %dma_start3A_27 : memref<1x80x128xi32, #tpu.memory_space<hbm>> -> memref<80x128xi32, #tpu.memory_space<hbm>>
        %dma_start3A_29 = arith.constant 0 : i32
        %dma_start3A_30 = arith.constant 0 : i32
        %dma_start3A_31 = tpu.memref_slice %arg2[%add3A, %dma_start3A_29, %dma_start3A_30] : memref<32x80x128xi32, #tpu.memory_space<hbm>> -> memref<1x80x128xi32, #tpu.memory_space<hbm>>
        %dma_start3A_32 = tpu.memref_squeeze %dma_start3A_31 : memref<1x80x128xi32, #tpu.memory_space<hbm>> -> memref<80x128xi32, #tpu.memory_space<hbm>>
        tpu.enqueue_dma source(%dma_start3A_32 : memref<80x128xi32, #tpu.memory_space<hbm>>) target(%run_scoped3A : memref<80x128xi32, #tpu.memory_space<vmem>>) target_semaphore(%run_scoped3A_25 : memref<!tpu.dma_semaphore, #tpu.memory_space<semaphore_mem>>)
        %dma_wait3A = arith.constant 0 : i32
        %dma_wait3A_33 = arith.constant 0 : i32
        %dma_wait3A_34 = tpu.memref_slice %arg2[%add3A, %dma_wait3A, %dma_wait3A_33] : memref<32x80x128xi32, #tpu.memory_space<hbm>> -> memref<1x80x128xi32, #tpu.memory_space<hbm>>
        %dma_wait3A_35 = tpu.memref_squeeze %dma_wait3A_34 : memref<1x80x128xi32, #tpu.memory_space<hbm>> -> memref<80x128xi32, #tpu.memory_space<hbm>>
        %dma_wait3A_36 = arith.constant 0 : i32
        %dma_wait3A_37 = arith.constant 0 : i32
        %dma_wait3A_38 = tpu.memref_slice %arg2[%add3A, %dma_wait3A_36, %dma_wait3A_37] : memref<32x80x128xi32, #tpu.memory_space<hbm>> -> memref<1x80x128xi32, #tpu.memory_space<hbm>>
        %dma_wait3A_39 = tpu.memref_squeeze %dma_wait3A_38 : memref<1x80x128xi32, #tpu.memory_space<hbm>> -> memref<80x128xi32, #tpu.memory_space<hbm>>
        tpu.wait_dma2 semaphore(%run_scoped3A_25 : memref<!tpu.dma_semaphore, #tpu.memory_space<semaphore_mem>>) src(%dma_wait3A_39 : memref<80x128xi32, #tpu.memory_space<hbm>>) dst(%run_scoped3A : memref<80x128xi32, #tpu.memory_space<vmem>>)
        tpu.yield
      }) : () -> ()
      "tpu.region"() ({
        %run_scoped3A_25 = tpu.sem_alloc : memref<!tpu.dma_semaphore, #tpu.memory_space<semaphore_mem>>
        %dma_start3A = arith.constant 0 : i32
        %dma_start3A_26 = arith.constant 0 : i32
        %dma_start3A_27 = tpu.memref_slice %arg3[%add3A, %dma_start3A, %dma_start3A_26] : memref<32x80x128xi32, #tpu.memory_space<hbm>> -> memref<1x80x128xi32, #tpu.memory_space<hbm>>
        %dma_start3A_28 = tpu.memref_squeeze %dma_start3A_27 : memref<1x80x128xi32, #tpu.memory_space<hbm>> -> memref<80x128xi32, #tpu.memory_space<hbm>>
        %dma_start3A_29 = arith.constant 0 : i32
        %dma_start3A_30 = arith.constant 0 : i32
        %dma_start3A_31 = tpu.memref_slice %arg3[%add3A, %dma_start3A_29, %dma_start3A_30] : memref<32x80x128xi32, #tpu.memory_space<hbm>> -> memref<1x80x128xi32, #tpu.memory_space<hbm>>
        %dma_start3A_32 = tpu.memref_squeeze %dma_start3A_31 : memref<1x80x128xi32, #tpu.memory_space<hbm>> -> memref<80x128xi32, #tpu.memory_space<hbm>>
        tpu.enqueue_dma source(%dma_start3A_32 : memref<80x128xi32, #tpu.memory_space<hbm>>) target(%run_scoped3A_1 : memref<80x128xi32, #tpu.memory_space<vmem>>) target_semaphore(%run_scoped3A_25 : memref<!tpu.dma_semaphore, #tpu.memory_space<semaphore_mem>>)
        %dma_wait3A = arith.constant 0 : i32
        %dma_wait3A_33 = arith.constant 0 : i32
        %dma_wait3A_34 = tpu.memref_slice %arg3[%add3A, %dma_wait3A, %dma_wait3A_33] : memref<32x80x128xi32, #tpu.memory_space<hbm>> -> memref<1x80x128xi32, #tpu.memory_space<hbm>>
        %dma_wait3A_35 = tpu.memref_squeeze %dma_wait3A_34 : memref<1x80x128xi32, #tpu.memory_space<hbm>> -> memref<80x128xi32, #tpu.memory_space<hbm>>
        %dma_wait3A_36 = arith.constant 0 : i32
        %dma_wait3A_37 = arith.constant 0 : i32
        %dma_wait3A_38 = tpu.memref_slice %arg3[%add3A, %dma_wait3A_36, %dma_wait3A_37] : memref<32x80x128xi32, #tpu.memory_space<hbm>> -> memref<1x80x128xi32, #tpu.memory_space<hbm>>
        %dma_wait3A_39 = tpu.memref_squeeze %dma_wait3A_38 : memref<1x80x128xi32, #tpu.memory_space<hbm>> -> memref<80x128xi32, #tpu.memory_space<hbm>>
        tpu.wait_dma2 semaphore(%run_scoped3A_25 : memref<!tpu.dma_semaphore, #tpu.memory_space<semaphore_mem>>) src(%dma_wait3A_39 : memref<80x128xi32, #tpu.memory_space<hbm>>) dst(%run_scoped3A_1 : memref<80x128xi32, #tpu.memory_space<vmem>>)
        tpu.yield
      }) : () -> ()
      %scan3A = arith.constant 0 : i32
      %scan3A_7 = arith.constant 0 : i32
      %scan3A_8 = arith.constant 10 : i32
      %scan3A_9 = arith.addi %scan3A_7, %scan3A_8 : i32
      %scan3A_10 = arith.constant 1 : i32
      scf.for %scan3A_25 = %scan3A_7 to %scan3A_9 step %scan3A_10  : i32 {
        %mul3A_26 = arith.constant 8 : i32
        %mul3A_27 = arith.muli %scan3A_25, %mul3A_26 : i32
        %add3A_28 = arith.constant 0 : i32
        %add3A_29 = arith.addi %mul3A_27, %add3A_28 : i32
        %dma_start3A = arith.constant 0 : i32
        %dma_start3A_30 = tpu.memref_slice %run_scoped3A[%add3A_29, %dma_start3A] : memref<80x128xi32, #tpu.memory_space<vmem>> -> memref<1x128xi32, #tpu.memory_space<vmem>>
        %dma_start3A_31 = tpu.memref_squeeze %dma_start3A_30 : memref<1x128xi32, #tpu.memory_space<vmem>> -> memref<128xi32, #tpu.memory_space<vmem>>
        %dma_start3A_32 = arith.constant 0 : i32
        %dma_start3A_33 = tpu.memref_slice %arg7[%dma_start3A_32] : memref<10240xf32, #tpu.memory_space<vmem_shared>> -> memref<10240xf32, #tpu.memory_space<vmem_shared>>
        tpu.enqueue_indirect_dma source(%run_scoped3A_2 : memref<128xf32, #tpu.memory_space<vmem>>) target(%dma_start3A_33 : memref<10240xf32, #tpu.memory_space<vmem_shared>>) offsets(%dma_start3A_31 : memref<128xi32, #tpu.memory_space<vmem>>) semaphore(%run_scoped3A_4 : memref<!tpu.dma_semaphore, #tpu.memory_space<semaphore_mem>>) {add = true}
        %add3A_34 = arith.constant 0 : i32
        %add3A_35 = arith.addi %mul3A_27, %add3A_34 : i32
        %dma_start3A_36 = arith.constant 0 : i32
        %dma_start3A_37 = tpu.memref_slice %run_scoped3A_1[%add3A_35, %dma_start3A_36] : memref<80x128xi32, #tpu.memory_space<vmem>> -> memref<1x128xi32, #tpu.memory_space<vmem>>
        %dma_start3A_38 = tpu.memref_squeeze %dma_start3A_37 : memref<1x128xi32, #tpu.memory_space<vmem>> -> memref<128xi32, #tpu.memory_space<vmem>>
        %dma_start3A_39 = arith.constant 0 : i32
        %dma_start3A_40 = tpu.memref_slice %arg8[%dma_start3A_39] : memref<10240xf32, #tpu.memory_space<vmem_shared>> -> memref<10240xf32, #tpu.memory_space<vmem_shared>>
        tpu.enqueue_indirect_dma source(%run_scoped3A_2 : memref<128xf32, #tpu.memory_space<vmem>>) target(%dma_start3A_40 : memref<10240xf32, #tpu.memory_space<vmem_shared>>) offsets(%dma_start3A_38 : memref<128xi32, #tpu.memory_space<vmem>>) semaphore(%run_scoped3A_4 : memref<!tpu.dma_semaphore, #tpu.memory_space<semaphore_mem>>) {add = true}
        %add3A_41 = arith.constant 1 : i32
        %add3A_42 = arith.addi %mul3A_27, %add3A_41 : i32
        %dma_start3A_43 = arith.constant 0 : i32
        %dma_start3A_44 = tpu.memref_slice %run_scoped3A[%add3A_42, %dma_start3A_43] : memref<80x128xi32, #tpu.memory_space<vmem>> -> memref<1x128xi32, #tpu.memory_space<vmem>>
        %dma_start3A_45 = tpu.memref_squeeze %dma_start3A_44 : memref<1x128xi32, #tpu.memory_space<vmem>> -> memref<128xi32, #tpu.memory_space<vmem>>
        %dma_start3A_46 = arith.constant 0 : i32
        %dma_start3A_47 = tpu.memref_slice %arg7[%dma_start3A_46] : memref<10240xf32, #tpu.memory_space<vmem_shared>> -> memref<10240xf32, #tpu.memory_space<vmem_shared>>
        tpu.enqueue_indirect_dma source(%run_scoped3A_2 : memref<128xf32, #tpu.memory_space<vmem>>) target(%dma_start3A_47 : memref<10240xf32, #tpu.memory_space<vmem_shared>>) offsets(%dma_start3A_45 : memref<128xi32, #tpu.memory_space<vmem>>) semaphore(%run_scoped3A_4 : memref<!tpu.dma_semaphore, #tpu.memory_space<semaphore_mem>>) {add = true}
        %add3A_48 = arith.constant 1 : i32
        %add3A_49 = arith.addi %mul3A_27, %add3A_48 : i32
        %dma_start3A_50 = arith.constant 0 : i32
        %dma_start3A_51 = tpu.memref_slice %run_scoped3A_1[%add3A_49, %dma_start3A_50] : memref<80x128xi32, #tpu.memory_space<vmem>> -> memref<1x128xi32, #tpu.memory_space<vmem>>
        %dma_start3A_52 = tpu.memref_squeeze %dma_start3A_51 : memref<1x128xi32, #tpu.memory_space<vmem>> -> memref<128xi32, #tpu.memory_space<vmem>>
        %dma_start3A_53 = arith.constant 0 : i32
        %dma_start3A_54 = tpu.memref_slice %arg8[%dma_start3A_53] : memref<10240xf32, #tpu.memory_space<vmem_shared>> -> memref<10240xf32, #tpu.memory_space<vmem_shared>>
        tpu.enqueue_indirect_dma source(%run_scoped3A_2 : memref<128xf32, #tpu.memory_space<vmem>>) target(%dma_start3A_54 : memref<10240xf32, #tpu.memory_space<vmem_shared>>) offsets(%dma_start3A_52 : memref<128xi32, #tpu.memory_space<vmem>>) semaphore(%run_scoped3A_4 : memref<!tpu.dma_semaphore, #tpu.memory_space<semaphore_mem>>) {add = true}
        %add3A_55 = arith.constant 2 : i32
        %add3A_56 = arith.addi %mul3A_27, %add3A_55 : i32
        %dma_start3A_57 = arith.constant 0 : i32
        %dma_start3A_58 = tpu.memref_slice %run_scoped3A[%add3A_56, %dma_start3A_57] : memref<80x128xi32, #tpu.memory_space<vmem>> -> memref<1x128xi32, #tpu.memory_space<vmem>>
        %dma_start3A_59 = tpu.memref_squeeze %dma_start3A_58 : memref<1x128xi32, #tpu.memory_space<vmem>> -> memref<128xi32, #tpu.memory_space<vmem>>
        %dma_start3A_60 = arith.constant 0 : i32
        %dma_start3A_61 = tpu.memref_slice %arg7[%dma_start3A_60] : memref<10240xf32, #tpu.memory_space<vmem_shared>> -> memref<10240xf32, #tpu.memory_space<vmem_shared>>
        tpu.enqueue_indirect_dma source(%run_scoped3A_2 : memref<128xf32, #tpu.memory_space<vmem>>) target(%dma_start3A_61 : memref<10240xf32, #tpu.memory_space<vmem_shared>>) offsets(%dma_start3A_59 : memref<128xi32, #tpu.memory_space<vmem>>) semaphore(%run_scoped3A_4 : memref<!tpu.dma_semaphore, #tpu.memory_space<semaphore_mem>>) {add = true}
        %add3A_62 = arith.constant 2 : i32
        %add3A_63 = arith.addi %mul3A_27, %add3A_62 : i32
        %dma_start3A_64 = arith.constant 0 : i32
        %dma_start3A_65 = tpu.memref_slice %run_scoped3A_1[%add3A_63, %dma_start3A_64] : memref<80x128xi32, #tpu.memory_space<vmem>> -> memref<1x128xi32, #tpu.memory_space<vmem>>
        %dma_start3A_66 = tpu.memref_squeeze %dma_start3A_65 : memref<1x128xi32, #tpu.memory_space<vmem>> -> memref<128xi32, #tpu.memory_space<vmem>>
        %dma_start3A_67 = arith.constant 0 : i32
        %dma_start3A_68 = tpu.memref_slice %arg8[%dma_start3A_67] : memref<10240xf32, #tpu.memory_space<vmem_shared>> -> memref<10240xf32, #tpu.memory_space<vmem_shared>>
        tpu.enqueue_indirect_dma source(%run_scoped3A_2 : memref<128xf32, #tpu.memory_space<vmem>>) target(%dma_start3A_68 : memref<10240xf32, #tpu.memory_space<vmem_shared>>) offsets(%dma_start3A_66 : memref<128xi32, #tpu.memory_space<vmem>>) semaphore(%run_scoped3A_4 : memref<!tpu.dma_semaphore, #tpu.memory_space<semaphore_mem>>) {add = true}
        %add3A_69 = arith.constant 3 : i32
        %add3A_70 = arith.addi %mul3A_27, %add3A_69 : i32
        %dma_start3A_71 = arith.constant 0 : i32
        %dma_start3A_72 = tpu.memref_slice %run_scoped3A[%add3A_70, %dma_start3A_71] : memref<80x128xi32, #tpu.memory_space<vmem>> -> memref<1x128xi32, #tpu.memory_space<vmem>>
        %dma_start3A_73 = tpu.memref_squeeze %dma_start3A_72 : memref<1x128xi32, #tpu.memory_space<vmem>> -> memref<128xi32, #tpu.memory_space<vmem>>
        %dma_start3A_74 = arith.constant 0 : i32
        %dma_start3A_75 = tpu.memref_slice %arg7[%dma_start3A_74] : memref<10240xf32, #tpu.memory_space<vmem_shared>> -> memref<10240xf32, #tpu.memory_space<vmem_shared>>
        tpu.enqueue_indirect_dma source(%run_scoped3A_2 : memref<128xf32, #tpu.memory_space<vmem>>) target(%dma_start3A_75 : memref<10240xf32, #tpu.memory_space<vmem_shared>>) offsets(%dma_start3A_73 : memref<128xi32, #tpu.memory_space<vmem>>) semaphore(%run_scoped3A_4 : memref<!tpu.dma_semaphore, #tpu.memory_space<semaphore_mem>>) {add = true}
        %add3A_76 = arith.constant 3 : i32
        %add3A_77 = arith.addi %mul3A_27, %add3A_76 : i32
        %dma_start3A_78 = arith.constant 0 : i32
        %dma_start3A_79 = tpu.memref_slice %run_scoped3A_1[%add3A_77, %dma_start3A_78] : memref<80x128xi32, #tpu.memory_space<vmem>> -> memref<1x128xi32, #tpu.memory_space<vmem>>
        %dma_start3A_80 = tpu.memref_squeeze %dma_start3A_79 : memref<1x128xi32, #tpu.memory_space<vmem>> -> memref<128xi32, #tpu.memory_space<vmem>>
        %dma_start3A_81 = arith.constant 0 : i32
        %dma_start3A_82 = tpu.memref_slice %arg8[%dma_start3A_81] : memref<10240xf32, #tpu.memory_space<vmem_shared>> -> memref<10240xf32, #tpu.memory_space<vmem_shared>>
        tpu.enqueue_indirect_dma source(%run_scoped3A_2 : memref<128xf32, #tpu.memory_space<vmem>>) target(%dma_start3A_82 : memref<10240xf32, #tpu.memory_space<vmem_shared>>) offsets(%dma_start3A_80 : memref<128xi32, #tpu.memory_space<vmem>>) semaphore(%run_scoped3A_4 : memref<!tpu.dma_semaphore, #tpu.memory_space<semaphore_mem>>) {add = true}
        %add3A_83 = arith.constant 4 : i32
        %add3A_84 = arith.addi %mul3A_27, %add3A_83 : i32
        %dma_start3A_85 = arith.constant 0 : i32
        %dma_start3A_86 = tpu.memref_slice %run_scoped3A[%add3A_84, %dma_start3A_85] : memref<80x128xi32, #tpu.memory_space<vmem>> -> memref<1x128xi32, #tpu.memory_space<vmem>>
        %dma_start3A_87 = tpu.memref_squeeze %dma_start3A_86 : memref<1x128xi32, #tpu.memory_space<vmem>> -> memref<128xi32, #tpu.memory_space<vmem>>
        %dma_start3A_88 = arith.constant 0 : i32
        %dma_start3A_89 = tpu.memref_slice %arg7[%dma_start3A_88] : memref<10240xf32, #tpu.memory_space<vmem_shared>> -> memref<10240xf32, #tpu.memory_space<vmem_shared>>
        tpu.enqueue_indirect_dma source(%run_scoped3A_2 : memref<128xf32, #tpu.memory_space<vmem>>) target(%dma_start3A_89 : memref<10240xf32, #tpu.memory_space<vmem_shared>>) offsets(%dma_start3A_87 : memref<128xi32, #tpu.memory_space<vmem>>) semaphore(%run_scoped3A_4 : memref<!tpu.dma_semaphore, #tpu.memory_space<semaphore_mem>>) {add = true}
        %add3A_90 = arith.constant 4 : i32
        %add3A_91 = arith.addi %mul3A_27, %add3A_90 : i32
        %dma_start3A_92 = arith.constant 0 : i32
        %dma_start3A_93 = tpu.memref_slice %run_scoped3A_1[%add3A_91, %dma_start3A_92] : memref<80x128xi32, #tpu.memory_space<vmem>> -> memref<1x128xi32, #tpu.memory_space<vmem>>
        %dma_start3A_94 = tpu.memref_squeeze %dma_start3A_93 : memref<1x128xi32, #tpu.memory_space<vmem>> -> memref<128xi32, #tpu.memory_space<vmem>>
        %dma_start3A_95 = arith.constant 0 : i32
        %dma_start3A_96 = tpu.memref_slice %arg8[%dma_start3A_95] : memref<10240xf32, #tpu.memory_space<vmem_shared>> -> memref<10240xf32, #tpu.memory_space<vmem_shared>>
        tpu.enqueue_indirect_dma source(%run_scoped3A_2 : memref<128xf32, #tpu.memory_space<vmem>>) target(%dma_start3A_96 : memref<10240xf32, #tpu.memory_space<vmem_shared>>) offsets(%dma_start3A_94 : memref<128xi32, #tpu.memory_space<vmem>>) semaphore(%run_scoped3A_4 : memref<!tpu.dma_semaphore, #tpu.memory_space<semaphore_mem>>) {add = true}
        %add3A_97 = arith.constant 5 : i32
        %add3A_98 = arith.addi %mul3A_27, %add3A_97 : i32
        %dma_start3A_99 = arith.constant 0 : i32
        %dma_start3A_100 = tpu.memref_slice %run_scoped3A[%add3A_98, %dma_start3A_99] : memref<80x128xi32, #tpu.memory_space<vmem>> -> memref<1x128xi32, #tpu.memory_space<vmem>>
        %dma_start3A_101 = tpu.memref_squeeze %dma_start3A_100 : memref<1x128xi32, #tpu.memory_space<vmem>> -> memref<128xi32, #tpu.memory_space<vmem>>
        %dma_start3A_102 = arith.constant 0 : i32
        %dma_start3A_103 = tpu.memref_slice %arg7[%dma_start3A_102] : memref<10240xf32, #tpu.memory_space<vmem_shared>> -> memref<10240xf32, #tpu.memory_space<vmem_shared>>
        tpu.enqueue_indirect_dma source(%run_scoped3A_2 : memref<128xf32, #tpu.memory_space<vmem>>) target(%dma_start3A_103 : memref<10240xf32, #tpu.memory_space<vmem_shared>>) offsets(%dma_start3A_101 : memref<128xi32, #tpu.memory_space<vmem>>) semaphore(%run_scoped3A_4 : memref<!tpu.dma_semaphore, #tpu.memory_space<semaphore_mem>>) {add = true}
        %add3A_104 = arith.constant 5 : i32
        %add3A_105 = arith.addi %mul3A_27, %add3A_104 : i32
        %dma_start3A_106 = arith.constant 0 : i32
        %dma_start3A_107 = tpu.memref_slice %run_scoped3A_1[%add3A_105, %dma_start3A_106] : memref<80x128xi32, #tpu.memory_space<vmem>> -> memref<1x128xi32, #tpu.memory_space<vmem>>
        %dma_start3A_108 = tpu.memref_squeeze %dma_start3A_107 : memref<1x128xi32, #tpu.memory_space<vmem>> -> memref<128xi32, #tpu.memory_space<vmem>>
        %dma_start3A_109 = arith.constant 0 : i32
        %dma_start3A_110 = tpu.memref_slice %arg8[%dma_start3A_109] : memref<10240xf32, #tpu.memory_space<vmem_shared>> -> memref<10240xf32, #tpu.memory_space<vmem_shared>>
        tpu.enqueue_indirect_dma source(%run_scoped3A_2 : memref<128xf32, #tpu.memory_space<vmem>>) target(%dma_start3A_110 : memref<10240xf32, #tpu.memory_space<vmem_shared>>) offsets(%dma_start3A_108 : memref<128xi32, #tpu.memory_space<vmem>>) semaphore(%run_scoped3A_4 : memref<!tpu.dma_semaphore, #tpu.memory_space<semaphore_mem>>) {add = true}
        %add3A_111 = arith.constant 6 : i32
        %add3A_112 = arith.addi %mul3A_27, %add3A_111 : i32
        %dma_start3A_113 = arith.constant 0 : i32
        %dma_start3A_114 = tpu.memref_slice %run_scoped3A[%add3A_112, %dma_start3A_113] : memref<80x128xi32, #tpu.memory_space<vmem>> -> memref<1x128xi32, #tpu.memory_space<vmem>>
        %dma_start3A_115 = tpu.memref_squeeze %dma_start3A_114 : memref<1x128xi32, #tpu.memory_space<vmem>> -> memref<128xi32, #tpu.memory_space<vmem>>
        %dma_start3A_116 = arith.constant 0 : i32
        %dma_start3A_117 = tpu.memref_slice %arg7[%dma_start3A_116] : memref<10240xf32, #tpu.memory_space<vmem_shared>> -> memref<10240xf32, #tpu.memory_space<vmem_shared>>
        tpu.enqueue_indirect_dma source(%run_scoped3A_2 : memref<128xf32, #tpu.memory_space<vmem>>) target(%dma_start3A_117 : memref<10240xf32, #tpu.memory_space<vmem_shared>>) offsets(%dma_start3A_115 : memref<128xi32, #tpu.memory_space<vmem>>) semaphore(%run_scoped3A_4 : memref<!tpu.dma_semaphore, #tpu.memory_space<semaphore_mem>>) {add = true}
        %add3A_118 = arith.constant 6 : i32
        %add3A_119 = arith.addi %mul3A_27, %add3A_118 : i32
        %dma_start3A_120 = arith.constant 0 : i32
        %dma_start3A_121 = tpu.memref_slice %run_scoped3A_1[%add3A_119, %dma_start3A_120] : memref<80x128xi32, #tpu.memory_space<vmem>> -> memref<1x128xi32, #tpu.memory_space<vmem>>
        %dma_start3A_122 = tpu.memref_squeeze %dma_start3A_121 : memref<1x128xi32, #tpu.memory_space<vmem>> -> memref<128xi32, #tpu.memory_space<vmem>>
        %dma_start3A_123 = arith.constant 0 : i32
        %dma_start3A_124 = tpu.memref_slice %arg8[%dma_start3A_123] : memref<10240xf32, #tpu.memory_space<vmem_shared>> -> memref<10240xf32, #tpu.memory_space<vmem_shared>>
        tpu.enqueue_indirect_dma source(%run_scoped3A_2 : memref<128xf32, #tpu.memory_space<vmem>>) target(%dma_start3A_124 : memref<10240xf32, #tpu.memory_space<vmem_shared>>) offsets(%dma_start3A_122 : memref<128xi32, #tpu.memory_space<vmem>>) semaphore(%run_scoped3A_4 : memref<!tpu.dma_semaphore, #tpu.memory_space<semaphore_mem>>) {add = true}
        %add3A_125 = arith.constant 7 : i32
        %add3A_126 = arith.addi %mul3A_27, %add3A_125 : i32
        %dma_start3A_127 = arith.constant 0 : i32
        %dma_start3A_128 = tpu.memref_slice %run_scoped3A[%add3A_126, %dma_start3A_127] : memref<80x128xi32, #tpu.memory_space<vmem>> -> memref<1x128xi32, #tpu.memory_space<vmem>>
        %dma_start3A_129 = tpu.memref_squeeze %dma_start3A_128 : memref<1x128xi32, #tpu.memory_space<vmem>> -> memref<128xi32, #tpu.memory_space<vmem>>
        %dma_start3A_130 = arith.constant 0 : i32
        %dma_start3A_131 = tpu.memref_slice %arg7[%dma_start3A_130] : memref<10240xf32, #tpu.memory_space<vmem_shared>> -> memref<10240xf32, #tpu.memory_space<vmem_shared>>
        tpu.enqueue_indirect_dma source(%run_scoped3A_2 : memref<128xf32, #tpu.memory_space<vmem>>) target(%dma_start3A_131 : memref<10240xf32, #tpu.memory_space<vmem_shared>>) offsets(%dma_start3A_129 : memref<128xi32, #tpu.memory_space<vmem>>) semaphore(%run_scoped3A_4 : memref<!tpu.dma_semaphore, #tpu.memory_space<semaphore_mem>>) {add = true}
        %add3A_132 = arith.constant 7 : i32
        %add3A_133 = arith.addi %mul3A_27, %add3A_132 : i32
        %dma_start3A_134 = arith.constant 0 : i32
        %dma_start3A_135 = tpu.memref_slice %run_scoped3A_1[%add3A_133, %dma_start3A_134] : memref<80x128xi32, #tpu.memory_space<vmem>> -> memref<1x128xi32, #tpu.memory_space<vmem>>
        %dma_start3A_136 = tpu.memref_squeeze %dma_start3A_135 : memref<1x128xi32, #tpu.memory_space<vmem>> -> memref<128xi32, #tpu.memory_space<vmem>>
        %dma_start3A_137 = arith.constant 0 : i32
        %dma_start3A_138 = tpu.memref_slice %arg8[%dma_start3A_137] : memref<10240xf32, #tpu.memory_space<vmem_shared>> -> memref<10240xf32, #tpu.memory_space<vmem_shared>>
        tpu.enqueue_indirect_dma source(%run_scoped3A_2 : memref<128xf32, #tpu.memory_space<vmem>>) target(%dma_start3A_138 : memref<10240xf32, #tpu.memory_space<vmem_shared>>) offsets(%dma_start3A_136 : memref<128xi32, #tpu.memory_space<vmem>>) semaphore(%run_scoped3A_4 : memref<!tpu.dma_semaphore, #tpu.memory_space<semaphore_mem>>) {add = true}
        %dma_wait3A = arith.constant 0 : i32
        %dma_wait3A_139 = arith.constant 0 : i32
        %dma_wait3A_140 = tpu.memref_slice %run_scoped3A[%dma_wait3A, %dma_wait3A_139] : memref<80x128xi32, #tpu.memory_space<vmem>> -> memref<1x128xi32, #tpu.memory_space<vmem>>
        %dma_wait3A_141 = tpu.memref_squeeze %dma_wait3A_140 : memref<1x128xi32, #tpu.memory_space<vmem>> -> memref<128xi32, #tpu.memory_space<vmem>>
        %dma_wait3A_142 = arith.constant 0 : i32
        %dma_wait3A_143 = tpu.memref_slice %arg7[%dma_wait3A_142] : memref<10240xf32, #tpu.memory_space<vmem_shared>> -> memref<10240xf32, #tpu.memory_space<vmem_shared>>
        tpu.wait_indirect_dma semaphore(%run_scoped3A_4 : memref<!tpu.dma_semaphore, #tpu.memory_space<semaphore_mem>>) src(%run_scoped3A_2 : memref<128xf32, #tpu.memory_space<vmem>>) dst(%dma_wait3A_143 : memref<10240xf32, #tpu.memory_space<vmem_shared>>)
        %dma_wait3A_144 = arith.constant 0 : i32
        %dma_wait3A_145 = arith.constant 0 : i32
        %dma_wait3A_146 = tpu.memref_slice %run_scoped3A[%dma_wait3A_144, %dma_wait3A_145] : memref<80x128xi32, #tpu.memory_space<vmem>> -> memref<1x128xi32, #tpu.memory_space<vmem>>
        %dma_wait3A_147 = tpu.memref_squeeze %dma_wait3A_146 : memref<1x128xi32, #tpu.memory_space<vmem>> -> memref<128xi32, #tpu.memory_space<vmem>>
        %dma_wait3A_148 = arith.constant 0 : i32
        %dma_wait3A_149 = tpu.memref_slice %arg7[%dma_wait3A_148] : memref<10240xf32, #tpu.memory_space<vmem_shared>> -> memref<10240xf32, #tpu.memory_space<vmem_shared>>
        tpu.wait_indirect_dma semaphore(%run_scoped3A_4 : memref<!tpu.dma_semaphore, #tpu.memory_space<semaphore_mem>>) src(%run_scoped3A_2 : memref<128xf32, #tpu.memory_space<vmem>>) dst(%dma_wait3A_149 : memref<10240xf32, #tpu.memory_space<vmem_shared>>)
        %dma_wait3A_150 = arith.constant 0 : i32
        %dma_wait3A_151 = arith.constant 0 : i32
        %dma_wait3A_152 = tpu.memref_slice %run_scoped3A[%dma_wait3A_150, %dma_wait3A_151] : memref<80x128xi32, #tpu.memory_space<vmem>> -> memref<1x128xi32, #tpu.memory_space<vmem>>
        %dma_wait3A_153 = tpu.memref_squeeze %dma_wait3A_152 : memref<1x128xi32, #tpu.memory_space<vmem>> -> memref<128xi32, #tpu.memory_space<vmem>>
        %dma_wait3A_154 = arith.constant 0 : i32
        %dma_wait3A_155 = tpu.memref_slice %arg7[%dma_wait3A_154] : memref<10240xf32, #tpu.memory_space<vmem_shared>> -> memref<10240xf32, #tpu.memory_space<vmem_shared>>
        tpu.wait_indirect_dma semaphore(%run_scoped3A_4 : memref<!tpu.dma_semaphore, #tpu.memory_space<semaphore_mem>>) src(%run_scoped3A_2 : memref<128xf32, #tpu.memory_space<vmem>>) dst(%dma_wait3A_155 : memref<10240xf32, #tpu.memory_space<vmem_shared>>)
        %dma_wait3A_156 = arith.constant 0 : i32
        %dma_wait3A_157 = arith.constant 0 : i32
        %dma_wait3A_158 = tpu.memref_slice %run_scoped3A[%dma_wait3A_156, %dma_wait3A_157] : memref<80x128xi32, #tpu.memory_space<vmem>> -> memref<1x128xi32, #tpu.memory_space<vmem>>
        %dma_wait3A_159 = tpu.memref_squeeze %dma_wait3A_158 : memref<1x128xi32, #tpu.memory_space<vmem>> -> memref<128xi32, #tpu.memory_space<vmem>>
        %dma_wait3A_160 = arith.constant 0 : i32
        %dma_wait3A_161 = tpu.memref_slice %arg7[%dma_wait3A_160] : memref<10240xf32, #tpu.memory_space<vmem_shared>> -> memref<10240xf32, #tpu.memory_space<vmem_shared>>
        tpu.wait_indirect_dma semaphore(%run_scoped3A_4 : memref<!tpu.dma_semaphore, #tpu.memory_space<semaphore_mem>>) src(%run_scoped3A_2 : memref<128xf32, #tpu.memory_space<vmem>>) dst(%dma_wait3A_161 : memref<10240xf32, #tpu.memory_space<vmem_shared>>)
        %dma_wait3A_162 = arith.constant 0 : i32
        %dma_wait3A_163 = arith.constant 0 : i32
        %dma_wait3A_164 = tpu.memref_slice %run_scoped3A[%dma_wait3A_162, %dma_wait3A_163] : memref<80x128xi32, #tpu.memory_space<vmem>> -> memref<1x128xi32, #tpu.memory_space<vmem>>
        %dma_wait3A_165 = tpu.memref_squeeze %dma_wait3A_164 : memref<1x128xi32, #tpu.memory_space<vmem>> -> memref<128xi32, #tpu.memory_space<vmem>>
        %dma_wait3A_166 = arith.constant 0 : i32
        %dma_wait3A_167 = tpu.memref_slice %arg7[%dma_wait3A_166] : memref<10240xf32, #tpu.memory_space<vmem_shared>> -> memref<10240xf32, #tpu.memory_space<vmem_shared>>
        tpu.wait_indirect_dma semaphore(%run_scoped3A_4 : memref<!tpu.dma_semaphore, #tpu.memory_space<semaphore_mem>>) src(%run_scoped3A_2 : memref<128xf32, #tpu.memory_space<vmem>>) dst(%dma_wait3A_167 : memref<10240xf32, #tpu.memory_space<vmem_shared>>)
        %dma_wait3A_168 = arith.constant 0 : i32
        %dma_wait3A_169 = arith.constant 0 : i32
        %dma_wait3A_170 = tpu.memref_slice %run_scoped3A[%dma_wait3A_168, %dma_wait3A_169] : memref<80x128xi32, #tpu.memory_space<vmem>> -> memref<1x128xi32, #tpu.memory_space<vmem>>
        %dma_wait3A_171 = tpu.memref_squeeze %dma_wait3A_170 : memref<1x128xi32, #tpu.memory_space<vmem>> -> memref<128xi32, #tpu.memory_space<vmem>>
        %dma_wait3A_172 = arith.constant 0 : i32
        %dma_wait3A_173 = tpu.memref_slice %arg7[%dma_wait3A_172] : memref<10240xf32, #tpu.memory_space<vmem_shared>> -> memref<10240xf32, #tpu.memory_space<vmem_shared>>
        tpu.wait_indirect_dma semaphore(%run_scoped3A_4 : memref<!tpu.dma_semaphore, #tpu.memory_space<semaphore_mem>>) src(%run_scoped3A_2 : memref<128xf32, #tpu.memory_space<vmem>>) dst(%dma_wait3A_173 : memref<10240xf32, #tpu.memory_space<vmem_shared>>)
        %dma_wait3A_174 = arith.constant 0 : i32
        %dma_wait3A_175 = arith.constant 0 : i32
        %dma_wait3A_176 = tpu.memref_slice %run_scoped3A[%dma_wait3A_174, %dma_wait3A_175] : memref<80x128xi32, #tpu.memory_space<vmem>> -> memref<1x128xi32, #tpu.memory_space<vmem>>
        %dma_wait3A_177 = tpu.memref_squeeze %dma_wait3A_176 : memref<1x128xi32, #tpu.memory_space<vmem>> -> memref<128xi32, #tpu.memory_space<vmem>>
        %dma_wait3A_178 = arith.constant 0 : i32
        %dma_wait3A_179 = tpu.memref_slice %arg7[%dma_wait3A_178] : memref<10240xf32, #tpu.memory_space<vmem_shared>> -> memref<10240xf32, #tpu.memory_space<vmem_shared>>
        tpu.wait_indirect_dma semaphore(%run_scoped3A_4 : memref<!tpu.dma_semaphore, #tpu.memory_space<semaphore_mem>>) src(%run_scoped3A_2 : memref<128xf32, #tpu.memory_space<vmem>>) dst(%dma_wait3A_179 : memref<10240xf32, #tpu.memory_space<vmem_shared>>)
        %dma_wait3A_180 = arith.constant 0 : i32
        %dma_wait3A_181 = arith.constant 0 : i32
        %dma_wait3A_182 = tpu.memref_slice %run_scoped3A[%dma_wait3A_180, %dma_wait3A_181] : memref<80x128xi32, #tpu.memory_space<vmem>> -> memref<1x128xi32, #tpu.memory_space<vmem>>
        %dma_wait3A_183 = tpu.memref_squeeze %dma_wait3A_182 : memref<1x128xi32, #tpu.memory_space<vmem>> -> memref<128xi32, #tpu.memory_space<vmem>>
        %dma_wait3A_184 = arith.constant 0 : i32
        %dma_wait3A_185 = tpu.memref_slice %arg7[%dma_wait3A_184] : memref<10240xf32, #tpu.memory_space<vmem_shared>> -> memref<10240xf32, #tpu.memory_space<vmem_shared>>
        tpu.wait_indirect_dma semaphore(%run_scoped3A_4 : memref<!tpu.dma_semaphore, #tpu.memory_space<semaphore_mem>>) src(%run_scoped3A_2 : memref<128xf32, #tpu.memory_space<vmem>>) dst(%dma_wait3A_185 : memref<10240xf32, #tpu.memory_space<vmem_shared>>)
        %dma_wait3A_186 = arith.constant 0 : i32
        %dma_wait3A_187 = arith.constant 0 : i32
        %dma_wait3A_188 = tpu.memref_slice %run_scoped3A[%dma_wait3A_186, %dma_wait3A_187] : memref<80x128xi32, #tpu.memory_space<vmem>> -> memref<1x128xi32, #tpu.memory_space<vmem>>
        %dma_wait3A_189 = tpu.memref_squeeze %dma_wait3A_188 : memref<1x128xi32, #tpu.memory_space<vmem>> -> memref<128xi32, #tpu.memory_space<vmem>>
        %dma_wait3A_190 = arith.constant 0 : i32
        %dma_wait3A_191 = tpu.memref_slice %arg7[%dma_wait3A_190] : memref<10240xf32, #tpu.memory_space<vmem_shared>> -> memref<10240xf32, #tpu.memory_space<vmem_shared>>
        tpu.wait_indirect_dma semaphore(%run_scoped3A_4 : memref<!tpu.dma_semaphore, #tpu.memory_space<semaphore_mem>>) src(%run_scoped3A_2 : memref<128xf32, #tpu.memory_space<vmem>>) dst(%dma_wait3A_191 : memref<10240xf32, #tpu.memory_space<vmem_shared>>)
        %dma_wait3A_192 = arith.constant 0 : i32
        %dma_wait3A_193 = arith.constant 0 : i32
        %dma_wait3A_194 = tpu.memref_slice %run_scoped3A[%dma_wait3A_192, %dma_wait3A_193] : memref<80x128xi32, #tpu.memory_space<vmem>> -> memref<1x128xi32, #tpu.memory_space<vmem>>
        %dma_wait3A_195 = tpu.memref_squeeze %dma_wait3A_194 : memref<1x128xi32, #tpu.memory_space<vmem>> -> memref<128xi32, #tpu.memory_space<vmem>>
        %dma_wait3A_196 = arith.constant 0 : i32
        %dma_wait3A_197 = tpu.memref_slice %arg7[%dma_wait3A_196] : memref<10240xf32, #tpu.memory_space<vmem_shared>> -> memref<10240xf32, #tpu.memory_space<vmem_shared>>
        tpu.wait_indirect_dma semaphore(%run_scoped3A_4 : memref<!tpu.dma_semaphore, #tpu.memory_space<semaphore_mem>>) src(%run_scoped3A_2 : memref<128xf32, #tpu.memory_space<vmem>>) dst(%dma_wait3A_197 : memref<10240xf32, #tpu.memory_space<vmem_shared>>)
        %dma_wait3A_198 = arith.constant 0 : i32
        %dma_wait3A_199 = arith.constant 0 : i32
        %dma_wait3A_200 = tpu.memref_slice %run_scoped3A[%dma_wait3A_198, %dma_wait3A_199] : memref<80x128xi32, #tpu.memory_space<vmem>> -> memref<1x128xi32, #tpu.memory_space<vmem>>
        %dma_wait3A_201 = tpu.memref_squeeze %dma_wait3A_200 : memref<1x128xi32, #tpu.memory_space<vmem>> -> memref<128xi32, #tpu.memory_space<vmem>>
        %dma_wait3A_202 = arith.constant 0 : i32
        %dma_wait3A_203 = tpu.memref_slice %arg7[%dma_wait3A_202] : memref<10240xf32, #tpu.memory_space<vmem_shared>> -> memref<10240xf32, #tpu.memory_space<vmem_shared>>
        tpu.wait_indirect_dma semaphore(%run_scoped3A_4 : memref<!tpu.dma_semaphore, #tpu.memory_space<semaphore_mem>>) src(%run_scoped3A_2 : memref<128xf32, #tpu.memory_space<vmem>>) dst(%dma_wait3A_203 : memref<10240xf32, #tpu.memory_space<vmem_shared>>)
        %dma_wait3A_204 = arith.constant 0 : i32
        %dma_wait3A_205 = arith.constant 0 : i32
        %dma_wait3A_206 = tpu.memref_slice %run_scoped3A[%dma_wait3A_204, %dma_wait3A_205] : memref<80x128xi32, #tpu.memory_space<vmem>> -> memref<1x128xi32, #tpu.memory_space<vmem>>
        %dma_wait3A_207 = tpu.memref_squeeze %dma_wait3A_206 : memref<1x128xi32, #tpu.memory_space<vmem>> -> memref<128xi32, #tpu.memory_space<vmem>>
        %dma_wait3A_208 = arith.constant 0 : i32
        %dma_wait3A_209 = tpu.memref_slice %arg7[%dma_wait3A_208] : memref<10240xf32, #tpu.memory_space<vmem_shared>> -> memref<10240xf32, #tpu.memory_space<vmem_shared>>
        tpu.wait_indirect_dma semaphore(%run_scoped3A_4 : memref<!tpu.dma_semaphore, #tpu.memory_space<semaphore_mem>>) src(%run_scoped3A_2 : memref<128xf32, #tpu.memory_space<vmem>>) dst(%dma_wait3A_209 : memref<10240xf32, #tpu.memory_space<vmem_shared>>)
        %dma_wait3A_210 = arith.constant 0 : i32
        %dma_wait3A_211 = arith.constant 0 : i32
        %dma_wait3A_212 = tpu.memref_slice %run_scoped3A[%dma_wait3A_210, %dma_wait3A_211] : memref<80x128xi32, #tpu.memory_space<vmem>> -> memref<1x128xi32, #tpu.memory_space<vmem>>
        %dma_wait3A_213 = tpu.memref_squeeze %dma_wait3A_212 : memref<1x128xi32, #tpu.memory_space<vmem>> -> memref<128xi32, #tpu.memory_space<vmem>>
        %dma_wait3A_214 = arith.constant 0 : i32
        %dma_wait3A_215 = tpu.memref_slice %arg7[%dma_wait3A_214] : memref<10240xf32, #tpu.memory_space<vmem_shared>> -> memref<10240xf32, #tpu.memory_space<vmem_shared>>
        tpu.wait_indirect_dma semaphore(%run_scoped3A_4 : memref<!tpu.dma_semaphore, #tpu.memory_space<semaphore_mem>>) src(%run_scoped3A_2 : memref<128xf32, #tpu.memory_space<vmem>>) dst(%dma_wait3A_215 : memref<10240xf32, #tpu.memory_space<vmem_shared>>)
        %dma_wait3A_216 = arith.constant 0 : i32
        %dma_wait3A_217 = arith.constant 0 : i32
        %dma_wait3A_218 = tpu.memref_slice %run_scoped3A[%dma_wait3A_216, %dma_wait3A_217] : memref<80x128xi32, #tpu.memory_space<vmem>> -> memref<1x128xi32, #tpu.memory_space<vmem>>
        %dma_wait3A_219 = tpu.memref_squeeze %dma_wait3A_218 : memref<1x128xi32, #tpu.memory_space<vmem>> -> memref<128xi32, #tpu.memory_space<vmem>>
        %dma_wait3A_220 = arith.constant 0 : i32
        %dma_wait3A_221 = tpu.memref_slice %arg7[%dma_wait3A_220] : memref<10240xf32, #tpu.memory_space<vmem_shared>> -> memref<10240xf32, #tpu.memory_space<vmem_shared>>
        tpu.wait_indirect_dma semaphore(%run_scoped3A_4 : memref<!tpu.dma_semaphore, #tpu.memory_space<semaphore_mem>>) src(%run_scoped3A_2 : memref<128xf32, #tpu.memory_space<vmem>>) dst(%dma_wait3A_221 : memref<10240xf32, #tpu.memory_space<vmem_shared>>)
        %dma_wait3A_222 = arith.constant 0 : i32
        %dma_wait3A_223 = arith.constant 0 : i32
        %dma_wait3A_224 = tpu.memref_slice %run_scoped3A[%dma_wait3A_222, %dma_wait3A_223] : memref<80x128xi32, #tpu.memory_space<vmem>> -> memref<1x128xi32, #tpu.memory_space<vmem>>
        %dma_wait3A_225 = tpu.memref_squeeze %dma_wait3A_224 : memref<1x128xi32, #tpu.memory_space<vmem>> -> memref<128xi32, #tpu.memory_space<vmem>>
        %dma_wait3A_226 = arith.constant 0 : i32
        %dma_wait3A_227 = tpu.memref_slice %arg7[%dma_wait3A_226] : memref<10240xf32, #tpu.memory_space<vmem_shared>> -> memref<10240xf32, #tpu.memory_space<vmem_shared>>
        tpu.wait_indirect_dma semaphore(%run_scoped3A_4 : memref<!tpu.dma_semaphore, #tpu.memory_space<semaphore_mem>>) src(%run_scoped3A_2 : memref<128xf32, #tpu.memory_space<vmem>>) dst(%dma_wait3A_227 : memref<10240xf32, #tpu.memory_space<vmem_shared>>)
        %dma_wait3A_228 = arith.constant 0 : i32
        %dma_wait3A_229 = arith.constant 0 : i32
        %dma_wait3A_230 = tpu.memref_slice %run_scoped3A[%dma_wait3A_228, %dma_wait3A_229] : memref<80x128xi32, #tpu.memory_space<vmem>> -> memref<1x128xi32, #tpu.memory_space<vmem>>
        %dma_wait3A_231 = tpu.memref_squeeze %dma_wait3A_230 : memref<1x128xi32, #tpu.memory_space<vmem>> -> memref<128xi32, #tpu.memory_space<vmem>>
        %dma_wait3A_232 = arith.constant 0 : i32
        %dma_wait3A_233 = tpu.memref_slice %arg7[%dma_wait3A_232] : memref<10240xf32, #tpu.memory_space<vmem_shared>> -> memref<10240xf32, #tpu.memory_space<vmem_shared>>
        tpu.wait_indirect_dma semaphore(%run_scoped3A_4 : memref<!tpu.dma_semaphore, #tpu.memory_space<semaphore_mem>>) src(%run_scoped3A_2 : memref<128xf32, #tpu.memory_space<vmem>>) dst(%dma_wait3A_233 : memref<10240xf32, #tpu.memory_space<vmem_shared>>)
      }
      %scan3A_11 = arith.constant 10 : i32
      %barrier3A_12 = arith.constant 0 : index
      tpu.barrier barrier_id(%barrier3A_12)
      %mul3A_13 = arith.constant 2 : i32
      %mul3A_14 = arith.muli %arg0, %mul3A_13 : i32
      %mul3A_15 = arith.constant 10240 : i32
      %mul3A_16 = arith.muli %mul3A_14, %mul3A_15 : i32
      %add3A_17 = arith.addi %mul3A_16, %mul3A_6 : i32
      "tpu.region"() ({
        %run_scoped3A_25 = tpu.sem_alloc : memref<!tpu.dma_semaphore, #tpu.memory_space<semaphore_mem>>
        %dma_start3A = tpu.memref_slice %arg6[%add3A_17] : memref<40960xf32, #tpu.memory_space<hbm>> -> memref<640xf32, #tpu.memory_space<hbm>>
        %dma_start3A_26 = tpu.memref_slice %arg7[%mul3A_6] : memref<10240xf32, #tpu.memory_space<vmem_shared>> -> memref<640xf32, #tpu.memory_space<vmem_shared>>
        tpu.enqueue_dma source(%dma_start3A_26 : memref<640xf32, #tpu.memory_space<vmem_shared>>) target(%dma_start3A : memref<640xf32, #tpu.memory_space<hbm>>) target_semaphore(%run_scoped3A_25 : memref<!tpu.dma_semaphore, #tpu.memory_space<semaphore_mem>>)
        %dma_wait3A = tpu.memref_slice %arg6[%add3A_17] : memref<40960xf32, #tpu.memory_space<hbm>> -> memref<640xf32, #tpu.memory_space<hbm>>
        %dma_wait3A_27 = tpu.memref_slice %arg7[%mul3A_6] : memref<10240xf32, #tpu.memory_space<vmem_shared>> -> memref<640xf32, #tpu.memory_space<vmem_shared>>
        tpu.wait_dma2 semaphore(%run_scoped3A_25 : memref<!tpu.dma_semaphore, #tpu.memory_space<semaphore_mem>>) src(%dma_wait3A_27 : memref<640xf32, #tpu.memory_space<vmem_shared>>) dst(%dma_wait3A : memref<640xf32, #tpu.memory_space<hbm>>)
        tpu.yield
      }) : () -> ()
      %mul3A_18 = arith.constant 2 : i32
      %mul3A_19 = arith.muli %arg0, %mul3A_18 : i32
      %add3A_20 = arith.constant 1 : i32
      %add3A_21 = arith.addi %mul3A_19, %add3A_20 : i32
      %mul3A_22 = arith.constant 10240 : i32
      %mul3A_23 = arith.muli %add3A_21, %mul3A_22 : i32
      %add3A_24 = arith.addi %mul3A_23, %mul3A_6 : i32
      "tpu.region"() ({
        %run_scoped3A_25 = tpu.sem_alloc : memref<!tpu.dma_semaphore, #tpu.memory_space<semaphore_mem>>
        %dma_start3A = tpu.memref_slice %arg6[%add3A_24] : memref<40960xf32, #tpu.memory_space<hbm>> -> memref<640xf32, #tpu.memory_space<hbm>>
        %dma_start3A_26 = tpu.memref_slice %arg8[%mul3A_6] : memref<10240xf32, #tpu.memory_space<vmem_shared>> -> memref<640xf32, #tpu.memory_space<vmem_shared>>
        tpu.enqueue_dma source(%dma_start3A_26 : memref<640xf32, #tpu.memory_space<vmem_shared>>) target(%dma_start3A : memref<640xf32, #tpu.memory_space<hbm>>) target_semaphore(%run_scoped3A_25 : memref<!tpu.dma_semaphore, #tpu.memory_space<semaphore_mem>>)
        %dma_wait3A = tpu.memref_slice %arg6[%add3A_24] : memref<40960xf32, #tpu.memory_space<hbm>> -> memref<640xf32, #tpu.memory_space<hbm>>
        %dma_wait3A_27 = tpu.memref_slice %arg8[%mul3A_6] : memref<10240xf32, #tpu.memory_space<vmem_shared>> -> memref<640xf32, #tpu.memory_space<vmem_shared>>
        tpu.wait_dma2 semaphore(%run_scoped3A_25 : memref<!tpu.dma_semaphore, #tpu.memory_space<semaphore_mem>>) src(%dma_wait3A_27 : memref<640xf32, #tpu.memory_space<vmem_shared>>) dst(%dma_wait3A : memref<640xf32, #tpu.memory_space<hbm>>)
        tpu.yield
      }) : () -> ()
      tpu.yield
    }) : () -> ()
    return
  }
}

module attributes {stable_mosaic.version = 14 : i64} {
  func.func @_tc1_body(%arg0: i32, %arg1: memref<1000x128xf32, #tpu.memory_space<vmem>>, %arg2: memref<1x4x1000xf32, #tpu.memory_space<vmem>>, %arg3: memref<1x128xf32, #tpu.memory_space<vmem>>, %arg4: memref<1x128xf32, #tpu.memory_space<vmem>>, %arg5: memref<1x1x1000xi32, #tpu.memory_space<vmem>>, %arg6: memref<1000x128xf32, #tpu.memory_space<vmem>>, %arg7: memref<50x128xf32, #tpu.memory_space<vmem>>, %arg8: memref<128x128xf32, #tpu.memory_space<vmem>>, %arg9: memref<8x128xf32, #tpu.memory_space<vmem>>) attributes {dimension_semantics = [#tpu.dimension_semantics<arbitrary>], iteration_bounds = array<i64: 10>, scalar_prefetch = 0 : i64, scratch_operands = 2 : i64, tpu.core_type = #tpu.core_type<tc>, window_params = [{transform_indices = @transform_0, window_bounds = array<i64: 1000, 128>}, {transform_indices = @transform_1, window_bounds = array<i64: 1, 4, 1000>}, {pipeline_mode = #tpu.pipeline_mode<synchronous>, transform_indices = @transform_2, window_bounds = array<i64: 1, 128>}, {pipeline_mode = #tpu.pipeline_mode<synchronous>, transform_indices = @transform_3, window_bounds = array<i64: 1, 128>}, {transform_indices = @transform_4, window_bounds = array<i64: 1, 1, 1000>}, {transform_indices = @transform_5, window_bounds = array<i64: 1000, 128>}, {pipeline_mode = #tpu.pipeline_mode<synchronous>, transform_indices = @transform_6, window_bounds = array<i64: 50, 128>}]} {
    %get3A = arith.constant 0 : index
    %get3A_0 = arith.constant 0 : index
    %get3A_1 = arith.constant 0 : index
    %get3A_2 = vector.load %arg2[%get3A, %get3A_0, %get3A_1] : memref<1x4x1000xf32, #tpu.memory_space<vmem>>, vector<1x4x1000xf32>
    %get3A_3 = vector.shape_cast %get3A_2 : vector<1x4x1000xf32> to vector<4x1000xf32>
    %slice3A = vector.extract_strided_slice %get3A_3 {offsets = [0, 0], sizes = [1, 1000], strides = [1, 1]} : vector<4x1000xf32> to vector<1x1000xf32>
    %squeeze3A = vector.shape_cast %slice3A : vector<1x1000xf32> to vector<1000xf32>
    %slice3A_4 = vector.extract_strided_slice %get3A_3 {offsets = [2, 0], sizes = [1, 1000], strides = [1, 1]} : vector<4x1000xf32> to vector<1x1000xf32>
    %squeeze3A_5 = vector.shape_cast %slice3A_4 : vector<1x1000xf32> to vector<1000xf32>
    %add3A = arith.addf %squeeze3A, %squeeze3A_5 : vector<1000xf32>
    %max3A = arith.constant 1.000000e+00 : f32
    %max3A_6 = vector.broadcast %max3A : f32 to vector<1000xf32>
    %max3A_7 = arith.maximumf %add3A, %max3A_6 : vector<1000xf32>
    %rsqrt3A = math.rsqrt %max3A_7 : vector<1000xf32>
    %get3A_8 = arith.constant 0 : index
    %get3A_9 = arith.constant 0 : index
    %get3A_10 = vector.load %arg1[%get3A_8, %get3A_9] : memref<1000x128xf32, #tpu.memory_space<vmem>>, vector<1000x128xf32>
    %get3A_11 = arith.constant 0 : index
    %get3A_12 = arith.constant 0 : index
    %get3A_13 = vector.load %arg3[%get3A_11, %get3A_12] : memref<1x128xf32, #tpu.memory_space<vmem>>, vector<1x128xf32>
    %get3A_14 = vector.shape_cast %get3A_13 : vector<1x128xf32> to vector<128xf32>
    %mul3A = arith.constant 0.999994993 : f32
    %mul3A_15 = vector.broadcast %mul3A : f32 to vector<128xf32>
    %mul3A_16 = arith.mulf %get3A_14, %mul3A_15 : vector<128xf32>
    %broadcast_in_dim3A = vector.shape_cast %mul3A_16 : vector<128xf32> to vector<1x128xf32>
    %mul3A_17 = vector.broadcast %broadcast_in_dim3A : vector<1x128xf32> to vector<1000x128xf32>
    %mul3A_18 = arith.mulf %get3A_10, %mul3A_17 : vector<1000x128xf32>
    %get3A_19 = arith.constant 0 : index
    %get3A_20 = arith.constant 0 : index
    %get3A_21 = vector.load %arg4[%get3A_19, %get3A_20] : memref<1x128xf32, #tpu.memory_space<vmem>>, vector<1x128xf32>
    %get3A_22 = vector.shape_cast %get3A_21 : vector<1x128xf32> to vector<128xf32>
    %broadcast_in_dim3A_23 = vector.shape_cast %get3A_22 : vector<128xf32> to vector<1x128xf32>
    %add3A_24 = vector.broadcast %broadcast_in_dim3A_23 : vector<1x128xf32> to vector<1000x128xf32>
    %add3A_25 = arith.addf %mul3A_18, %add3A_24 : vector<1000x128xf32>
    %broadcast_in_dim3A_26 = vector.shape_cast %rsqrt3A : vector<1000xf32> to vector<1000x1xf32>
    %mul3A_27 = vector.broadcast %broadcast_in_dim3A_26 : vector<1000x1xf32> to vector<1000x128xf32>
    %mul3A_28 = arith.mulf %add3A_25, %mul3A_27 : vector<1000x128xf32>
    %swap3A = arith.constant 0 : index
    %swap3A_29 = arith.constant 0 : index
    %swap3A_30 = vector.load %arg6[%swap3A, %swap3A_29] : memref<1000x128xf32, #tpu.memory_space<vmem>>, vector<1000x128xf32>
    tpu.vector_store %arg6[%swap3A, %swap3A_29], %mul3A_28 {strides = array<i32>} : memref<1000x128xf32, #tpu.memory_space<vmem>>, vector<1000x128xf32>,
    %get3A_31 = arith.constant 0 : index
    %get3A_32 = arith.constant 0 : index
    %get3A_33 = arith.constant 0 : index
    %get3A_34 = vector.load %arg5[%get3A_31, %get3A_32, %get3A_33] : memref<1x1x1000xi32, #tpu.memory_space<vmem>>, vector<1x1x1000xi32>
    %get3A_35 = vector.shape_cast %get3A_34 : vector<1x1x1000xi32> to vector<1000xi32>
    %broadcast_in_dim3A_36 = vector.shape_cast %get3A_35 : vector<1000xi32> to vector<1000x1xi32>
    %iota3A = tpu.iota {dimensions = array<i32: 1>} : vector<1000x128xi32>
    %eq3A = vector.broadcast %broadcast_in_dim3A_36 : vector<1000x1xi32> to vector<1000x128xi32>
    %eq3A_37 = arith.cmpi eq, %eq3A, %iota3A : vector<1000x128xi32>
    %convert_element_type3A = arith.extui %eq3A_37 : vector<1000x128xi1> to vector<1000x128xi32>
    %convert_element_type3A_38 = arith.sitofp %convert_element_type3A : vector<1000x128xi32> to vector<1000x128xf32>
    %eq3A_39 = arith.constant 0 : i32
    %eq3A_40 = arith.cmpi eq, %arg0, %eq3A_39 : i32
    %convert_element_type3A_41 = arith.extui %eq3A_40 : i1 to i32
    %cond3A = arith.constant 0 : i32
    %cond3A_42 = arith.cmpi ne, %convert_element_type3A_41, %cond3A : i32
    scf.if %cond3A_42 {
      %broadcast_in_dim3A_65 = arith.constant 0.000000e+00 : f32
      %broadcast_in_dim3A_66 = vector.broadcast %broadcast_in_dim3A_65 : f32 to vector<128x128xf32>
      %swap3A_67 = arith.constant 0 : index
      %swap3A_68 = arith.constant 0 : index
      %swap3A_69 = vector.load %arg8[%swap3A_67, %swap3A_68] : memref<128x128xf32, #tpu.memory_space<vmem>>, vector<128x128xf32>
      tpu.vector_store %arg8[%swap3A_67, %swap3A_68], %broadcast_in_dim3A_66 {strides = array<i32>} : memref<128x128xf32, #tpu.memory_space<vmem>>, vector<128x128xf32>,
      %broadcast_in_dim3A_70 = arith.constant 0.000000e+00 : f32
      %broadcast_in_dim3A_71 = vector.broadcast %broadcast_in_dim3A_70 : f32 to vector<8x128xf32>
      %swap3A_72 = arith.constant 0 : index
      %swap3A_73 = arith.constant 0 : index
      %swap3A_74 = vector.load %arg9[%swap3A_72, %swap3A_73] : memref<8x128xf32, #tpu.memory_space<vmem>>, vector<8x128xf32>
      tpu.vector_store %arg9[%swap3A_72, %swap3A_73], %broadcast_in_dim3A_71 {strides = array<i32>} : memref<8x128xf32, #tpu.memory_space<vmem>>, vector<8x128xf32>,
    } else {
    }
    %get3A_43 = arith.constant 0 : index
    %get3A_44 = arith.constant 0 : index
    %get3A_45 = vector.load %arg8[%get3A_43, %get3A_44] : memref<128x128xf32, #tpu.memory_space<vmem>>, vector<128x128xf32>
    %dot_general3A = arith.constant dense<0.000000e+00> : vector<128x128xf32>
    %dot_general3A_46 = tpu.matmul %convert_element_type3A_38, %get3A_10, %dot_general3A {dimension_numbers = #tpu.dot_dimension_numbers<[0], [0], [1], [1], [0, 1, 1, 1], [], []>, transpose_lhs_hint = false} : vector<1000x128xf32>, vector<1000x128xf32>, vector<128x128xf32> -> vector<128x128xf32>
    %add3A_47 = arith.addf %get3A_45, %dot_general3A_46 : vector<128x128xf32>
    %swap3A_48 = arith.constant 0 : index
    %swap3A_49 = arith.constant 0 : index
    %swap3A_50 = vector.load %arg8[%swap3A_48, %swap3A_49] : memref<128x128xf32, #tpu.memory_space<vmem>>, vector<128x128xf32>
    tpu.vector_store %arg8[%swap3A_48, %swap3A_49], %add3A_47 {strides = array<i32>} : memref<128x128xf32, #tpu.memory_space<vmem>>, vector<128x128xf32>,
    %get3A_51 = arith.constant 0 : index
    %get3A_52 = arith.constant 0 : index
    %get3A_53 = vector.load %arg9[%get3A_51, %get3A_52] : memref<8x128xf32, #tpu.memory_space<vmem>>, vector<1x128xf32>
    %reduce_sum3A = arith.constant dense<0.000000e+00> : vector<128xf32>
    %reduce_sum3A_54 = vector.multi_reduction <add>, %convert_element_type3A_38, %reduce_sum3A [0] : vector<1000x128xf32> to vector<128xf32>
    %broadcast_in_dim3A_55 = vector.shape_cast %reduce_sum3A_54 : vector<128xf32> to vector<1x128xf32>
    %add3A_56 = arith.addf %get3A_53, %broadcast_in_dim3A_55 : vector<1x128xf32>
    %swap3A_57 = arith.constant 0 : index
    %swap3A_58 = arith.constant 0 : index
    %swap3A_59 = vector.load %arg9[%swap3A_57, %swap3A_58] : memref<8x128xf32, #tpu.memory_space<vmem>>, vector<1x128xf32>
    tpu.vector_store %arg9[%swap3A_57, %swap3A_58], %add3A_56 {strides = array<i32>} : memref<8x128xf32, #tpu.memory_space<vmem>>, vector<1x128xf32>,
    %eq3A_60 = arith.constant 9 : i32
    %eq3A_61 = arith.cmpi eq, %arg0, %eq3A_60 : i32
    %convert_element_type3A_62 = arith.extui %eq3A_61 : i1 to i32
    %cond3A_63 = arith.constant 0 : i32
    %cond3A_64 = arith.cmpi ne, %convert_element_type3A_62, %cond3A_63 : i32
    scf.if %cond3A_64 {
      %get3A_65 = arith.constant 0 : index
      %get3A_66 = arith.constant 0 : index
      %get3A_67 = vector.load %arg8[%get3A_65, %get3A_66] : memref<128x128xf32, #tpu.memory_space<vmem>>, vector<128x128xf32>
      %get3A_68 = arith.constant 0 : index
      %get3A_69 = arith.constant 0 : index
      %get3A_70 = vector.load %arg9[%get3A_68, %get3A_69] : memref<8x128xf32, #tpu.memory_space<vmem>>, vector<1x128xf32>
      %get3A_71 = vector.shape_cast %get3A_70 : vector<1x128xf32> to vector<128xf32>
      %max3A_72 = arith.constant 1.000000e+00 : f32
      %max3A_73 = vector.broadcast %max3A_72 : f32 to vector<128xf32>
      %max3A_74 = arith.maximumf %get3A_71, %max3A_73 : vector<128xf32>
      %broadcast_in_dim3A_75 = vector.shape_cast %max3A_74 : vector<128xf32> to vector<128x1xf32>
      %div3A = vector.broadcast %broadcast_in_dim3A_75 : vector<128x1xf32> to vector<128x128xf32>
      %div3A_76 = arith.divf %get3A_67, %div3A : vector<128x128xf32>
      %slice3A_77 = vector.extract_strided_slice %div3A_76 {offsets = [0, 0], sizes = [50, 128], strides = [1, 1]} : vector<128x128xf32> to vector<50x128xf32>
      %swap3A_78 = arith.constant 0 : index
      %swap3A_79 = arith.constant 0 : index
      %swap3A_80 = vector.load %arg7[%swap3A_78, %swap3A_79] : memref<50x128xf32, #tpu.memory_space<vmem>>, vector<50x128xf32>
      tpu.vector_store %arg7[%swap3A_78, %swap3A_79], %slice3A_77 {strides = array<i32>} : memref<50x128xf32, #tpu.memory_space<vmem>>, vector<50x128xf32>,
    } else {
    }
    return
  }
  func.func @transform_0(%arg0: i32) -> (i32, i32) {
    %c0_i32 = arith.constant 0 : i32
    %c0_i32_0 = arith.constant 0 : i32
    return %arg0, %c0_i32 : i32, i32
  }
  func.func @transform_1(%arg0: i32) -> (i32, i32, i32) {
    %c0_i32 = arith.constant 0 : i32
    %c0_i32_0 = arith.constant 0 : i32
    %c0_i32_1 = arith.constant 0 : i32
    return %arg0, %c0_i32, %c0_i32_0 : i32, i32, i32
  }
  func.func @transform_2(%arg0: i32) -> (i32, i32) {
    %c0_i32 = arith.constant 0 : i32
    %c0_i32_0 = arith.constant 0 : i32
    %c0_i32_1 = arith.constant 0 : i32
    return %c0_i32, %c0_i32_0 : i32, i32
  }
  func.func @transform_3(%arg0: i32) -> (i32, i32) {
    %c0_i32 = arith.constant 0 : i32
    %c0_i32_0 = arith.constant 0 : i32
    %c0_i32_1 = arith.constant 0 : i32
    return %c0_i32, %c0_i32_0 : i32, i32
  }
  func.func @transform_4(%arg0: i32) -> (i32, i32, i32) {
    %c0_i32 = arith.constant 0 : i32
    %c0_i32_0 = arith.constant 0 : i32
    %c0_i32_1 = arith.constant 0 : i32
    return %arg0, %c0_i32, %c0_i32_0 : i32, i32, i32
  }
  func.func @transform_5(%arg0: i32) -> (i32, i32) {
    %c0_i32 = arith.constant 0 : i32
    %c0_i32_0 = arith.constant 0 : i32
    return %arg0, %c0_i32 : i32, i32
  }
  func.func @transform_6(%arg0: i32) -> (i32, i32) {
    %c0_i32 = arith.constant 0 : i32
    %c0_i32_0 = arith.constant 0 : i32
    %c0_i32_1 = arith.constant 0 : i32
    return %c0_i32, %c0_i32_0 : i32, i32
  }
}

module attributes {stable_mosaic.version = 14 : i64} {
  func.func @_tc2_body(%arg0: i32, %arg1: memref<1000x128xf32, #tpu.memory_space<vmem>>, %arg2: memref<2x1000x128xf32, #tpu.memory_space<vmem>>, %arg3: memref<1x4x1000xf32, #tpu.memory_space<vmem>>, %arg4: memref<128x128xf32, #tpu.memory_space<vmem>>, %arg5: memref<1x128xf32, #tpu.memory_space<vmem>>, %arg6: memref<1x128xf32, #tpu.memory_space<vmem>>, %arg7: memref<1x128xf32, #tpu.memory_space<vmem>>, %arg8: memref<1000x128xf32, #tpu.memory_space<vmem>>, %arg9: memref<1000x128xf32, #tpu.memory_space<vmem>>) attributes {dimension_semantics = [#tpu.dimension_semantics<arbitrary>], iteration_bounds = array<i64: 10>, scalar_prefetch = 0 : i64, scratch_operands = 0 : i64, tpu.core_type = #tpu.core_type<tc>, window_params = [{transform_indices = @transform_0, window_bounds = array<i64: 1000, 128>}, {transform_indices = @transform_1, window_bounds = array<i64: 2, 1000, 128>}, {transform_indices = @transform_2, window_bounds = array<i64: 1, 4, 1000>}, {pipeline_mode = #tpu.pipeline_mode<synchronous>, transform_indices = @transform_3, window_bounds = array<i64: 128, 128>}, {pipeline_mode = #tpu.pipeline_mode<synchronous>, transform_indices = @transform_4, window_bounds = array<i64: 1, 128>}, {pipeline_mode = #tpu.pipeline_mode<synchronous>, transform_indices = @transform_5, window_bounds = array<i64: 1, 128>}, {pipeline_mode = #tpu.pipeline_mode<synchronous>, transform_indices = @transform_6, window_bounds = array<i64: 1, 128>}, {transform_indices = @transform_7, window_bounds = array<i64: 1000, 128>}, {transform_indices = @transform_8, window_bounds = array<i64: 1000, 128>}]} {
    %get3A = arith.constant 0 : index
    %get3A_0 = arith.constant 0 : index
    %get3A_1 = arith.constant 0 : index
    %get3A_2 = vector.load %arg3[%get3A, %get3A_0, %get3A_1] : memref<1x4x1000xf32, #tpu.memory_space<vmem>>, vector<1x4x1000xf32>
    %get3A_3 = vector.shape_cast %get3A_2 : vector<1x4x1000xf32> to vector<4x1000xf32>
    %slice3A = vector.extract_strided_slice %get3A_3 {offsets = [0, 0], sizes = [1, 1000], strides = [1, 1]} : vector<4x1000xf32> to vector<1x1000xf32>
    %squeeze3A = vector.shape_cast %slice3A : vector<1x1000xf32> to vector<1000xf32>
    %slice3A_4 = vector.extract_strided_slice %get3A_3 {offsets = [2, 0], sizes = [1, 1000], strides = [1, 1]} : vector<4x1000xf32> to vector<1x1000xf32>
    %squeeze3A_5 = vector.shape_cast %slice3A_4 : vector<1x1000xf32> to vector<1000xf32>
    %add3A = arith.addf %squeeze3A, %squeeze3A_5 : vector<1000xf32>
    %max3A = arith.constant 1.000000e+00 : f32
    %max3A_6 = vector.broadcast %max3A : f32 to vector<1000xf32>
    %max3A_7 = arith.maximumf %add3A, %max3A_6 : vector<1000xf32>
    %rsqrt3A = math.rsqrt %max3A_7 : vector<1000xf32>
    %slice3A_8 = vector.extract_strided_slice %get3A_3 {offsets = [1, 0], sizes = [1, 1000], strides = [1, 1]} : vector<4x1000xf32> to vector<1x1000xf32>
    %squeeze3A_9 = vector.shape_cast %slice3A_8 : vector<1x1000xf32> to vector<1000xf32>
    %slice3A_10 = vector.extract_strided_slice %get3A_3 {offsets = [3, 0], sizes = [1, 1000], strides = [1, 1]} : vector<4x1000xf32> to vector<1x1000xf32>
    %squeeze3A_11 = vector.shape_cast %slice3A_10 : vector<1x1000xf32> to vector<1000xf32>
    %add3A_12 = arith.addf %squeeze3A_9, %squeeze3A_11 : vector<1000xf32>
    %max3A_13 = arith.constant 1.000000e+00 : f32
    %max3A_14 = vector.broadcast %max3A_13 : f32 to vector<1000xf32>
    %max3A_15 = arith.maximumf %add3A_12, %max3A_14 : vector<1000xf32>
    %rsqrt3A_16 = math.rsqrt %max3A_15 : vector<1000xf32>
    %get3A_17 = arith.constant 0 : index
    %get3A_18 = arith.constant 0 : index
    %get3A_19 = arith.constant 0 : index
    %get3A_20 = vector.load %arg2[%get3A_17, %get3A_18, %get3A_19] : memref<2x1000x128xf32, #tpu.memory_space<vmem>>, vector<2x1000x128xf32>
    %slice3A_21 = vector.extract_strided_slice %get3A_20 {offsets = [0, 0, 0], sizes = [1, 1000, 128], strides = [1, 1, 1]} : vector<2x1000x128xf32> to vector<1x1000x128xf32>
    %squeeze3A_22 = vector.shape_cast %slice3A_21 : vector<1x1000x128xf32> to vector<1000x128xf32>
    %slice3A_23 = vector.extract_strided_slice %get3A_20 {offsets = [1, 0, 0], sizes = [1, 1000, 128], strides = [1, 1, 1]} : vector<2x1000x128xf32> to vector<1x1000x128xf32>
    %squeeze3A_24 = vector.shape_cast %slice3A_23 : vector<1x1000x128xf32> to vector<1000x128xf32>
    %add3A_25 = arith.addf %squeeze3A_22, %squeeze3A_24 : vector<1000x128xf32>
    %broadcast_in_dim3A = vector.shape_cast %rsqrt3A_16 : vector<1000xf32> to vector<1000x1xf32>
    %mul3A = vector.broadcast %broadcast_in_dim3A : vector<1000x1xf32> to vector<1000x128xf32>
    %mul3A_26 = arith.mulf %add3A_25, %mul3A : vector<1000x128xf32>
    %get3A_27 = arith.constant 0 : index
    %get3A_28 = arith.constant 0 : index
    %get3A_29 = vector.load %arg4[%get3A_27, %get3A_28] : memref<128x128xf32, #tpu.memory_space<vmem>>, vector<128x128xf32>
    %dot_general3A = arith.constant dense<0.000000e+00> : vector<1000x128xf32>
    %dot_general3A_30 = tpu.matmul %mul3A_26, %get3A_29, %dot_general3A {dimension_numbers = #tpu.dot_dimension_numbers<[1], [0], [0], [1], [0, 0, 1, 1], [], []>, transpose_lhs_hint = false} : vector<1000x128xf32>, vector<128x128xf32>, vector<1000x128xf32> -> vector<1000x128xf32>
    %get3A_31 = arith.constant 0 : index
    %get3A_32 = arith.constant 0 : index
    %get3A_33 = vector.load %arg5[%get3A_31, %get3A_32] : memref<1x128xf32, #tpu.memory_space<vmem>>, vector<1x128xf32>
    %get3A_34 = vector.shape_cast %get3A_33 : vector<1x128xf32> to vector<128xf32>
    %broadcast_in_dim3A_35 = vector.shape_cast %get3A_34 : vector<128xf32> to vector<1x128xf32>
    %add3A_36 = vector.broadcast %broadcast_in_dim3A_35 : vector<1x128xf32> to vector<1000x128xf32>
    %add3A_37 = arith.addf %dot_general3A_30, %add3A_36 : vector<1000x128xf32>
    %get3A_38 = arith.constant 0 : index
    %get3A_39 = arith.constant 0 : index
    %get3A_40 = vector.load %arg1[%get3A_38, %get3A_39] : memref<1000x128xf32, #tpu.memory_space<vmem>>, vector<1000x128xf32>
    %max3A_41 = arith.constant 0.000000e+00 : f32
    %max3A_42 = vector.broadcast %max3A_41 : f32 to vector<1000x128xf32>
    %max3A_43 = arith.maximumf %add3A_37, %max3A_42 : vector<1000x128xf32>
    %add3A_44 = arith.addf %get3A_40, %max3A_43 : vector<1000x128xf32>
    %swap3A = arith.constant 0 : index
    %swap3A_45 = arith.constant 0 : index
    %swap3A_46 = vector.load %arg8[%swap3A, %swap3A_45] : memref<1000x128xf32, #tpu.memory_space<vmem>>, vector<1000x128xf32>
    tpu.vector_store %arg8[%swap3A, %swap3A_45], %add3A_44 {strides = array<i32>} : memref<1000x128xf32, #tpu.memory_space<vmem>>, vector<1000x128xf32>,
    %get3A_47 = arith.constant 0 : index
    %get3A_48 = arith.constant 0 : index
    %get3A_49 = vector.load %arg6[%get3A_47, %get3A_48] : memref<1x128xf32, #tpu.memory_space<vmem>>, vector<1x128xf32>
    %get3A_50 = vector.shape_cast %get3A_49 : vector<1x128xf32> to vector<128xf32>
    %mul3A_51 = arith.constant 0.999994993 : f32
    %mul3A_52 = vector.broadcast %mul3A_51 : f32 to vector<128xf32>
    %mul3A_53 = arith.mulf %get3A_50, %mul3A_52 : vector<128xf32>
    %broadcast_in_dim3A_54 = vector.shape_cast %mul3A_53 : vector<128xf32> to vector<1x128xf32>
    %mul3A_55 = vector.broadcast %broadcast_in_dim3A_54 : vector<1x128xf32> to vector<1000x128xf32>
    %mul3A_56 = arith.mulf %add3A_44, %mul3A_55 : vector<1000x128xf32>
    %get3A_57 = arith.constant 0 : index
    %get3A_58 = arith.constant 0 : index
    %get3A_59 = vector.load %arg7[%get3A_57, %get3A_58] : memref<1x128xf32, #tpu.memory_space<vmem>>, vector<1x128xf32>
    %get3A_60 = vector.shape_cast %get3A_59 : vector<1x128xf32> to vector<128xf32>
    %broadcast_in_dim3A_61 = vector.shape_cast %get3A_60 : vector<128xf32> to vector<1x128xf32>
    %add3A_62 = vector.broadcast %broadcast_in_dim3A_61 : vector<1x128xf32> to vector<1000x128xf32>
    %add3A_63 = arith.addf %mul3A_56, %add3A_62 : vector<1000x128xf32>
    %broadcast_in_dim3A_64 = vector.shape_cast %rsqrt3A : vector<1000xf32> to vector<1000x1xf32>
    %mul3A_65 = vector.broadcast %broadcast_in_dim3A_64 : vector<1000x1xf32> to vector<1000x128xf32>
    %mul3A_66 = arith.mulf %add3A_63, %mul3A_65 : vector<1000x128xf32>
    %swap3A_67 = arith.constant 0 : index
    %swap3A_68 = arith.constant 0 : index
    %swap3A_69 = vector.load %arg9[%swap3A_67, %swap3A_68] : memref<1000x128xf32, #tpu.memory_space<vmem>>, vector<1000x128xf32>
    tpu.vector_store %arg9[%swap3A_67, %swap3A_68], %mul3A_66 {strides = array<i32>} : memref<1000x128xf32, #tpu.memory_space<vmem>>, vector<1000x128xf32>,
    return
  }
  func.func @transform_0(%arg0: i32) -> (i32, i32) {
    %c0_i32 = arith.constant 0 : i32
    %c0_i32_0 = arith.constant 0 : i32
    return %arg0, %c0_i32 : i32, i32
  }
  func.func @transform_1(%arg0: i32) -> (i32, i32, i32) {
    %c0_i32 = arith.constant 0 : i32
    %c0_i32_0 = arith.constant 0 : i32
    %c0_i32_1 = arith.constant 0 : i32
    return %c0_i32, %arg0, %c0_i32_0 : i32, i32, i32
  }
  func.func @transform_2(%arg0: i32) -> (i32, i32, i32) {
    %c0_i32 = arith.constant 0 : i32
    %c0_i32_0 = arith.constant 0 : i32
    %c0_i32_1 = arith.constant 0 : i32
    return %arg0, %c0_i32, %c0_i32_0 : i32, i32, i32
  }
  func.func @transform_3(%arg0: i32) -> (i32, i32) {
    %c0_i32 = arith.constant 0 : i32
    %c0_i32_0 = arith.constant 0 : i32
    %c0_i32_1 = arith.constant 0 : i32
    return %c0_i32, %c0_i32_0 : i32, i32
  }
  func.func @transform_4(%arg0: i32) -> (i32, i32) {
    %c0_i32 = arith.constant 0 : i32
    %c0_i32_0 = arith.constant 0 : i32
    %c0_i32_1 = arith.constant 0 : i32
    return %c0_i32, %c0_i32_0 : i32, i32
  }
  func.func @transform_5(%arg0: i32) -> (i32, i32) {
    %c0_i32 = arith.constant 0 : i32
    %c0_i32_0 = arith.constant 0 : i32
    %c0_i32_1 = arith.constant 0 : i32
    return %c0_i32, %c0_i32_0 : i32, i32
  }
  func.func @transform_6(%arg0: i32) -> (i32, i32) {
    %c0_i32 = arith.constant 0 : i32
    %c0_i32_0 = arith.constant 0 : i32
    %c0_i32_1 = arith.constant 0 : i32
    return %c0_i32, %c0_i32_0 : i32, i32
  }
  func.func @transform_7(%arg0: i32) -> (i32, i32) {
    %c0_i32 = arith.constant 0 : i32
    %c0_i32_0 = arith.constant 0 : i32
    return %arg0, %c0_i32 : i32, i32
  }
  func.func @transform_8(%arg0: i32) -> (i32, i32) {
    %c0_i32 = arith.constant 0 : i32
    %c0_i32_0 = arith.constant 0 : i32
    return %arg0, %c0_i32 : i32, i32
  }
}

module attributes {stable_mosaic.version = 14 : i64} {
  func.func @_tc3_body(%arg0: i32, %arg1: memref<2x1000x128xf32, #tpu.memory_space<vmem>>, %arg2: memref<1000x128xf32, #tpu.memory_space<vmem>>, %arg3: memref<1x4x1000xf32, #tpu.memory_space<vmem>>, %arg4: memref<128x128xf32, #tpu.memory_space<vmem>>, %arg5: memref<1x128xf32, #tpu.memory_space<vmem>>, %arg6: memref<128x128xf32, #tpu.memory_space<vmem>>, %arg7: memref<128x128xf32, #tpu.memory_space<vmem>>, %arg8: memref<128x128xf32, #tpu.memory_space<vmem>>, %arg9: memref<1x1x1000xi32, #tpu.memory_space<vmem>>, %arg10: memref<1000x128xf32, #tpu.memory_space<vmem>>, %arg11: memref<1x1x1000xf32, #tpu.memory_space<vmem>>, %arg12: memref<1x1x128xf32, #tpu.memory_space<vmem>>) attributes {dimension_semantics = [#tpu.dimension_semantics<arbitrary>], iteration_bounds = array<i64: 10>, scalar_prefetch = 0 : i64, scratch_operands = 0 : i64, tpu.core_type = #tpu.core_type<tc>, window_params = [{transform_indices = @transform_0, window_bounds = array<i64: 2, 1000, 128>}, {transform_indices = @transform_1, window_bounds = array<i64: 1000, 128>}, {transform_indices = @transform_2, window_bounds = array<i64: 1, 4, 1000>}, {pipeline_mode = #tpu.pipeline_mode<synchronous>, transform_indices = @transform_3, window_bounds = array<i64: 128, 128>}, {pipeline_mode = #tpu.pipeline_mode<synchronous>, transform_indices = @transform_4, window_bounds = array<i64: 1, 128>}, {pipeline_mode = #tpu.pipeline_mode<synchronous>, transform_indices = @transform_5, window_bounds = array<i64: 128, 128>}, {pipeline_mode = #tpu.pipeline_mode<synchronous>, transform_indices = @transform_6, window_bounds = array<i64: 128, 128>}, {pipeline_mode = #tpu.pipeline_mode<synchronous>, transform_indices = @transform_7, window_bounds = array<i64: 128, 128>}, {transform_indices = @transform_8, window_bounds = array<i64: 1, 1, 1000>}, {transform_indices = @transform_9, window_bounds = array<i64: 1000, 128>}, {transform_indices = @transform_10, window_bounds = array<i64: 1, 1, 1000>}, {transform_indices = @transform_11, window_bounds = array<i64: 1, 1, 128>}]} {
    %get3A = arith.constant 0 : index
    %get3A_0 = arith.constant 0 : index
    %get3A_1 = arith.constant 0 : index
    %get3A_2 = vector.load %arg3[%get3A, %get3A_0, %get3A_1] : memref<1x4x1000xf32, #tpu.memory_space<vmem>>, vector<1x4x1000xf32>
    %get3A_3 = vector.shape_cast %get3A_2 : vector<1x4x1000xf32> to vector<4x1000xf32>
    %slice3A = vector.extract_strided_slice %get3A_3 {offsets = [1, 0], sizes = [1, 1000], strides = [1, 1]} : vector<4x1000xf32> to vector<1x1000xf32>
    %squeeze3A = vector.shape_cast %slice3A : vector<1x1000xf32> to vector<1000xf32>
    %slice3A_4 = vector.extract_strided_slice %get3A_3 {offsets = [3, 0], sizes = [1, 1000], strides = [1, 1]} : vector<4x1000xf32> to vector<1x1000xf32>
    %squeeze3A_5 = vector.shape_cast %slice3A_4 : vector<1x1000xf32> to vector<1000xf32>
    %add3A = arith.addf %squeeze3A, %squeeze3A_5 : vector<1000xf32>
    %max3A = arith.constant 1.000000e+00 : f32
    %max3A_6 = vector.broadcast %max3A : f32 to vector<1000xf32>
    %max3A_7 = arith.maximumf %add3A, %max3A_6 : vector<1000xf32>
    %rsqrt3A = math.rsqrt %max3A_7 : vector<1000xf32>
    %get3A_8 = arith.constant 0 : index
    %get3A_9 = arith.constant 0 : index
    %get3A_10 = arith.constant 0 : index
    %get3A_11 = vector.load %arg1[%get3A_8, %get3A_9, %get3A_10] : memref<2x1000x128xf32, #tpu.memory_space<vmem>>, vector<2x1000x128xf32>
    %slice3A_12 = vector.extract_strided_slice %get3A_11 {offsets = [0, 0, 0], sizes = [1, 1000, 128], strides = [1, 1, 1]} : vector<2x1000x128xf32> to vector<1x1000x128xf32>
    %squeeze3A_13 = vector.shape_cast %slice3A_12 : vector<1x1000x128xf32> to vector<1000x128xf32>
    %slice3A_14 = vector.extract_strided_slice %get3A_11 {offsets = [1, 0, 0], sizes = [1, 1000, 128], strides = [1, 1, 1]} : vector<2x1000x128xf32> to vector<1x1000x128xf32>
    %squeeze3A_15 = vector.shape_cast %slice3A_14 : vector<1x1000x128xf32> to vector<1000x128xf32>
    %add3A_16 = arith.addf %squeeze3A_13, %squeeze3A_15 : vector<1000x128xf32>
    %broadcast_in_dim3A = vector.shape_cast %rsqrt3A : vector<1000xf32> to vector<1000x1xf32>
    %mul3A = vector.broadcast %broadcast_in_dim3A : vector<1000x1xf32> to vector<1000x128xf32>
    %mul3A_17 = arith.mulf %add3A_16, %mul3A : vector<1000x128xf32>
    %get3A_18 = arith.constant 0 : index
    %get3A_19 = arith.constant 0 : index
    %get3A_20 = vector.load %arg4[%get3A_18, %get3A_19] : memref<128x128xf32, #tpu.memory_space<vmem>>, vector<128x128xf32>
    %dot_general3A = arith.constant dense<0.000000e+00> : vector<1000x128xf32>
    %dot_general3A_21 = tpu.matmul %mul3A_17, %get3A_20, %dot_general3A {dimension_numbers = #tpu.dot_dimension_numbers<[1], [0], [0], [1], [0, 0, 1, 1], [], []>, transpose_lhs_hint = false} : vector<1000x128xf32>, vector<128x128xf32>, vector<1000x128xf32> -> vector<1000x128xf32>
    %get3A_22 = arith.constant 0 : index
    %get3A_23 = arith.constant 0 : index
    %get3A_24 = vector.load %arg5[%get3A_22, %get3A_23] : memref<1x128xf32, #tpu.memory_space<vmem>>, vector<1x128xf32>
    %get3A_25 = vector.shape_cast %get3A_24 : vector<1x128xf32> to vector<128xf32>
    %broadcast_in_dim3A_26 = vector.shape_cast %get3A_25 : vector<128xf32> to vector<1x128xf32>
    %add3A_27 = vector.broadcast %broadcast_in_dim3A_26 : vector<1x128xf32> to vector<1000x128xf32>
    %add3A_28 = arith.addf %dot_general3A_21, %add3A_27 : vector<1000x128xf32>
    %get3A_29 = arith.constant 0 : index
    %get3A_30 = arith.constant 0 : index
    %get3A_31 = vector.load %arg2[%get3A_29, %get3A_30] : memref<1000x128xf32, #tpu.memory_space<vmem>>, vector<1000x128xf32>
    %max3A_32 = arith.constant 0.000000e+00 : f32
    %max3A_33 = vector.broadcast %max3A_32 : f32 to vector<1000x128xf32>
    %max3A_34 = arith.maximumf %add3A_28, %max3A_33 : vector<1000x128xf32>
    %add3A_35 = arith.addf %get3A_31, %max3A_34 : vector<1000x128xf32>
    %get3A_36 = arith.constant 0 : index
    %get3A_37 = arith.constant 0 : index
    %get3A_38 = vector.load %arg6[%get3A_36, %get3A_37] : memref<128x128xf32, #tpu.memory_space<vmem>>, vector<128x128xf32>
    %dot_general3A_39 = arith.constant dense<0.000000e+00> : vector<1000x128xf32>
    %dot_general3A_40 = tpu.matmul %add3A_35, %get3A_38, %dot_general3A_39 {dimension_numbers = #tpu.dot_dimension_numbers<[1], [0], [0], [1], [0, 0, 1, 1], [], []>, transpose_lhs_hint = false} : vector<1000x128xf32>, vector<128x128xf32>, vector<1000x128xf32> -> vector<1000x128xf32>
    %get3A_41 = arith.constant 0 : index
    %get3A_42 = arith.constant 0 : index
    %get3A_43 = vector.load %arg8[%get3A_41, %get3A_42] : memref<128x128xf32, #tpu.memory_space<vmem>>, vector<128x128xf32>
    %get3A_44 = arith.constant 0 : index
    %get3A_45 = arith.constant 0 : index
    %get3A_46 = vector.load %arg7[%get3A_44, %get3A_45] : memref<128x128xf32, #tpu.memory_space<vmem>>, vector<128x128xf32>
    %dot_general3A_47 = arith.constant dense<0.000000e+00> : vector<128x128xf32>
    %dot_general3A_48 = tpu.matmul %get3A_43, %get3A_46, %dot_general3A_47 {dimension_numbers = #tpu.dot_dimension_numbers<[1], [0], [0], [1], [0, 0, 1, 1], [], []>, transpose_lhs_hint = false} : vector<128x128xf32>, vector<128x128xf32>, vector<128x128xf32> -> vector<128x128xf32>
    %get3A_49 = arith.constant 0 : index
    %get3A_50 = arith.constant 0 : index
    %get3A_51 = arith.constant 0 : index
    %get3A_52 = vector.load %arg9[%get3A_49, %get3A_50, %get3A_51] : memref<1x1x1000xi32, #tpu.memory_space<vmem>>, vector<1x1x1000xi32>
    %get3A_53 = vector.shape_cast %get3A_52 : vector<1x1x1000xi32> to vector<1000xi32>
    %broadcast_in_dim3A_54 = vector.shape_cast %get3A_53 : vector<1000xi32> to vector<1000x1xi32>
    %iota3A = tpu.iota {dimensions = array<i32: 1>} : vector<1000x128xi32>
    %eq3A = vector.broadcast %broadcast_in_dim3A_54 : vector<1000x1xi32> to vector<1000x128xi32>
    %eq3A_55 = arith.cmpi eq, %eq3A, %iota3A : vector<1000x128xi32>
    %convert_element_type3A = arith.extui %eq3A_55 : vector<1000x128xi1> to vector<1000x128xi32>
    %convert_element_type3A_56 = arith.sitofp %convert_element_type3A : vector<1000x128xi32> to vector<1000x128xf32>
    %dot_general3A_57 = arith.constant dense<0.000000e+00> : vector<1000x128xf32>
    %dot_general3A_58 = tpu.matmul %convert_element_type3A_56, %dot_general3A_48, %dot_general3A_57 {dimension_numbers = #tpu.dot_dimension_numbers<[1], [0], [0], [1], [0, 0, 1, 1], [], []>, transpose_lhs_hint = false} : vector<1000x128xf32>, vector<128x128xf32>, vector<1000x128xf32> -> vector<1000x128xf32>
    %mul3A_59 = arith.mulf %dot_general3A_40, %dot_general3A_58 : vector<1000x128xf32>
    %reduce_sum3A = arith.constant dense<0.000000e+00> : vector<1000xf32>
    %reduce_sum3A_60 = vector.multi_reduction <add>, %mul3A_59, %reduce_sum3A [1] : vector<1000x128xf32> to vector<1000xf32>
    %mul3A_61 = arith.constant 0.0279508494 : f32
    %mul3A_62 = vector.broadcast %mul3A_61 : f32 to vector<1000xf32>
    %mul3A_63 = arith.mulf %reduce_sum3A_60, %mul3A_62 : vector<1000xf32>
    %swap3A = arith.constant 0 : index
    %swap3A_64 = arith.constant 0 : index
    %swap3A_65 = arith.constant 0 : index
    %swap3A_66 = vector.load %arg11[%swap3A, %swap3A_64, %swap3A_65] : memref<1x1x1000xf32, #tpu.memory_space<vmem>>, vector<1x1x1000xf32>
    %swap3A_67 = vector.shape_cast %swap3A_66 : vector<1x1x1000xf32> to vector<1000xf32>
    %swap3A_68 = vector.shape_cast %mul3A_63 : vector<1000xf32> to vector<1x1x1000xf32>
    tpu.vector_store %arg11[%swap3A, %swap3A_64, %swap3A_65], %swap3A_68 {strides = array<i32>} : memref<1x1x1000xf32, #tpu.memory_space<vmem>>, vector<1x1x1000xf32>,
    %broadcast_in_dim3A_69 = vector.shape_cast %mul3A_63 : vector<1000xf32> to vector<1000x1xf32>
    %jit3A = arith.constant -1.000000e+30 : f32
    %broadcast_in_dim3A_70 = vector.shape_cast %broadcast_in_dim3A_69 : vector<1000x1xf32> to vector<1000x1xf32>
    %broadcast_in_dim3A_71 = vector.broadcast %broadcast_in_dim3A_70 : vector<1000x1xf32> to vector<1000x128xf32>
    %broadcast_in_dim3A_72 = vector.broadcast %jit3A : f32 to vector<1000x128xf32>
    %select_n3A = arith.select %eq3A_55, %broadcast_in_dim3A_71, %broadcast_in_dim3A_72 : vector<1000x128xi1>, vector<1000x128xf32>
    %reduce_max3A = arith.constant dense<0xFF800000> : vector<128xf32>
    %reduce_max3A_73 = vector.multi_reduction <maximumf>, %select_n3A, %reduce_max3A [0] : vector<1000x128xf32> to vector<128xf32>
    %swap3A_74 = arith.constant 0 : index
    %swap3A_75 = arith.constant 0 : index
    %swap3A_76 = arith.constant 0 : index
    %swap3A_77 = vector.load %arg12[%swap3A_74, %swap3A_75, %swap3A_76] : memref<1x1x128xf32, #tpu.memory_space<vmem>>, vector<1x1x128xf32>
    %swap3A_78 = vector.shape_cast %swap3A_77 : vector<1x1x128xf32> to vector<128xf32>
    %swap3A_79 = vector.shape_cast %reduce_max3A_73 : vector<128xf32> to vector<1x1x128xf32>
    tpu.vector_store %arg12[%swap3A_74, %swap3A_75, %swap3A_76], %swap3A_79 {strides = array<i32>} : memref<1x1x128xf32, #tpu.memory_space<vmem>>, vector<1x1x128xf32>,
    %swap3A_80 = arith.constant 0 : index
    %swap3A_81 = arith.constant 0 : index
    %swap3A_82 = vector.load %arg10[%swap3A_80, %swap3A_81] : memref<1000x128xf32, #tpu.memory_space<vmem>>, vector<1000x128xf32>
    tpu.vector_store %arg10[%swap3A_80, %swap3A_81], %add3A_35 {strides = array<i32>} : memref<1000x128xf32, #tpu.memory_space<vmem>>, vector<1000x128xf32>,
    return
  }
  func.func @transform_0(%arg0: i32) -> (i32, i32, i32) {
    %c0_i32 = arith.constant 0 : i32
    %c0_i32_0 = arith.constant 0 : i32
    %c0_i32_1 = arith.constant 0 : i32
    return %c0_i32, %arg0, %c0_i32_0 : i32, i32, i32
  }
  func.func @transform_1(%arg0: i32) -> (i32, i32) {
    %c0_i32 = arith.constant 0 : i32
    %c0_i32_0 = arith.constant 0 : i32
    return %arg0, %c0_i32 : i32, i32
  }
  func.func @transform_2(%arg0: i32) -> (i32, i32, i32) {
    %c0_i32 = arith.constant 0 : i32
    %c0_i32_0 = arith.constant 0 : i32
    %c0_i32_1 = arith.constant 0 : i32
    return %arg0, %c0_i32, %c0_i32_0 : i32, i32, i32
  }
  func.func @transform_3(%arg0: i32) -> (i32, i32) {
    %c0_i32 = arith.constant 0 : i32
    %c0_i32_0 = arith.constant 0 : i32
    %c0_i32_1 = arith.constant 0 : i32
    return %c0_i32, %c0_i32_0 : i32, i32
  }
  func.func @transform_4(%arg0: i32) -> (i32, i32) {
    %c0_i32 = arith.constant 0 : i32
    %c0_i32_0 = arith.constant 0 : i32
    %c0_i32_1 = arith.constant 0 : i32
    return %c0_i32, %c0_i32_0 : i32, i32
  }
  func.func @transform_5(%arg0: i32) -> (i32, i32) {
    %c0_i32 = arith.constant 0 : i32
    %c0_i32_0 = arith.constant 0 : i32
    %c0_i32_1 = arith.constant 0 : i32
    return %c0_i32, %c0_i32_0 : i32, i32
  }
  func.func @transform_6(%arg0: i32) -> (i32, i32) {
    %c0_i32 = arith.constant 0 : i32
    %c0_i32_0 = arith.constant 0 : i32
    %c0_i32_1 = arith.constant 0 : i32
    return %c0_i32, %c0_i32_0 : i32, i32
  }
  func.func @transform_7(%arg0: i32) -> (i32, i32) {
    %c0_i32 = arith.constant 0 : i32
    %c0_i32_0 = arith.constant 0 : i32
    %c0_i32_1 = arith.constant 0 : i32
    return %c0_i32, %c0_i32_0 : i32, i32
  }
  func.func @transform_8(%arg0: i32) -> (i32, i32, i32) {
    %c0_i32 = arith.constant 0 : i32
    %c0_i32_0 = arith.constant 0 : i32
    %c0_i32_1 = arith.constant 0 : i32
    return %arg0, %c0_i32, %c0_i32_0 : i32, i32, i32
  }
  func.func @transform_9(%arg0: i32) -> (i32, i32) {
    %c0_i32 = arith.constant 0 : i32
    %c0_i32_0 = arith.constant 0 : i32
    return %arg0, %c0_i32 : i32, i32
  }
  func.func @transform_10(%arg0: i32) -> (i32, i32, i32) {
    %c0_i32 = arith.constant 0 : i32
    %c0_i32_0 = arith.constant 0 : i32
    %c0_i32_1 = arith.constant 0 : i32
    return %arg0, %c0_i32, %c0_i32_0 : i32, i32, i32
  }
  func.func @transform_11(%arg0: i32) -> (i32, i32, i32) {
    %c0_i32 = arith.constant 0 : i32
    %c0_i32_0 = arith.constant 0 : i32
    %c0_i32_1 = arith.constant 0 : i32
    return %arg0, %c0_i32, %c0_i32_0 : i32, i32, i32
  }
}

module attributes {stable_mosaic.version = 14 : i64} {
  func.func @_tc4_body(%arg0: i32, %arg1: i32, %arg2: memref<1000x128xf32, #tpu.memory_space<vmem>>, %arg3: memref<1x1x1000xf32, #tpu.memory_space<vmem>>, %arg4: memref<1x1x1000xi32, #tpu.memory_space<vmem>>, %arg5: memref<10x1x128xf32, #tpu.memory_space<vmem>>, %arg6: memref<128x128xf32, #tpu.memory_space<vmem>>, %arg7: memref<128x128xf32, #tpu.memory_space<vmem>>, %arg8: memref<128x256xf32, #tpu.memory_space<vmem>>, %arg9: memref<1x256xf32, #tpu.memory_space<vmem>>, %arg10: memref<256x128xf32, #tpu.memory_space<vmem>>, %arg11: memref<1x128xf32, #tpu.memory_space<vmem>>, %arg12: memref<1x128xf32, #tpu.memory_space<vmem>>, %arg13: memref<1x128xf32, #tpu.memory_space<vmem>>, %arg14: memref<50x128xf32, #tpu.memory_space<vmem>>, %arg15: memref<8x128xf32, #tpu.memory_space<vmem>>, %arg16: memref<128x128xf32, #tpu.memory_space<vmem>>) attributes {dimension_semantics = [#tpu.dimension_semantics<arbitrary>, #tpu.dimension_semantics<arbitrary>], iteration_bounds = array<i64: 2, 10>, scalar_prefetch = 0 : i64, scratch_operands = 2 : i64, tpu.core_type = #tpu.core_type<tc>, window_params = [{transform_indices = @transform_0, window_bounds = array<i64: 1000, 128>}, {transform_indices = @transform_1, window_bounds = array<i64: 1, 1, 1000>}, {transform_indices = @transform_2, window_bounds = array<i64: 1, 1, 1000>}, {pipeline_mode = #tpu.pipeline_mode<synchronous>, transform_indices = @transform_3, window_bounds = array<i64: 10, 1, 128>}, {pipeline_mode = #tpu.pipeline_mode<synchronous>, transform_indices = @transform_4, window_bounds = array<i64: 128, 128>}, {pipeline_mode = #tpu.pipeline_mode<synchronous>, transform_indices = @transform_5, window_bounds = array<i64: 128, 128>}, {pipeline_mode = #tpu.pipeline_mode<synchronous>, transform_indices = @transform_6, window_bounds = array<i64: 128, 256>}, {pipeline_mode = #tpu.pipeline_mode<synchronous>, transform_indices = @transform_7, window_bounds = array<i64: 1, 256>}, {pipeline_mode = #tpu.pipeline_mode<synchronous>, transform_indices = @transform_8, window_bounds = array<i64: 256, 128>}, {pipeline_mode = #tpu.pipeline_mode<synchronous>, transform_indices = @transform_9, window_bounds = array<i64: 1, 128>}, {pipeline_mode = #tpu.pipeline_mode<synchronous>, transform_indices = @transform_10, window_bounds = array<i64: 1, 128>}, {pipeline_mode = #tpu.pipeline_mode<synchronous>, transform_indices = @transform_11, window_bounds = array<i64: 1, 128>}, {pipeline_mode = #tpu.pipeline_mode<synchronous>, transform_indices = @transform_12, window_bounds = array<i64: 50, 128>}]} {
    %get3A = arith.constant 0 : index
    %get3A_0 = arith.constant 0 : index
    %get3A_1 = arith.constant 0 : index
    %get3A_2 = vector.load %arg4[%get3A, %get3A_0, %get3A_1] : memref<1x1x1000xi32, #tpu.memory_space<vmem>>, vector<1x1x1000xi32>
    %get3A_3 = vector.shape_cast %get3A_2 : vector<1x1x1000xi32> to vector<1000xi32>
    %broadcast_in_dim3A = vector.shape_cast %get3A_3 : vector<1000xi32> to vector<1000x1xi32>
    %iota3A = tpu.iota {dimensions = array<i32: 1>} : vector<1000x128xi32>
    %eq3A = vector.broadcast %broadcast_in_dim3A : vector<1000x1xi32> to vector<1000x128xi32>
    %eq3A_4 = arith.cmpi eq, %eq3A, %iota3A : vector<1000x128xi32>
    %convert_element_type3A = arith.extui %eq3A_4 : vector<1000x128xi1> to vector<1000x128xi32>
    %convert_element_type3A_5 = arith.sitofp %convert_element_type3A : vector<1000x128xi32> to vector<1000x128xf32>
    %eq3A_6 = arith.constant 0 : i32
    %eq3A_7 = arith.cmpi eq, %arg0, %eq3A_6 : i32
    %eq3A_8 = arith.constant 0 : i32
    %eq3A_9 = arith.cmpi eq, %arg1, %eq3A_8 : i32
    %and3A = arith.andi %eq3A_7, %eq3A_9 : i1
    %convert_element_type3A_10 = arith.extui %and3A : i1 to i32
    %cond3A = arith.constant 0 : i32
    %cond3A_11 = arith.cmpi ne, %convert_element_type3A_10, %cond3A : i32
    scf.if %cond3A_11 {
      %get3A_32 = arith.constant 0 : index
      %get3A_33 = arith.constant 0 : index
      %get3A_34 = arith.constant 0 : index
      %get3A_35 = vector.load %arg5[%get3A_32, %get3A_33, %get3A_34] : memref<10x1x128xf32, #tpu.memory_space<vmem>>, vector<10x1x128xf32>
      %get3A_36 = vector.shape_cast %get3A_35 : vector<10x1x128xf32> to vector<10x128xf32>
      %reduce_max3A = arith.constant dense<0xFF800000> : vector<128xf32>
      %reduce_max3A_37 = vector.multi_reduction <maximumf>, %get3A_36, %reduce_max3A [0] : vector<10x128xf32> to vector<128xf32>
      %broadcast_in_dim3A_38 = vector.shape_cast %reduce_max3A_37 : vector<128xf32> to vector<1x128xf32>
      %swap3A = arith.constant 0 : index
      %swap3A_39 = arith.constant 0 : index
      %swap3A_40 = vector.load %arg15[%swap3A, %swap3A_39] : memref<8x128xf32, #tpu.memory_space<vmem>>, vector<1x128xf32>
      tpu.vector_store %arg15[%swap3A, %swap3A_39], %broadcast_in_dim3A_38 {strides = array<i32>} : memref<8x128xf32, #tpu.memory_space<vmem>>, vector<1x128xf32>,
      %broadcast_in_dim3A_41 = arith.constant 0.000000e+00 : f32
      %broadcast_in_dim3A_42 = vector.broadcast %broadcast_in_dim3A_41 : f32 to vector<1x128xf32>
      %swap3A_43 = arith.constant 1 : index
      %swap3A_44 = arith.constant 0 : index
      %swap3A_45 = vector.load %arg15[%swap3A_43, %swap3A_44] : memref<8x128xf32, #tpu.memory_space<vmem>>, vector<1x128xf32>
      tpu.vector_store %arg15[%swap3A_43, %swap3A_44], %broadcast_in_dim3A_42 {strides = array<i32>} : memref<8x128xf32, #tpu.memory_space<vmem>>, vector<1x128xf32>,
      %broadcast_in_dim3A_46 = arith.constant 0.000000e+00 : f32
      %broadcast_in_dim3A_47 = vector.broadcast %broadcast_in_dim3A_46 : f32 to vector<128x128xf32>
      %swap3A_48 = arith.constant 0 : index
      %swap3A_49 = arith.constant 0 : index
      %swap3A_50 = vector.load %arg16[%swap3A_48, %swap3A_49] : memref<128x128xf32, #tpu.memory_space<vmem>>, vector<128x128xf32>
      tpu.vector_store %arg16[%swap3A_48, %swap3A_49], %broadcast_in_dim3A_47 {strides = array<i32>} : memref<128x128xf32, #tpu.memory_space<vmem>>, vector<128x128xf32>,
    } else {
    }
    %get3A_12 = arith.constant 0 : index
    %get3A_13 = arith.constant 0 : index
    %get3A_14 = arith.constant 0 : index
    %get3A_15 = vector.load %arg3[%get3A_12, %get3A_13, %get3A_14] : memref<1x1x1000xf32, #tpu.memory_space<vmem>>, vector<1x1x1000xf32>
    %get3A_16 = vector.shape_cast %get3A_15 : vector<1x1x1000xf32> to vector<1000xf32>
    %get3A_17 = arith.constant 0 : index
    %get3A_18 = arith.constant 0 : index
    %get3A_19 = vector.load %arg15[%get3A_17, %get3A_18] : memref<8x128xf32, #tpu.memory_space<vmem>>, vector<1x128xf32>
    %get3A_20 = vector.shape_cast %get3A_19 : vector<1x128xf32> to vector<128xf32>
    %dot_general3A = arith.constant dense<0.000000e+00> : vector<1000xf32>
    %dot_general3A_21 = tpu.matmul %convert_element_type3A_5, %get3A_20, %dot_general3A {dimension_numbers = #tpu.dot_dimension_numbers<[1], [0], [0], [], [0, 0], [], []>, transpose_lhs_hint = false} : vector<1000x128xf32>, vector<128xf32>, vector<1000xf32> -> vector<1000xf32>
    %sub3A = arith.subf %get3A_16, %dot_general3A_21 : vector<1000xf32>
    %exp3A = math.exp %sub3A : vector<1000xf32>
    %eq3A_22 = arith.constant 0 : i32
    %eq3A_23 = arith.cmpi eq, %arg0, %eq3A_22 : i32
    %convert_element_type3A_24 = arith.extui %eq3A_23 : i1 to i32
    %cond3A_25 = arith.constant 0 : i32
    %cond3A_26 = arith.cmpi ne, %convert_element_type3A_24, %cond3A_25 : i32
    scf.if %cond3A_26 {
      %get3A_32 = arith.constant 1 : index
      %get3A_33 = arith.constant 0 : index
      %get3A_34 = vector.load %arg15[%get3A_32, %get3A_33] : memref<8x128xf32, #tpu.memory_space<vmem>>, vector<1x128xf32>
      %dot_general3A_35 = arith.constant dense<0.000000e+00> : vector<128xf32>
      %dot_general3A_36 = tpu.matmul %exp3A, %convert_element_type3A_5, %dot_general3A_35 {dimension_numbers = #tpu.dot_dimension_numbers<[0], [0], [], [1], [1, 1], [], []>, transpose_lhs_hint = false} : vector<1000xf32>, vector<1000x128xf32>, vector<128xf32> -> vector<128xf32>
      %broadcast_in_dim3A_37 = vector.shape_cast %dot_general3A_36 : vector<128xf32> to vector<1x128xf32>
      %add3A = arith.addf %get3A_34, %broadcast_in_dim3A_37 : vector<1x128xf32>
      %swap3A = arith.constant 1 : index
      %swap3A_38 = arith.constant 0 : index
      %swap3A_39 = vector.load %arg15[%swap3A, %swap3A_38] : memref<8x128xf32, #tpu.memory_space<vmem>>, vector<1x128xf32>
      tpu.vector_store %arg15[%swap3A, %swap3A_38], %add3A {strides = array<i32>} : memref<8x128xf32, #tpu.memory_space<vmem>>, vector<1x128xf32>,
    } else {
    }
    %eq3A_27 = arith.constant 1 : i32
    %eq3A_28 = arith.cmpi eq, %arg0, %eq3A_27 : i32
    %convert_element_type3A_29 = arith.extui %eq3A_28 : i1 to i32
    %cond3A_30 = arith.constant 0 : i32
    %cond3A_31 = arith.cmpi ne, %convert_element_type3A_29, %cond3A_30 : i32
    scf.if %cond3A_31 {
      %get3A_32 = arith.constant 1 : index
      %get3A_33 = arith.constant 0 : index
      %get3A_34 = vector.load %arg15[%get3A_32, %get3A_33] : memref<8x128xf32, #tpu.memory_space<vmem>>, vector<1x128xf32>
      %get3A_35 = vector.shape_cast %get3A_34 : vector<1x128xf32> to vector<128xf32>
      %dot_general3A_36 = arith.constant dense<0.000000e+00> : vector<1000xf32>
      %dot_general3A_37 = tpu.matmul %convert_element_type3A_5, %get3A_35, %dot_general3A_36 {dimension_numbers = #tpu.dot_dimension_numbers<[1], [0], [0], [], [0, 0], [], []>, transpose_lhs_hint = false} : vector<1000x128xf32>, vector<128xf32>, vector<1000xf32> -> vector<1000xf32>
      %div3A = arith.divf %exp3A, %dot_general3A_37 : vector<1000xf32>
      %get3A_38 = arith.constant 0 : index
      %get3A_39 = arith.constant 0 : index
      %get3A_40 = vector.load %arg2[%get3A_38, %get3A_39] : memref<1000x128xf32, #tpu.memory_space<vmem>>, vector<1000x128xf32>
      %get3A_41 = arith.constant 0 : index
      %get3A_42 = arith.constant 0 : index
      %get3A_43 = vector.load %arg6[%get3A_41, %get3A_42] : memref<128x128xf32, #tpu.memory_space<vmem>>, vector<128x128xf32>
      %dot_general3A_44 = arith.constant dense<0.000000e+00> : vector<1000x128xf32>
      %dot_general3A_45 = tpu.matmul %get3A_40, %get3A_43, %dot_general3A_44 {dimension_numbers = #tpu.dot_dimension_numbers<[1], [0], [0], [1], [0, 0, 1, 1], [], []>, transpose_lhs_hint = false} : vector<1000x128xf32>, vector<128x128xf32>, vector<1000x128xf32> -> vector<1000x128xf32>
      %broadcast_in_dim3A_46 = vector.shape_cast %div3A : vector<1000xf32> to vector<1000x1xf32>
      %mul3A = vector.broadcast %broadcast_in_dim3A_46 : vector<1000x1xf32> to vector<1000x128xf32>
      %mul3A_47 = arith.mulf %dot_general3A_45, %mul3A : vector<1000x128xf32>
      %get3A_48 = arith.constant 0 : index
      %get3A_49 = arith.constant 0 : index
      %get3A_50 = vector.load %arg7[%get3A_48, %get3A_49] : memref<128x128xf32, #tpu.memory_space<vmem>>, vector<128x128xf32>
      %dot_general3A_51 = arith.constant dense<0.000000e+00> : vector<1000x128xf32>
      %dot_general3A_52 = tpu.matmul %mul3A_47, %get3A_50, %dot_general3A_51 {dimension_numbers = #tpu.dot_dimension_numbers<[1], [0], [0], [1], [0, 0, 1, 1], [], []>, transpose_lhs_hint = false} : vector<1000x128xf32>, vector<128x128xf32>, vector<1000x128xf32> -> vector<1000x128xf32>
      %add3A = arith.addf %dot_general3A_52, %get3A_40 : vector<1000x128xf32>
      %get3A_53 = arith.constant 0 : index
      %get3A_54 = arith.constant 0 : index
      %get3A_55 = vector.load %arg12[%get3A_53, %get3A_54] : memref<1x128xf32, #tpu.memory_space<vmem>>, vector<1x128xf32>
      %get3A_56 = vector.shape_cast %get3A_55 : vector<1x128xf32> to vector<128xf32>
      %get3A_57 = arith.constant 0 : index
      %get3A_58 = arith.constant 0 : index
      %get3A_59 = vector.load %arg13[%get3A_57, %get3A_58] : memref<1x128xf32, #tpu.memory_space<vmem>>, vector<1x128xf32>
      %get3A_60 = vector.shape_cast %get3A_59 : vector<1x128xf32> to vector<128xf32>
      %reduce_sum3A = arith.constant dense<0.000000e+00> : vector<1000xf32>
      %reduce_sum3A_61 = vector.multi_reduction <add>, %add3A, %reduce_sum3A [1] : vector<1000x128xf32> to vector<1000xf32>
      %broadcast_in_dim3A_62 = vector.shape_cast %reduce_sum3A_61 : vector<1000xf32> to vector<1000x1xf32>
      %div3A_63 = arith.constant 1.280000e+02 : f32
      %div3A_64 = vector.broadcast %div3A_63 : f32 to vector<1000x1xf32>
      %div3A_65 = arith.divf %broadcast_in_dim3A_62, %div3A_64 : vector<1000x1xf32>
      %sub3A_66 = vector.broadcast %div3A_65 : vector<1000x1xf32> to vector<1000x128xf32>
      %sub3A_67 = arith.subf %add3A, %sub3A_66 : vector<1000x128xf32>
      %mul3A_68 = arith.mulf %sub3A_67, %sub3A_67 : vector<1000x128xf32>
      %reduce_sum3A_69 = arith.constant dense<0.000000e+00> : vector<1000xf32>
      %reduce_sum3A_70 = vector.multi_reduction <add>, %mul3A_68, %reduce_sum3A_69 [1] : vector<1000x128xf32> to vector<1000xf32>
      %broadcast_in_dim3A_71 = vector.shape_cast %reduce_sum3A_70 : vector<1000xf32> to vector<1000x1xf32>
      %div3A_72 = arith.constant 1.280000e+02 : f32
      %div3A_73 = vector.broadcast %div3A_72 : f32 to vector<1000x1xf32>
      %div3A_74 = arith.divf %broadcast_in_dim3A_71, %div3A_73 : vector<1000x1xf32>
      %add3A_75 = arith.constant 9.99999974E-6 : f32
      %add3A_76 = vector.broadcast %add3A_75 : f32 to vector<1000x1xf32>
      %add3A_77 = arith.addf %div3A_74, %add3A_76 : vector<1000x1xf32>
      %rsqrt3A = math.rsqrt %add3A_77 : vector<1000x1xf32>
      %mul3A_78 = vector.broadcast %rsqrt3A : vector<1000x1xf32> to vector<1000x128xf32>
      %mul3A_79 = arith.mulf %sub3A_67, %mul3A_78 : vector<1000x128xf32>
      %broadcast_in_dim3A_80 = vector.shape_cast %get3A_56 : vector<128xf32> to vector<1x128xf32>
      %mul3A_81 = vector.broadcast %broadcast_in_dim3A_80 : vector<1x128xf32> to vector<1000x128xf32>
      %mul3A_82 = arith.mulf %mul3A_79, %mul3A_81 : vector<1000x128xf32>
      %broadcast_in_dim3A_83 = vector.shape_cast %get3A_60 : vector<128xf32> to vector<1x128xf32>
      %add3A_84 = vector.broadcast %broadcast_in_dim3A_83 : vector<1x128xf32> to vector<1000x128xf32>
      %add3A_85 = arith.addf %mul3A_82, %add3A_84 : vector<1000x128xf32>
      %get3A_86 = arith.constant 0 : index
      %get3A_87 = arith.constant 0 : index
      %get3A_88 = vector.load %arg8[%get3A_86, %get3A_87] : memref<128x256xf32, #tpu.memory_space<vmem>>, vector<128x256xf32>
      %dot_general3A_89 = arith.constant dense<0.000000e+00> : vector<1000x256xf32>
      %dot_general3A_90 = tpu.matmul %add3A_85, %get3A_88, %dot_general3A_89 {dimension_numbers = #tpu.dot_dimension_numbers<[1], [0], [0], [1], [0, 0, 1, 1], [], []>, transpose_lhs_hint = false} : vector<1000x128xf32>, vector<128x256xf32>, vector<1000x256xf32> -> vector<1000x256xf32>
      %get3A_91 = arith.constant 0 : index
      %get3A_92 = arith.constant 0 : index
      %get3A_93 = vector.load %arg9[%get3A_91, %get3A_92] : memref<1x256xf32, #tpu.memory_space<vmem>>, vector<1x256xf32>
      %get3A_94 = vector.shape_cast %get3A_93 : vector<1x256xf32> to vector<256xf32>
      %broadcast_in_dim3A_95 = vector.shape_cast %get3A_94 : vector<256xf32> to vector<1x256xf32>
      %add3A_96 = vector.broadcast %broadcast_in_dim3A_95 : vector<1x256xf32> to vector<1000x256xf32>
      %add3A_97 = arith.addf %dot_general3A_90, %add3A_96 : vector<1000x256xf32>
      %max3A = arith.constant 0.000000e+00 : f32
      %max3A_98 = vector.broadcast %max3A : f32 to vector<1000x256xf32>
      %max3A_99 = arith.maximumf %add3A_97, %max3A_98 : vector<1000x256xf32>
      %get3A_100 = arith.constant 0 : index
      %get3A_101 = arith.constant 0 : index
      %get3A_102 = vector.load %arg10[%get3A_100, %get3A_101] : memref<256x128xf32, #tpu.memory_space<vmem>>, vector<256x128xf32>
      %dot_general3A_103 = arith.constant dense<0.000000e+00> : vector<1000x128xf32>
      %dot_general3A_104 = tpu.matmul %max3A_99, %get3A_102, %dot_general3A_103 {dimension_numbers = #tpu.dot_dimension_numbers<[1], [0], [0], [1], [0, 0, 1, 1], [], []>, transpose_lhs_hint = false} : vector<1000x256xf32>, vector<256x128xf32>, vector<1000x128xf32> -> vector<1000x128xf32>
      %get3A_105 = arith.constant 0 : index
      %get3A_106 = arith.constant 0 : index
      %get3A_107 = vector.load %arg11[%get3A_105, %get3A_106] : memref<1x128xf32, #tpu.memory_space<vmem>>, vector<1x128xf32>
      %get3A_108 = vector.shape_cast %get3A_107 : vector<1x128xf32> to vector<128xf32>
      %broadcast_in_dim3A_109 = vector.shape_cast %get3A_108 : vector<128xf32> to vector<1x128xf32>
      %add3A_110 = vector.broadcast %broadcast_in_dim3A_109 : vector<1x128xf32> to vector<1000x128xf32>
      %add3A_111 = arith.addf %dot_general3A_104, %add3A_110 : vector<1000x128xf32>
      %add3A_112 = arith.addf %add3A_111, %add3A_85 : vector<1000x128xf32>
      %get3A_113 = arith.constant 0 : index
      %get3A_114 = arith.constant 0 : index
      %get3A_115 = vector.load %arg12[%get3A_113, %get3A_114] : memref<1x128xf32, #tpu.memory_space<vmem>>, vector<1x128xf32>
      %get3A_116 = vector.shape_cast %get3A_115 : vector<1x128xf32> to vector<128xf32>
      %get3A_117 = arith.constant 0 : index
      %get3A_118 = arith.constant 0 : index
      %get3A_119 = vector.load %arg13[%get3A_117, %get3A_118] : memref<1x128xf32, #tpu.memory_space<vmem>>, vector<1x128xf32>
      %get3A_120 = vector.shape_cast %get3A_119 : vector<1x128xf32> to vector<128xf32>
      %reduce_sum3A_121 = arith.constant dense<0.000000e+00> : vector<1000xf32>
      %reduce_sum3A_122 = vector.multi_reduction <add>, %add3A_112, %reduce_sum3A_121 [1] : vector<1000x128xf32> to vector<1000xf32>
      %broadcast_in_dim3A_123 = vector.shape_cast %reduce_sum3A_122 : vector<1000xf32> to vector<1000x1xf32>
      %div3A_124 = arith.constant 1.280000e+02 : f32
      %div3A_125 = vector.broadcast %div3A_124 : f32 to vector<1000x1xf32>
      %div3A_126 = arith.divf %broadcast_in_dim3A_123, %div3A_125 : vector<1000x1xf32>
      %sub3A_127 = vector.broadcast %div3A_126 : vector<1000x1xf32> to vector<1000x128xf32>
      %sub3A_128 = arith.subf %add3A_112, %sub3A_127 : vector<1000x128xf32>
      %mul3A_129 = arith.mulf %sub3A_128, %sub3A_128 : vector<1000x128xf32>
      %reduce_sum3A_130 = arith.constant dense<0.000000e+00> : vector<1000xf32>
      %reduce_sum3A_131 = vector.multi_reduction <add>, %mul3A_129, %reduce_sum3A_130 [1] : vector<1000x128xf32> to vector<1000xf32>
      %broadcast_in_dim3A_132 = vector.shape_cast %reduce_sum3A_131 : vector<1000xf32> to vector<1000x1xf32>
      %div3A_133 = arith.constant 1.280000e+02 : f32
      %div3A_134 = vector.broadcast %div3A_133 : f32 to vector<1000x1xf32>
      %div3A_135 = arith.divf %broadcast_in_dim3A_132, %div3A_134 : vector<1000x1xf32>
      %add3A_136 = arith.constant 9.99999974E-6 : f32
      %add3A_137 = vector.broadcast %add3A_136 : f32 to vector<1000x1xf32>
      %add3A_138 = arith.addf %div3A_135, %add3A_137 : vector<1000x1xf32>
      %rsqrt3A_139 = math.rsqrt %add3A_138 : vector<1000x1xf32>
      %mul3A_140 = vector.broadcast %rsqrt3A_139 : vector<1000x1xf32> to vector<1000x128xf32>
      %mul3A_141 = arith.mulf %sub3A_128, %mul3A_140 : vector<1000x128xf32>
      %broadcast_in_dim3A_142 = vector.shape_cast %get3A_116 : vector<128xf32> to vector<1x128xf32>
      %mul3A_143 = vector.broadcast %broadcast_in_dim3A_142 : vector<1x128xf32> to vector<1000x128xf32>
      %mul3A_144 = arith.mulf %mul3A_141, %mul3A_143 : vector<1000x128xf32>
      %broadcast_in_dim3A_145 = vector.shape_cast %get3A_120 : vector<128xf32> to vector<1x128xf32>
      %add3A_146 = vector.broadcast %broadcast_in_dim3A_145 : vector<1x128xf32> to vector<1000x128xf32>
      %add3A_147 = arith.addf %mul3A_144, %add3A_146 : vector<1000x128xf32>
      %get3A_148 = arith.constant 0 : index
      %get3A_149 = arith.constant 0 : index
      %get3A_150 = vector.load %arg16[%get3A_148, %get3A_149] : memref<128x128xf32, #tpu.memory_space<vmem>>, vector<128x128xf32>
      %dot_general3A_151 = arith.constant dense<0.000000e+00> : vector<128x128xf32>
      %dot_general3A_152 = tpu.matmul %convert_element_type3A_5, %add3A_147, %dot_general3A_151 {dimension_numbers = #tpu.dot_dimension_numbers<[0], [0], [1], [1], [0, 1, 1, 1], [], []>, transpose_lhs_hint = false} : vector<1000x128xf32>, vector<1000x128xf32>, vector<128x128xf32> -> vector<128x128xf32>
      %add3A_153 = arith.addf %get3A_150, %dot_general3A_152 : vector<128x128xf32>
      %swap3A = arith.constant 0 : index
      %swap3A_154 = arith.constant 0 : index
      %swap3A_155 = vector.load %arg16[%swap3A, %swap3A_154] : memref<128x128xf32, #tpu.memory_space<vmem>>, vector<128x128xf32>
      tpu.vector_store %arg16[%swap3A, %swap3A_154], %add3A_153 {strides = array<i32>} : memref<128x128xf32, #tpu.memory_space<vmem>>, vector<128x128xf32>,
      %eq3A_156 = arith.constant 9 : i32
      %eq3A_157 = arith.cmpi eq, %arg1, %eq3A_156 : i32
      %convert_element_type3A_158 = arith.extui %eq3A_157 : i1 to i32
      %cond3A_159 = arith.constant 0 : i32
      %cond3A_160 = arith.cmpi ne, %convert_element_type3A_158, %cond3A_159 : i32
      scf.if %cond3A_160 {
        %get3A_161 = arith.constant 0 : index
        %get3A_162 = arith.constant 0 : index
        %get3A_163 = vector.load %arg16[%get3A_161, %get3A_162] : memref<128x128xf32, #tpu.memory_space<vmem>>, vector<50x128xf32>
        %swap3A_164 = arith.constant 0 : index
        %swap3A_165 = arith.constant 0 : index
        %swap3A_166 = vector.load %arg14[%swap3A_164, %swap3A_165] : memref<50x128xf32, #tpu.memory_space<vmem>>, vector<50x128xf32>
        tpu.vector_store %arg14[%swap3A_164, %swap3A_165], %get3A_163 {strides = array<i32>} : memref<50x128xf32, #tpu.memory_space<vmem>>, vector<50x128xf32>,
      } else {
      }
    } else {
    }
    return
  }
  func.func @transform_0(%arg0: i32, %arg1: i32) -> (i32, i32) {
    %mul3A = arith.muli %arg0, %arg1 : i32
    %c0_i32 = arith.constant 0 : i32
    %c0_i32_0 = arith.constant 0 : i32
    return %mul3A, %c0_i32 : i32, i32
  }
  func.func @transform_1(%arg0: i32, %arg1: i32) -> (i32, i32, i32) {
    %c0_i32 = arith.constant 0 : i32
    %c0_i32_0 = arith.constant 0 : i32
    %c0_i32_1 = arith.constant 0 : i32
    return %arg1, %c0_i32, %c0_i32_0 : i32, i32, i32
  }
  func.func @transform_2(%arg0: i32, %arg1: i32) -> (i32, i32, i32) {
    %c0_i32 = arith.constant 0 : i32
    %c0_i32_0 = arith.constant 0 : i32
    %c0_i32_1 = arith.constant 0 : i32
    return %arg1, %c0_i32, %c0_i32_0 : i32, i32, i32
  }
  func.func @transform_3(%arg0: i32, %arg1: i32) -> (i32, i32, i32) {
    %c0_i32 = arith.constant 0 : i32
    %c0_i32_0 = arith.constant 0 : i32
    %c0_i32_1 = arith.constant 0 : i32
    %c0_i32_2 = arith.constant 0 : i32
    return %c0_i32, %c0_i32_0, %c0_i32_1 : i32, i32, i32
  }
  func.func @transform_4(%arg0: i32, %arg1: i32) -> (i32, i32) {
    %c0_i32 = arith.constant 0 : i32
    %c0_i32_0 = arith.constant 0 : i32
    %c0_i32_1 = arith.constant 0 : i32
    return %c0_i32, %c0_i32_0 : i32, i32
  }
  func.func @transform_5(%arg0: i32, %arg1: i32) -> (i32, i32) {
    %c0_i32 = arith.constant 0 : i32
    %c0_i32_0 = arith.constant 0 : i32
    %c0_i32_1 = arith.constant 0 : i32
    return %c0_i32, %c0_i32_0 : i32, i32
  }
  func.func @transform_6(%arg0: i32, %arg1: i32) -> (i32, i32) {
    %c0_i32 = arith.constant 0 : i32
    %c0_i32_0 = arith.constant 0 : i32
    %c0_i32_1 = arith.constant 0 : i32
    return %c0_i32, %c0_i32_0 : i32, i32
  }
  func.func @transform_7(%arg0: i32, %arg1: i32) -> (i32, i32) {
    %c0_i32 = arith.constant 0 : i32
    %c0_i32_0 = arith.constant 0 : i32
    %c0_i32_1 = arith.constant 0 : i32
    return %c0_i32, %c0_i32_0 : i32, i32
  }
  func.func @transform_8(%arg0: i32, %arg1: i32) -> (i32, i32) {
    %c0_i32 = arith.constant 0 : i32
    %c0_i32_0 = arith.constant 0 : i32
    %c0_i32_1 = arith.constant 0 : i32
    return %c0_i32, %c0_i32_0 : i32, i32
  }
  func.func @transform_9(%arg0: i32, %arg1: i32) -> (i32, i32) {
    %c0_i32 = arith.constant 0 : i32
    %c0_i32_0 = arith.constant 0 : i32
    %c0_i32_1 = arith.constant 0 : i32
    return %c0_i32, %c0_i32_0 : i32, i32
  }
  func.func @transform_10(%arg0: i32, %arg1: i32) -> (i32, i32) {
    %c0_i32 = arith.constant 0 : i32
    %c0_i32_0 = arith.constant 0 : i32
    %c0_i32_1 = arith.constant 0 : i32
    return %c0_i32, %c0_i32_0 : i32, i32
  }
  func.func @transform_11(%arg0: i32, %arg1: i32) -> (i32, i32) {
    %c0_i32 = arith.constant 0 : i32
    %c0_i32_0 = arith.constant 0 : i32
    %c0_i32_1 = arith.constant 0 : i32
    return %c0_i32, %c0_i32_0 : i32, i32
  }
  func.func @transform_12(%arg0: i32, %arg1: i32) -> (i32, i32) {
    %c0_i32 = arith.constant 0 : i32
    %c0_i32_0 = arith.constant 0 : i32
    %c0_i32_1 = arith.constant 0 : i32
    return %c0_i32, %c0_i32_0 : i32, i32
  }
}

</mosaic_0001>

<sc_bundles>
// kernel: kernel.12.cloned.1.call-start
scs
__scs_entry_jumppad:
0x0: {  	(pc) =	sbr.rel $0x88, $3  }
0x1: {  	(tag) =	ssettag $0x0;
	lr =	simm.s32 $0x1  }
0x2: {  	[smem:$0x3F8B] =	sst lr;
	_ =	strace $0xD0000000  }
0x3: {  	_ = 	snop  }
0x4: {  	_ = 	snop  }
0x5: {  	_ = 	snop  }
0x6: {  	_ = 	snop  }
0x7: {  	_ = 	snop  }
__scs_overlays_trampoline_lowered:
0x8: {  	[smem:$0x3F9A] =	sst s0  }
0x9: {  	[smem:$0x3F9B] =	sst s1  }
0xa: {  	[smem:$0x3F9C] =	sst s2  }
0xb: {  	[smem:$0x3F9D] =	sst s3  }
0xc: {  	[smem:$0x3F9E] =	sst s4  }
0xd: {  	[smem:$0x3F9F] =	sst s5  }
0xe: {  	[smem:$0x3FA0] =	sst s6  }
0xf: {  	[smem:$0x3FA1] =	sst s7  }
0x10: {  	[smem:$0x3FA2] =	sst s8  }
0x11: {  	[smem:$0x3FA3] =	sst s9;
	s0 =	simm.s32 @!p0 $0x0  }
0x12: {  	s1 =	sld [smem:$0x3F89];
	s0 =	simm.s32 @p0 $0x1  }
0x13: {  	[smem:$0x3FA4] =	sst s0;
	s0 =	simm.s32 @!p1 $0x0  }
0x14: {  	s2 =	sld [smem:$0x3F88];
	s0 =	simm.s32 @p1 $0x1  }
0x15: {  	[smem:$0x3FA5] =	sst s0;
	s0 =	simm.s32 @!p2 $0x0  }
0x16: {  	s3 =	sld [smem:$0x3FDB];
	s0 =	simm.s32 @p2 $0x1  }
0x17: {  	s4 =	simm.s32 $0x1BF5;
	[smem:$0x3FA7] =	sst s0  }
0x18: {  	s0 =	sld [smem:$0x3F8A];
	_ =	swait.ge [sflag:s4], $0x0  }
0x19: {  	s7 =	sld [smem:$0x3F8B]  }
0x1a: {  	s8 =	sadd.s32 $0xFFFFE003, lr  }
0x1b: {  	s9 =	sadd.s32 $0xFFFFFEF7, lr;
	s5 =	simm.s32 $0xFFFFFFFF;
	p2 =	slt.u32 s8, $0xFFFFF086  }
0x1c: {  	p1 =	slt.u32 s9, $0xF7A;
	s5 =	simm.s32 @!p2 $0x0  }
0x1d: {  	s5 =	simm.s32 @p1 $0x1;
	p0 =	seq.s32 s7, s2  }
0x1e: {  	s7 =	smul.u32 @!p0 $0xF7A, s2;
	p2 =	seq.s32 @!p0 s5, $0x0  }
0x1f: {  	s9 =	smul.u32 $0xF7A, s1;
	s8 =	simm.s32 @!p0 $0x1BF5;
	p2 =	por !p2, p0  }
0x20: {  	[sflag:s8] =	ssyncset.s32 @!p0 $0xFFFFF086;
	s6 =	sadd.s32 @!p0 s3, s7;
	s7 =	simm.s32 @!p0 $0x108  }
0x21: {  	s3 =	sadd.s32 s3, s9;
	s6 =	sadd.s32 @!p0 $0x88, s6;
	s7 =	simm.s32 @p2 $0x1082  }
0x22: {  	[simem:s7], [sflag:s8] =	dma.local @!p0 [hbm:s6], $0xF7A  }
0x23: {  	s9 =	sor.u32 $0xD0000000, s2;
	s6 =	simm.s32 $0x108;
	_ =	swait.ge @!p0 [sflag:s8], $0x0  }
0x24: {  	s3 =	sadd.s32 $0x88, s3;
	s6 =	simm.s32 @!p1 $0x1082;
	[sflag:s4] =	ssyncset.s32 $0xFFFFF086  }
0x25: {  	[simem:s6], [sflag:s4] =	dma.local [hbm:s3], $0xF7A  }
0x26: {  	[smem:$0x3F8B] =	sst s1;
	(tag) =	ssettag s2;
	_ =	strace s9  }
0x27: {  	s1 =	sld [smem:$0x3F9B]  }
0x28: {  	s2 =	sld [smem:$0x3F9C]  }
0x29: {  	s4 =	sld [smem:$0x3F9E]  }
0x2a: {  	p0 =	seq.s32 s5, $0x0;
	s5 =	sld [smem:$0x3F9F]  }
0x2b: {  	s6 =	sld [smem:$0x3FA0]  }
0x2c: {  	s7 =	sld [smem:$0x3FA1]  }
0x2d: {  	s3 =	simm.s32 $0x108;
	s8 =	sld [smem:$0x3FA2]  }
0x2e: {  	s3 =	simm.s32 @!p0 $0x1082;
	s9 =	sld [smem:$0x3FA3]  }
0x2f: {  	lr =	sadd.s32 s0, s3;
	s0 =	sld [smem:$0x3F9A]  }
0x30: {  	s3 =	sld [smem:$0x3F9D]  }
0x31: {  	[smem:$0x3FA6] =	sst s10  }
0x32: {  	s10 =	sld [smem:$0x3FA4];
	_ =	sdelay $0x3  }
0x33: {  	p0 =	seq.s32 s10, $0x1;
	s10 =	sld [smem:$0x3FA6];
	_ =	sdelay $0x3  }
0x34: {  	[smem:$0x3FA6] =	sst s10  }
0x35: {  	s10 =	sld [smem:$0x3FA5];
	_ =	sdelay $0x3  }
0x36: {  	p1 =	seq.s32 s10, $0x1;
	s10 =	sld [smem:$0x3FA6];
	_ =	sdelay $0x3  }
0x37: {  	[smem:$0x3FA6] =	sst s10  }
0x38: {  	s10 =	sld [smem:$0x3FA7]  }
0x39: {  	_ = 	snop;
	(pc) =	sbr.ind lr, $3  }
0x3a: {  	_ = 	snop  }
0x3b: {  	_ = 	snop  }
0x3c: {  	p2 =	seq.s32 s10, $0x1;
	s10 =	sld [smem:$0x3FA6]  }
0x3d: {  	_ =	shalt  }
0x3e: {  	_ =	shalt  }
0x3f: {  	_ =	shalt  }
0x40: {  	_ =	shalt  }
0x41: {  	_ =	shalt  }
0x42: {  	_ =	shalt  }
0x43: {  	_ =	shalt  }
0x44: {  	_ =	shalt  }
0x45: {  	_ =	shalt  }
0x46: {  	_ =	shalt  }
0x47: {  	_ =	shalt  }
0x48: {  	_ =	shalt  }
0x49: {  	_ =	shalt  }
0x4a: {  	_ =	shalt  }
0x4b: {  	_ =	shalt  }
0x4c: {  	_ =	shalt  }
0x4d: {  	_ =	shalt  }
0x4e: {  	_ =	shalt  }
0x4f: {  	_ =	shalt  }
0x50: {  	_ =	shalt  }
0x51: {  	_ =	shalt  }
0x52: {  	_ =	shalt  }
0x53: {  	_ =	shalt  }
0x54: {  	_ =	shalt  }
0x55: {  	_ =	shalt  }
0x56: {  	_ =	shalt  }
0x57: {  	_ =	shalt  }
0x58: {  	_ =	shalt  }
0x59: {  	_ =	shalt  }
0x5a: {  	_ =	shalt  }
0x5b: {  	_ =	shalt  }
0x5c: {  	_ =	shalt  }
0x5d: {  	_ =	shalt  }
0x5e: {  	_ =	shalt  }
0x5f: {  	_ =	shalt  }
0x60: {  	_ =	shalt  }
0x61: {  	_ =	shalt  }
0x62: {  	_ =	shalt  }
0x63: {  	_ =	shalt  }
0x64: {  	_ =	shalt  }
0x65: {  	_ =	shalt  }
0x66: {  	_ =	shalt  }
0x67: {  	_ =	shalt  }
0x68: {  	_ =	shalt  }
0x69: {  	_ =	shalt  }
0x6a: {  	_ =	shalt  }
0x6b: {  	_ =	shalt  }
0x6c: {  	_ =	shalt  }
0x6d: {  	_ =	shalt  }
0x6e: {  	_ =	shalt  }
0x6f: {  	_ =	shalt  }
0x70: {  	_ =	shalt  }
0x71: {  	_ =	shalt  }
0x72: {  	_ =	shalt  }
0x73: {  	_ =	shalt  }
0x74: {  	_ =	shalt  }
0x75: {  	_ =	shalt  }
0x76: {  	_ =	shalt  }
0x77: {  	_ =	shalt  }
0x78: {  	_ =	shalt  }
0x79: {  	_ =	shalt  }
0x7a: {  	_ =	shalt  }
0x7b: {  	_ =	shalt  }
0x7c: {  	_ =	shalt  }
0x7d: {  	_ =	shalt  }
0x7e: {  	_ =	shalt  }
0x7f: {  	_ =	shalt  }
0x80: {  	_ =	shalt  }
0x81: {  	_ =	shalt  }
0x82: {  	_ =	shalt  }
0x83: {  	_ =	shalt  }
0x84: {  	_ =	shalt  }
0x85: {  	_ =	shalt  }
0x86: {  	_ =	shalt  }
0x87: {  	_ =	shalt  }
.Lfunc_end0:
.L_simem_size_0:
called_computation.1_lowered:
.L_overlay_start_0:
0x88: {  	s2 =	sld [smem:$0x3FD9]  }
0x89: {  	s3 =	sld [smem:$0x3FFE];
	_ =	sdelay $0x1  }
0x8a: {  	s1 =	srdreg.scid  }
0x8b: {  	s0 =	sand.u32 $0x1, s1  }
0x8c: {  	s16 =	sshll.u32 s0, $0xA;
	s2 =	sadd.s32 s3, s2  }
0x8d: {  	s2 =	sadd.s32 s2, s16  }
0x8e: {  	[smem:$0x3FB2] =	sst s2  }
0x8f: {  	_ = 	snop  }
0x90: {  	(tm) =	ssettm $0x1  }
0x91: {  	s17 =	sld [smem:$0x3FFB];
	_ =	sdelay $0x3  }
0x92: {  	_ =	strace s17  }
0x93: {  	s2 =	sld [smem:$0x3FFC];
	_ =	sdelay $0x3  }
0x94: {  	_ =	strace s2  }
0x95: {  	s2 =	sld [smem:$0x3FFD];
	_ =	sdelay $0x3  }
0x96: {  	_ =	strace s2  }
0x97: {  	_ =	strace $0x8FFFFFFF  }
0x98: {  	s18 =	sld [smem:$0x3FDB];
	_ =	sdelay $0x1  }
0x99: {  	s19 =	simm.s32 $_scs_section_size  }
0x9a: {  	s4 =	simm.s32 $_size__tile_overlayer_lowered;
	s5 =	simm.s32 $_tile_overlayer_lowered  }
0x9b: {  	s22 =	simm.s32 $0x1BFF;
	s21 =	sshll.u32 s5, $0x1;
	s2 =	sadd.s32 s19, s18  }
0x9c: {  	s6 =	simm.s32 $0x0;
	s20 =	sshll.u32 s4, $0x1;
	s4 =	sadd.s32 s21, s2  }
0x9d: {  	[timem:s6], [sflag:s22] =	dma.local [hbm:s4], s20  }
0x9e: {  	_ =	swait.ge [sflag:s22], s20  }
0x9f: {  	s3 =	ssub.s32 $0x0, s20;
	[sflag:s22] =	ssyncset.done $0x0  }
0xa0: {  	[sflag:s22] =	ssyncadd.s32 s3;
	_ =	sdelay $0x1  }
0xa1: {  	s23 =	simm.s32 $0x1B8B  }
0xa2: {  	_ =	swait.ge [sflag:s23], $0x1  }
0xa3: {  	[sflag:s23] =	ssyncset.done $0x0  }
0xa4: {  	s25 =	simm.s32 $0x1B8E;
	s24 =	sld [smem:$0x3FFE];
	[sflag:s23] =	ssyncadd.s32 $0xFFFFFFFF  }
0xa5: {  	s26 =	simm.s32 $execute0_lowered;
	[smem:$0x3FD2] =	sst s25  }
0xa6: {  	s4 =	sshll.u32 s26, $0x1;
	_ =	strace $0x80000049;
	[dreg:$0x1] =	wrdreg $0xFFFFFFFF  }
0xa7: {  	s28 =	simm.s32 $_size_execute0_lowered;
	s2 =	sadd.s32 s2, s4;
	[dreg:$0x0] =	wrdreg $0x0  }
0xa8: {  	s4 =	sshll.u32 s28, $0x1;
	[dreg:$0x2] =	wrdreg s2  }
0xa9: {  	[dreg:$0x3] =	wrdreg s4  }
0xaa: {  	[dreg:$0x4] =	wrdreg $0xC0  }
0xab: {  	_ =	task [dreg:s6], $0x5FFFF  }
0xac: {  	[dreg:$0x1] =	wrdreg $0xFFFFFFFF  }
0xad: {  	[dreg:$0x0] =	wrdreg $0x60  }
0xae: {  	[dreg:$0x2] =	wrdreg s24  }
0xaf: {  	[dreg:$0x3] =	wrdreg $0x0  }
0xb0: {  	[dreg:$0x4] =	wrdreg $0x9  }
0xb1: {  	_ =	task.clear_ibuf [dreg:s6], $0x5FFFF;
	_ =	strace $0x90000049  }
0xb2: {  	s29 =	simm.s32 $0x9;
	_ =	strace $0x8000004B  }
0xb3: {  	_ =	swait.ge [sflag:s29], $0x1  }
0xb4: {  	[sflag:s29] =	ssyncadd.s32 $0xFFFFFFFF  }
0xb5: {  	_ =	strace $0x9000004B  }
0xb6: {  	_ =	sfence  }
0xb7: {  	s30 =	sld [smem:$0x0];
	_ =	sdelay $0x2  }
0xb8: {  	s31 =	sshll.u32 s1, $0xD;
	s1 =	sshrl.u32 s1, $0x2  }
0xb9: {  	s3 =	sand.u32 $0x4000, s31;
	s1 =	sadd.s32 s1, s30  }
0xba: {  	s0 =	sor.u32 s3, s0;
	s1 =	sshll.u32 s1, $0x11  }
0xbb: {  	s0 =	sor.u32 s1, s0  }
0xbc: {  	s0 =	sadd.s32 $0x8F2B, s0  }
0xbd: {  	[sflag:s0] =	ssyncadd.remote.s32 $0x1  }
0xbe: {  	_ =	sfence.sel $0xFFFF  }
0xbf: {  	[dreg:$0x0] =	wrdreg $0xFFFFFFFF;
	(pc) =	sbr.abs _section_cstart, $3  }
0xc0: {  	[dreg:$0x1] =	wrdreg $0xFFFFFFFF  }
0xc1: {  	_ =	task.clear_ibuf [dreg:s6], $0x2FFFF;
	_ =	strace $0x9FFFFFFF  }
0xc2: {  	(tm) =	ssettm $0x7FFFFFFF  }
0xc3: {  	_ =	shalt  }
tec
execute0_lowered:
.L_overlay_start_1:
0x0: {  	(tag) =	ssettag $0x1  }
0x1: {  	s0 =	rddreg [dreg:$0x0]  }
0x2: {  	s2 =	rddreg [dreg:$0x1]  }
0x3: {  	s1 =	srdreg.scid;
	s12 =	stileid.u32;
	s4 =	simm.s32 $0x0  }
0x4: {  	s28 =	simm.s32 $0x16000;
	s29 =	simm.s32 $0x1;
	s30 =	simm.s32 $0x1A000  }
0x5: {  	s31 =	simm.s32 $0x2;
	s1 =	sand.u32 $0x1, s1;
	s3 =	smul.u32 $0x280, s12  }
0x6: {  	[smem:$0x7FF] =	sst s4;
	s4 =	sadd.s32 $0x22200, s0;
	s5 =	sadd.s32 $0xE200, s0  }
0x7: {  	s6 =	sadd.s32 $0x18200, s0;
	s7 =	sadd.s32 $0x4200, s0;
	s11 =	smul.u32 $0x50000, s12  }
0x8: {  	s10 =	sshll.u32 s12, $0x1;
	s15 =	sshll.u32 s12, $0x6;
	s22 =	smul.u32 $0x5000, s12  }
0x9: {  	s9 =	smul.u32 $0x2800, s1;
	_ =	strace $0x8000004A;
	s8 =	ssub.s32 $0x2, s1  }
0xa: {  	s1 =	sor.u32 s1, s10;
	s13 =	sshrl.u32 s8, $0x1;
	s14 =	sshrl.u32 s11, $0x2  }
0xb: {  	s1 =	smul.u32 $0x2800, s1;
	s3 =	sadd.s32 s3, s9;
	s10 =	sadd.s32 s14, s2  }
0xc: {  	s26 =	sadd.s32 s9, s22;
	s3 =	sshll.u32 s3, $0x4;
	s16 =	sadd.s32 $0x4000, s10  }
0xd: {  	s17 =	sadd.s32 $0x8000, s10;
	s1 =	sshrl.u32 s1, $0x3;
	[dreg:$0x3] =	wrdreg s16  }
0xe: {  	s18 =	sadd.s32 $0xC000, s10;
	s19 =	sadd.s32 $0x10000, s10;
	[dreg:$0x4] =	wrdreg s17  }
0xf: {  	s11 =	sadd.s32 $0x800, s26;
	s22 =	sshrl.u32 s10, $0x3;
	[dreg:$0x5] =	wrdreg s18  }
0x10: {  	s26 =	simm.s32 $0x80;
	[dreg:$0x6] =	wrdreg s19;
	s20 =	sadd.s32 s5, s1  }
0x11: {  	s0 =	sadd.s32 s3, s0;
	s1 =	sadd.s32 s6, s1;
	[dreg:$0x7] =	wrdreg s20  }
0x12: {  	s3 =	ssub.s32 s8, s13;
	s8 =	sor.u32 $0x1C04, s15;
	[dreg:$0x8] =	wrdreg s1  }
.Ltmp0:
0x13: {  	s21 =	sadd.s32 $0x49400, s0;
	s23 =	sadd.s32 $0x49C00, s0;
	(pc) =	sbr.rel .LBB2_1-.Ltmp0, $4  }
0x14: {  	s24 =	sadd.s32 $0x4A400, s0;
	s25 =	sadd.s32 $0x4AC00, s0;
	[dreg:$0x9] =	wrdreg s21  }
0x15: {  	s19 =	sadd.s32 $0x4B400, s0;
	s20 =	smax.u32 s3, $0x1;
	[dreg:$0xa] =	wrdreg s23  }
0x16: {  	s0 =	simm.s32 $0x3;
	s1 =	simm.s32 $0x0;
	[dreg:$0xb] =	wrdreg s24  }
0x17: {  	[dreg:$0xc] =	wrdreg s25;
	s23 =	simm.s32 $0x4;
	s24 =	simm.s32 $0x14000  }
.LBB2_3:
0x18: {  	s12 =	sor.u32 $0x15000, s14  }
0x19: {  	[spmem:s2] =	stream.indirect.scatter.add.f32 [tilespmem:s30], [sflag:$0x3], $0x80, s12, s26, $0xb8;
	[tilespmem:$0x1E000] =	vst v63  }
.LBB2_5:
0x1a: {  	_ =	swait.ge [sflag:s0], $0x4000  }
0x1b: {  	[sflag:s0] =	ssyncset.done $0x0  }
0x1c: {  	[sflag:s0] =	ssyncadd.s32 $0xFFFFC000  }
0x1d: {  	[bflag:$0x0] =	sbarrier.arrive $0xFFFF  }
0x1e: {  	s12 =	rddreg [dreg:$0x9]  }
0x1f: {  	[hbm:s12], [sflag:s8] =	dma.local [spmem:s22], $0x800  }
0x20: {  	_ =	swait.ge [sflag:s23], $0x800  }
0x21: {  	[sflag:s23] =	ssyncset.done $0x0  }
0x22: {  	s18 =	rddreg [dreg:$0xa];
	[sflag:s23] =	ssyncadd.s32 $0xFFFFF800  }
0x23: {  	[hbm:s18], [sflag:s8] =	dma.local [spmem:s25], $0x800  }
0x24: {  	_ =	swait.ge [sflag:s23], $0x800  }
0x25: {  	[sflag:s23] =	ssyncset.done $0x0  }
0x26: {  	s21 =	rddreg [dreg:$0xb];
	[sflag:s23] =	ssyncadd.s32 $0xFFFFF800  }
0x27: {  	[hbm:s21], [sflag:s8] =	dma.local [spmem:s3], $0x800  }
0x28: {  	_ =	swait.ge [sflag:s23], $0x800  }
0x29: {  	[sflag:s23] =	ssyncset.done $0x0  }
0x2a: {  	s25 =	rddreg [dreg:$0xc];
	[sflag:s23] =	ssyncadd.s32 $0xFFFFF800  }
0x2b: {  	[hbm:s25], [sflag:s8] =	dma.local [spmem:s9], $0x800  }
0x2c: {  	s1 =	sadd.s32 $0x1, s1;
	_ =	swait.ge [sflag:s23], $0x800  }
0x2d: {  	p0 =	sne.s32 s1, s20;
	[sflag:s23] =	ssyncset.done $0x0  }
.Ltmp1:
0x2e: {  	[sflag:s23] =	ssyncadd.s32 $0xFFFFF800;
	(pc) =	sbr.rel @!p0 .LBB2_6-.Ltmp1, $4  }
0x2f: {  	[hbm:s19], [sflag:s8] =	dma.local [spmem:s10], $0x800  }
0x30: {  	_ =	swait.ge [sflag:s23], $0x800  }
0x31: {  	[sflag:s23] =	ssyncset.done $0x0  }
0x32: {  	[sflag:s23] =	ssyncadd.s32 $0xFFFFF800  }
.LBB2_1:
0x33: {  	[spmem:s22], [sflag:s8] =	dma.local [hbm:s7], $0x800  }
0x34: {  	_ =	swait.ge [sflag:s23], $0x800  }
0x35: {  	[sflag:s23] =	ssyncset.done $0x0;
	s3 =	rddreg [dreg:$0x3]  }
0x36: {  	[sflag:s23] =	ssyncadd.s32 $0xFFFFF800;
	s25 =	sshrl.u32 s3, $0x3  }
0x37: {  	[spmem:s25], [sflag:s8] =	dma.local [hbm:s7], $0x800  }
0x38: {  	_ =	swait.ge [sflag:s23], $0x800  }
0x39: {  	[sflag:s23] =	ssyncset.done $0x0;
	s18 =	rddreg [dreg:$0x4]  }
0x3a: {  	[sflag:s23] =	ssyncadd.s32 $0xFFFFF800;
	s3 =	sshrl.u32 s18, $0x3  }
0x3b: {  	[spmem:s3], [sflag:s8] =	dma.local [hbm:s7], $0x800  }
0x3c: {  	_ =	swait.ge [sflag:s23], $0x800  }
0x3d: {  	[sflag:s23] =	ssyncset.done $0x0;
	s9 =	rddreg [dreg:$0x5]  }
0x3e: {  	[sflag:s23] =	ssyncadd.s32 $0xFFFFF800;
	s9 =	sshrl.u32 s9, $0x3  }
0x3f: {  	[spmem:s9], [sflag:s8] =	dma.local [hbm:s7], $0x800  }
0x40: {  	_ =	swait.ge [sflag:s23], $0x800  }
0x41: {  	[sflag:s23] =	ssyncset.done $0x0;
	s10 =	rddreg [dreg:$0x6]  }
0x42: {  	[sflag:s23] =	ssyncadd.s32 $0xFFFFF800;
	s10 =	sshrl.u32 s10, $0x3  }
0x43: {  	[spmem:s10], [sflag:s8] =	dma.local [hbm:s7], $0x800  }
0x44: {  	_ =	swait.ge [sflag:s23], $0x800  }
0x45: {  	[sflag:s23] =	ssyncset.done $0x0  }
0x46: {  	[sflag:s23] =	ssyncadd.s32 $0xFFFFF800  }
0x47: {  	[bflag:$0x0] =	sbarrier.arrive $0xFFFF  }
0x48: {  	s12 =	simm.s32 $0x0;
	s13 =	rddreg [dreg:$0x7]  }
0x49: {  	[tilespmem:s24], [sflag:$0x4] =	stream.linear.gather [hbm4b:s13+s12], $0x800, $0x38;
	[tilespmem:$0x1E000] =	vst v63  }
0x4a: {  	_ =	swait.ge [sflag:s23], $0x800  }
0x4b: {  	[sflag:s23] =	ssyncset.done $0x0  }
0x4c: {  	s14 =	simm.s32 $0x15000;
	s21 =	rddreg [dreg:$0x8];
	[sflag:s23] =	ssyncadd.s32 $0xFFFFF800  }
0x4d: {  	[tilespmem:s14], [sflag:$0x4] =	stream.linear.gather [hbm4b:s21+s12], $0x800, $0x38;
	[tilespmem:$0x1E000] =	vst v63  }
0x4e: {  	_ =	swait.ge [sflag:s23], $0x800  }
0x4f: {  	[sflag:s23] =	ssyncset.done $0x0  }
0x50: {  	s21 =	smov.u32 s11;
	s12 =	simm.s32 $0x0;
	[sflag:s23] =	ssyncadd.s32 $0xFFFFF800  }
0x51: {  	[tilespmem:s28], [sflag:$0x1] =	stream.indirect.gather [hbm4b:s4+s26], $0x80, s24, s26, $0xb8;
	[tilespmem:$0x1E000] =	vst v63  }
.LBB2_2:
0x52: {  	s13 =	sand.u32 $0x1, s12;
	p0 =	seq.s32 s12, $0x4  }
0x53: {  	s14 =	sshll.u32 @!p0 s13, $0xB  }
0x54: {  	s15 =	sshrl.u32 @!p0 s21, $0x3;
	s14 =	sxor.u32 @!p0 $0x800, s14  }
0x55: {  	s18 =	simm.s32 @!p0 $0x0;
	s17 =	sadd.s32 @!p0 s5, s15;
	s16 =	sor.u32 @!p0 $0x14000, s14  }
0x56: {  	[tilespmem:s16], [sflag:$0x4] =	stream.linear.gather @!p0 [hbm4b:s17+s18], $0x800, $0x38;
	[tilespmem:$0x1E000] =	vst v63  }
0x57: {  	s16 =	simm.s32 @!p0 $0x4  }
0x58: {  	_ =	swait.ge @!p0 [sflag:s16], $0x800  }
0x59: {  	[sflag:s16] =	ssyncset.done @!p0 $0x0  }
0x5a: {  	s15 =	sadd.s32 @!p0 s6, s15;
	s14 =	sor.u32 @!p0 $0x15000, s14;
	[sflag:s16] =	ssyncadd.s32 @!p0 $0xFFFFF800  }
0x5b: {  	[tilespmem:s14], [sflag:$0x4] =	stream.linear.gather @!p0 [hbm4b:s15+s18], $0x800, $0x38;
	[tilespmem:$0x1E000] =	vst v63  }
0x5c: {  	_ =	swait.ge @!p0 [sflag:s16], $0x800  }
0x5d: {  	[sflag:s16] =	ssyncset.done @!p0 $0x0  }
0x5e: {  	[sflag:s16] =	ssyncadd.s32 @!p0 $0xFFFFF800  }
0x5f: {  	_ =	swait.ge [sflag:s29], $0x4000  }
0x60: {  	p0 =	seq.s32 s12, $0x0;
	[sflag:s29] =	ssyncset.done $0x0  }
0x61: {  	s14 =	simm.s32 @!p0 $0x3;
	[sflag:s29] =	ssyncadd.s32 $0xFFFFC000  }
0x62: {  	_ =	swait.ge @!p0 [sflag:s14], $0x4000  }
0x63: {  	s13 =	sshll.u32 s13, $0xB;
	[sflag:s14] =	ssyncset.done @!p0 $0x0  }
0x64: {  	s17 =	sor.u32 $0x14080, s13;
	[sflag:s14] =	ssyncadd.s32 @!p0 $0xFFFFC000  }
0x65: {  	[tilespmem:s30], [sflag:$0x1] =	stream.indirect.gather [hbm4b:s4+s26], $0x80, s17, s26, $0xb8;
	[tilespmem:$0x1E000] =	vst v63  }
0x66: {  	s18 =	sor.u32 $0x15000, s13  }
0x67: {  	[spmem:s2] =	stream.indirect.scatter.add.f32 [tilespmem:s28], [sflag:$0x2], $0x80, s18, s26, $0xb8;
	[tilespmem:$0x1E000] =	vst v63  }
0x68: {  	_ =	swait.ge [sflag:s29], $0x4000  }
0x69: {  	[sflag:s29] =	ssyncset.done $0x0  }
0x6a: {  	[sflag:s29] =	ssyncadd.s32 $0xFFFFC000  }
0x6b: {  	_ =	swait.ge [sflag:s31], $0x4000  }
0x6c: {  	[sflag:s31] =	ssyncset.done $0x0  }
0x6d: {  	s15 =	sor.u32 $0x14100, s13;
	[sflag:s31] =	ssyncadd.s32 $0xFFFFC000  }
0x6e: {  	[tilespmem:s28], [sflag:$0x1] =	stream.indirect.gather [hbm4b:s4+s26], $0x80, s15, s26, $0xb8;
	[tilespmem:$0x1E000] =	vst v63  }
0x6f: {  	s16 =	sor.u32 $0x15080, s13  }
0x70: {  	[spmem:s2] =	stream.indirect.scatter.add.f32 [tilespmem:s30], [sflag:$0x3], $0x80, s16, s26, $0xb8;
	[tilespmem:$0x1E000] =	vst v63  }
0x71: {  	_ =	swait.ge [sflag:s29], $0x4000  }
0x72: {  	[sflag:s29] =	ssyncset.done $0x0  }
0x73: {  	[sflag:s29] =	ssyncadd.s32 $0xFFFFC000  }
0x74: {  	_ =	swait.ge [sflag:s0], $0x4000  }
0x75: {  	[sflag:s0] =	ssyncset.done $0x0  }
0x76: {  	s17 =	sor.u32 $0x14180, s13;
	[sflag:s0] =	ssyncadd.s32 $0xFFFFC000  }
0x77: {  	[tilespmem:s30], [sflag:$0x1] =	stream.indirect.gather [hbm4b:s4+s26], $0x80, s17, s26, $0xb8;
	[tilespmem:$0x1E000] =	vst v63  }
0x78: {  	s18 =	sor.u32 $0x15100, s13  }
0x79: {  	[spmem:s2] =	stream.indirect.scatter.add.f32 [tilespmem:s28], [sflag:$0x2], $0x80, s18, s26, $0xb8;
	[tilespmem:$0x1E000] =	vst v63  }
0x7a: {  	_ =	swait.ge [sflag:s29], $0x4000  }
0x7b: {  	[sflag:s29] =	ssyncset.done $0x0  }
0x7c: {  	[sflag:s29] =	ssyncadd.s32 $0xFFFFC000  }
0x7d: {  	_ =	swait.ge [sflag:s31], $0x4000  }
0x7e: {  	[sflag:s31] =	ssyncset.done $0x0  }
0x7f: {  	s15 =	sor.u32 $0x14200, s13;
	[sflag:s31] =	ssyncadd.s32 $0xFFFFC000  }
0x80: {  	[tilespmem:s28], [sflag:$0x1] =	stream.indirect.gather [hbm4b:s4+s26], $0x80, s15, s26, $0xb8;
	[tilespmem:$0x1E000] =	vst v63  }
0x81: {  	s16 =	sor.u32 $0x15180, s13  }
0x82: {  	[spmem:s2] =	stream.indirect.scatter.add.f32 [tilespmem:s30], [sflag:$0x3], $0x80, s16, s26, $0xb8;
	[tilespmem:$0x1E000] =	vst v63  }
0x83: {  	_ =	swait.ge [sflag:s29], $0x4000  }
0x84: {  	[sflag:s29] =	ssyncset.done $0x0  }
0x85: {  	[sflag:s29] =	ssyncadd.s32 $0xFFFFC000  }
0x86: {  	_ =	swait.ge [sflag:s0], $0x4000  }
0x87: {  	[sflag:s0] =	ssyncset.done $0x0  }
0x88: {  	s17 =	sor.u32 $0x14280, s13;
	[sflag:s0] =	ssyncadd.s32 $0xFFFFC000  }
0x89: {  	[tilespmem:s30], [sflag:$0x1] =	stream.indirect.gather [hbm4b:s4+s26], $0x80, s17, s26, $0xb8;
	[tilespmem:$0x1E000] =	vst v63  }
0x8a: {  	s18 =	sor.u32 $0x15200, s13  }
0x8b: {  	[spmem:s2] =	stream.indirect.scatter.add.f32 [tilespmem:s28], [sflag:$0x2], $0x80, s18, s26, $0xb8;
	[tilespmem:$0x1E000] =	vst v63  }
0x8c: {  	_ =	swait.ge [sflag:s29], $0x4000  }
0x8d: {  	[sflag:s29] =	ssyncset.done $0x0  }
0x8e: {  	[sflag:s29] =	ssyncadd.s32 $0xFFFFC000  }
0x8f: {  	_ =	swait.ge [sflag:s31], $0x4000  }
0x90: {  	[sflag:s31] =	ssyncset.done $0x0  }
0x91: {  	s15 =	sor.u32 $0x14300, s13;
	[sflag:s31] =	ssyncadd.s32 $0xFFFFC000  }
0x92: {  	[tilespmem:s28], [sflag:$0x1] =	stream.indirect.gather [hbm4b:s4+s26], $0x80, s15, s26, $0xb8;
	[tilespmem:$0x1E000] =	vst v63  }
0x93: {  	s16 =	sor.u32 $0x15280, s13  }
0x94: {  	[spmem:s2] =	stream.indirect.scatter.add.f32 [tilespmem:s30], [sflag:$0x3], $0x80, s16, s26, $0xb8;
	[tilespmem:$0x1E000] =	vst v63  }
0x95: {  	_ =	swait.ge [sflag:s29], $0x4000  }
0x96: {  	[sflag:s29] =	ssyncset.done $0x0  }
0x97: {  	[sflag:s29] =	ssyncadd.s32 $0xFFFFC000  }
0x98: {  	_ =	swait.ge [sflag:s0], $0x4000  }
0x99: {  	[sflag:s0] =	ssyncset.done $0x0  }
0x9a: {  	s17 =	sor.u32 $0x14380, s13;
	[sflag:s0] =	ssyncadd.s32 $0xFFFFC000  }
0x9b: {  	[tilespmem:s30], [sflag:$0x1] =	stream.indirect.gather [hbm4b:s4+s26], $0x80, s17, s26, $0xb8;
	[tilespmem:$0x1E000] =	vst v63  }
0x9c: {  	s18 =	sor.u32 $0x15300, s13  }
0x9d: {  	[spmem:s2] =	stream.indirect.scatter.add.f32 [tilespmem:s28], [sflag:$0x2], $0x80, s18, s26, $0xb8;
	[tilespmem:$0x1E000] =	vst v63  }
0x9e: {  	_ =	swait.ge [sflag:s29], $0x4000  }
0x9f: {  	[sflag:s29] =	ssyncset.done $0x0  }
0xa0: {  	[sflag:s29] =	ssyncadd.s32 $0xFFFFC000  }
0xa1: {  	_ =	swait.ge [sflag:s31], $0x4000  }
0xa2: {  	[sflag:s31] =	ssyncset.done $0x0  }
0xa3: {  	s15 =	sor.u32 $0x14400, s13;
	[sflag:s31] =	ssyncadd.s32 $0xFFFFC000  }
0xa4: {  	[tilespmem:s28], [sflag:$0x1] =	stream.indirect.gather [hbm4b:s4+s26], $0x80, s15, s26, $0xb8;
	[tilespmem:$0x1E000] =	vst v63  }
0xa5: {  	s16 =	sor.u32 $0x15380, s13  }
0xa6: {  	[spmem:s2] =	stream.indirect.scatter.add.f32 [tilespmem:s30], [sflag:$0x3], $0x80, s16, s26, $0xb8;
	[tilespmem:$0x1E000] =	vst v63  }
0xa7: {  	_ =	swait.ge [sflag:s29], $0x4000  }
0xa8: {  	[sflag:s29] =	ssyncset.done $0x0  }
0xa9: {  	[sflag:s29] =	ssyncadd.s32 $0xFFFFC000  }
0xaa: {  	_ =	swait.ge [sflag:s0], $0x4000  }
0xab: {  	[sflag:s0] =	ssyncset.done $0x0  }
0xac: {  	s17 =	sor.u32 $0x14480, s13;
	[sflag:s0] =	ssyncadd.s32 $0xFFFFC000  }
0xad: {  	[tilespmem:s30], [sflag:$0x1] =	stream.indirect.gather [hbm4b:s4+s26], $0x80, s17, s26, $0xb8;
	[tilespmem:$0x1E000] =	vst v63  }
0xae: {  	s18 =	sor.u32 $0x15400, s13  }
0xaf: {  	[spmem:s2] =	stream.indirect.scatter.add.f32 [tilespmem:s28], [sflag:$0x2], $0x80, s18, s26, $0xb8;
	[tilespmem:$0x1E000] =	vst v63  }
0xb0: {  	_ =	swait.ge [sflag:s29], $0x4000  }
0xb1: {  	[sflag:s29] =	ssyncset.done $0x0  }
0xb2: {  	[sflag:s29] =	ssyncadd.s32 $0xFFFFC000  }
0xb3: {  	_ =	swait.ge [sflag:s31], $0x4000  }
0xb4: {  	[sflag:s31] =	ssyncset.done $0x0  }
0xb5: {  	s15 =	sor.u32 $0x14500, s13;
	[sflag:s31] =	ssyncadd.s32 $0xFFFFC000  }
0xb6: {  	[tilespmem:s28], [sflag:$0x1] =	stream.indirect.gather [hbm4b:s4+s26], $0x80, s15, s26, $0xb8;
	[tilespmem:$0x1E000] =	vst v63  }
0xb7: {  	s16 =	sor.u32 $0x15480, s13  }
0xb8: {  	[spmem:s2] =	stream.indirect.scatter.add.f32 [tilespmem:s30], [sflag:$0x3], $0x80, s16, s26, $0xb8;
	[tilespmem:$0x1E000] =	vst v63  }
0xb9: {  	_ =	swait.ge [sflag:s29], $0x4000  }
0xba: {  	[sflag:s29] =	ssyncset.done $0x0  }
0xbb: {  	[sflag:s29] =	ssyncadd.s32 $0xFFFFC000  }
0xbc: {  	_ =	swait.ge [sflag:s0], $0x4000  }
0xbd: {  	[sflag:s0] =	ssyncset.done $0x0  }
0xbe: {  	s17 =	sor.u32 $0x14580, s13;
	[sflag:s0] =	ssyncadd.s32 $0xFFFFC000  }
0xbf: {  	[tilespmem:s30], [sflag:$0x1] =	stream.indirect.gather [hbm4b:s4+s26], $0x80, s17, s26, $0xb8;
	[tilespmem:$0x1E000] =	vst v63  }
0xc0: {  	s18 =	sor.u32 $0x15500, s13  }
0xc1: {  	[spmem:s2] =	stream.indirect.scatter.add.f32 [tilespmem:s28], [sflag:$0x2], $0x80, s18, s26, $0xb8;
	[tilespmem:$0x1E000] =	vst v63  }
0xc2: {  	_ =	swait.ge [sflag:s29], $0x4000  }
0xc3: {  	[sflag:s29] =	ssyncset.done $0x0  }
0xc4: {  	[sflag:s29] =	ssyncadd.s32 $0xFFFFC000  }
0xc5: {  	_ =	swait.ge [sflag:s31], $0x4000  }
0xc6: {  	[sflag:s31] =	ssyncset.done $0x0  }
0xc7: {  	s15 =	sor.u32 $0x14600, s13;
	[sflag:s31] =	ssyncadd.s32 $0xFFFFC000  }
0xc8: {  	[tilespmem:s28], [sflag:$0x1] =	stream.indirect.gather [hbm4b:s4+s26], $0x80, s15, s26, $0xb8;
	[tilespmem:$0x1E000] =	vst v63  }
0xc9: {  	s16 =	sor.u32 $0x15580, s13  }
0xca: {  	[spmem:s2] =	stream.indirect.scatter.add.f32 [tilespmem:s30], [sflag:$0x3], $0x80, s16, s26, $0xb8;
	[tilespmem:$0x1E000] =	vst v63  }
0xcb: {  	_ =	swait.ge [sflag:s29], $0x4000  }
0xcc: {  	[sflag:s29] =	ssyncset.done $0x0  }
0xcd: {  	[sflag:s29] =	ssyncadd.s32 $0xFFFFC000  }
0xce: {  	_ =	swait.ge [sflag:s0], $0x4000  }
0xcf: {  	[sflag:s0] =	ssyncset.done $0x0  }
0xd0: {  	s17 =	sor.u32 $0x14680, s13;
	[sflag:s0] =	ssyncadd.s32 $0xFFFFC000  }
0xd1: {  	[tilespmem:s30], [sflag:$0x1] =	stream.indirect.gather [hbm4b:s4+s26], $0x80, s17, s26, $0xb8;
	[tilespmem:$0x1E000] =	vst v63  }
0xd2: {  	s18 =	sor.u32 $0x15600, s13  }
0xd3: {  	[spmem:s2] =	stream.indirect.scatter.add.f32 [tilespmem:s28], [sflag:$0x2], $0x80, s18, s26, $0xb8;
	[tilespmem:$0x1E000] =	vst v63  }
0xd4: {  	_ =	swait.ge [sflag:s29], $0x4000  }
0xd5: {  	[sflag:s29] =	ssyncset.done $0x0  }
0xd6: {  	[sflag:s29] =	ssyncadd.s32 $0xFFFFC000  }
0xd7: {  	_ =	swait.ge [sflag:s31], $0x4000  }
0xd8: {  	[sflag:s31] =	ssyncset.done $0x0  }
0xd9: {  	s15 =	sor.u32 $0x14700, s13;
	[sflag:s31] =	ssyncadd.s32 $0xFFFFC000  }
0xda: {  	[tilespmem:s28], [sflag:$0x1] =	stream.indirect.gather [hbm4b:s4+s26], $0x80, s15, s26, $0xb8;
	[tilespmem:$0x1E000] =	vst v63  }
0xdb: {  	s16 =	sor.u32 $0x15680, s13  }
0xdc: {  	[spmem:s2] =	stream.indirect.scatter.add.f32 [tilespmem:s30], [sflag:$0x3], $0x80, s16, s26, $0xb8;
	[tilespmem:$0x1E000] =	vst v63  }
0xdd: {  	_ =	swait.ge [sflag:s29], $0x4000  }
0xde: {  	[sflag:s29] =	ssyncset.done $0x0  }
0xdf: {  	[sflag:s29] =	ssyncadd.s32 $0xFFFFC000  }
0xe0: {  	_ =	swait.ge [sflag:s0], $0x4000  }
0xe1: {  	[sflag:s0] =	ssyncset.done $0x0  }
0xe2: {  	s17 =	sor.u32 $0x14780, s13;
	[sflag:s0] =	ssyncadd.s32 $0xFFFFC000  }
0xe3: {  	[tilespmem:s30], [sflag:$0x1] =	stream.indirect.gather [hbm4b:s4+s26], $0x80, s17, s26, $0xb8;
	[tilespmem:$0x1E000] =	vst v63  }
0xe4: {  	s18 =	sor.u32 $0x15700, s13  }
0xe5: {  	[spmem:s2] =	stream.indirect.scatter.add.f32 [tilespmem:s28], [sflag:$0x2], $0x80, s18, s26, $0xb8;
	[tilespmem:$0x1E000] =	vst v63  }
0xe6: {  	p0 =	sne.s32 s12, $0x4;
	_ =	swait.ge [sflag:s29], $0x4000  }
.Ltmp2:
0xe7: {  	[sflag:s29] =	ssyncset.done $0x0;
	(pc) =	sbr.rel @!p0 .LBB2_3-.Ltmp2, $4  }
0xe8: {  	[sflag:s29] =	ssyncadd.s32 $0xFFFFC000  }
0xe9: {  	_ =	swait.ge [sflag:s31], $0x4000  }
0xea: {  	[sflag:s31] =	ssyncset.done $0x0  }
0xeb: {  	s14 =	sor.u32 $0x780, s13;
	[sflag:s31] =	ssyncadd.s32 $0xFFFFC000  }
0xec: {  	s12 =	sadd.s32 $0x1, s12  }
0xed: {  	p0 =	sne.s32 s12, $0x5  }
.Ltmp3:
0xee: {  	s13 =	sxor.u32 $0x800, s13;
	(pc) =	sbr.rel @p0 .LBB2_2-.Ltmp3, $4  }
.Ltmp4:
0xef: {  	s13 =	sor.u32 $0x14000, s13;
	(pc) =	sbr.rel @!p0 .LBB2_5-.Ltmp4, $4  }
0xf0: {  	[tilespmem:s28], [sflag:$0x1] =	stream.indirect.gather [hbm4b:s4+s26], $0x80, s13, s26, $0xb8;
	[tilespmem:$0x1E000] =	vst v63  }
0xf1: {  	s18 =	sor.u32 $0x15000, s14;
	s21 =	sadd.s32 $0x800, s21  }
0xf2: {  	[spmem:s2] =	stream.indirect.scatter.add.f32 [tilespmem:s30], [sflag:$0x3], $0x80, s18, s26, $0xb8;
	[tilespmem:$0x1E000] =	vst v63  }
0xf3: {  	_ = 	snop  }
.LBB2_6:
0xf4: {  	_ =	sfence.sel $0x180000  }
0xf5: {  	[bflag:$0x0] =	sbarrier.arrive $0xFFFF  }
0xf6: {  	_ =	strace $0x9000004A  }
0xf7: {  	s0 =	stileid.u32;
	[bflag:$0x2] =	sbarrier.arrive $0xFFFF  }
0xf8: {  	p0 =	sne.s32 s0, $0x0;
	s0 =	rddreg [dreg:$0x2]  }
0xf9: {  	s0 =	sadd.s32 @!p0 $0x100000, s0  }
0xfa: {  	[sflag:s0] =	ssyncadd.tile.s32 @!p0 $0x1;
	_ =	shalt  }
.Lfunc_end2:
_tile_overlayer_lowered:
.L_overlay_start_2:
0xfb: {  	(tag) =	ssettag $0x2  }
0xfc: {  	s0 =	rddreg [dreg:$0x0];
	s2 =	stileid.u32  }
0xfd: {  	s1 =	rddreg [dreg:$0x1];
	p0 =	sne.s32 s2, $0x0  }
0xfe: {  	s3 =	rddreg [dreg:$0x2];
	[bflag:$0x3] =	sbarrier.arrive $0xFFFF;
	s2 =	simm.s32 @!p0 $0x1C01  }
0xff: {  	[timem:s3], [sflag:s2] =	dma.local @!p0 [hbm:s0], s1  }
0x100: {  	s0 =	simm.s32 @!p0 $0x1  }
0x101: {  	_ =	swait.ge @!p0 [sflag:s0], s1  }
0x102: {  	s1 =	ssub.s32 @!p0 $0x0, s1;
	[sflag:s0] =	ssyncset.done @!p0 $0x0  }
0x103: {  	[sflag:s0] =	ssyncadd.s32 @!p0 s1  }
0x104: {  	[bflag:$0x3] =	sbarrier.arrive $0xFFFF  }
0x105: {  	_ =	shalt  }

// kernel: kernel.15.cloned.1.call-start
scs
__scs_entry_jumppad:
0x0: {  	(pc) =	sbr.rel $0x88, $3  }
0x1: {  	(tag) =	ssettag $0x0;
	lr =	simm.s32 $0x1  }
0x2: {  	[smem:$0x3F8B] =	sst lr;
	_ =	strace $0xD0000000  }
0x3: {  	_ = 	snop  }
0x4: {  	_ = 	snop  }
0x5: {  	_ = 	snop  }
0x6: {  	_ = 	snop  }
0x7: {  	_ = 	snop  }
__scs_overlays_trampoline_lowered:
0x8: {  	[smem:$0x3F9A] =	sst s0  }
0x9: {  	[smem:$0x3F9B] =	sst s1  }
0xa: {  	[smem:$0x3F9C] =	sst s2  }
0xb: {  	[smem:$0x3F9D] =	sst s3  }
0xc: {  	[smem:$0x3F9E] =	sst s4  }
0xd: {  	[smem:$0x3F9F] =	sst s5  }
0xe: {  	[smem:$0x3FA0] =	sst s6  }
0xf: {  	[smem:$0x3FA1] =	sst s7  }
0x10: {  	[smem:$0x3FA2] =	sst s8  }
0x11: {  	[smem:$0x3FA3] =	sst s9;
	s0 =	simm.s32 @!p0 $0x0  }
0x12: {  	s1 =	sld [smem:$0x3F89];
	s0 =	simm.s32 @p0 $0x1  }
0x13: {  	[smem:$0x3FA4] =	sst s0;
	s0 =	simm.s32 @!p1 $0x0  }
0x14: {  	s2 =	sld [smem:$0x3F88];
	s0 =	simm.s32 @p1 $0x1  }
0x15: {  	[smem:$0x3FA5] =	sst s0;
	s0 =	simm.s32 @!p2 $0x0  }
0x16: {  	s3 =	sld [smem:$0x3FDB];
	s0 =	simm.s32 @p2 $0x1  }
0x17: {  	s4 =	simm.s32 $0x1BF5;
	[smem:$0x3FA7] =	sst s0  }
0x18: {  	s0 =	sld [smem:$0x3F8A];
	_ =	swait.ge [sflag:s4], $0x0  }
0x19: {  	s7 =	sld [smem:$0x3F8B]  }
0x1a: {  	s8 =	sadd.s32 $0xFFFFE003, lr  }
0x1b: {  	s9 =	sadd.s32 $0xFFFFFEF7, lr;
	s5 =	simm.s32 $0xFFFFFFFF;
	p2 =	slt.u32 s8, $0xFFFFF086  }
0x1c: {  	p1 =	slt.u32 s9, $0xF7A;
	s5 =	simm.s32 @!p2 $0x0  }
0x1d: {  	s5 =	simm.s32 @p1 $0x1;
	p0 =	seq.s32 s7, s2  }
0x1e: {  	s7 =	smul.u32 @!p0 $0xF7A, s2;
	p2 =	seq.s32 @!p0 s5, $0x0  }
0x1f: {  	s9 =	smul.u32 $0xF7A, s1;
	s8 =	simm.s32 @!p0 $0x1BF5;
	p2 =	por !p2, p0  }
0x20: {  	[sflag:s8] =	ssyncset.s32 @!p0 $0xFFFFF086;
	s6 =	sadd.s32 @!p0 s3, s7;
	s7 =	simm.s32 @!p0 $0x108  }
0x21: {  	s3 =	sadd.s32 s3, s9;
	s6 =	sadd.s32 @!p0 $0x88, s6;
	s7 =	simm.s32 @p2 $0x1082  }
0x22: {  	[simem:s7], [sflag:s8] =	dma.local @!p0 [hbm:s6], $0xF7A  }
0x23: {  	s9 =	sor.u32 $0xD0000000, s2;
	s6 =	simm.s32 $0x108;
	_ =	swait.ge @!p0 [sflag:s8], $0x0  }
0x24: {  	s3 =	sadd.s32 $0x88, s3;
	s6 =	simm.s32 @!p1 $0x1082;
	[sflag:s4] =	ssyncset.s32 $0xFFFFF086  }
0x25: {  	[simem:s6], [sflag:s4] =	dma.local [hbm:s3], $0xF7A  }
0x26: {  	[smem:$0x3F8B] =	sst s1;
	(tag) =	ssettag s2;
	_ =	strace s9  }
0x27: {  	s1 =	sld [smem:$0x3F9B]  }
0x28: {  	s2 =	sld [smem:$0x3F9C]  }
0x29: {  	s4 =	sld [smem:$0x3F9E]  }
0x2a: {  	p0 =	seq.s32 s5, $0x0;
	s5 =	sld [smem:$0x3F9F]  }
0x2b: {  	s6 =	sld [smem:$0x3FA0]  }
0x2c: {  	s7 =	sld [smem:$0x3FA1]  }
0x2d: {  	s3 =	simm.s32 $0x108;
	s8 =	sld [smem:$0x3FA2]  }
0x2e: {  	s3 =	simm.s32 @!p0 $0x1082;
	s9 =	sld [smem:$0x3FA3]  }
0x2f: {  	lr =	sadd.s32 s0, s3;
	s0 =	sld [smem:$0x3F9A]  }
0x30: {  	s3 =	sld [smem:$0x3F9D]  }
0x31: {  	[smem:$0x3FA6] =	sst s10  }
0x32: {  	s10 =	sld [smem:$0x3FA4];
	_ =	sdelay $0x3  }
0x33: {  	p0 =	seq.s32 s10, $0x1;
	s10 =	sld [smem:$0x3FA6];
	_ =	sdelay $0x3  }
0x34: {  	[smem:$0x3FA6] =	sst s10  }
0x35: {  	s10 =	sld [smem:$0x3FA5];
	_ =	sdelay $0x3  }
0x36: {  	p1 =	seq.s32 s10, $0x1;
	s10 =	sld [smem:$0x3FA6];
	_ =	sdelay $0x3  }
0x37: {  	[smem:$0x3FA6] =	sst s10  }
0x38: {  	s10 =	sld [smem:$0x3FA7]  }
0x39: {  	_ = 	snop;
	(pc) =	sbr.ind lr, $3  }
0x3a: {  	_ = 	snop  }
0x3b: {  	_ = 	snop  }
0x3c: {  	p2 =	seq.s32 s10, $0x1;
	s10 =	sld [smem:$0x3FA6]  }
0x3d: {  	_ =	shalt  }
0x3e: {  	_ =	shalt  }
0x3f: {  	_ =	shalt  }
0x40: {  	_ =	shalt  }
0x41: {  	_ =	shalt  }
0x42: {  	_ =	shalt  }
0x43: {  	_ =	shalt  }
0x44: {  	_ =	shalt  }
0x45: {  	_ =	shalt  }
0x46: {  	_ =	shalt  }
0x47: {  	_ =	shalt  }
0x48: {  	_ =	shalt  }
0x49: {  	_ =	shalt  }
0x4a: {  	_ =	shalt  }
0x4b: {  	_ =	shalt  }
0x4c: {  	_ =	shalt  }
0x4d: {  	_ =	shalt  }
0x4e: {  	_ =	shalt  }
0x4f: {  	_ =	shalt  }
0x50: {  	_ =	shalt  }
0x51: {  	_ =	shalt  }
0x52: {  	_ =	shalt  }
0x53: {  	_ =	shalt  }
0x54: {  	_ =	shalt  }
0x55: {  	_ =	shalt  }
0x56: {  	_ =	shalt  }
0x57: {  	_ =	shalt  }
0x58: {  	_ =	shalt  }
0x59: {  	_ =	shalt  }
0x5a: {  	_ =	shalt  }
0x5b: {  	_ =	shalt  }
0x5c: {  	_ =	shalt  }
0x5d: {  	_ =	shalt  }
0x5e: {  	_ =	shalt  }
0x5f: {  	_ =	shalt  }
0x60: {  	_ =	shalt  }
0x61: {  	_ =	shalt  }
0x62: {  	_ =	shalt  }
0x63: {  	_ =	shalt  }
0x64: {  	_ =	shalt  }
0x65: {  	_ =	shalt  }
0x66: {  	_ =	shalt  }
0x67: {  	_ =	shalt  }
0x68: {  	_ =	shalt  }
0x69: {  	_ =	shalt  }
0x6a: {  	_ =	shalt  }
0x6b: {  	_ =	shalt  }
0x6c: {  	_ =	shalt  }
0x6d: {  	_ =	shalt  }
0x6e: {  	_ =	shalt  }
0x6f: {  	_ =	shalt  }
0x70: {  	_ =	shalt  }
0x71: {  	_ =	shalt  }
0x72: {  	_ =	shalt  }
0x73: {  	_ =	shalt  }
0x74: {  	_ =	shalt  }
0x75: {  	_ =	shalt  }
0x76: {  	_ =	shalt  }
0x77: {  	_ =	shalt  }
0x78: {  	_ =	shalt  }
0x79: {  	_ =	shalt  }
0x7a: {  	_ =	shalt  }
0x7b: {  	_ =	shalt  }
0x7c: {  	_ =	shalt  }
0x7d: {  	_ =	shalt  }
0x7e: {  	_ =	shalt  }
0x7f: {  	_ =	shalt  }
0x80: {  	_ =	shalt  }
0x81: {  	_ =	shalt  }
0x82: {  	_ =	shalt  }
0x83: {  	_ =	shalt  }
0x84: {  	_ =	shalt  }
0x85: {  	_ =	shalt  }
0x86: {  	_ =	shalt  }
0x87: {  	_ =	shalt  }
.Lfunc_end0:
.L_simem_size_0:
called_computation.2_lowered:
.L_overlay_start_0:
0x88: {  	s2 =	sld [smem:$0x3FD9]  }
0x89: {  	s3 =	sld [smem:$0x3FFE];
	_ =	sdelay $0x1  }
0x8a: {  	s1 =	srdreg.scid  }
0x8b: {  	s0 =	sand.u32 $0x1, s1  }
0x8c: {  	s16 =	sshll.u32 s0, $0xA;
	s2 =	sadd.s32 s3, s2  }
0x8d: {  	s2 =	sadd.s32 s2, s16  }
0x8e: {  	[smem:$0x3FB2] =	sst s2  }
0x8f: {  	_ = 	snop  }
0x90: {  	(tm) =	ssettm $0x1  }
0x91: {  	s17 =	sld [smem:$0x3FFB];
	_ =	sdelay $0x3  }
0x92: {  	_ =	strace s17  }
0x93: {  	s2 =	sld [smem:$0x3FFC];
	_ =	sdelay $0x3  }
0x94: {  	_ =	strace s2  }
0x95: {  	s2 =	sld [smem:$0x3FFD];
	_ =	sdelay $0x3  }
0x96: {  	_ =	strace s2  }
0x97: {  	_ =	strace $0x8FFFFFFF  }
0x98: {  	s18 =	sld [smem:$0x3FDB];
	_ =	sdelay $0x1  }
0x99: {  	s19 =	simm.s32 $_scs_section_size  }
0x9a: {  	s4 =	simm.s32 $_size__tile_overlayer_lowered;
	s5 =	simm.s32 $_tile_overlayer_lowered  }
0x9b: {  	s22 =	simm.s32 $0x1BFF;
	s21 =	sshll.u32 s5, $0x1;
	s2 =	sadd.s32 s19, s18  }
0x9c: {  	s6 =	simm.s32 $0x0;
	s20 =	sshll.u32 s4, $0x1;
	s4 =	sadd.s32 s21, s2  }
0x9d: {  	[timem:s6], [sflag:s22] =	dma.local [hbm:s4], s20  }
0x9e: {  	_ =	swait.ge [sflag:s22], s20  }
0x9f: {  	s3 =	ssub.s32 $0x0, s20;
	[sflag:s22] =	ssyncset.done $0x0  }
0xa0: {  	[sflag:s22] =	ssyncadd.s32 s3;
	_ =	sdelay $0x1  }
0xa1: {  	s23 =	simm.s32 $0x1B8B  }
0xa2: {  	_ =	swait.ge [sflag:s23], $0x1  }
0xa3: {  	[sflag:s23] =	ssyncset.done $0x0  }
0xa4: {  	s25 =	simm.s32 $0x1B8E;
	s24 =	sld [smem:$0x3FFE];
	[sflag:s23] =	ssyncadd.s32 $0xFFFFFFFF  }
0xa5: {  	s26 =	simm.s32 $execute0_lowered;
	[smem:$0x3FD2] =	sst s25  }
0xa6: {  	s4 =	sshll.u32 s26, $0x1;
	_ =	strace $0x8000004C;
	[dreg:$0x1] =	wrdreg $0xFFFFFFFF  }
0xa7: {  	s28 =	simm.s32 $_size_execute0_lowered;
	s2 =	sadd.s32 s2, s4;
	[dreg:$0x0] =	wrdreg $0x0  }
0xa8: {  	s4 =	sshll.u32 s28, $0x1;
	[dreg:$0x2] =	wrdreg s2  }
0xa9: {  	[dreg:$0x3] =	wrdreg s4  }
0xaa: {  	[dreg:$0x4] =	wrdreg $0xC0  }
0xab: {  	_ =	task [dreg:s6], $0x5FFFF  }
0xac: {  	[dreg:$0x1] =	wrdreg $0xFFFFFFFF  }
0xad: {  	[dreg:$0x0] =	wrdreg $0x60  }
0xae: {  	[dreg:$0x2] =	wrdreg s24  }
0xaf: {  	[dreg:$0x3] =	wrdreg $0x0  }
0xb0: {  	[dreg:$0x4] =	wrdreg $0x9  }
0xb1: {  	_ =	task.clear_ibuf [dreg:s6], $0x5FFFF;
	_ =	strace $0x9000004C  }
0xb2: {  	s29 =	simm.s32 $0x9;
	_ =	strace $0x8000004E  }
0xb3: {  	_ =	swait.ge [sflag:s29], $0x1  }
0xb4: {  	[sflag:s29] =	ssyncadd.s32 $0xFFFFFFFF  }
0xb5: {  	_ =	strace $0x9000004E  }
0xb6: {  	_ =	sfence  }
0xb7: {  	s30 =	sld [smem:$0x0];
	_ =	sdelay $0x2  }
0xb8: {  	s31 =	sshll.u32 s1, $0xD;
	s1 =	sshrl.u32 s1, $0x2  }
0xb9: {  	s3 =	sand.u32 $0x4000, s31;
	s1 =	sadd.s32 s1, s30  }
0xba: {  	s0 =	sor.u32 s3, s0;
	s1 =	sshll.u32 s1, $0x11  }
0xbb: {  	s0 =	sor.u32 s1, s0  }
0xbc: {  	s0 =	sadd.s32 $0x8F2B, s0  }
0xbd: {  	[sflag:s0] =	ssyncadd.remote.s32 $0x1  }
0xbe: {  	_ =	sfence.sel $0xFFFF  }
0xbf: {  	[dreg:$0x0] =	wrdreg $0xFFFFFFFF;
	(pc) =	sbr.abs _section_cstart, $3  }
0xc0: {  	[dreg:$0x1] =	wrdreg $0xFFFFFFFF  }
0xc1: {  	_ =	task.clear_ibuf [dreg:s6], $0x2FFFF;
	_ =	strace $0x9FFFFFFF  }
0xc2: {  	(tm) =	ssettm $0x7FFFFFFF  }
0xc3: {  	_ =	shalt  }
tec
execute0_lowered:
.L_overlay_start_1:
0x0: {  	(tag) =	ssettag $0x1  }
0x1: {  	s0 =	rddreg [dreg:$0x0]  }
0x2: {  	s2 =	rddreg [dreg:$0x1]  }
0x3: {  	s1 =	srdreg.scid;
	s12 =	stileid.u32;
	s4 =	simm.s32 $0x0  }
0x4: {  	s28 =	simm.s32 $0x16000;
	s29 =	simm.s32 $0x1;
	s30 =	simm.s32 $0x1A000  }
0x5: {  	s31 =	simm.s32 $0x2;
	s1 =	sand.u32 $0x1, s1;
	s3 =	smul.u32 $0x280, s12  }
0x6: {  	[smem:$0x7FF] =	sst s4;
	s4 =	sadd.s32 $0x22200, s0;
	s5 =	sadd.s32 $0xE200, s0  }
0x7: {  	s6 =	sadd.s32 $0x18200, s0;
	s7 =	sadd.s32 $0x4200, s0;
	s11 =	smul.u32 $0x50000, s12  }
0x8: {  	s10 =	sshll.u32 s12, $0x1;
	s15 =	sshll.u32 s12, $0x6;
	s22 =	smul.u32 $0x5000, s12  }
0x9: {  	s9 =	smul.u32 $0x2800, s1;
	_ =	strace $0x8000004D;
	s8 =	ssub.s32 $0x2, s1  }
0xa: {  	s1 =	sor.u32 s1, s10;
	s13 =	sshrl.u32 s8, $0x1;
	s14 =	sshrl.u32 s11, $0x2  }
0xb: {  	s1 =	smul.u32 $0x2800, s1;
	s3 =	sadd.s32 s3, s9;
	s10 =	sadd.s32 s14, s2  }
0xc: {  	s26 =	sadd.s32 s9, s22;
	s3 =	sshll.u32 s3, $0x4;
	s16 =	sadd.s32 $0x4000, s10  }
0xd: {  	s17 =	sadd.s32 $0x8000, s10;
	s1 =	sshrl.u32 s1, $0x3;
	[dreg:$0x3] =	wrdreg s16  }
0xe: {  	s18 =	sadd.s32 $0xC000, s10;
	s19 =	sadd.s32 $0x10000, s10;
	[dreg:$0x4] =	wrdreg s17  }
0xf: {  	s11 =	sadd.s32 $0x800, s26;
	s22 =	sshrl.u32 s10, $0x3;
	[dreg:$0x5] =	wrdreg s18  }
0x10: {  	s26 =	simm.s32 $0x80;
	[dreg:$0x6] =	wrdreg s19;
	s20 =	sadd.s32 s5, s1  }
0x11: {  	s0 =	sadd.s32 s3, s0;
	s1 =	sadd.s32 s6, s1;
	[dreg:$0x7] =	wrdreg s20  }
0x12: {  	s3 =	ssub.s32 s8, s13;
	s8 =	sor.u32 $0x1C04, s15;
	[dreg:$0x8] =	wrdreg s1  }
.Ltmp0:
0x13: {  	s21 =	sadd.s32 $0x49400, s0;
	s23 =	sadd.s32 $0x49C00, s0;
	(pc) =	sbr.rel .LBB2_1-.Ltmp0, $4  }
0x14: {  	s24 =	sadd.s32 $0x4A400, s0;
	s25 =	sadd.s32 $0x4AC00, s0;
	[dreg:$0x9] =	wrdreg s21  }
0x15: {  	s19 =	sadd.s32 $0x4B400, s0;
	s20 =	smax.u32 s3, $0x1;
	[dreg:$0xa] =	wrdreg s23  }
0x16: {  	s0 =	simm.s32 $0x3;
	s1 =	simm.s32 $0x0;
	[dreg:$0xb] =	wrdreg s24  }
0x17: {  	[dreg:$0xc] =	wrdreg s25;
	s23 =	simm.s32 $0x4;
	s24 =	simm.s32 $0x14000  }
.LBB2_3:
0x18: {  	s12 =	sor.u32 $0x15000, s14  }
0x19: {  	[spmem:s2] =	stream.indirect.scatter.add.f32 [tilespmem:s30], [sflag:$0x3], $0x80, s12, s26, $0xb8;
	[tilespmem:$0x1E000] =	vst v63  }
.LBB2_5:
0x1a: {  	_ =	swait.ge [sflag:s0], $0x4000  }
0x1b: {  	[sflag:s0] =	ssyncset.done $0x0  }
0x1c: {  	[sflag:s0] =	ssyncadd.s32 $0xFFFFC000  }
0x1d: {  	[bflag:$0x0] =	sbarrier.arrive $0xFFFF  }
0x1e: {  	s12 =	rddreg [dreg:$0x9]  }
0x1f: {  	[hbm:s12], [sflag:s8] =	dma.local [spmem:s22], $0x800  }
0x20: {  	_ =	swait.ge [sflag:s23], $0x800  }
0x21: {  	[sflag:s23] =	ssyncset.done $0x0  }
0x22: {  	s18 =	rddreg [dreg:$0xa];
	[sflag:s23] =	ssyncadd.s32 $0xFFFFF800  }
0x23: {  	[hbm:s18], [sflag:s8] =	dma.local [spmem:s25], $0x800  }
0x24: {  	_ =	swait.ge [sflag:s23], $0x800  }
0x25: {  	[sflag:s23] =	ssyncset.done $0x0  }
0x26: {  	s21 =	rddreg [dreg:$0xb];
	[sflag:s23] =	ssyncadd.s32 $0xFFFFF800  }
0x27: {  	[hbm:s21], [sflag:s8] =	dma.local [spmem:s3], $0x800  }
0x28: {  	_ =	swait.ge [sflag:s23], $0x800  }
0x29: {  	[sflag:s23] =	ssyncset.done $0x0  }
0x2a: {  	s25 =	rddreg [dreg:$0xc];
	[sflag:s23] =	ssyncadd.s32 $0xFFFFF800  }
0x2b: {  	[hbm:s25], [sflag:s8] =	dma.local [spmem:s9], $0x800  }
0x2c: {  	s1 =	sadd.s32 $0x1, s1;
	_ =	swait.ge [sflag:s23], $0x800  }
0x2d: {  	p0 =	sne.s32 s1, s20;
	[sflag:s23] =	ssyncset.done $0x0  }
.Ltmp1:
0x2e: {  	[sflag:s23] =	ssyncadd.s32 $0xFFFFF800;
	(pc) =	sbr.rel @!p0 .LBB2_6-.Ltmp1, $4  }
0x2f: {  	[hbm:s19], [sflag:s8] =	dma.local [spmem:s10], $0x800  }
0x30: {  	_ =	swait.ge [sflag:s23], $0x800  }
0x31: {  	[sflag:s23] =	ssyncset.done $0x0  }
0x32: {  	[sflag:s23] =	ssyncadd.s32 $0xFFFFF800  }
.LBB2_1:
0x33: {  	[spmem:s22], [sflag:s8] =	dma.local [hbm:s7], $0x800  }
0x34: {  	_ =	swait.ge [sflag:s23], $0x800  }
0x35: {  	[sflag:s23] =	ssyncset.done $0x0;
	s3 =	rddreg [dreg:$0x3]  }
0x36: {  	[sflag:s23] =	ssyncadd.s32 $0xFFFFF800;
	s25 =	sshrl.u32 s3, $0x3  }
0x37: {  	[spmem:s25], [sflag:s8] =	dma.local [hbm:s7], $0x800  }
0x38: {  	_ =	swait.ge [sflag:s23], $0x800  }
0x39: {  	[sflag:s23] =	ssyncset.done $0x0;
	s18 =	rddreg [dreg:$0x4]  }
0x3a: {  	[sflag:s23] =	ssyncadd.s32 $0xFFFFF800;
	s3 =	sshrl.u32 s18, $0x3  }
0x3b: {  	[spmem:s3], [sflag:s8] =	dma.local [hbm:s7], $0x800  }
0x3c: {  	_ =	swait.ge [sflag:s23], $0x800  }
0x3d: {  	[sflag:s23] =	ssyncset.done $0x0;
	s9 =	rddreg [dreg:$0x5]  }
0x3e: {  	[sflag:s23] =	ssyncadd.s32 $0xFFFFF800;
	s9 =	sshrl.u32 s9, $0x3  }
0x3f: {  	[spmem:s9], [sflag:s8] =	dma.local [hbm:s7], $0x800  }
0x40: {  	_ =	swait.ge [sflag:s23], $0x800  }
0x41: {  	[sflag:s23] =	ssyncset.done $0x0;
	s10 =	rddreg [dreg:$0x6]  }
0x42: {  	[sflag:s23] =	ssyncadd.s32 $0xFFFFF800;
	s10 =	sshrl.u32 s10, $0x3  }
0x43: {  	[spmem:s10], [sflag:s8] =	dma.local [hbm:s7], $0x800  }
0x44: {  	_ =	swait.ge [sflag:s23], $0x800  }
0x45: {  	[sflag:s23] =	ssyncset.done $0x0  }
0x46: {  	[sflag:s23] =	ssyncadd.s32 $0xFFFFF800  }
0x47: {  	[bflag:$0x0] =	sbarrier.arrive $0xFFFF  }
0x48: {  	s12 =	simm.s32 $0x0;
	s13 =	rddreg [dreg:$0x7]  }
0x49: {  	[tilespmem:s24], [sflag:$0x4] =	stream.linear.gather [hbm4b:s13+s12], $0x800, $0x38;
	[tilespmem:$0x1E000] =	vst v63  }
0x4a: {  	_ =	swait.ge [sflag:s23], $0x800  }
0x4b: {  	[sflag:s23] =	ssyncset.done $0x0  }
0x4c: {  	s14 =	simm.s32 $0x15000;
	s21 =	rddreg [dreg:$0x8];
	[sflag:s23] =	ssyncadd.s32 $0xFFFFF800  }
0x4d: {  	[tilespmem:s14], [sflag:$0x4] =	stream.linear.gather [hbm4b:s21+s12], $0x800, $0x38;
	[tilespmem:$0x1E000] =	vst v63  }
0x4e: {  	_ =	swait.ge [sflag:s23], $0x800  }
0x4f: {  	[sflag:s23] =	ssyncset.done $0x0  }
0x50: {  	s21 =	smov.u32 s11;
	s12 =	simm.s32 $0x0;
	[sflag:s23] =	ssyncadd.s32 $0xFFFFF800  }
0x51: {  	[tilespmem:s28], [sflag:$0x1] =	stream.indirect.gather [hbm4b:s4+s26], $0x80, s24, s26, $0xb8;
	[tilespmem:$0x1E000] =	vst v63  }
.LBB2_2:
0x52: {  	s13 =	sand.u32 $0x1, s12;
	p0 =	seq.s32 s12, $0x4  }
0x53: {  	s14 =	sshll.u32 @!p0 s13, $0xB  }
0x54: {  	s15 =	sshrl.u32 @!p0 s21, $0x3;
	s14 =	sxor.u32 @!p0 $0x800, s14  }
0x55: {  	s18 =	simm.s32 @!p0 $0x0;
	s17 =	sadd.s32 @!p0 s5, s15;
	s16 =	sor.u32 @!p0 $0x14000, s14  }
0x56: {  	[tilespmem:s16], [sflag:$0x4] =	stream.linear.gather @!p0 [hbm4b:s17+s18], $0x800, $0x38;
	[tilespmem:$0x1E000] =	vst v63  }
0x57: {  	s16 =	simm.s32 @!p0 $0x4  }
0x58: {  	_ =	swait.ge @!p0 [sflag:s16], $0x800  }
0x59: {  	[sflag:s16] =	ssyncset.done @!p0 $0x0  }
0x5a: {  	s15 =	sadd.s32 @!p0 s6, s15;
	s14 =	sor.u32 @!p0 $0x15000, s14;
	[sflag:s16] =	ssyncadd.s32 @!p0 $0xFFFFF800  }
0x5b: {  	[tilespmem:s14], [sflag:$0x4] =	stream.linear.gather @!p0 [hbm4b:s15+s18], $0x800, $0x38;
	[tilespmem:$0x1E000] =	vst v63  }
0x5c: {  	_ =	swait.ge @!p0 [sflag:s16], $0x800  }
0x5d: {  	[sflag:s16] =	ssyncset.done @!p0 $0x0  }
0x5e: {  	[sflag:s16] =	ssyncadd.s32 @!p0 $0xFFFFF800  }
0x5f: {  	_ =	swait.ge [sflag:s29], $0x4000  }
0x60: {  	p0 =	seq.s32 s12, $0x0;
	[sflag:s29] =	ssyncset.done $0x0  }
0x61: {  	s14 =	simm.s32 @!p0 $0x3;
	[sflag:s29] =	ssyncadd.s32 $0xFFFFC000  }
0x62: {  	_ =	swait.ge @!p0 [sflag:s14], $0x4000  }
0x63: {  	s13 =	sshll.u32 s13, $0xB;
	[sflag:s14] =	ssyncset.done @!p0 $0x0  }
0x64: {  	s17 =	sor.u32 $0x14080, s13;
	[sflag:s14] =	ssyncadd.s32 @!p0 $0xFFFFC000  }
0x65: {  	[tilespmem:s30], [sflag:$0x1] =	stream.indirect.gather [hbm4b:s4+s26], $0x80, s17, s26, $0xb8;
	[tilespmem:$0x1E000] =	vst v63  }
0x66: {  	s18 =	sor.u32 $0x15000, s13  }
0x67: {  	[spmem:s2] =	stream.indirect.scatter.add.f32 [tilespmem:s28], [sflag:$0x2], $0x80, s18, s26, $0xb8;
	[tilespmem:$0x1E000] =	vst v63  }
0x68: {  	_ =	swait.ge [sflag:s29], $0x4000  }
0x69: {  	[sflag:s29] =	ssyncset.done $0x0  }
0x6a: {  	[sflag:s29] =	ssyncadd.s32 $0xFFFFC000  }
0x6b: {  	_ =	swait.ge [sflag:s31], $0x4000  }
0x6c: {  	[sflag:s31] =	ssyncset.done $0x0  }
0x6d: {  	s15 =	sor.u32 $0x14100, s13;
	[sflag:s31] =	ssyncadd.s32 $0xFFFFC000  }
0x6e: {  	[tilespmem:s28], [sflag:$0x1] =	stream.indirect.gather [hbm4b:s4+s26], $0x80, s15, s26, $0xb8;
	[tilespmem:$0x1E000] =	vst v63  }
0x6f: {  	s16 =	sor.u32 $0x15080, s13  }
0x70: {  	[spmem:s2] =	stream.indirect.scatter.add.f32 [tilespmem:s30], [sflag:$0x3], $0x80, s16, s26, $0xb8;
	[tilespmem:$0x1E000] =	vst v63  }
0x71: {  	_ =	swait.ge [sflag:s29], $0x4000  }
0x72: {  	[sflag:s29] =	ssyncset.done $0x0  }
0x73: {  	[sflag:s29] =	ssyncadd.s32 $0xFFFFC000  }
0x74: {  	_ =	swait.ge [sflag:s0], $0x4000  }
0x75: {  	[sflag:s0] =	ssyncset.done $0x0  }
0x76: {  	s17 =	sor.u32 $0x14180, s13;
	[sflag:s0] =	ssyncadd.s32 $0xFFFFC000  }
0x77: {  	[tilespmem:s30], [sflag:$0x1] =	stream.indirect.gather [hbm4b:s4+s26], $0x80, s17, s26, $0xb8;
	[tilespmem:$0x1E000] =	vst v63  }
0x78: {  	s18 =	sor.u32 $0x15100, s13  }
0x79: {  	[spmem:s2] =	stream.indirect.scatter.add.f32 [tilespmem:s28], [sflag:$0x2], $0x80, s18, s26, $0xb8;
	[tilespmem:$0x1E000] =	vst v63  }
0x7a: {  	_ =	swait.ge [sflag:s29], $0x4000  }
0x7b: {  	[sflag:s29] =	ssyncset.done $0x0  }
0x7c: {  	[sflag:s29] =	ssyncadd.s32 $0xFFFFC000  }
0x7d: {  	_ =	swait.ge [sflag:s31], $0x4000  }
0x7e: {  	[sflag:s31] =	ssyncset.done $0x0  }
0x7f: {  	s15 =	sor.u32 $0x14200, s13;
	[sflag:s31] =	ssyncadd.s32 $0xFFFFC000  }
0x80: {  	[tilespmem:s28], [sflag:$0x1] =	stream.indirect.gather [hbm4b:s4+s26], $0x80, s15, s26, $0xb8;
	[tilespmem:$0x1E000] =	vst v63  }
0x81: {  	s16 =	sor.u32 $0x15180, s13  }
0x82: {  	[spmem:s2] =	stream.indirect.scatter.add.f32 [tilespmem:s30], [sflag:$0x3], $0x80, s16, s26, $0xb8;
	[tilespmem:$0x1E000] =	vst v63  }
0x83: {  	_ =	swait.ge [sflag:s29], $0x4000  }
0x84: {  	[sflag:s29] =	ssyncset.done $0x0  }
0x85: {  	[sflag:s29] =	ssyncadd.s32 $0xFFFFC000  }
0x86: {  	_ =	swait.ge [sflag:s0], $0x4000  }
0x87: {  	[sflag:s0] =	ssyncset.done $0x0  }
0x88: {  	s17 =	sor.u32 $0x14280, s13;
	[sflag:s0] =	ssyncadd.s32 $0xFFFFC000  }
0x89: {  	[tilespmem:s30], [sflag:$0x1] =	stream.indirect.gather [hbm4b:s4+s26], $0x80, s17, s26, $0xb8;
	[tilespmem:$0x1E000] =	vst v63  }
0x8a: {  	s18 =	sor.u32 $0x15200, s13  }
0x8b: {  	[spmem:s2] =	stream.indirect.scatter.add.f32 [tilespmem:s28], [sflag:$0x2], $0x80, s18, s26, $0xb8;
	[tilespmem:$0x1E000] =	vst v63  }
0x8c: {  	_ =	swait.ge [sflag:s29], $0x4000  }
0x8d: {  	[sflag:s29] =	ssyncset.done $0x0  }
0x8e: {  	[sflag:s29] =	ssyncadd.s32 $0xFFFFC000  }
0x8f: {  	_ =	swait.ge [sflag:s31], $0x4000  }
0x90: {  	[sflag:s31] =	ssyncset.done $0x0  }
0x91: {  	s15 =	sor.u32 $0x14300, s13;
	[sflag:s31] =	ssyncadd.s32 $0xFFFFC000  }
0x92: {  	[tilespmem:s28], [sflag:$0x1] =	stream.indirect.gather [hbm4b:s4+s26], $0x80, s15, s26, $0xb8;
	[tilespmem:$0x1E000] =	vst v63  }
0x93: {  	s16 =	sor.u32 $0x15280, s13  }
0x94: {  	[spmem:s2] =	stream.indirect.scatter.add.f32 [tilespmem:s30], [sflag:$0x3], $0x80, s16, s26, $0xb8;
	[tilespmem:$0x1E000] =	vst v63  }
0x95: {  	_ =	swait.ge [sflag:s29], $0x4000  }
0x96: {  	[sflag:s29] =	ssyncset.done $0x0  }
0x97: {  	[sflag:s29] =	ssyncadd.s32 $0xFFFFC000  }
0x98: {  	_ =	swait.ge [sflag:s0], $0x4000  }
0x99: {  	[sflag:s0] =	ssyncset.done $0x0  }
0x9a: {  	s17 =	sor.u32 $0x14380, s13;
	[sflag:s0] =	ssyncadd.s32 $0xFFFFC000  }
0x9b: {  	[tilespmem:s30], [sflag:$0x1] =	stream.indirect.gather [hbm4b:s4+s26], $0x80, s17, s26, $0xb8;
	[tilespmem:$0x1E000] =	vst v63  }
0x9c: {  	s18 =	sor.u32 $0x15300, s13  }
0x9d: {  	[spmem:s2] =	stream.indirect.scatter.add.f32 [tilespmem:s28], [sflag:$0x2], $0x80, s18, s26, $0xb8;
	[tilespmem:$0x1E000] =	vst v63  }
0x9e: {  	_ =	swait.ge [sflag:s29], $0x4000  }
0x9f: {  	[sflag:s29] =	ssyncset.done $0x0  }
0xa0: {  	[sflag:s29] =	ssyncadd.s32 $0xFFFFC000  }
0xa1: {  	_ =	swait.ge [sflag:s31], $0x4000  }
0xa2: {  	[sflag:s31] =	ssyncset.done $0x0  }
0xa3: {  	s15 =	sor.u32 $0x14400, s13;
	[sflag:s31] =	ssyncadd.s32 $0xFFFFC000  }
0xa4: {  	[tilespmem:s28], [sflag:$0x1] =	stream.indirect.gather [hbm4b:s4+s26], $0x80, s15, s26, $0xb8;
	[tilespmem:$0x1E000] =	vst v63  }
0xa5: {  	s16 =	sor.u32 $0x15380, s13  }
0xa6: {  	[spmem:s2] =	stream.indirect.scatter.add.f32 [tilespmem:s30], [sflag:$0x3], $0x80, s16, s26, $0xb8;
	[tilespmem:$0x1E000] =	vst v63  }
0xa7: {  	_ =	swait.ge [sflag:s29], $0x4000  }
0xa8: {  	[sflag:s29] =	ssyncset.done $0x0  }
0xa9: {  	[sflag:s29] =	ssyncadd.s32 $0xFFFFC000  }
0xaa: {  	_ =	swait.ge [sflag:s0], $0x4000  }
0xab: {  	[sflag:s0] =	ssyncset.done $0x0  }
0xac: {  	s17 =	sor.u32 $0x14480, s13;
	[sflag:s0] =	ssyncadd.s32 $0xFFFFC000  }
0xad: {  	[tilespmem:s30], [sflag:$0x1] =	stream.indirect.gather [hbm4b:s4+s26], $0x80, s17, s26, $0xb8;
	[tilespmem:$0x1E000] =	vst v63  }
0xae: {  	s18 =	sor.u32 $0x15400, s13  }
0xaf: {  	[spmem:s2] =	stream.indirect.scatter.add.f32 [tilespmem:s28], [sflag:$0x2], $0x80, s18, s26, $0xb8;
	[tilespmem:$0x1E000] =	vst v63  }
0xb0: {  	_ =	swait.ge [sflag:s29], $0x4000  }
0xb1: {  	[sflag:s29] =	ssyncset.done $0x0  }
0xb2: {  	[sflag:s29] =	ssyncadd.s32 $0xFFFFC000  }
0xb3: {  	_ =	swait.ge [sflag:s31], $0x4000  }
0xb4: {  	[sflag:s31] =	ssyncset.done $0x0  }
0xb5: {  	s15 =	sor.u32 $0x14500, s13;
	[sflag:s31] =	ssyncadd.s32 $0xFFFFC000  }
0xb6: {  	[tilespmem:s28], [sflag:$0x1] =	stream.indirect.gather [hbm4b:s4+s26], $0x80, s15, s26, $0xb8;
	[tilespmem:$0x1E000] =	vst v63  }
0xb7: {  	s16 =	sor.u32 $0x15480, s13  }
0xb8: {  	[spmem:s2] =	stream.indirect.scatter.add.f32 [tilespmem:s30], [sflag:$0x3], $0x80, s16, s26, $0xb8;
	[tilespmem:$0x1E000] =	vst v63  }
0xb9: {  	_ =	swait.ge [sflag:s29], $0x4000  }
0xba: {  	[sflag:s29] =	ssyncset.done $0x0  }
0xbb: {  	[sflag:s29] =	ssyncadd.s32 $0xFFFFC000  }
0xbc: {  	_ =	swait.ge [sflag:s0], $0x4000  }
0xbd: {  	[sflag:s0] =	ssyncset.done $0x0  }
0xbe: {  	s17 =	sor.u32 $0x14580, s13;
	[sflag:s0] =	ssyncadd.s32 $0xFFFFC000  }
0xbf: {  	[tilespmem:s30], [sflag:$0x1] =	stream.indirect.gather [hbm4b:s4+s26], $0x80, s17, s26, $0xb8;
	[tilespmem:$0x1E000] =	vst v63  }
0xc0: {  	s18 =	sor.u32 $0x15500, s13  }
0xc1: {  	[spmem:s2] =	stream.indirect.scatter.add.f32 [tilespmem:s28], [sflag:$0x2], $0x80, s18, s26, $0xb8;
	[tilespmem:$0x1E000] =	vst v63  }
0xc2: {  	_ =	swait.ge [sflag:s29], $0x4000  }
0xc3: {  	[sflag:s29] =	ssyncset.done $0x0  }
0xc4: {  	[sflag:s29] =	ssyncadd.s32 $0xFFFFC000  }
0xc5: {  	_ =	swait.ge [sflag:s31], $0x4000  }
0xc6: {  	[sflag:s31] =	ssyncset.done $0x0  }
0xc7: {  	s15 =	sor.u32 $0x14600, s13;
	[sflag:s31] =	ssyncadd.s32 $0xFFFFC000  }
0xc8: {  	[tilespmem:s28], [sflag:$0x1] =	stream.indirect.gather [hbm4b:s4+s26], $0x80, s15, s26, $0xb8;
	[tilespmem:$0x1E000] =	vst v63  }
0xc9: {  	s16 =	sor.u32 $0x15580, s13  }
0xca: {  	[spmem:s2] =	stream.indirect.scatter.add.f32 [tilespmem:s30], [sflag:$0x3], $0x80, s16, s26, $0xb8;
	[tilespmem:$0x1E000] =	vst v63  }
0xcb: {  	_ =	swait.ge [sflag:s29], $0x4000  }
0xcc: {  	[sflag:s29] =	ssyncset.done $0x0  }
0xcd: {  	[sflag:s29] =	ssyncadd.s32 $0xFFFFC000  }
0xce: {  	_ =	swait.ge [sflag:s0], $0x4000  }
0xcf: {  	[sflag:s0] =	ssyncset.done $0x0  }
0xd0: {  	s17 =	sor.u32 $0x14680, s13;
	[sflag:s0] =	ssyncadd.s32 $0xFFFFC000  }
0xd1: {  	[tilespmem:s30], [sflag:$0x1] =	stream.indirect.gather [hbm4b:s4+s26], $0x80, s17, s26, $0xb8;
	[tilespmem:$0x1E000] =	vst v63  }
0xd2: {  	s18 =	sor.u32 $0x15600, s13  }
0xd3: {  	[spmem:s2] =	stream.indirect.scatter.add.f32 [tilespmem:s28], [sflag:$0x2], $0x80, s18, s26, $0xb8;
	[tilespmem:$0x1E000] =	vst v63  }
0xd4: {  	_ =	swait.ge [sflag:s29], $0x4000  }
0xd5: {  	[sflag:s29] =	ssyncset.done $0x0  }
0xd6: {  	[sflag:s29] =	ssyncadd.s32 $0xFFFFC000  }
0xd7: {  	_ =	swait.ge [sflag:s31], $0x4000  }
0xd8: {  	[sflag:s31] =	ssyncset.done $0x0  }
0xd9: {  	s15 =	sor.u32 $0x14700, s13;
	[sflag:s31] =	ssyncadd.s32 $0xFFFFC000  }
0xda: {  	[tilespmem:s28], [sflag:$0x1] =	stream.indirect.gather [hbm4b:s4+s26], $0x80, s15, s26, $0xb8;
	[tilespmem:$0x1E000] =	vst v63  }
0xdb: {  	s16 =	sor.u32 $0x15680, s13  }
0xdc: {  	[spmem:s2] =	stream.indirect.scatter.add.f32 [tilespmem:s30], [sflag:$0x3], $0x80, s16, s26, $0xb8;
	[tilespmem:$0x1E000] =	vst v63  }
0xdd: {  	_ =	swait.ge [sflag:s29], $0x4000  }
0xde: {  	[sflag:s29] =	ssyncset.done $0x0  }
0xdf: {  	[sflag:s29] =	ssyncadd.s32 $0xFFFFC000  }
0xe0: {  	_ =	swait.ge [sflag:s0], $0x4000  }
0xe1: {  	[sflag:s0] =	ssyncset.done $0x0  }
0xe2: {  	s17 =	sor.u32 $0x14780, s13;
	[sflag:s0] =	ssyncadd.s32 $0xFFFFC000  }
0xe3: {  	[tilespmem:s30], [sflag:$0x1] =	stream.indirect.gather [hbm4b:s4+s26], $0x80, s17, s26, $0xb8;
	[tilespmem:$0x1E000] =	vst v63  }
0xe4: {  	s18 =	sor.u32 $0x15700, s13  }
0xe5: {  	[spmem:s2] =	stream.indirect.scatter.add.f32 [tilespmem:s28], [sflag:$0x2], $0x80, s18, s26, $0xb8;
	[tilespmem:$0x1E000] =	vst v63  }
0xe6: {  	p0 =	sne.s32 s12, $0x4;
	_ =	swait.ge [sflag:s29], $0x4000  }
.Ltmp2:
0xe7: {  	[sflag:s29] =	ssyncset.done $0x0;
	(pc) =	sbr.rel @!p0 .LBB2_3-.Ltmp2, $4  }
0xe8: {  	[sflag:s29] =	ssyncadd.s32 $0xFFFFC000  }
0xe9: {  	_ =	swait.ge [sflag:s31], $0x4000  }
0xea: {  	[sflag:s31] =	ssyncset.done $0x0  }
0xeb: {  	s14 =	sor.u32 $0x780, s13;
	[sflag:s31] =	ssyncadd.s32 $0xFFFFC000  }
0xec: {  	s12 =	sadd.s32 $0x1, s12  }
0xed: {  	p0 =	sne.s32 s12, $0x5  }
.Ltmp3:
0xee: {  	s13 =	sxor.u32 $0x800, s13;
	(pc) =	sbr.rel @p0 .LBB2_2-.Ltmp3, $4  }
.Ltmp4:
0xef: {  	s13 =	sor.u32 $0x14000, s13;
	(pc) =	sbr.rel @!p0 .LBB2_5-.Ltmp4, $4  }
0xf0: {  	[tilespmem:s28], [sflag:$0x1] =	stream.indirect.gather [hbm4b:s4+s26], $0x80, s13, s26, $0xb8;
	[tilespmem:$0x1E000] =	vst v63  }
0xf1: {  	s18 =	sor.u32 $0x15000, s14;
	s21 =	sadd.s32 $0x800, s21  }
0xf2: {  	[spmem:s2] =	stream.indirect.scatter.add.f32 [tilespmem:s30], [sflag:$0x3], $0x80, s18, s26, $0xb8;
	[tilespmem:$0x1E000] =	vst v63  }
0xf3: {  	_ = 	snop  }
.LBB2_6:
0xf4: {  	_ =	sfence.sel $0x180000  }
0xf5: {  	[bflag:$0x0] =	sbarrier.arrive $0xFFFF  }
0xf6: {  	_ =	strace $0x9000004D  }
0xf7: {  	s0 =	stileid.u32;
	[bflag:$0x2] =	sbarrier.arrive $0xFFFF  }
0xf8: {  	p0 =	sne.s32 s0, $0x0;
	s0 =	rddreg [dreg:$0x2]  }
0xf9: {  	s0 =	sadd.s32 @!p0 $0x100000, s0  }
0xfa: {  	[sflag:s0] =	ssyncadd.tile.s32 @!p0 $0x1;
	_ =	shalt  }
.Lfunc_end2:
_tile_overlayer_lowered:
.L_overlay_start_2:
0xfb: {  	(tag) =	ssettag $0x2  }
0xfc: {  	s0 =	rddreg [dreg:$0x0];
	s2 =	stileid.u32  }
0xfd: {  	s1 =	rddreg [dreg:$0x1];
	p0 =	sne.s32 s2, $0x0  }
0xfe: {  	s3 =	rddreg [dreg:$0x2];
	[bflag:$0x3] =	sbarrier.arrive $0xFFFF;
	s2 =	simm.s32 @!p0 $0x1C01  }
0xff: {  	[timem:s3], [sflag:s2] =	dma.local @!p0 [hbm:s0], s1  }
0x100: {  	s0 =	simm.s32 @!p0 $0x1  }
0x101: {  	_ =	swait.ge @!p0 [sflag:s0], s1  }
0x102: {  	s1 =	ssub.s32 @!p0 $0x0, s1;
	[sflag:s0] =	ssyncset.done @!p0 $0x0  }
0x103: {  	[sflag:s0] =	ssyncadd.s32 @!p0 s1  }
0x104: {  	[bflag:$0x3] =	sbarrier.arrive $0xFFFF  }
0x105: {  	_ =	shalt  }

// kernel: kernel.9.cloned.1.call-start
scs
__scs_entry_jumppad:
0x0: {  	(pc) =	sbr.rel $0x88, $3  }
0x1: {  	(tag) =	ssettag $0x0;
	lr =	simm.s32 $0x1  }
0x2: {  	[smem:$0x3F8B] =	sst lr;
	_ =	strace $0xD0000000  }
0x3: {  	_ = 	snop  }
0x4: {  	_ = 	snop  }
0x5: {  	_ = 	snop  }
0x6: {  	_ = 	snop  }
0x7: {  	_ = 	snop  }
__scs_overlays_trampoline_lowered:
0x8: {  	[smem:$0x3F9A] =	sst s0  }
0x9: {  	[smem:$0x3F9B] =	sst s1  }
0xa: {  	[smem:$0x3F9C] =	sst s2  }
0xb: {  	[smem:$0x3F9D] =	sst s3  }
0xc: {  	[smem:$0x3F9E] =	sst s4  }
0xd: {  	[smem:$0x3F9F] =	sst s5  }
0xe: {  	[smem:$0x3FA0] =	sst s6  }
0xf: {  	[smem:$0x3FA1] =	sst s7  }
0x10: {  	[smem:$0x3FA2] =	sst s8  }
0x11: {  	[smem:$0x3FA3] =	sst s9;
	s0 =	simm.s32 @!p0 $0x0  }
0x12: {  	s1 =	sld [smem:$0x3F89];
	s0 =	simm.s32 @p0 $0x1  }
0x13: {  	[smem:$0x3FA4] =	sst s0;
	s0 =	simm.s32 @!p1 $0x0  }
0x14: {  	s2 =	sld [smem:$0x3F88];
	s0 =	simm.s32 @p1 $0x1  }
0x15: {  	[smem:$0x3FA5] =	sst s0;
	s0 =	simm.s32 @!p2 $0x0  }
0x16: {  	s3 =	sld [smem:$0x3FDB];
	s0 =	simm.s32 @p2 $0x1  }
0x17: {  	s4 =	simm.s32 $0x1BF5;
	[smem:$0x3FA7] =	sst s0  }
0x18: {  	s0 =	sld [smem:$0x3F8A];
	_ =	swait.ge [sflag:s4], $0x0  }
0x19: {  	s7 =	sld [smem:$0x3F8B]  }
0x1a: {  	s8 =	sadd.s32 $0xFFFFE003, lr  }
0x1b: {  	s9 =	sadd.s32 $0xFFFFFEF7, lr;
	s5 =	simm.s32 $0xFFFFFFFF;
	p2 =	slt.u32 s8, $0xFFFFF086  }
0x1c: {  	p1 =	slt.u32 s9, $0xF7A;
	s5 =	simm.s32 @!p2 $0x0  }
0x1d: {  	s5 =	simm.s32 @p1 $0x1;
	p0 =	seq.s32 s7, s2  }
0x1e: {  	s7 =	smul.u32 @!p0 $0xF7A, s2;
	p2 =	seq.s32 @!p0 s5, $0x0  }
0x1f: {  	s9 =	smul.u32 $0xF7A, s1;
	s8 =	simm.s32 @!p0 $0x1BF5;
	p2 =	por !p2, p0  }
0x20: {  	[sflag:s8] =	ssyncset.s32 @!p0 $0xFFFFF086;
	s6 =	sadd.s32 @!p0 s3, s7;
	s7 =	simm.s32 @!p0 $0x108  }
0x21: {  	s3 =	sadd.s32 s3, s9;
	s6 =	sadd.s32 @!p0 $0x88, s6;
	s7 =	simm.s32 @p2 $0x1082  }
0x22: {  	[simem:s7], [sflag:s8] =	dma.local @!p0 [hbm:s6], $0xF7A  }
0x23: {  	s9 =	sor.u32 $0xD0000000, s2;
	s6 =	simm.s32 $0x108;
	_ =	swait.ge @!p0 [sflag:s8], $0x0  }
0x24: {  	s3 =	sadd.s32 $0x88, s3;
	s6 =	simm.s32 @!p1 $0x1082;
	[sflag:s4] =	ssyncset.s32 $0xFFFFF086  }
0x25: {  	[simem:s6], [sflag:s4] =	dma.local [hbm:s3], $0xF7A  }
0x26: {  	[smem:$0x3F8B] =	sst s1;
	(tag) =	ssettag s2;
	_ =	strace s9  }
0x27: {  	s1 =	sld [smem:$0x3F9B]  }
0x28: {  	s2 =	sld [smem:$0x3F9C]  }
0x29: {  	s4 =	sld [smem:$0x3F9E]  }
0x2a: {  	p0 =	seq.s32 s5, $0x0;
	s5 =	sld [smem:$0x3F9F]  }
0x2b: {  	s6 =	sld [smem:$0x3FA0]  }
0x2c: {  	s7 =	sld [smem:$0x3FA1]  }
0x2d: {  	s3 =	simm.s32 $0x108;
	s8 =	sld [smem:$0x3FA2]  }
0x2e: {  	s3 =	simm.s32 @!p0 $0x1082;
	s9 =	sld [smem:$0x3FA3]  }
0x2f: {  	lr =	sadd.s32 s0, s3;
	s0 =	sld [smem:$0x3F9A]  }
0x30: {  	s3 =	sld [smem:$0x3F9D]  }
0x31: {  	[smem:$0x3FA6] =	sst s10  }
0x32: {  	s10 =	sld [smem:$0x3FA4];
	_ =	sdelay $0x3  }
0x33: {  	p0 =	seq.s32 s10, $0x1;
	s10 =	sld [smem:$0x3FA6];
	_ =	sdelay $0x3  }
0x34: {  	[smem:$0x3FA6] =	sst s10  }
0x35: {  	s10 =	sld [smem:$0x3FA5];
	_ =	sdelay $0x3  }
0x36: {  	p1 =	seq.s32 s10, $0x1;
	s10 =	sld [smem:$0x3FA6];
	_ =	sdelay $0x3  }
0x37: {  	[smem:$0x3FA6] =	sst s10  }
0x38: {  	s10 =	sld [smem:$0x3FA7]  }
0x39: {  	_ = 	snop;
	(pc) =	sbr.ind lr, $3  }
0x3a: {  	_ = 	snop  }
0x3b: {  	_ = 	snop  }
0x3c: {  	p2 =	seq.s32 s10, $0x1;
	s10 =	sld [smem:$0x3FA6]  }
0x3d: {  	_ =	shalt  }
0x3e: {  	_ =	shalt  }
0x3f: {  	_ =	shalt  }
0x40: {  	_ =	shalt  }
0x41: {  	_ =	shalt  }
0x42: {  	_ =	shalt  }
0x43: {  	_ =	shalt  }
0x44: {  	_ =	shalt  }
0x45: {  	_ =	shalt  }
0x46: {  	_ =	shalt  }
0x47: {  	_ =	shalt  }
0x48: {  	_ =	shalt  }
0x49: {  	_ =	shalt  }
0x4a: {  	_ =	shalt  }
0x4b: {  	_ =	shalt  }
0x4c: {  	_ =	shalt  }
0x4d: {  	_ =	shalt  }
0x4e: {  	_ =	shalt  }
0x4f: {  	_ =	shalt  }
0x50: {  	_ =	shalt  }
0x51: {  	_ =	shalt  }
0x52: {  	_ =	shalt  }
0x53: {  	_ =	shalt  }
0x54: {  	_ =	shalt  }
0x55: {  	_ =	shalt  }
0x56: {  	_ =	shalt  }
0x57: {  	_ =	shalt  }
0x58: {  	_ =	shalt  }
0x59: {  	_ =	shalt  }
0x5a: {  	_ =	shalt  }
0x5b: {  	_ =	shalt  }
0x5c: {  	_ =	shalt  }
0x5d: {  	_ =	shalt  }
0x5e: {  	_ =	shalt  }
0x5f: {  	_ =	shalt  }
0x60: {  	_ =	shalt  }
0x61: {  	_ =	shalt  }
0x62: {  	_ =	shalt  }
0x63: {  	_ =	shalt  }
0x64: {  	_ =	shalt  }
0x65: {  	_ =	shalt  }
0x66: {  	_ =	shalt  }
0x67: {  	_ =	shalt  }
0x68: {  	_ =	shalt  }
0x69: {  	_ =	shalt  }
0x6a: {  	_ =	shalt  }
0x6b: {  	_ =	shalt  }
0x6c: {  	_ =	shalt  }
0x6d: {  	_ =	shalt  }
0x6e: {  	_ =	shalt  }
0x6f: {  	_ =	shalt  }
0x70: {  	_ =	shalt  }
0x71: {  	_ =	shalt  }
0x72: {  	_ =	shalt  }
0x73: {  	_ =	shalt  }
0x74: {  	_ =	shalt  }
0x75: {  	_ =	shalt  }
0x76: {  	_ =	shalt  }
0x77: {  	_ =	shalt  }
0x78: {  	_ =	shalt  }
0x79: {  	_ =	shalt  }
0x7a: {  	_ =	shalt  }
0x7b: {  	_ =	shalt  }
0x7c: {  	_ =	shalt  }
0x7d: {  	_ =	shalt  }
0x7e: {  	_ =	shalt  }
0x7f: {  	_ =	shalt  }
0x80: {  	_ =	shalt  }
0x81: {  	_ =	shalt  }
0x82: {  	_ =	shalt  }
0x83: {  	_ =	shalt  }
0x84: {  	_ =	shalt  }
0x85: {  	_ =	shalt  }
0x86: {  	_ =	shalt  }
0x87: {  	_ =	shalt  }
.Lfunc_end0:
.L_simem_size_0:
called_computation_lowered:
.L_overlay_start_0:
0x88: {  	s2 =	sld [smem:$0x3FD9]  }
0x89: {  	s3 =	sld [smem:$0x3FFE];
	_ =	sdelay $0x1  }
0x8a: {  	s1 =	srdreg.scid  }
0x8b: {  	s0 =	sand.u32 $0x1, s1  }
0x8c: {  	s14 =	sshll.u32 s0, $0xA;
	s2 =	sadd.s32 s3, s2  }
0x8d: {  	s2 =	sadd.s32 s2, s14  }
0x8e: {  	[smem:$0x3FB2] =	sst s2  }
0x8f: {  	_ = 	snop  }
0x90: {  	s2 =	sld [smem:$0x3FD0];
	_ =	sdelay $0x2  }
0x91: {  	s15 =	simm.s32 $0xA;
	s4 =	simm.s32 $0x10  }
0x92: {  	[smem:s4], [sflag:s15] =	dma.local [hbm:s2], $0x1  }
0x93: {  	_ =	swait.eq [sflag:s15], $0x1  }
0x94: {  	[sflag:s15] =	ssyncset.done $0x0  }
0x95: {  	s16 =	sld [smem:$0x10];
	[sflag:s15] =	ssyncadd.s32 $0xFFFFFFFF  }
0x96: {  	s17 =	sld [smem:$0x11];
	(tm) =	ssettm $0x1  }
0x97: {  	s18 =	sld [smem:$0x3FFB];
	_ =	sdelay $0x3  }
0x98: {  	_ =	strace s18  }
0x99: {  	s4 =	sld [smem:$0x3FFC];
	_ =	sdelay $0x3  }
0x9a: {  	_ =	strace s4  }
0x9b: {  	s4 =	sld [smem:$0x3FFD];
	_ =	sdelay $0x3  }
0x9c: {  	_ =	strace s4  }
0x9d: {  	_ =	strace $0x8FFFFFFF  }
0x9e: {  	s19 =	sld [smem:$0x3FDB];
	_ =	sdelay $0x1  }
0x9f: {  	s5 =	simm.s32 $_scs_section_size  }
0xa0: {  	s6 =	simm.s32 $_size__tile_overlayer_lowered;
	s7 =	simm.s32 $_tile_overlayer_lowered  }
0xa1: {  	s22 =	simm.s32 $0x1BFF;
	s21 =	sshll.u32 s7, $0x1;
	s4 =	sadd.s32 s5, s19  }
0xa2: {  	s8 =	simm.s32 $0x0;
	s20 =	sshll.u32 s6, $0x1;
	s6 =	sadd.s32 s21, s4  }
0xa3: {  	[timem:s8], [sflag:s22] =	dma.local [hbm:s6], s20  }
0xa4: {  	_ =	swait.ge [sflag:s22], s20  }
0xa5: {  	s5 =	ssub.s32 $0x0, s20;
	[sflag:s22] =	ssyncset.done $0x0  }
0xa6: {  	[sflag:s22] =	ssyncadd.s32 s5;
	_ =	sdelay $0x1  }
0xa7: {  	s23 =	simm.s32 $0x1B8B  }
0xa8: {  	_ =	swait.ge [sflag:s23], $0x1  }
0xa9: {  	[sflag:s23] =	ssyncset.done $0x0  }
0xaa: {  	s25 =	simm.s32 $0x1B8E;
	s24 =	sld [smem:$0x3FFE];
	[sflag:s23] =	ssyncadd.s32 $0xFFFFFFFF  }
0xab: {  	s26 =	simm.s32 $execute0_lowered;
	[smem:$0x3FD2] =	sst s25  }
0xac: {  	s6 =	sshll.u32 s26, $0x1;
	_ =	strace $0x80000046;
	[dreg:$0x1] =	wrdreg $0xFFFFFFFF  }
0xad: {  	s28 =	simm.s32 $_size_execute0_lowered;
	s4 =	sadd.s32 s4, s6;
	[dreg:$0x0] =	wrdreg $0x0  }
0xae: {  	s6 =	sshll.u32 s28, $0x1;
	[dreg:$0x2] =	wrdreg s4  }
0xaf: {  	[dreg:$0x3] =	wrdreg s6  }
0xb0: {  	[dreg:$0x4] =	wrdreg $0xC0  }
0xb1: {  	_ =	task [dreg:s8], $0x5FFFF  }
0xb2: {  	[dreg:$0x1] =	wrdreg $0xFFFFFFFF  }
0xb3: {  	[dreg:$0x0] =	wrdreg $0x60  }
0xb4: {  	[dreg:$0x2] =	wrdreg s24  }
0xb5: {  	[dreg:$0x3] =	wrdreg s17  }
0xb6: {  	[dreg:$0x4] =	wrdreg s16  }
0xb7: {  	[dreg:$0x5] =	wrdreg $0x0  }
0xb8: {  	[dreg:$0x6] =	wrdreg $0x2800  }
0xb9: {  	[dreg:$0x7] =	wrdreg $0x9  }
0xba: {  	_ =	task.clear_ibuf [dreg:s8], $0x8FFFF;
	_ =	strace $0x90000046  }
0xbb: {  	s29 =	simm.s32 $0x9;
	_ =	strace $0x80000048  }
0xbc: {  	_ =	swait.ge [sflag:s29], $0x1  }
0xbd: {  	[sflag:s29] =	ssyncadd.s32 $0xFFFFFFFF  }
0xbe: {  	_ =	strace $0x90000048  }
0xbf: {  	_ =	sfence  }
0xc0: {  	s30 =	sld [smem:$0x0];
	_ =	sdelay $0x2  }
0xc1: {  	s31 =	sshll.u32 s1, $0xD;
	s1 =	sshrl.u32 s1, $0x2  }
0xc2: {  	s3 =	sand.u32 $0x4000, s31;
	s1 =	sadd.s32 s1, s30  }
0xc3: {  	s0 =	sor.u32 s3, s0;
	s1 =	sshll.u32 s1, $0x11  }
0xc4: {  	s0 =	sor.u32 s1, s0  }
0xc5: {  	s0 =	sadd.s32 $0x8F2B, s0  }
0xc6: {  	[sflag:s0] =	ssyncadd.remote.s32 $0x1  }
0xc7: {  	_ =	sfence.sel $0xFFFF  }
0xc8: {  	[dreg:$0x0] =	wrdreg $0xFFFFFFFF;
	(pc) =	sbr.abs _section_cstart, $3  }
0xc9: {  	[dreg:$0x1] =	wrdreg $0xFFFFFFFF  }
0xca: {  	_ =	task.clear_ibuf [dreg:s8], $0x2FFFF;
	_ =	strace $0x9FFFFFFF  }
0xcb: {  	(tm) =	ssettm $0x7FFFFFFF  }
tec
execute0_lowered:
.L_overlay_start_1:
0x0: {  	(tag) =	ssettag $0x1  }
0x1: {  	s7 =	rddreg [dreg:$0x0]  }
0x2: {  	s1 =	rddreg [dreg:$0x1]  }
0x3: {  	s2 =	rddreg [dreg:$0x2]  }
0x4: {  	s4 =	rddreg [dreg:$0x3]  }
0x5: {  	s5 =	rddreg [dreg:$0x4]  }
0x6: {  	s0 =	rddreg [dreg:$0x5];
	s6 =	srdreg.scid  }
0x7: {  	s3 =	stileid.u32;
	s15 =	simm.s32 $0x2;
	s16 =	simm.s32 $0x5580  }
0x8: {  	s17 =	simm.s32 $0x500;
	s18 =	simm.s32 $0x2D00;
	s19 =	simm.s32 $0x80  }
0x9: {  	s20 =	simm.s32 $0x1;
	s24 =	simm.s32 $0x0;
	s8 =	sand.u32 $0x1, s6  }
0xa: {  	s9 =	sshll.u32 s3, $0x1;
	s10 =	smul.u32 $0x280, s3;
	s6 =	simm.s32 $0x0  }
0xb: {  	s21 =	sshll.u32 s3, $0x6;
	s9 =	sor.u32 s8, s9;
	s11 =	smul.u32 $0x5000, s8  }
0xc: {  	[smem:$0x7FF] =	sst s6;
	s8 =	ssub.s32 $0x2, s8;
	s21 =	sor.u32 $0x1C02, s21  }
0xd: {  	s9 =	smul.u32 $0x500, s9;
	_ =	strace $0x80000047;
	s31 =	sshrl.u32 s8, $0x1  }
0xe: {  	s11 =	sadd.s32 s10, s11;
	s14 =	ssub.s32 s8, s31;
	s8 =	sadd.s32 s10, s5  }
0xf: {  	s12 =	sadd.s32 s9, s7;
	s30 =	sshrl.u32 s11, $0x3;
	s23 =	sshrl.u32 s8, $0x3  }
0x10: {  	s13 =	sadd.s32 s30, s7;
	s7 =	sadd.s32 s10, s4;
	s9 =	sadd.s32 $0x4200, s12  }
0x11: {  	s10 =	sadd.s32 $0x18200, s12;
	s11 =	sadd.s32 $0x22200, s13;
	s12 =	sadd.s32 $0x22700, s13  }
0x12: {  	s13 =	smax.u32 s14, $0x1;
	s14 =	simm.s32 $0x5500;
	s22 =	sshrl.u32 s7, $0x3  }
.LBB2_1:
0x13: {  	[tilespmem:s14], [sflag:$0x2] =	stream.linear.gather [hbm4b:s1+s6], $0x80, $0x38;
	[tilespmem:$0x5800] =	vst v63  }
0x14: {  	_ =	swait.ge [sflag:s15], $0x80  }
0x15: {  	[sflag:s15] =	ssyncset.done $0x0  }
0x16: {  	[sflag:s15] =	ssyncadd.s32 $0xFFFFFF80  }
0x17: {  	[tilespmem:s16], [sflag:$0x2] =	stream.linear.gather [hbm4b:s2+s6], $0x280, $0x38;
	[tilespmem:$0x5800] =	vst v63  }
0x18: {  	_ =	swait.ge [sflag:s15], $0x280  }
0x19: {  	[sflag:s15] =	ssyncset.done $0x0  }
0x1a: {  	[sflag:s15] =	ssyncadd.s32 $0xFFFFFD80  }
0x1b: {  	[spmem:s7] =	stream.linear.scatter [tilespmem:s16], [sflag:$0x2], $0x280, $0x38;
	[tilespmem:$0x5800] =	vst v63  }
0x1c: {  	_ =	swait.ge [sflag:s15], $0x280  }
0x1d: {  	[sflag:s15] =	ssyncset.done $0x0  }
0x1e: {  	[sflag:s15] =	ssyncadd.s32 $0xFFFFFD80  }
0x1f: {  	[spmem:s8] =	stream.linear.scatter [tilespmem:s16], [sflag:$0x2], $0x280, $0x38;
	[tilespmem:$0x5800] =	vst v63  }
0x20: {  	_ =	swait.ge [sflag:s15], $0x280  }
0x21: {  	[sflag:s15] =	ssyncset.done $0x0  }
0x22: {  	[sflag:s15] =	ssyncadd.s32 $0xFFFFFD80  }
0x23: {  	[bflag:$0x0] =	sbarrier.arrive $0xFFFF  }
0x24: {  	[tilespmem:s17], [sflag:$0x2] =	stream.linear.gather [hbm4b:s9+s6], $0x2800, $0x38;
	[tilespmem:$0x5800] =	vst v63  }
0x25: {  	_ =	swait.ge [sflag:s15], $0x2800  }
0x26: {  	[sflag:s15] =	ssyncset.done $0x0  }
0x27: {  	[sflag:s15] =	ssyncadd.s32 $0xFFFFD800  }
0x28: {  	[tilespmem:s18], [sflag:$0x2] =	stream.linear.gather [hbm4b:s10+s6], $0x2800, $0x38;
	[tilespmem:$0x5800] =	vst v63  }
0x29: {  	_ =	swait.ge [sflag:s15], $0x2800  }
0x2a: {  	[sflag:s15] =	ssyncset.done $0x0  }
0x2b: {  	s25 =	simm.s32 $0x500;
	[sflag:s15] =	ssyncadd.s32 $0xFFFFD800  }
0x2c: {  	[spmem:s4] =	stream.indirect.scatter.add.f32 [tilespmem:s14], [sflag:$0x1], $0x1, s25, s19, $0xb8;
	[tilespmem:$0x5800] =	vst v63  }
0x2d: {  	s26 =	simm.s32 $0x2D00  }
0x2e: {  	[spmem:s5] =	stream.indirect.scatter.add.f32 [tilespmem:s14], [sflag:$0x1], $0x1, s26, s19, $0xb8;
	[tilespmem:$0x5800] =	vst v63  }
0x2f: {  	s30 =	simm.s32 $0x580  }
0x30: {  	[spmem:s4] =	stream.indirect.scatter.add.f32 [tilespmem:s14], [sflag:$0x1], $0x1, s30, s19, $0xb8;
	[tilespmem:$0x5800] =	vst v63  }
0x31: {  	s31 =	simm.s32 $0x2D80  }
0x32: {  	[spmem:s5] =	stream.indirect.scatter.add.f32 [tilespmem:s14], [sflag:$0x1], $0x1, s31, s19, $0xb8;
	[tilespmem:$0x5800] =	vst v63  }
0x33: {  	s26 =	simm.s32 $0x600  }
0x34: {  	[spmem:s4] =	stream.indirect.scatter.add.f32 [tilespmem:s14], [sflag:$0x1], $0x1, s26, s19, $0xb8;
	[tilespmem:$0x5800] =	vst v63  }
0x35: {  	s30 =	simm.s32 $0x2E00  }
0x36: {  	[spmem:s5] =	stream.indirect.scatter.add.f32 [tilespmem:s14], [sflag:$0x1], $0x1, s30, s19, $0xb8;
	[tilespmem:$0x5800] =	vst v63  }
0x37: {  	s31 =	simm.s32 $0x680  }
0x38: {  	[spmem:s4] =	stream.indirect.scatter.add.f32 [tilespmem:s14], [sflag:$0x1], $0x1, s31, s19, $0xb8;
	[tilespmem:$0x5800] =	vst v63  }
0x39: {  	s26 =	simm.s32 $0x2E80  }
0x3a: {  	[spmem:s5] =	stream.indirect.scatter.add.f32 [tilespmem:s14], [sflag:$0x1], $0x1, s26, s19, $0xb8;
	[tilespmem:$0x5800] =	vst v63  }
0x3b: {  	s30 =	simm.s32 $0x700  }
0x3c: {  	[spmem:s4] =	stream.indirect.scatter.add.f32 [tilespmem:s14], [sflag:$0x1], $0x1, s30, s19, $0xb8;
	[tilespmem:$0x5800] =	vst v63  }
0x3d: {  	s31 =	simm.s32 $0x2F00  }
0x3e: {  	[spmem:s5] =	stream.indirect.scatter.add.f32 [tilespmem:s14], [sflag:$0x1], $0x1, s31, s19, $0xb8;
	[tilespmem:$0x5800] =	vst v63  }
0x3f: {  	s26 =	simm.s32 $0x780  }
0x40: {  	[spmem:s4] =	stream.indirect.scatter.add.f32 [tilespmem:s14], [sflag:$0x1], $0x1, s26, s19, $0xb8;
	[tilespmem:$0x5800] =	vst v63  }
0x41: {  	s30 =	simm.s32 $0x2F80  }
0x42: {  	[spmem:s5] =	stream.indirect.scatter.add.f32 [tilespmem:s14], [sflag:$0x1], $0x1, s30, s19, $0xb8;
	[tilespmem:$0x5800] =	vst v63  }
0x43: {  	s31 =	simm.s32 $0x800  }
0x44: {  	[spmem:s4] =	stream.indirect.scatter.add.f32 [tilespmem:s14], [sflag:$0x1], $0x1, s31, s19, $0xb8;
	[tilespmem:$0x5800] =	vst v63  }
0x45: {  	s26 =	simm.s32 $0x3000  }
0x46: {  	[spmem:s5] =	stream.indirect.scatter.add.f32 [tilespmem:s14], [sflag:$0x1], $0x1, s26, s19, $0xb8;
	[tilespmem:$0x5800] =	vst v63  }
0x47: {  	s30 =	simm.s32 $0x880  }
0x48: {  	[spmem:s4] =	stream.indirect.scatter.add.f32 [tilespmem:s14], [sflag:$0x1], $0x1, s30, s19, $0xb8;
	[tilespmem:$0x5800] =	vst v63  }
0x49: {  	s31 =	simm.s32 $0x3080  }
0x4a: {  	[spmem:s5] =	stream.indirect.scatter.add.f32 [tilespmem:s14], [sflag:$0x1], $0x1, s31, s19, $0xb8;
	[tilespmem:$0x5800] =	vst v63  }
0x4b: {  	_ =	swait.ge [sflag:s20], $0x80  }
0x4c: {  	[sflag:s20] =	ssyncset.done $0x0  }
0x4d: {  	[sflag:s20] =	ssyncadd.s32 $0xFFFFFF80  }
0x4e: {  	_ =	swait.ge [sflag:s20], $0x80  }
0x4f: {  	[sflag:s20] =	ssyncset.done $0x0  }
0x50: {  	[sflag:s20] =	ssyncadd.s32 $0xFFFFFF80  }
0x51: {  	_ =	swait.ge [sflag:s20], $0x80  }
0x52: {  	[sflag:s20] =	ssyncset.done $0x0  }
0x53: {  	[sflag:s20] =	ssyncadd.s32 $0xFFFFFF80  }
0x54: {  	_ =	swait.ge [sflag:s20], $0x80  }
0x55: {  	[sflag:s20] =	ssyncset.done $0x0  }
0x56: {  	[sflag:s20] =	ssyncadd.s32 $0xFFFFFF80  }
0x57: {  	_ =	swait.ge [sflag:s20], $0x80  }
0x58: {  	[sflag:s20] =	ssyncset.done $0x0  }
0x59: {  	[sflag:s20] =	ssyncadd.s32 $0xFFFFFF80  }
0x5a: {  	_ =	swait.ge [sflag:s20], $0x80  }
0x5b: {  	[sflag:s20] =	ssyncset.done $0x0  }
0x5c: {  	[sflag:s20] =	ssyncadd.s32 $0xFFFFFF80  }
0x5d: {  	_ =	swait.ge [sflag:s20], $0x80  }
0x5e: {  	[sflag:s20] =	ssyncset.done $0x0  }
0x5f: {  	[sflag:s20] =	ssyncadd.s32 $0xFFFFFF80  }
0x60: {  	_ =	swait.ge [sflag:s20], $0x80  }
0x61: {  	[sflag:s20] =	ssyncset.done $0x0  }
0x62: {  	[sflag:s20] =	ssyncadd.s32 $0xFFFFFF80  }
0x63: {  	_ =	swait.ge [sflag:s20], $0x80  }
0x64: {  	[sflag:s20] =	ssyncset.done $0x0  }
0x65: {  	[sflag:s20] =	ssyncadd.s32 $0xFFFFFF80  }
0x66: {  	_ =	swait.ge [sflag:s20], $0x80  }
0x67: {  	[sflag:s20] =	ssyncset.done $0x0  }
0x68: {  	[sflag:s20] =	ssyncadd.s32 $0xFFFFFF80  }
0x69: {  	_ =	swait.ge [sflag:s20], $0x80  }
0x6a: {  	[sflag:s20] =	ssyncset.done $0x0  }
0x6b: {  	[sflag:s20] =	ssyncadd.s32 $0xFFFFFF80  }
0x6c: {  	_ =	swait.ge [sflag:s20], $0x80  }
0x6d: {  	[sflag:s20] =	ssyncset.done $0x0  }
0x6e: {  	[sflag:s20] =	ssyncadd.s32 $0xFFFFFF80  }
0x6f: {  	_ =	swait.ge [sflag:s20], $0x80  }
0x70: {  	[sflag:s20] =	ssyncset.done $0x0  }
0x71: {  	[sflag:s20] =	ssyncadd.s32 $0xFFFFFF80  }
0x72: {  	_ =	swait.ge [sflag:s20], $0x80  }
0x73: {  	[sflag:s20] =	ssyncset.done $0x0  }
0x74: {  	[sflag:s20] =	ssyncadd.s32 $0xFFFFFF80  }
0x75: {  	_ =	swait.ge [sflag:s20], $0x80  }
0x76: {  	[sflag:s20] =	ssyncset.done $0x0  }
0x77: {  	[sflag:s20] =	ssyncadd.s32 $0xFFFFFF80  }
0x78: {  	_ =	swait.ge [sflag:s20], $0x80  }
0x79: {  	s29 =	simm.s32 $0x2000;
	s28 =	simm.s32 $0x400;
	[sflag:s20] =	ssyncset.done $0x0  }
.LBB2_2:
0x7a: {  	s30 =	sadd.s32 $0x500, s28  }
0x7b: {  	[sflag:s20] =	ssyncadd.s32 $0xFFFFFF80;
	s26 =	smov.u32 s29;
	s25 =	sadd.s32 $0x1000, s29  }
0x7c: {  	[spmem:s4] =	stream.indirect.scatter.add.f32 [tilespmem:s14], [sflag:$0x1], $0x1, s30, s19, $0xb8;
	[tilespmem:$0x5800] =	vst v63  }
0x7d: {  	p0 =	sne.s32 s29, $0x9000;
	s29 =	sadd.s32 $0x2D00, s28  }
0x7e: {  	[spmem:s5] =	stream.indirect.scatter.add.f32 [tilespmem:s14], [sflag:$0x1], $0x1, s29, s19, $0xb8;
	[tilespmem:$0x5800] =	vst v63  }
0x7f: {  	s29 =	sadd.s32 $0x580, s28  }
0x80: {  	[spmem:s4] =	stream.indirect.scatter.add.f32 [tilespmem:s14], [sflag:$0x1], $0x1, s29, s19, $0xb8;
	[tilespmem:$0x5800] =	vst v63  }
0x81: {  	s29 =	sadd.s32 $0x2D80, s28  }
0x82: {  	[spmem:s5] =	stream.indirect.scatter.add.f32 [tilespmem:s14], [sflag:$0x1], $0x1, s29, s19, $0xb8;
	[tilespmem:$0x5800] =	vst v63  }
0x83: {  	s29 =	sadd.s32 $0x600, s28  }
0x84: {  	[spmem:s4] =	stream.indirect.scatter.add.f32 [tilespmem:s14], [sflag:$0x1], $0x1, s29, s19, $0xb8;
	[tilespmem:$0x5800] =	vst v63  }
0x85: {  	s29 =	sadd.s32 $0x2E00, s28  }
0x86: {  	[spmem:s5] =	stream.indirect.scatter.add.f32 [tilespmem:s14], [sflag:$0x1], $0x1, s29, s19, $0xb8;
	[tilespmem:$0x5800] =	vst v63  }
0x87: {  	s29 =	sadd.s32 $0x680, s28  }
0x88: {  	[spmem:s4] =	stream.indirect.scatter.add.f32 [tilespmem:s14], [sflag:$0x1], $0x1, s29, s19, $0xb8;
	[tilespmem:$0x5800] =	vst v63  }
0x89: {  	s29 =	sadd.s32 $0x2E80, s28  }
0x8a: {  	[spmem:s5] =	stream.indirect.scatter.add.f32 [tilespmem:s14], [sflag:$0x1], $0x1, s29, s19, $0xb8;
	[tilespmem:$0x5800] =	vst v63  }
0x8b: {  	s29 =	sadd.s32 $0x700, s28  }
0x8c: {  	[spmem:s4] =	stream.indirect.scatter.add.f32 [tilespmem:s14], [sflag:$0x1], $0x1, s29, s19, $0xb8;
	[tilespmem:$0x5800] =	vst v63  }
0x8d: {  	s29 =	sadd.s32 $0x2F00, s28  }
0x8e: {  	[spmem:s5] =	stream.indirect.scatter.add.f32 [tilespmem:s14], [sflag:$0x1], $0x1, s29, s19, $0xb8;
	[tilespmem:$0x5800] =	vst v63  }
0x8f: {  	s29 =	sadd.s32 $0x780, s28  }
0x90: {  	[spmem:s4] =	stream.indirect.scatter.add.f32 [tilespmem:s14], [sflag:$0x1], $0x1, s29, s19, $0xb8;
	[tilespmem:$0x5800] =	vst v63  }
0x91: {  	s29 =	sadd.s32 $0x2F80, s28  }
0x92: {  	[spmem:s5] =	stream.indirect.scatter.add.f32 [tilespmem:s14], [sflag:$0x1], $0x1, s29, s19, $0xb8;
	[tilespmem:$0x5800] =	vst v63  }
0x93: {  	s29 =	sadd.s32 $0x800, s28  }
0x94: {  	[spmem:s4] =	stream.indirect.scatter.add.f32 [tilespmem:s14], [sflag:$0x1], $0x1, s29, s19, $0xb8;
	[tilespmem:$0x5800] =	vst v63  }
0x95: {  	s29 =	sadd.s32 $0x3000, s28  }
0x96: {  	[spmem:s5] =	stream.indirect.scatter.add.f32 [tilespmem:s14], [sflag:$0x1], $0x1, s29, s19, $0xb8;
	[tilespmem:$0x5800] =	vst v63  }
0x97: {  	s29 =	sadd.s32 $0x880, s28  }
0x98: {  	[spmem:s4] =	stream.indirect.scatter.add.f32 [tilespmem:s14], [sflag:$0x1], $0x1, s29, s19, $0xb8;
	[tilespmem:$0x5800] =	vst v63  }
0x99: {  	s28 =	sadd.s32 $0x3080, s28  }
0x9a: {  	[spmem:s5] =	stream.indirect.scatter.add.f32 [tilespmem:s14], [sflag:$0x1], $0x1, s28, s19, $0xb8;
	[tilespmem:$0x5800] =	vst v63  }
0x9b: {  	_ =	swait.ge [sflag:s20], $0x80  }
0x9c: {  	[sflag:s20] =	ssyncset.done $0x0  }
0x9d: {  	[sflag:s20] =	ssyncadd.s32 $0xFFFFFF80  }
0x9e: {  	_ =	swait.ge [sflag:s20], $0x80  }
0x9f: {  	[sflag:s20] =	ssyncset.done $0x0  }
0xa0: {  	[sflag:s20] =	ssyncadd.s32 $0xFFFFFF80  }
0xa1: {  	_ =	swait.ge [sflag:s20], $0x80  }
0xa2: {  	[sflag:s20] =	ssyncset.done $0x0  }
0xa3: {  	[sflag:s20] =	ssyncadd.s32 $0xFFFFFF80  }
0xa4: {  	_ =	swait.ge [sflag:s20], $0x80  }
0xa5: {  	[sflag:s20] =	ssyncset.done $0x0  }
0xa6: {  	[sflag:s20] =	ssyncadd.s32 $0xFFFFFF80  }
0xa7: {  	_ =	swait.ge [sflag:s20], $0x80  }
0xa8: {  	[sflag:s20] =	ssyncset.done $0x0  }
0xa9: {  	[sflag:s20] =	ssyncadd.s32 $0xFFFFFF80  }
0xaa: {  	_ =	swait.ge [sflag:s20], $0x80  }
0xab: {  	[sflag:s20] =	ssyncset.done $0x0  }
0xac: {  	[sflag:s20] =	ssyncadd.s32 $0xFFFFFF80  }
0xad: {  	_ =	swait.ge [sflag:s20], $0x80  }
0xae: {  	[sflag:s20] =	ssyncset.done $0x0  }
0xaf: {  	[sflag:s20] =	ssyncadd.s32 $0xFFFFFF80  }
0xb0: {  	_ =	swait.ge [sflag:s20], $0x80  }
0xb1: {  	[sflag:s20] =	ssyncset.done $0x0  }
0xb2: {  	[sflag:s20] =	ssyncadd.s32 $0xFFFFFF80  }
0xb3: {  	_ =	swait.ge [sflag:s20], $0x80  }
0xb4: {  	[sflag:s20] =	ssyncset.done $0x0  }
0xb5: {  	[sflag:s20] =	ssyncadd.s32 $0xFFFFFF80  }
0xb6: {  	_ =	swait.ge [sflag:s20], $0x80  }
0xb7: {  	[sflag:s20] =	ssyncset.done $0x0  }
0xb8: {  	[sflag:s20] =	ssyncadd.s32 $0xFFFFFF80  }
0xb9: {  	_ =	swait.ge [sflag:s20], $0x80  }
0xba: {  	[sflag:s20] =	ssyncset.done $0x0  }
0xbb: {  	[sflag:s20] =	ssyncadd.s32 $0xFFFFFF80  }
0xbc: {  	_ =	swait.ge [sflag:s20], $0x80  }
0xbd: {  	[sflag:s20] =	ssyncset.done $0x0  }
0xbe: {  	[sflag:s20] =	ssyncadd.s32 $0xFFFFFF80  }
0xbf: {  	_ =	swait.ge [sflag:s20], $0x80  }
0xc0: {  	[sflag:s20] =	ssyncset.done $0x0  }
0xc1: {  	[sflag:s20] =	ssyncadd.s32 $0xFFFFFF80  }
0xc2: {  	_ =	swait.ge [sflag:s20], $0x80  }
0xc3: {  	[sflag:s20] =	ssyncset.done $0x0  }
0xc4: {  	[sflag:s20] =	ssyncadd.s32 $0xFFFFFF80  }
.Ltmp0:
0xc5: {  	_ =	swait.ge [sflag:s20], $0x80;
	(pc) =	sbr.rel @p0 .LBB2_2-.Ltmp0, $4  }
0xc6: {  	[sflag:s20] =	ssyncset.done $0x0  }
0xc7: {  	[sflag:s20] =	ssyncadd.s32 $0xFFFFFF80  }
0xc8: {  	_ =	swait.ge [sflag:s20], $0x80  }
0xc9: {  	s29 =	smov.u32 s25;
	s28 =	sshra.s32 s26, $0x2;
	[sflag:s20] =	ssyncset.done $0x0  }
0xca: {  	s25 =	sadd.s32 $0x500, s28;
	[sflag:s20] =	ssyncadd.s32 $0xFFFFFF80  }
0xcb: {  	[spmem:s4] =	stream.indirect.scatter.add.f32 [tilespmem:s14], [sflag:$0x1], $0x1, s25, s19, $0xb8;
	[tilespmem:$0x5800] =	vst v63  }
0xcc: {  	s29 =	sadd.s32 $0x2D00, s28  }
0xcd: {  	[spmem:s5] =	stream.indirect.scatter.add.f32 [tilespmem:s14], [sflag:$0x1], $0x1, s29, s19, $0xb8;
	[tilespmem:$0x5800] =	vst v63  }
0xce: {  	s30 =	sadd.s32 $0x580, s28  }
0xcf: {  	[spmem:s4] =	stream.indirect.scatter.add.f32 [tilespmem:s14], [sflag:$0x1], $0x1, s30, s19, $0xb8;
	[tilespmem:$0x5800] =	vst v63  }
0xd0: {  	s31 =	sadd.s32 $0x2D80, s28  }
0xd1: {  	[spmem:s5] =	stream.indirect.scatter.add.f32 [tilespmem:s14], [sflag:$0x1], $0x1, s31, s19, $0xb8;
	[tilespmem:$0x5800] =	vst v63  }
0xd2: {  	s26 =	sadd.s32 $0x600, s28  }
0xd3: {  	[spmem:s4] =	stream.indirect.scatter.add.f32 [tilespmem:s14], [sflag:$0x1], $0x1, s26, s19, $0xb8;
	[tilespmem:$0x5800] =	vst v63  }
0xd4: {  	s29 =	sadd.s32 $0x2E00, s28  }
0xd5: {  	[spmem:s5] =	stream.indirect.scatter.add.f32 [tilespmem:s14], [sflag:$0x1], $0x1, s29, s19, $0xb8;
	[tilespmem:$0x5800] =	vst v63  }
0xd6: {  	s30 =	sadd.s32 $0x680, s28  }
0xd7: {  	[spmem:s4] =	stream.indirect.scatter.add.f32 [tilespmem:s14], [sflag:$0x1], $0x1, s30, s19, $0xb8;
	[tilespmem:$0x5800] =	vst v63  }
0xd8: {  	s31 =	sadd.s32 $0x2E80, s28  }
0xd9: {  	[spmem:s5] =	stream.indirect.scatter.add.f32 [tilespmem:s14], [sflag:$0x1], $0x1, s31, s19, $0xb8;
	[tilespmem:$0x5800] =	vst v63  }
0xda: {  	s26 =	sadd.s32 $0x700, s28  }
0xdb: {  	[spmem:s4] =	stream.indirect.scatter.add.f32 [tilespmem:s14], [sflag:$0x1], $0x1, s26, s19, $0xb8;
	[tilespmem:$0x5800] =	vst v63  }
0xdc: {  	s29 =	sadd.s32 $0x2F00, s28  }
0xdd: {  	[spmem:s5] =	stream.indirect.scatter.add.f32 [tilespmem:s14], [sflag:$0x1], $0x1, s29, s19, $0xb8;
	[tilespmem:$0x5800] =	vst v63  }
0xde: {  	s30 =	sadd.s32 $0x780, s28  }
0xdf: {  	[spmem:s4] =	stream.indirect.scatter.add.f32 [tilespmem:s14], [sflag:$0x1], $0x1, s30, s19, $0xb8;
	[tilespmem:$0x5800] =	vst v63  }
0xe0: {  	s31 =	sadd.s32 $0x2F80, s28  }
0xe1: {  	[spmem:s5] =	stream.indirect.scatter.add.f32 [tilespmem:s14], [sflag:$0x1], $0x1, s31, s19, $0xb8;
	[tilespmem:$0x5800] =	vst v63  }
0xe2: {  	s26 =	sadd.s32 $0x800, s28  }
0xe3: {  	[spmem:s4] =	stream.indirect.scatter.add.f32 [tilespmem:s14], [sflag:$0x1], $0x1, s26, s19, $0xb8;
	[tilespmem:$0x5800] =	vst v63  }
0xe4: {  	s29 =	sadd.s32 $0x3000, s28  }
0xe5: {  	[spmem:s5] =	stream.indirect.scatter.add.f32 [tilespmem:s14], [sflag:$0x1], $0x1, s29, s19, $0xb8;
	[tilespmem:$0x5800] =	vst v63  }
0xe6: {  	s30 =	sadd.s32 $0x880, s28  }
0xe7: {  	[spmem:s4] =	stream.indirect.scatter.add.f32 [tilespmem:s14], [sflag:$0x1], $0x1, s30, s19, $0xb8;
	[tilespmem:$0x5800] =	vst v63  }
0xe8: {  	s31 =	sadd.s32 $0x3080, s28  }
0xe9: {  	[spmem:s5] =	stream.indirect.scatter.add.f32 [tilespmem:s14], [sflag:$0x1], $0x1, s31, s19, $0xb8;
	[tilespmem:$0x5800] =	vst v63  }
0xea: {  	_ =	swait.ge [sflag:s20], $0x80  }
0xeb: {  	[sflag:s20] =	ssyncset.done $0x0  }
0xec: {  	[sflag:s20] =	ssyncadd.s32 $0xFFFFFF80  }
0xed: {  	_ =	swait.ge [sflag:s20], $0x80  }
0xee: {  	[sflag:s20] =	ssyncset.done $0x0  }
0xef: {  	[sflag:s20] =	ssyncadd.s32 $0xFFFFFF80  }
0xf0: {  	_ =	swait.ge [sflag:s20], $0x80  }
0xf1: {  	[sflag:s20] =	ssyncset.done $0x0  }
0xf2: {  	[sflag:s20] =	ssyncadd.s32 $0xFFFFFF80  }
0xf3: {  	_ =	swait.ge [sflag:s20], $0x80  }
0xf4: {  	[sflag:s20] =	ssyncset.done $0x0  }
0xf5: {  	[sflag:s20] =	ssyncadd.s32 $0xFFFFFF80  }
0xf6: {  	_ =	swait.ge [sflag:s20], $0x80  }
0xf7: {  	[sflag:s20] =	ssyncset.done $0x0  }
0xf8: {  	[sflag:s20] =	ssyncadd.s32 $0xFFFFFF80  }
0xf9: {  	_ =	swait.ge [sflag:s20], $0x80  }
0xfa: {  	[sflag:s20] =	ssyncset.done $0x0  }
0xfb: {  	[sflag:s20] =	ssyncadd.s32 $0xFFFFFF80  }
0xfc: {  	_ =	swait.ge [sflag:s20], $0x80  }
0xfd: {  	[sflag:s20] =	ssyncset.done $0x0  }
0xfe: {  	[sflag:s20] =	ssyncadd.s32 $0xFFFFFF80  }
0xff: {  	_ =	swait.ge [sflag:s20], $0x80  }
0x100: {  	[sflag:s20] =	ssyncset.done $0x0  }
0x101: {  	[sflag:s20] =	ssyncadd.s32 $0xFFFFFF80  }
0x102: {  	_ =	swait.ge [sflag:s20], $0x80  }
0x103: {  	[sflag:s20] =	ssyncset.done $0x0  }
0x104: {  	[sflag:s20] =	ssyncadd.s32 $0xFFFFFF80  }
0x105: {  	_ =	swait.ge [sflag:s20], $0x80  }
0x106: {  	[sflag:s20] =	ssyncset.done $0x0  }
0x107: {  	[sflag:s20] =	ssyncadd.s32 $0xFFFFFF80  }
0x108: {  	_ =	swait.ge [sflag:s20], $0x80  }
0x109: {  	[sflag:s20] =	ssyncset.done $0x0  }
0x10a: {  	[sflag:s20] =	ssyncadd.s32 $0xFFFFFF80  }
0x10b: {  	_ =	swait.ge [sflag:s20], $0x80  }
0x10c: {  	[sflag:s20] =	ssyncset.done $0x0  }
0x10d: {  	[sflag:s20] =	ssyncadd.s32 $0xFFFFFF80  }
0x10e: {  	_ =	swait.ge [sflag:s20], $0x80  }
0x10f: {  	[sflag:s20] =	ssyncset.done $0x0  }
0x110: {  	[sflag:s20] =	ssyncadd.s32 $0xFFFFFF80  }
0x111: {  	_ =	swait.ge [sflag:s20], $0x80  }
0x112: {  	[sflag:s20] =	ssyncset.done $0x0  }
0x113: {  	[sflag:s20] =	ssyncadd.s32 $0xFFFFFF80  }
0x114: {  	_ =	swait.ge [sflag:s20], $0x80  }
0x115: {  	[sflag:s20] =	ssyncset.done $0x0  }
0x116: {  	[sflag:s20] =	ssyncadd.s32 $0xFFFFFF80  }
0x117: {  	_ =	swait.ge [sflag:s20], $0x80  }
0x118: {  	[sflag:s20] =	ssyncset.done $0x0  }
0x119: {  	[sflag:s20] =	ssyncadd.s32 $0xFFFFFF80  }
0x11a: {  	[bflag:$0x0] =	sbarrier.arrive $0xFFFF  }
0x11b: {  	[hbm:s11], [sflag:s21] =	dma.local [spmem:s22], $0x50  }
0x11c: {  	s24 =	sadd.s32 $0x1, s24;
	_ =	swait.ge [sflag:s15], $0x50  }
0x11d: {  	p0 =	sne.s32 s24, s13;
	[sflag:s15] =	ssyncset.done $0x0  }
.Ltmp1:
0x11e: {  	[sflag:s15] =	ssyncadd.s32 $0xFFFFFFB0;
	(pc) =	sbr.rel @p0 .LBB2_1-.Ltmp1, $4  }
0x11f: {  	[hbm:s12], [sflag:s21] =	dma.local [spmem:s23], $0x50  }
0x120: {  	_ =	swait.ge [sflag:s15], $0x50  }
0x121: {  	[sflag:s15] =	ssyncset.done $0x0  }
0x122: {  	[sflag:s15] =	ssyncadd.s32 $0xFFFFFFB0  }
0x123: {  	_ =	sfence.sel $0x180000  }
0x124: {  	[bflag:$0x0] =	sbarrier.arrive $0xFFFF  }
0x125: {  	p0 =	sne.s32 s3, $0x0;
	_ =	strace $0x90000047  }
0x126: {  	s0 =	sadd.s32 @!p0 $0x100000, s0;
	[bflag:$0x2] =	sbarrier.arrive $0xFFFF  }
0x127: {  	[sflag:s0] =	ssyncadd.tile.s32 @!p0 $0x1;
	_ =	shalt  }
.Lfunc_end2:
_tile_overlayer_lowered:
.L_overlay_start_2:
0x128: {  	(tag) =	ssettag $0x2  }
0x129: {  	s0 =	rddreg [dreg:$0x0];
	s2 =	stileid.u32  }
0x12a: {  	s1 =	rddreg [dreg:$0x1];
	p0 =	sne.s32 s2, $0x0  }
0x12b: {  	s3 =	rddreg [dreg:$0x2];
	[bflag:$0x3] =	sbarrier.arrive $0xFFFF;
	s2 =	simm.s32 @!p0 $0x1C01  }
0x12c: {  	[timem:s3], [sflag:s2] =	dma.local @!p0 [hbm:s0], s1  }
0x12d: {  	s0 =	simm.s32 @!p0 $0x1  }
0x12e: {  	_ =	swait.ge @!p0 [sflag:s0], s1  }
0x12f: {  	s1 =	ssub.s32 @!p0 $0x0, s1;
	[sflag:s0] =	ssyncset.done @!p0 $0x0  }
0x130: {  	[sflag:s0] =	ssyncadd.s32 @!p0 s1  }
0x131: {  	[bflag:$0x3] =	sbarrier.arrive $0xFFFF  }
0x132: {  	_ =	shalt  }

</sc_bundles>
